<compile_context>
chip_gen: v7x
topology: tpu7x:2x2x1
jax: 0.10.2.dev20260603
libtpu: 0.0.44.dev20260713+nightly
codegen_flags: <defaults>
</compile_context>

<pallas_src>
import functools

import jax
import jax.numpy as jnp
from jax import lax
from jax.experimental import pallas as pl
from jax.experimental.pallas import tpu as pltpu
from jax.experimental.pallas import tpu_sc as plsc

N_NODES = 10000
D_FEAT = 128
N_EDGES = 320000
HID = 64

NC = 2
NS = 16
NW = NC * NS

_BN = 2000


def _proj_body(x_ref, w_ref, b_ref, pq_ref):
    pq_ref[...] = (
        jnp.dot(x_ref[...], w_ref[...], preferred_element_type=jnp.float32)
        + b_ref[...]
    )


def _project(x, wc, bc):
    return pl.pallas_call(
        _proj_body,
        grid=(N_NODES // _BN,),
        in_specs=[
            pl.BlockSpec((_BN, D_FEAT), lambda i: (i, 0)),
            pl.BlockSpec((D_FEAT, 2 * HID), lambda i: (0, 0)),
            pl.BlockSpec((1, 2 * HID), lambda i: (0, 0)),
        ],
        out_specs=pl.BlockSpec((_BN, 2 * HID), lambda i: (i, 0)),
        out_shape=jax.ShapeDtypeStruct((N_NODES, 2 * HID), jnp.float32),
    )(x, wc, bc)


_EPW = N_EDGES // NW
_GW = 80
_NWIN = _EPW // _GW


def _gather_body(pq_hbm, dst_hbm, src_hbm, g_hbm, idxd, idxs, bufd, bufs, bufg,
                 semd, sems, semo):
    wid = lax.axis_index("s") * NC + lax.axis_index("c")
    base = wid * _EPW
    pltpu.sync_copy(dst_hbm.at[pl.ds(base, _EPW)], idxd)
    pltpu.sync_copy(src_hbm.at[pl.ds(base, _EPW)], idxs)

    def issue(w, slot):
        pltpu.async_copy(
            pq_hbm.at[idxd.at[pl.ds(w * _GW, _GW)]], bufd.at[slot], semd)
        pltpu.async_copy(
            pq_hbm.at[idxs.at[pl.ds(w * _GW, _GW)]], bufs.at[slot], sems)

    def process(w, slot, drain_out):
        eb = base + w * _GW
        pltpu.make_async_copy(
            pq_hbm.at[idxd.at[pl.ds(w * _GW, _GW)]], bufd.at[slot], semd).wait()
        pltpu.make_async_copy(
            pq_hbm.at[idxs.at[pl.ds(w * _GW, _GW)]], bufs.at[slot], sems).wait()
        if drain_out:
            pltpu.make_async_copy(
                g_hbm.at[pl.ds(eb, _GW)], bufg.at[slot], semo).wait()

        def comp(i, c2):
            e = i // 4
            k = (i % 4) * 16
            v = jnp.maximum(
                bufd[slot, e, pl.ds(k, 16)] + bufs[slot, e, pl.ds(HID + k, 16)],
                0.0,
            )
            bufg[slot, e, pl.ds(k, 16)] = v
            return c2

        lax.fori_loop(0, _GW * 4, comp, 0, unroll=4)
        pltpu.async_copy(bufg.at[slot], g_hbm.at[pl.ds(eb, _GW)], semo)

    issue(0, 0)

    def pair(ii, carry):
        issue(2 * ii + 1, 1)
        process(2 * ii, 0, drain_out=True)
        issue(2 * ii + 2, 0)
        process(2 * ii + 1, 1, drain_out=True)
        return carry

    issue(1, 1)
    process(0, 0, drain_out=False)
    issue(2, 0)
    process(1, 1, drain_out=False)
    lax.fori_loop(1, (_NWIN - 1) // 2, pair, 0)
    process(_NWIN - 1, 0, drain_out=True)
    pltpu.make_async_copy(g_hbm.at[pl.ds(base, _GW)], bufg.at[0], semo).wait()
    pltpu.make_async_copy(g_hbm.at[pl.ds(base, _GW)], bufg.at[1], semo).wait()


def _sc_gather(pq, dst, src):
    f = functools.partial(
        pl.kernel,
        out_type=jax.ShapeDtypeStruct((N_EDGES, HID), jnp.float32),
        mesh=plsc.VectorSubcoreMesh(core_axis_name="c", subcore_axis_name="s"),
        compiler_params=pltpu.CompilerParams(needs_layout_passes=False),
        scratch_types=[
            pltpu.VMEM((_EPW,), jnp.int32),
            pltpu.VMEM((_EPW,), jnp.int32),
            pltpu.VMEM((2, _GW, 2 * HID), jnp.float32),
            pltpu.VMEM((2, _GW, 2 * HID), jnp.float32),
            pltpu.VMEM((2, _GW, HID), jnp.float32),
            pltpu.SemaphoreType.DMA,
            pltpu.SemaphoreType.DMA,
            pltpu.SemaphoreType.DMA,
        ],
    )(_gather_body)
    return f(pq, dst, src)


_BE = 8000


def _mlp2_body(g_ref, w2_ref, b2_ref, h_ref):
    h_ref[...] = (
        jnp.dot(g_ref[...], w2_ref[...], preferred_element_type=jnp.float32)
        + b2_ref[...]
    )


def _mlp2(g, w2, b2):
    return pl.pallas_call(
        _mlp2_body,
        grid=(N_EDGES // _BE,),
        in_specs=[
            pl.BlockSpec((_BE, HID), lambda i: (i, 0)),
            pl.BlockSpec((HID, D_FEAT), lambda i: (0, 0)),
            pl.BlockSpec((1, D_FEAT), lambda i: (0, 0)),
        ],
        out_specs=pl.BlockSpec((_BE, D_FEAT), lambda i: (i, 0)),
        out_shape=jax.ShapeDtypeStruct((N_EDGES, D_FEAT), jnp.float32),
    )(g, w2, b2)


_DP = 25
_DNR = N_NODES // _DP
_DACC = 416
_GCH = 128
_LCAP = _EPW + _GCH


def _smax_body(h_hbm, dst_hbm, part_hbm, dwin, idlist, dlist, hbuf, acc, semg):
    c = lax.axis_index("c")
    s = lax.axis_index("s")
    wid = s * NC + c
    ebase = wid * _EPW
    iota = lax.iota(jnp.int32, 16)
    neg = jnp.full((16,), -jnp.inf, jnp.float32)
    pad_ids = jnp.full((16,), 0, jnp.int32) + ebase
    pad_rows = jnp.full((16,), _DNR, jnp.int32)

    pltpu.sync_copy(dst_hbm.at[pl.ds(ebase, _EPW)], dwin)

    def do_pass(p, carry):
        nbase = p * _DNR

        def initf(i, c2):
            for kk in range(D_FEAT // 16):
                acc[i, pl.ds(kk * 16, 16)] = neg
            return c2

        with jax.named_scope("smax_init"):
            lax.fori_loop(0, _DACC, initf, 0, unroll=2)

        def filt(i, ptr):
            dv = dwin[pl.ds(i * 16, 16)]
            du = dv - nbase
            m = (du >= 0) & (du < _DNR)
            ids = ebase + i * 16 + iota
            mi = m.astype(jnp.int32)
            pos = ptr + plsc.cumsum(mi) - 1
            plsc.store_scatter(idlist, [pos], ids, mask=m)
            plsc.store_scatter(dlist, [pos], du, mask=m)
            return ptr + jnp.sum(mi)

        with jax.named_scope("smax_filter"):
            cnt = lax.fori_loop(0, _EPW // 16, filt, 0, unroll=4)

        def padf(j, c3):
            idlist[pl.ds(cnt + j * 16, 16)] = pad_ids
            dlist[pl.ds(cnt + j * 16, 16)] = pad_rows
            return c3

        lax.fori_loop(0, _GCH // 16, padf, 0)
        nch = (cnt + _GCH - 1) // _GCH

        def gissue(k, slot):
            pltpu.async_copy(
                h_hbm.at[idlist.at[pl.ds(k * _GCH, _GCH)]], hbuf.at[slot], semg)

        @pl.when(nch > 0)
        def _prime():
            gissue(0, 0)

        def drain(k, c3):
            slot = lax.rem(k, 2)

            @pl.when(k + 1 < nch)
            def _pre():
                gissue(k + 1, 1 - slot)

            pltpu.make_async_copy(
                h_hbm.at[idlist.at[pl.ds(k * _GCH, _GCH)]], hbuf.at[slot],
                semg).wait()

            def rmw(i, c4):
                rv = dlist[pl.ds(k * _GCH + i, 16)]
                r = rv[0]
                for kk in range(D_FEAT // 16):
                    sl = pl.ds(kk * 16, 16)
                    acc[r, sl] = jnp.maximum(
                        acc[r, sl], hbuf[slot, i, sl])
                return c4

            with jax.named_scope("smax_rmw"):
                lax.fori_loop(0, _GCH, rmw, 0, unroll=4)
            return c3

        with jax.named_scope("smax_drain"):
            lax.fori_loop(0, nch, drain, 0)
        with jax.named_scope("smax_partout"):
            pltpu.sync_copy(acc, part_hbm.at[c, p, s])
        return carry

    lax.fori_loop(0, _DP, do_pass, 0)


def _sc_segmax(h, dst):
    f = functools.partial(
        pl.kernel,
        out_type=jax.ShapeDtypeStruct((NC, _DP, NS, _DACC, D_FEAT), jnp.float32),
        mesh=plsc.VectorSubcoreMesh(core_axis_name="c", subcore_axis_name="s"),
        compiler_params=pltpu.CompilerParams(needs_layout_passes=False),
        scratch_types=[
            pltpu.VMEM((_EPW,), jnp.int32),
            pltpu.VMEM((_LCAP,), jnp.int32),
            pltpu.VMEM((_LCAP,), jnp.int32),
            pltpu.VMEM((2, _GCH, D_FEAT), jnp.float32),
            pltpu.VMEM((_DACC, D_FEAT), jnp.float32),
            pltpu.SemaphoreType.DMA,
        ],
    )(_smax_body)
    return f(h, dst)


def _comb_body(part_ref, out_ref):
    m = jnp.max(part_ref[...], axis=(0, 1, 2))
    m = m[:_DNR]
    out_ref[...] = jnp.where(jnp.isfinite(m), m, 0.0)


def _combine(part):
    return pl.pallas_call(
        _comb_body,
        grid=(_DP,),
        in_specs=[
            pl.BlockSpec((NC, 1, NS, _DACC, D_FEAT), lambda p: (0, p, 0, 0, 0)),
        ],
        out_specs=pl.BlockSpec((_DNR, D_FEAT), lambda p: (p, 0)),
        out_shape=jax.ShapeDtypeStruct((N_NODES, D_FEAT), jnp.float32),
    )(part)


def kernel(x, edge_index, W1, b1, W2, b2):
    src = edge_index[0].astype(jnp.int32)
    dst = edge_index[1].astype(jnp.int32)
    wc = jnp.concatenate([W1[:D_FEAT] - W1[D_FEAT:], W1[D_FEAT:]], axis=1)
    bc = jnp.concatenate([b1, jnp.zeros((HID,), jnp.float32)])
    pq = _project(x, wc, bc[None, :])
    g = _sc_gather(pq, dst, src)
    h = _mlp2(g, W2, b2[None, :])
    part = _sc_segmax(h, dst)
    return _combine(part)

# --- scband reference (transcript-rebuilt; emitter-appended) ---
"""Pipeline reference for scband-dgcnnblock-38800734552598 (READ-ONLY COPY).

The authoritative reference and input builder live on the scoring server;
editing this copy changes nothing except your own understanding.
"""

import jax, jax.numpy as jnp
import numpy as np

N_NODES = 10000
D_FEAT = 128
N_EDGES = 320000
HIDDEN = 64

def setup_inputs(seed: int = 0) -> dict:
    key = jax.random.key(seed)
    k1, k2, k3, k4, k5, k6 = jax.random.split(key, 6)
    x = jax.random.normal(k1, (N_NODES, D_FEAT), dtype=jnp.float32)
    edge_index = jax.random.randint(k2, (2, N_EDGES), 0, N_NODES, dtype=jnp.int64)
    # EdgeConv MLP params: Linear(2*D_FEAT -> 64), ReLU, Linear(64 -> D_FEAT)
    lim1 = 1.0 / np.sqrt(2 * D_FEAT)
    W1 = jax.random.uniform(k3, (2 * D_FEAT, HIDDEN), dtype=jnp.float32, minval=-lim1, maxval=lim1)
    b1 = jax.random.uniform(k4, (HIDDEN,), dtype=jnp.float32, minval=-lim1, maxval=lim1)
    lim2 = 1.0 / np.sqrt(HIDDEN)
    W2 = jax.random.uniform(k5, (HIDDEN, D_FEAT), dtype=jnp.float32, minval=-lim2, maxval=lim2)
    b2 = jax.random.uniform(k6, (D_FEAT,), dtype=jnp.float32, minval=-lim2, maxval=lim2)
    return {"x": x, "edge_index": edge_index, "W1": W1, "b1": b1, "W2": W2, "b2": b2}

def reference(x, edge_index, W1, b1, W2, b2):
    # PyG EdgeConv: message = nn(cat([x_i, x_j - x_i])), aggr='max' over incoming edges
    src = edge_index[0]  # j (neighbor)
    dst = edge_index[1]  # i (center)
    x_i = jnp.take(x, dst, axis=0)
    x_j = jnp.take(x, src, axis=0)
    h = jnp.concatenate([x_i, x_j - x_i], axis=-1)  # [E, 2*D]
    h = jnp.maximum(h @ W1 + b1, 0.0)
    h = h @ W2 + b2  # [E, D]
    out = jax.ops.segment_max(h, dst, num_segments=x.shape[0])
    # nodes with no incoming edges -> -inf from segment_max; replace with 0 (torch_scatter convention)
    out = jnp.where(jnp.isfinite(out), out, 0.0)
    return out

if __name__ == "__main__":
    import jax
    _d = setup_inputs()
    print(jax.jit(kernel)(*tuple(_d.values())))

</pallas_src>

<mosaic_0001>
#map = affine_map<(d0, d1) -> (0, 0)>
#map1 = affine_map<(d0, d1) -> (0)>
module attributes {stable_mosaic.version = 14 : i64} {
  func.func @_gather_body(%arg0: i32, %arg1: i32, %arg2: memref<10000x128xf32, #tpu.memory_space<hbm>>, %arg3: memref<320000xi32, #tpu.memory_space<hbm>>, %arg4: memref<320000xi32, #tpu.memory_space<hbm>>, %arg5: memref<320000x64xf32, #tpu.memory_space<hbm>>, %arg6: memref<10000xi32, #tpu.memory_space<vmem>>, %arg7: memref<10000xi32, #tpu.memory_space<vmem>>, %arg8: memref<2x80x128xf32, #tpu.memory_space<vmem>>, %arg9: memref<2x80x128xf32, #tpu.memory_space<vmem>>, %arg10: memref<2x80x64xf32, #tpu.memory_space<vmem>>, %arg11: memref<!tpu.dma_semaphore, #tpu.memory_space<semaphore_mem>>, %arg12: memref<!tpu.dma_semaphore, #tpu.memory_space<semaphore_mem>>, %arg13: memref<!tpu.dma_semaphore, #tpu.memory_space<semaphore_mem>>) attributes {dimension_semantics = [#tpu.dimension_semantics<core_parallel>, #tpu.dimension_semantics<subcore_parallel>], iteration_bounds = array<i64: 2, 16>, scalar_prefetch = 0 : i64, scratch_operands = 8 : i64, tpu.core_type = #tpu.core_type<sc_vector_subcore>, window_params = [{transform_indices = #map}, {transform_indices = #map1}, {transform_indices = #map1}, {transform_indices = #map}]} {
    %mul3A = arith.constant 2 : i32
    %mul3A_0 = arith.muli %arg1, %mul3A : i32
    %add3A = arith.addi %mul3A_0, %arg0 : i32
    %mul3A_1 = arith.constant 10000 : i32
    %mul3A_2 = arith.muli %add3A, %mul3A_1 : i32
    "tpu.region"() ({
      %run_scoped3A = tpu.sem_alloc : memref<!tpu.dma_semaphore, #tpu.memory_space<semaphore_mem>>
      %dma_start3A_228 = tpu.memref_slice %arg3[%mul3A_2] : memref<320000xi32, #tpu.memory_space<hbm>> -> memref<10000xi32, #tpu.memory_space<hbm>>
      %dma_start3A_229 = tpu.memref_slice %arg3[%mul3A_2] : memref<320000xi32, #tpu.memory_space<hbm>> -> memref<10000xi32, #tpu.memory_space<hbm>>
      tpu.enqueue_dma source(%dma_start3A_229 : memref<10000xi32, #tpu.memory_space<hbm>>) target(%arg6 : memref<10000xi32, #tpu.memory_space<vmem>>) target_semaphore(%run_scoped3A : memref<!tpu.dma_semaphore, #tpu.memory_space<semaphore_mem>>)
      %dma_wait3A_230 = tpu.memref_slice %arg3[%mul3A_2] : memref<320000xi32, #tpu.memory_space<hbm>> -> memref<10000xi32, #tpu.memory_space<hbm>>
      %dma_wait3A_231 = tpu.memref_slice %arg3[%mul3A_2] : memref<320000xi32, #tpu.memory_space<hbm>> -> memref<10000xi32, #tpu.memory_space<hbm>>
      tpu.wait_dma2 semaphore(%run_scoped3A : memref<!tpu.dma_semaphore, #tpu.memory_space<semaphore_mem>>) src(%dma_wait3A_231 : memref<10000xi32, #tpu.memory_space<hbm>>) dst(%arg6 : memref<10000xi32, #tpu.memory_space<vmem>>)
      tpu.yield
    }) : () -> ()
    "tpu.region"() ({
      %run_scoped3A = tpu.sem_alloc : memref<!tpu.dma_semaphore, #tpu.memory_space<semaphore_mem>>
      %dma_start3A_228 = tpu.memref_slice %arg4[%mul3A_2] : memref<320000xi32, #tpu.memory_space<hbm>> -> memref<10000xi32, #tpu.memory_space<hbm>>
      %dma_start3A_229 = tpu.memref_slice %arg4[%mul3A_2] : memref<320000xi32, #tpu.memory_space<hbm>> -> memref<10000xi32, #tpu.memory_space<hbm>>
      tpu.enqueue_dma source(%dma_start3A_229 : memref<10000xi32, #tpu.memory_space<hbm>>) target(%arg7 : memref<10000xi32, #tpu.memory_space<vmem>>) target_semaphore(%run_scoped3A : memref<!tpu.dma_semaphore, #tpu.memory_space<semaphore_mem>>)
      %dma_wait3A_230 = tpu.memref_slice %arg4[%mul3A_2] : memref<320000xi32, #tpu.memory_space<hbm>> -> memref<10000xi32, #tpu.memory_space<hbm>>
      %dma_wait3A_231 = tpu.memref_slice %arg4[%mul3A_2] : memref<320000xi32, #tpu.memory_space<hbm>> -> memref<10000xi32, #tpu.memory_space<hbm>>
      tpu.wait_dma2 semaphore(%run_scoped3A : memref<!tpu.dma_semaphore, #tpu.memory_space<semaphore_mem>>) src(%dma_wait3A_231 : memref<10000xi32, #tpu.memory_space<hbm>>) dst(%arg7 : memref<10000xi32, #tpu.memory_space<vmem>>)
      tpu.yield
    }) : () -> ()
    %dma_start3A = arith.constant 0 : i32
    %dma_start3A_3 = arith.constant 0 : i32
    %dma_start3A_4 = arith.constant 0 : i32
    %dma_start3A_5 = tpu.memref_slice %arg8[%dma_start3A, %dma_start3A_3, %dma_start3A_4] : memref<2x80x128xf32, #tpu.memory_space<vmem>> -> memref<1x80x128xf32, #tpu.memory_space<vmem>>
    %dma_start3A_6 = tpu.memref_squeeze %dma_start3A_5 : memref<1x80x128xf32, #tpu.memory_space<vmem>> -> memref<80x128xf32, #tpu.memory_space<vmem>>
    %dma_start3A_7 = arith.constant 0 : i32
    %dma_start3A_8 = tpu.memref_slice %arg6[%dma_start3A_7] : memref<10000xi32, #tpu.memory_space<vmem>> -> memref<80xi32, #tpu.memory_space<vmem>>
    %dma_start3A_9 = arith.constant 0 : i32
    %dma_start3A_10 = arith.constant 0 : i32
    %dma_start3A_11 = tpu.memref_slice %arg2[%dma_start3A_9, %dma_start3A_10] : memref<10000x128xf32, #tpu.memory_space<hbm>> -> memref<10000x128xf32, #tpu.memory_space<hbm>>
    tpu.enqueue_indirect_dma source(%dma_start3A_11 : memref<10000x128xf32, #tpu.memory_space<hbm>>) target(%dma_start3A_6 : memref<80x128xf32, #tpu.memory_space<vmem>>) offsets(%dma_start3A_8 : memref<80xi32, #tpu.memory_space<vmem>>) semaphore(%arg11 : memref<!tpu.dma_semaphore, #tpu.memory_space<semaphore_mem>>)
    %dma_start3A_12 = arith.constant 0 : i32
    %dma_start3A_13 = arith.constant 0 : i32
    %dma_start3A_14 = arith.constant 0 : i32
    %dma_start3A_15 = tpu.memref_slice %arg9[%dma_start3A_12, %dma_start3A_13, %dma_start3A_14] : memref<2x80x128xf32, #tpu.memory_space<vmem>> -> memref<1x80x128xf32, #tpu.memory_space<vmem>>
    %dma_start3A_16 = tpu.memref_squeeze %dma_start3A_15 : memref<1x80x128xf32, #tpu.memory_space<vmem>> -> memref<80x128xf32, #tpu.memory_space<vmem>>
    %dma_start3A_17 = arith.constant 0 : i32
    %dma_start3A_18 = tpu.memref_slice %arg7[%dma_start3A_17] : memref<10000xi32, #tpu.memory_space<vmem>> -> memref<80xi32, #tpu.memory_space<vmem>>
    %dma_start3A_19 = arith.constant 0 : i32
    %dma_start3A_20 = arith.constant 0 : i32
    %dma_start3A_21 = tpu.memref_slice %arg2[%dma_start3A_19, %dma_start3A_20] : memref<10000x128xf32, #tpu.memory_space<hbm>> -> memref<10000x128xf32, #tpu.memory_space<hbm>>
    tpu.enqueue_indirect_dma source(%dma_start3A_21 : memref<10000x128xf32, #tpu.memory_space<hbm>>) target(%dma_start3A_16 : memref<80x128xf32, #tpu.memory_space<vmem>>) offsets(%dma_start3A_18 : memref<80xi32, #tpu.memory_space<vmem>>) semaphore(%arg12 : memref<!tpu.dma_semaphore, #tpu.memory_space<semaphore_mem>>)
    %dma_start3A_22 = arith.constant 1 : i32
    %dma_start3A_23 = arith.constant 0 : i32
    %dma_start3A_24 = arith.constant 0 : i32
    %dma_start3A_25 = tpu.memref_slice %arg8[%dma_start3A_22, %dma_start3A_23, %dma_start3A_24] : memref<2x80x128xf32, #tpu.memory_space<vmem>> -> memref<1x80x128xf32, #tpu.memory_space<vmem>>
    %dma_start3A_26 = tpu.memref_squeeze %dma_start3A_25 : memref<1x80x128xf32, #tpu.memory_space<vmem>> -> memref<80x128xf32, #tpu.memory_space<vmem>>
    %dma_start3A_27 = arith.constant 80 : i32
    %dma_start3A_28 = tpu.memref_slice %arg6[%dma_start3A_27] : memref<10000xi32, #tpu.memory_space<vmem>> -> memref<80xi32, #tpu.memory_space<vmem>>
    %dma_start3A_29 = arith.constant 0 : i32
    %dma_start3A_30 = arith.constant 0 : i32
    %dma_start3A_31 = tpu.memref_slice %arg2[%dma_start3A_29, %dma_start3A_30] : memref<10000x128xf32, #tpu.memory_space<hbm>> -> memref<10000x128xf32, #tpu.memory_space<hbm>>
    tpu.enqueue_indirect_dma source(%dma_start3A_31 : memref<10000x128xf32, #tpu.memory_space<hbm>>) target(%dma_start3A_26 : memref<80x128xf32, #tpu.memory_space<vmem>>) offsets(%dma_start3A_28 : memref<80xi32, #tpu.memory_space<vmem>>) semaphore(%arg11 : memref<!tpu.dma_semaphore, #tpu.memory_space<semaphore_mem>>)
    %dma_start3A_32 = arith.constant 1 : i32
    %dma_start3A_33 = arith.constant 0 : i32
    %dma_start3A_34 = arith.constant 0 : i32
    %dma_start3A_35 = tpu.memref_slice %arg9[%dma_start3A_32, %dma_start3A_33, %dma_start3A_34] : memref<2x80x128xf32, #tpu.memory_space<vmem>> -> memref<1x80x128xf32, #tpu.memory_space<vmem>>
    %dma_start3A_36 = tpu.memref_squeeze %dma_start3A_35 : memref<1x80x128xf32, #tpu.memory_space<vmem>> -> memref<80x128xf32, #tpu.memory_space<vmem>>
    %dma_start3A_37 = arith.constant 80 : i32
    %dma_start3A_38 = tpu.memref_slice %arg7[%dma_start3A_37] : memref<10000xi32, #tpu.memory_space<vmem>> -> memref<80xi32, #tpu.memory_space<vmem>>
    %dma_start3A_39 = arith.constant 0 : i32
    %dma_start3A_40 = arith.constant 0 : i32
    %dma_start3A_41 = tpu.memref_slice %arg2[%dma_start3A_39, %dma_start3A_40] : memref<10000x128xf32, #tpu.memory_space<hbm>> -> memref<10000x128xf32, #tpu.memory_space<hbm>>
    tpu.enqueue_indirect_dma source(%dma_start3A_41 : memref<10000x128xf32, #tpu.memory_space<hbm>>) target(%dma_start3A_36 : memref<80x128xf32, #tpu.memory_space<vmem>>) offsets(%dma_start3A_38 : memref<80xi32, #tpu.memory_space<vmem>>) semaphore(%arg12 : memref<!tpu.dma_semaphore, #tpu.memory_space<semaphore_mem>>)
    %add3A_42 = arith.constant 0 : i32
    %add3A_43 = arith.addi %mul3A_2, %add3A_42 : i32
    %dma_wait3A = arith.constant 0 : i32
    %dma_wait3A_44 = arith.constant 0 : i32
    %dma_wait3A_45 = arith.constant 0 : i32
    %dma_wait3A_46 = tpu.memref_slice %arg8[%dma_wait3A, %dma_wait3A_44, %dma_wait3A_45] : memref<2x80x128xf32, #tpu.memory_space<vmem>> -> memref<1x80x128xf32, #tpu.memory_space<vmem>>
    %dma_wait3A_47 = tpu.memref_squeeze %dma_wait3A_46 : memref<1x80x128xf32, #tpu.memory_space<vmem>> -> memref<80x128xf32, #tpu.memory_space<vmem>>
    %dma_wait3A_48 = arith.constant 0 : i32
    %dma_wait3A_49 = tpu.memref_slice %arg6[%dma_wait3A_48] : memref<10000xi32, #tpu.memory_space<vmem>> -> memref<80xi32, #tpu.memory_space<vmem>>
    %dma_wait3A_50 = arith.constant 0 : i32
    %dma_wait3A_51 = arith.constant 0 : i32
    %dma_wait3A_52 = tpu.memref_slice %arg2[%dma_wait3A_50, %dma_wait3A_51] : memref<10000x128xf32, #tpu.memory_space<hbm>> -> memref<10000x128xf32, #tpu.memory_space<hbm>>
    tpu.wait_indirect_dma semaphore(%arg11 : memref<!tpu.dma_semaphore, #tpu.memory_space<semaphore_mem>>) src(%dma_wait3A_52 : memref<10000x128xf32, #tpu.memory_space<hbm>>) dst(%dma_wait3A_47 : memref<80x128xf32, #tpu.memory_space<vmem>>)
    %dma_wait3A_53 = arith.constant 0 : i32
    %dma_wait3A_54 = arith.constant 0 : i32
    %dma_wait3A_55 = arith.constant 0 : i32
    %dma_wait3A_56 = tpu.memref_slice %arg9[%dma_wait3A_53, %dma_wait3A_54, %dma_wait3A_55] : memref<2x80x128xf32, #tpu.memory_space<vmem>> -> memref<1x80x128xf32, #tpu.memory_space<vmem>>
    %dma_wait3A_57 = tpu.memref_squeeze %dma_wait3A_56 : memref<1x80x128xf32, #tpu.memory_space<vmem>> -> memref<80x128xf32, #tpu.memory_space<vmem>>
    %dma_wait3A_58 = arith.constant 0 : i32
    %dma_wait3A_59 = tpu.memref_slice %arg7[%dma_wait3A_58] : memref<10000xi32, #tpu.memory_space<vmem>> -> memref<80xi32, #tpu.memory_space<vmem>>
    %dma_wait3A_60 = arith.constant 0 : i32
    %dma_wait3A_61 = arith.constant 0 : i32
    %dma_wait3A_62 = tpu.memref_slice %arg2[%dma_wait3A_60, %dma_wait3A_61] : memref<10000x128xf32, #tpu.memory_space<hbm>> -> memref<10000x128xf32, #tpu.memory_space<hbm>>
    tpu.wait_indirect_dma semaphore(%arg12 : memref<!tpu.dma_semaphore, #tpu.memory_space<semaphore_mem>>) src(%dma_wait3A_62 : memref<10000x128xf32, #tpu.memory_space<hbm>>) dst(%dma_wait3A_57 : memref<80x128xf32, #tpu.memory_space<vmem>>)
    %scan3A = arith.constant 0 : i32
    %scan3A_63 = arith.constant 0 : i32
    %scan3A_64 = arith.constant 320 : i32
    %scan3A_65 = arith.addi %scan3A_63, %scan3A_64 : i32
    %scan3A_66 = arith.constant 4 : i32
    scf.for %scan3A_228 = %scan3A_63 to %scan3A_65 step %scan3A_66  : i32 {
      %jit3A = arith.constant 4 : i32
      %div3A = arith.divsi %scan3A_228, %jit3A : i32
      %sign3A = arith.constant 0 : i32
      %sign3A_229 = arith.cmpi sgt, %scan3A_228, %sign3A : i32
      %sign3A_230 = arith.extui %sign3A_229 : i1 to i32
      %sign3A_231 = arith.constant 0 : i32
      %sign3A_232 = arith.cmpi slt, %scan3A_228, %sign3A_231 : i32
      %sign3A_233 = arith.extui %sign3A_232 : i1 to i32
      %sign3A_234 = arith.subi %sign3A_230, %sign3A_233 : i32
      %sign3A_235 = arith.constant 0 : i32
      %sign3A_236 = arith.cmpi sgt, %jit3A, %sign3A_235 : i32
      %sign3A_237 = arith.extui %sign3A_236 : i1 to i32
      %sign3A_238 = arith.constant 0 : i32
      %sign3A_239 = arith.cmpi slt, %jit3A, %sign3A_238 : i32
      %sign3A_240 = arith.extui %sign3A_239 : i1 to i32
      %sign3A_241 = arith.subi %sign3A_237, %sign3A_240 : i32
      %ne3A = arith.cmpi ne, %sign3A_234, %sign3A_241 : i32
      %rem3A = arith.remsi %scan3A_228, %jit3A : i32
      %ne3A_242 = arith.constant 0 : i32
      %ne3A_243 = arith.cmpi ne, %rem3A, %ne3A_242 : i32
      %and3A = arith.andi %ne3A, %ne3A_243 : i1
      %sub3A = arith.constant 1 : i32
      %sub3A_244 = arith.subi %div3A, %sub3A : i32
      %select_n3A = arith.select %and3A, %sub3A_244, %div3A : i32
      %jit3A_245 = arith.constant 4 : i32
      %eq3A = arith.constant 0 : i32
      %eq3A_246 = arith.cmpi eq, %jit3A_245, %eq3A : i32
      %jit3A_247 = arith.constant 1 : i32
      %select_n3A_248 = arith.select %eq3A_246, %jit3A_247, %jit3A_245 : i32
      %rem3A_249 = arith.remsi %scan3A_228, %select_n3A_248 : i32
      %ne3A_250 = arith.constant 0 : i32
      %ne3A_251 = arith.cmpi ne, %rem3A_249, %ne3A_250 : i32
      %lt3A = arith.constant 0 : i32
      %lt3A_252 = arith.cmpi slt, %rem3A_249, %lt3A : i32
      %lt3A_253 = arith.constant 0 : i32
      %lt3A_254 = arith.cmpi slt, %select_n3A_248, %lt3A_253 : i32
      %ne3A_255 = arith.xori %lt3A_252, %lt3A_254 : i1
      %and3A_256 = arith.andi %ne3A_255, %ne3A_251 : i1
      %add3A_257 = arith.addi %rem3A_249, %select_n3A_248 : i32
      %select_n3A_258 = arith.select %and3A_256, %add3A_257, %rem3A_249 : i32
      %mul3A_259 = arith.constant 16 : i32
      %mul3A_260 = arith.muli %select_n3A_258, %mul3A_259 : i32
      %get3A = arith.constant 0 : i32
      %get3A_261 = arith.index_cast %get3A : i32 to index
      %get3A_262 = arith.index_cast %select_n3A : i32 to index
      %get3A_263 = arith.index_cast %mul3A_260 : i32 to index
      %get3A_264 = tpu.vector_load %arg8[%get3A_261, %get3A_262, %get3A_263] {strides = array<i32>} : memref<2x80x128xf32, #tpu.memory_space<vmem>>, vector<16xf32>,
      %add3A_265 = arith.constant 64 : i32
      %add3A_266 = arith.addi %add3A_265, %mul3A_260 : i32
      %get3A_267 = arith.constant 0 : i32
      %get3A_268 = arith.index_cast %get3A_267 : i32 to index
      %get3A_269 = arith.index_cast %select_n3A : i32 to index
      %get3A_270 = arith.index_cast %add3A_266 : i32 to index
      %get3A_271 = tpu.vector_load %arg9[%get3A_268, %get3A_269, %get3A_270] {strides = array<i32>} : memref<2x80x128xf32, #tpu.memory_space<vmem>>, vector<16xf32>,
      %add3A_272 = arith.addf %get3A_264, %get3A_271 : vector<16xf32>
      %max3A = arith.constant 0.000000e+00 : f32
      %max3A_273 = vector.broadcast %max3A : f32 to vector<16xf32>
      %max3A_274 = arith.maximumf %add3A_272, %max3A_273 : vector<16xf32>
      %swap3A = arith.constant 0 : i32
      %swap3A_275 = arith.index_cast %swap3A : i32 to index
      %swap3A_276 = arith.index_cast %select_n3A : i32 to index
      %swap3A_277 = arith.index_cast %mul3A_260 : i32 to index
      %swap3A_278 = tpu.vector_load %arg10[%swap3A_275, %swap3A_276, %swap3A_277] {strides = array<i32>} : memref<2x80x64xf32, #tpu.memory_space<vmem>>, vector<16xf32>,
      tpu.vector_store %arg10[%swap3A_275, %swap3A_276, %swap3A_277], %max3A_274 {strides = array<i32>} : memref<2x80x64xf32, #tpu.memory_space<vmem>>, vector<16xf32>,
      %scan3A_279 = arith.constant 1 : i32
      %scan3A_280 = arith.addi %scan3A_228, %scan3A_279 : i32
      %jit3A_281 = arith.constant 4 : i32
      %div3A_282 = arith.divsi %scan3A_280, %jit3A_281 : i32
      %sign3A_283 = arith.constant 0 : i32
      %sign3A_284 = arith.cmpi sgt, %scan3A_280, %sign3A_283 : i32
      %sign3A_285 = arith.extui %sign3A_284 : i1 to i32
      %sign3A_286 = arith.constant 0 : i32
      %sign3A_287 = arith.cmpi slt, %scan3A_280, %sign3A_286 : i32
      %sign3A_288 = arith.extui %sign3A_287 : i1 to i32
      %sign3A_289 = arith.subi %sign3A_285, %sign3A_288 : i32
      %sign3A_290 = arith.constant 0 : i32
      %sign3A_291 = arith.cmpi sgt, %jit3A_281, %sign3A_290 : i32
      %sign3A_292 = arith.extui %sign3A_291 : i1 to i32
      %sign3A_293 = arith.constant 0 : i32
      %sign3A_294 = arith.cmpi slt, %jit3A_281, %sign3A_293 : i32
      %sign3A_295 = arith.extui %sign3A_294 : i1 to i32
      %sign3A_296 = arith.subi %sign3A_292, %sign3A_295 : i32
      %ne3A_297 = arith.cmpi ne, %sign3A_289, %sign3A_296 : i32
      %rem3A_298 = arith.remsi %scan3A_280, %jit3A_281 : i32
      %ne3A_299 = arith.constant 0 : i32
      %ne3A_300 = arith.cmpi ne, %rem3A_298, %ne3A_299 : i32
      %and3A_301 = arith.andi %ne3A_297, %ne3A_300 : i1
      %sub3A_302 = arith.constant 1 : i32
      %sub3A_303 = arith.subi %div3A_282, %sub3A_302 : i32
      %select_n3A_304 = arith.select %and3A_301, %sub3A_303, %div3A_282 : i32
      %jit3A_305 = arith.constant 4 : i32
      %eq3A_306 = arith.constant 0 : i32
      %eq3A_307 = arith.cmpi eq, %jit3A_305, %eq3A_306 : i32
      %jit3A_308 = arith.constant 1 : i32
      %select_n3A_309 = arith.select %eq3A_307, %jit3A_308, %jit3A_305 : i32
      %rem3A_310 = arith.remsi %scan3A_280, %select_n3A_309 : i32
      %ne3A_311 = arith.constant 0 : i32
      %ne3A_312 = arith.cmpi ne, %rem3A_310, %ne3A_311 : i32
      %lt3A_313 = arith.constant 0 : i32
      %lt3A_314 = arith.cmpi slt, %rem3A_310, %lt3A_313 : i32
      %lt3A_315 = arith.constant 0 : i32
      %lt3A_316 = arith.cmpi slt, %select_n3A_309, %lt3A_315 : i32
      %ne3A_317 = arith.xori %lt3A_314, %lt3A_316 : i1
      %and3A_318 = arith.andi %ne3A_317, %ne3A_312 : i1
      %add3A_319 = arith.addi %rem3A_310, %select_n3A_309 : i32
      %select_n3A_320 = arith.select %and3A_318, %add3A_319, %rem3A_310 : i32
      %mul3A_321 = arith.constant 16 : i32
      %mul3A_322 = arith.muli %select_n3A_320, %mul3A_321 : i32
      %get3A_323 = arith.constant 0 : i32
      %get3A_324 = arith.index_cast %get3A_323 : i32 to index
      %get3A_325 = arith.index_cast %select_n3A_304 : i32 to index
      %get3A_326 = arith.index_cast %mul3A_322 : i32 to index
      %get3A_327 = tpu.vector_load %arg8[%get3A_324, %get3A_325, %get3A_326] {strides = array<i32>} : memref<2x80x128xf32, #tpu.memory_space<vmem>>, vector<16xf32>,
      %add3A_328 = arith.constant 64 : i32
      %add3A_329 = arith.addi %add3A_328, %mul3A_322 : i32
      %get3A_330 = arith.constant 0 : i32
      %get3A_331 = arith.index_cast %get3A_330 : i32 to index
      %get3A_332 = arith.index_cast %select_n3A_304 : i32 to index
      %get3A_333 = arith.index_cast %add3A_329 : i32 to index
      %get3A_334 = tpu.vector_load %arg9[%get3A_331, %get3A_332, %get3A_333] {strides = array<i32>} : memref<2x80x128xf32, #tpu.memory_space<vmem>>, vector<16xf32>,
      %add3A_335 = arith.addf %get3A_327, %get3A_334 : vector<16xf32>
      %max3A_336 = arith.constant 0.000000e+00 : f32
      %max3A_337 = vector.broadcast %max3A_336 : f32 to vector<16xf32>
      %max3A_338 = arith.maximumf %add3A_335, %max3A_337 : vector<16xf32>
      %swap3A_339 = arith.constant 0 : i32
      %swap3A_340 = arith.index_cast %swap3A_339 : i32 to index
      %swap3A_341 = arith.index_cast %select_n3A_304 : i32 to index
      %swap3A_342 = arith.index_cast %mul3A_322 : i32 to index
      %swap3A_343 = tpu.vector_load %arg10[%swap3A_340, %swap3A_341, %swap3A_342] {strides = array<i32>} : memref<2x80x64xf32, #tpu.memory_space<vmem>>, vector<16xf32>,
      tpu.vector_store %arg10[%swap3A_340, %swap3A_341, %swap3A_342], %max3A_338 {strides = array<i32>} : memref<2x80x64xf32, #tpu.memory_space<vmem>>, vector<16xf32>,
      %scan3A_344 = arith.constant 2 : i32
      %scan3A_345 = arith.addi %scan3A_228, %scan3A_344 : i32
      %jit3A_346 = arith.constant 4 : i32
      %div3A_347 = arith.divsi %scan3A_345, %jit3A_346 : i32
      %sign3A_348 = arith.constant 0 : i32
      %sign3A_349 = arith.cmpi sgt, %scan3A_345, %sign3A_348 : i32
      %sign3A_350 = arith.extui %sign3A_349 : i1 to i32
      %sign3A_351 = arith.constant 0 : i32
      %sign3A_352 = arith.cmpi slt, %scan3A_345, %sign3A_351 : i32
      %sign3A_353 = arith.extui %sign3A_352 : i1 to i32
      %sign3A_354 = arith.subi %sign3A_350, %sign3A_353 : i32
      %sign3A_355 = arith.constant 0 : i32
      %sign3A_356 = arith.cmpi sgt, %jit3A_346, %sign3A_355 : i32
      %sign3A_357 = arith.extui %sign3A_356 : i1 to i32
      %sign3A_358 = arith.constant 0 : i32
      %sign3A_359 = arith.cmpi slt, %jit3A_346, %sign3A_358 : i32
      %sign3A_360 = arith.extui %sign3A_359 : i1 to i32
      %sign3A_361 = arith.subi %sign3A_357, %sign3A_360 : i32
      %ne3A_362 = arith.cmpi ne, %sign3A_354, %sign3A_361 : i32
      %rem3A_363 = arith.remsi %scan3A_345, %jit3A_346 : i32
      %ne3A_364 = arith.constant 0 : i32
      %ne3A_365 = arith.cmpi ne, %rem3A_363, %ne3A_364 : i32
      %and3A_366 = arith.andi %ne3A_362, %ne3A_365 : i1
      %sub3A_367 = arith.constant 1 : i32
      %sub3A_368 = arith.subi %div3A_347, %sub3A_367 : i32
      %select_n3A_369 = arith.select %and3A_366, %sub3A_368, %div3A_347 : i32
      %jit3A_370 = arith.constant 4 : i32
      %eq3A_371 = arith.constant 0 : i32
      %eq3A_372 = arith.cmpi eq, %jit3A_370, %eq3A_371 : i32
      %jit3A_373 = arith.constant 1 : i32
      %select_n3A_374 = arith.select %eq3A_372, %jit3A_373, %jit3A_370 : i32
      %rem3A_375 = arith.remsi %scan3A_345, %select_n3A_374 : i32
      %ne3A_376 = arith.constant 0 : i32
      %ne3A_377 = arith.cmpi ne, %rem3A_375, %ne3A_376 : i32
      %lt3A_378 = arith.constant 0 : i32
      %lt3A_379 = arith.cmpi slt, %rem3A_375, %lt3A_378 : i32
      %lt3A_380 = arith.constant 0 : i32
      %lt3A_381 = arith.cmpi slt, %select_n3A_374, %lt3A_380 : i32
      %ne3A_382 = arith.xori %lt3A_379, %lt3A_381 : i1
      %and3A_383 = arith.andi %ne3A_382, %ne3A_377 : i1
      %add3A_384 = arith.addi %rem3A_375, %select_n3A_374 : i32
      %select_n3A_385 = arith.select %and3A_383, %add3A_384, %rem3A_375 : i32
      %mul3A_386 = arith.constant 16 : i32
      %mul3A_387 = arith.muli %select_n3A_385, %mul3A_386 : i32
      %get3A_388 = arith.constant 0 : i32
      %get3A_389 = arith.index_cast %get3A_388 : i32 to index
      %get3A_390 = arith.index_cast %select_n3A_369 : i32 to index
      %get3A_391 = arith.index_cast %mul3A_387 : i32 to index
      %get3A_392 = tpu.vector_load %arg8[%get3A_389, %get3A_390, %get3A_391] {strides = array<i32>} : memref<2x80x128xf32, #tpu.memory_space<vmem>>, vector<16xf32>,
      %add3A_393 = arith.constant 64 : i32
      %add3A_394 = arith.addi %add3A_393, %mul3A_387 : i32
      %get3A_395 = arith.constant 0 : i32
      %get3A_396 = arith.index_cast %get3A_395 : i32 to index
      %get3A_397 = arith.index_cast %select_n3A_369 : i32 to index
      %get3A_398 = arith.index_cast %add3A_394 : i32 to index
      %get3A_399 = tpu.vector_load %arg9[%get3A_396, %get3A_397, %get3A_398] {strides = array<i32>} : memref<2x80x128xf32, #tpu.memory_space<vmem>>, vector<16xf32>,
      %add3A_400 = arith.addf %get3A_392, %get3A_399 : vector<16xf32>
      %max3A_401 = arith.constant 0.000000e+00 : f32
      %max3A_402 = vector.broadcast %max3A_401 : f32 to vector<16xf32>
      %max3A_403 = arith.maximumf %add3A_400, %max3A_402 : vector<16xf32>
      %swap3A_404 = arith.constant 0 : i32
      %swap3A_405 = arith.index_cast %swap3A_404 : i32 to index
      %swap3A_406 = arith.index_cast %select_n3A_369 : i32 to index
      %swap3A_407 = arith.index_cast %mul3A_387 : i32 to index
      %swap3A_408 = tpu.vector_load %arg10[%swap3A_405, %swap3A_406, %swap3A_407] {strides = array<i32>} : memref<2x80x64xf32, #tpu.memory_space<vmem>>, vector<16xf32>,
      tpu.vector_store %arg10[%swap3A_405, %swap3A_406, %swap3A_407], %max3A_403 {strides = array<i32>} : memref<2x80x64xf32, #tpu.memory_space<vmem>>, vector<16xf32>,
      %scan3A_409 = arith.constant 3 : i32
      %scan3A_410 = arith.addi %scan3A_228, %scan3A_409 : i32
      %jit3A_411 = arith.constant 4 : i32
      %div3A_412 = arith.divsi %scan3A_410, %jit3A_411 : i32
      %sign3A_413 = arith.constant 0 : i32
      %sign3A_414 = arith.cmpi sgt, %scan3A_410, %sign3A_413 : i32
      %sign3A_415 = arith.extui %sign3A_414 : i1 to i32
      %sign3A_416 = arith.constant 0 : i32
      %sign3A_417 = arith.cmpi slt, %scan3A_410, %sign3A_416 : i32
      %sign3A_418 = arith.extui %sign3A_417 : i1 to i32
      %sign3A_419 = arith.subi %sign3A_415, %sign3A_418 : i32
      %sign3A_420 = arith.constant 0 : i32
      %sign3A_421 = arith.cmpi sgt, %jit3A_411, %sign3A_420 : i32
      %sign3A_422 = arith.extui %sign3A_421 : i1 to i32
      %sign3A_423 = arith.constant 0 : i32
      %sign3A_424 = arith.cmpi slt, %jit3A_411, %sign3A_423 : i32
      %sign3A_425 = arith.extui %sign3A_424 : i1 to i32
      %sign3A_426 = arith.subi %sign3A_422, %sign3A_425 : i32
      %ne3A_427 = arith.cmpi ne, %sign3A_419, %sign3A_426 : i32
      %rem3A_428 = arith.remsi %scan3A_410, %jit3A_411 : i32
      %ne3A_429 = arith.constant 0 : i32
      %ne3A_430 = arith.cmpi ne, %rem3A_428, %ne3A_429 : i32
      %and3A_431 = arith.andi %ne3A_427, %ne3A_430 : i1
      %sub3A_432 = arith.constant 1 : i32
      %sub3A_433 = arith.subi %div3A_412, %sub3A_432 : i32
      %select_n3A_434 = arith.select %and3A_431, %sub3A_433, %div3A_412 : i32
      %jit3A_435 = arith.constant 4 : i32
      %eq3A_436 = arith.constant 0 : i32
      %eq3A_437 = arith.cmpi eq, %jit3A_435, %eq3A_436 : i32
      %jit3A_438 = arith.constant 1 : i32
      %select_n3A_439 = arith.select %eq3A_437, %jit3A_438, %jit3A_435 : i32
      %rem3A_440 = arith.remsi %scan3A_410, %select_n3A_439 : i32
      %ne3A_441 = arith.constant 0 : i32
      %ne3A_442 = arith.cmpi ne, %rem3A_440, %ne3A_441 : i32
      %lt3A_443 = arith.constant 0 : i32
      %lt3A_444 = arith.cmpi slt, %rem3A_440, %lt3A_443 : i32
      %lt3A_445 = arith.constant 0 : i32
      %lt3A_446 = arith.cmpi slt, %select_n3A_439, %lt3A_445 : i32
      %ne3A_447 = arith.xori %lt3A_444, %lt3A_446 : i1
      %and3A_448 = arith.andi %ne3A_447, %ne3A_442 : i1
      %add3A_449 = arith.addi %rem3A_440, %select_n3A_439 : i32
      %select_n3A_450 = arith.select %and3A_448, %add3A_449, %rem3A_440 : i32
      %mul3A_451 = arith.constant 16 : i32
      %mul3A_452 = arith.muli %select_n3A_450, %mul3A_451 : i32
      %get3A_453 = arith.constant 0 : i32
      %get3A_454 = arith.index_cast %get3A_453 : i32 to index
      %get3A_455 = arith.index_cast %select_n3A_434 : i32 to index
      %get3A_456 = arith.index_cast %mul3A_452 : i32 to index
      %get3A_457 = tpu.vector_load %arg8[%get3A_454, %get3A_455, %get3A_456] {strides = array<i32>} : memref<2x80x128xf32, #tpu.memory_space<vmem>>, vector<16xf32>,
      %add3A_458 = arith.constant 64 : i32
      %add3A_459 = arith.addi %add3A_458, %mul3A_452 : i32
      %get3A_460 = arith.constant 0 : i32
      %get3A_461 = arith.index_cast %get3A_460 : i32 to index
      %get3A_462 = arith.index_cast %select_n3A_434 : i32 to index
      %get3A_463 = arith.index_cast %add3A_459 : i32 to index
      %get3A_464 = tpu.vector_load %arg9[%get3A_461, %get3A_462, %get3A_463] {strides = array<i32>} : memref<2x80x128xf32, #tpu.memory_space<vmem>>, vector<16xf32>,
      %add3A_465 = arith.addf %get3A_457, %get3A_464 : vector<16xf32>
      %max3A_466 = arith.constant 0.000000e+00 : f32
      %max3A_467 = vector.broadcast %max3A_466 : f32 to vector<16xf32>
      %max3A_468 = arith.maximumf %add3A_465, %max3A_467 : vector<16xf32>
      %swap3A_469 = arith.constant 0 : i32
      %swap3A_470 = arith.index_cast %swap3A_469 : i32 to index
      %swap3A_471 = arith.index_cast %select_n3A_434 : i32 to index
      %swap3A_472 = arith.index_cast %mul3A_452 : i32 to index
      %swap3A_473 = tpu.vector_load %arg10[%swap3A_470, %swap3A_471, %swap3A_472] {strides = array<i32>} : memref<2x80x64xf32, #tpu.memory_space<vmem>>, vector<16xf32>,
      tpu.vector_store %arg10[%swap3A_470, %swap3A_471, %swap3A_472], %max3A_468 {strides = array<i32>} : memref<2x80x64xf32, #tpu.memory_space<vmem>>, vector<16xf32>,
    }
    %scan3A_67 = arith.constant 320 : i32
    %dma_start3A_68 = arith.constant 0 : i32
    %dma_start3A_69 = arith.constant 0 : i32
    %dma_start3A_70 = arith.constant 0 : i32
    %dma_start3A_71 = tpu.memref_slice %arg10[%dma_start3A_68, %dma_start3A_69, %dma_start3A_70] : memref<2x80x64xf32, #tpu.memory_space<vmem>> -> memref<1x80x64xf32, #tpu.memory_space<vmem>>
    %dma_start3A_72 = tpu.memref_squeeze %dma_start3A_71 : memref<1x80x64xf32, #tpu.memory_space<vmem>> -> memref<80x64xf32, #tpu.memory_space<vmem>>
    %dma_start3A_73 = arith.constant 0 : i32
    %dma_start3A_74 = tpu.memref_slice %arg5[%add3A_43, %dma_start3A_73] : memref<320000x64xf32, #tpu.memory_space<hbm>> -> memref<80x64xf32, #tpu.memory_space<hbm>>
    %dma_start3A_75 = arith.constant 0 : i32
    %dma_start3A_76 = tpu.memref_slice %arg5[%add3A_43, %dma_start3A_75] : memref<320000x64xf32, #tpu.memory_space<hbm>> -> memref<80x64xf32, #tpu.memory_space<hbm>>
    %dma_start3A_77 = arith.constant 0 : i32
    %dma_start3A_78 = arith.constant 0 : i32
    %dma_start3A_79 = tpu.memref_slice %arg10[%dma_start3A_68, %dma_start3A_77, %dma_start3A_78] : memref<2x80x64xf32, #tpu.memory_space<vmem>> -> memref<1x80x64xf32, #tpu.memory_space<vmem>>
    %dma_start3A_80 = tpu.memref_squeeze %dma_start3A_79 : memref<1x80x64xf32, #tpu.memory_space<vmem>> -> memref<80x64xf32, #tpu.memory_space<vmem>>
    tpu.enqueue_dma source(%dma_start3A_80 : memref<80x64xf32, #tpu.memory_space<vmem>>) target(%dma_start3A_76 : memref<80x64xf32, #tpu.memory_space<hbm>>) target_semaphore(%arg13 : memref<!tpu.dma_semaphore, #tpu.memory_space<semaphore_mem>>)
    %dma_start3A_81 = arith.constant 0 : i32
    %dma_start3A_82 = arith.constant 0 : i32
    %dma_start3A_83 = arith.constant 0 : i32
    %dma_start3A_84 = tpu.memref_slice %arg8[%dma_start3A_81, %dma_start3A_82, %dma_start3A_83] : memref<2x80x128xf32, #tpu.memory_space<vmem>> -> memref<1x80x128xf32, #tpu.memory_space<vmem>>
    %dma_start3A_85 = tpu.memref_squeeze %dma_start3A_84 : memref<1x80x128xf32, #tpu.memory_space<vmem>> -> memref<80x128xf32, #tpu.memory_space<vmem>>
    %dma_start3A_86 = arith.constant 160 : i32
    %dma_start3A_87 = tpu.memref_slice %arg6[%dma_start3A_86] : memref<10000xi32, #tpu.memory_space<vmem>> -> memref<80xi32, #tpu.memory_space<vmem>>
    %dma_start3A_88 = arith.constant 0 : i32
    %dma_start3A_89 = arith.constant 0 : i32
    %dma_start3A_90 = tpu.memref_slice %arg2[%dma_start3A_88, %dma_start3A_89] : memref<10000x128xf32, #tpu.memory_space<hbm>> -> memref<10000x128xf32, #tpu.memory_space<hbm>>
    tpu.enqueue_indirect_dma source(%dma_start3A_90 : memref<10000x128xf32, #tpu.memory_space<hbm>>) target(%dma_start3A_85 : memref<80x128xf32, #tpu.memory_space<vmem>>) offsets(%dma_start3A_87 : memref<80xi32, #tpu.memory_space<vmem>>) semaphore(%arg11 : memref<!tpu.dma_semaphore, #tpu.memory_space<semaphore_mem>>)
    %dma_start3A_91 = arith.constant 0 : i32
    %dma_start3A_92 = arith.constant 0 : i32
    %dma_start3A_93 = arith.constant 0 : i32
    %dma_start3A_94 = tpu.memref_slice %arg9[%dma_start3A_91, %dma_start3A_92, %dma_start3A_93] : memref<2x80x128xf32, #tpu.memory_space<vmem>> -> memref<1x80x128xf32, #tpu.memory_space<vmem>>
    %dma_start3A_95 = tpu.memref_squeeze %dma_start3A_94 : memref<1x80x128xf32, #tpu.memory_space<vmem>> -> memref<80x128xf32, #tpu.memory_space<vmem>>
    %dma_start3A_96 = arith.constant 160 : i32
    %dma_start3A_97 = tpu.memref_slice %arg7[%dma_start3A_96] : memref<10000xi32, #tpu.memory_space<vmem>> -> memref<80xi32, #tpu.memory_space<vmem>>
    %dma_start3A_98 = arith.constant 0 : i32
    %dma_start3A_99 = arith.constant 0 : i32
    %dma_start3A_100 = tpu.memref_slice %arg2[%dma_start3A_98, %dma_start3A_99] : memref<10000x128xf32, #tpu.memory_space<hbm>> -> memref<10000x128xf32, #tpu.memory_space<hbm>>
    tpu.enqueue_indirect_dma source(%dma_start3A_100 : memref<10000x128xf32, #tpu.memory_space<hbm>>) target(%dma_start3A_95 : memref<80x128xf32, #tpu.memory_space<vmem>>) offsets(%dma_start3A_97 : memref<80xi32, #tpu.memory_space<vmem>>) semaphore(%arg12 : memref<!tpu.dma_semaphore, #tpu.memory_space<semaphore_mem>>)
    %add3A_101 = arith.constant 80 : i32
    %add3A_102 = arith.addi %mul3A_2, %add3A_101 : i32
    %dma_wait3A_103 = arith.constant 1 : i32
    %dma_wait3A_104 = arith.constant 0 : i32
    %dma_wait3A_105 = arith.constant 0 : i32
    %dma_wait3A_106 = tpu.memref_slice %arg8[%dma_wait3A_103, %dma_wait3A_104, %dma_wait3A_105] : memref<2x80x128xf32, #tpu.memory_space<vmem>> -> memref<1x80x128xf32, #tpu.memory_space<vmem>>
    %dma_wait3A_107 = tpu.memref_squeeze %dma_wait3A_106 : memref<1x80x128xf32, #tpu.memory_space<vmem>> -> memref<80x128xf32, #tpu.memory_space<vmem>>
    %dma_wait3A_108 = arith.constant 80 : i32
    %dma_wait3A_109 = tpu.memref_slice %arg6[%dma_wait3A_108] : memref<10000xi32, #tpu.memory_space<vmem>> -> memref<80xi32, #tpu.memory_space<vmem>>
    %dma_wait3A_110 = arith.constant 0 : i32
    %dma_wait3A_111 = arith.constant 0 : i32
    %dma_wait3A_112 = tpu.memref_slice %arg2[%dma_wait3A_110, %dma_wait3A_111] : memref<10000x128xf32, #tpu.memory_space<hbm>> -> memref<10000x128xf32, #tpu.memory_space<hbm>>
    tpu.wait_indirect_dma semaphore(%arg11 : memref<!tpu.dma_semaphore, #tpu.memory_space<semaphore_mem>>) src(%dma_wait3A_112 : memref<10000x128xf32, #tpu.memory_space<hbm>>) dst(%dma_wait3A_107 : memref<80x128xf32, #tpu.memory_space<vmem>>)
    %dma_wait3A_113 = arith.constant 1 : i32
    %dma_wait3A_114 = arith.constant 0 : i32
    %dma_wait3A_115 = arith.constant 0 : i32
    %dma_wait3A_116 = tpu.memref_slice %arg9[%dma_wait3A_113, %dma_wait3A_114, %dma_wait3A_115] : memref<2x80x128xf32, #tpu.memory_space<vmem>> -> memref<1x80x128xf32, #tpu.memory_space<vmem>>
    %dma_wait3A_117 = tpu.memref_squeeze %dma_wait3A_116 : memref<1x80x128xf32, #tpu.memory_space<vmem>> -> memref<80x128xf32, #tpu.memory_space<vmem>>
    %dma_wait3A_118 = arith.constant 80 : i32
    %dma_wait3A_119 = tpu.memref_slice %arg7[%dma_wait3A_118] : memref<10000xi32, #tpu.memory_space<vmem>> -> memref<80xi32, #tpu.memory_space<vmem>>
    %dma_wait3A_120 = arith.constant 0 : i32
    %dma_wait3A_121 = arith.constant 0 : i32
    %dma_wait3A_122 = tpu.memref_slice %arg2[%dma_wait3A_120, %dma_wait3A_121] : memref<10000x128xf32, #tpu.memory_space<hbm>> -> memref<10000x128xf32, #tpu.memory_space<hbm>>
    tpu.wait_indirect_dma semaphore(%arg12 : memref<!tpu.dma_semaphore, #tpu.memory_space<semaphore_mem>>) src(%dma_wait3A_122 : memref<10000x128xf32, #tpu.memory_space<hbm>>) dst(%dma_wait3A_117 : memref<80x128xf32, #tpu.memory_space<vmem>>)
    %scan3A_123 = arith.constant 0 : i32
    %scan3A_124 = arith.constant 0 : i32
    %scan3A_125 = arith.constant 320 : i32
    %scan3A_126 = arith.addi %scan3A_124, %scan3A_125 : i32
    %scan3A_127 = arith.constant 4 : i32
    scf.for %scan3A_228 = %scan3A_124 to %scan3A_126 step %scan3A_127  : i32 {
      %jit3A = arith.constant 4 : i32
      %div3A = arith.divsi %scan3A_228, %jit3A : i32
      %sign3A = arith.constant 0 : i32
      %sign3A_229 = arith.cmpi sgt, %scan3A_228, %sign3A : i32
      %sign3A_230 = arith.extui %sign3A_229 : i1 to i32
      %sign3A_231 = arith.constant 0 : i32
      %sign3A_232 = arith.cmpi slt, %scan3A_228, %sign3A_231 : i32
      %sign3A_233 = arith.extui %sign3A_232 : i1 to i32
      %sign3A_234 = arith.subi %sign3A_230, %sign3A_233 : i32
      %sign3A_235 = arith.constant 0 : i32
      %sign3A_236 = arith.cmpi sgt, %jit3A, %sign3A_235 : i32
      %sign3A_237 = arith.extui %sign3A_236 : i1 to i32
      %sign3A_238 = arith.constant 0 : i32
      %sign3A_239 = arith.cmpi slt, %jit3A, %sign3A_238 : i32
      %sign3A_240 = arith.extui %sign3A_239 : i1 to i32
      %sign3A_241 = arith.subi %sign3A_237, %sign3A_240 : i32
      %ne3A = arith.cmpi ne, %sign3A_234, %sign3A_241 : i32
      %rem3A = arith.remsi %scan3A_228, %jit3A : i32
      %ne3A_242 = arith.constant 0 : i32
      %ne3A_243 = arith.cmpi ne, %rem3A, %ne3A_242 : i32
      %and3A = arith.andi %ne3A, %ne3A_243 : i1
      %sub3A = arith.constant 1 : i32
      %sub3A_244 = arith.subi %div3A, %sub3A : i32
      %select_n3A = arith.select %and3A, %sub3A_244, %div3A : i32
      %jit3A_245 = arith.constant 4 : i32
      %eq3A = arith.constant 0 : i32
      %eq3A_246 = arith.cmpi eq, %jit3A_245, %eq3A : i32
      %jit3A_247 = arith.constant 1 : i32
      %select_n3A_248 = arith.select %eq3A_246, %jit3A_247, %jit3A_245 : i32
      %rem3A_249 = arith.remsi %scan3A_228, %select_n3A_248 : i32
      %ne3A_250 = arith.constant 0 : i32
      %ne3A_251 = arith.cmpi ne, %rem3A_249, %ne3A_250 : i32
      %lt3A = arith.constant 0 : i32
      %lt3A_252 = arith.cmpi slt, %rem3A_249, %lt3A : i32
      %lt3A_253 = arith.constant 0 : i32
      %lt3A_254 = arith.cmpi slt, %select_n3A_248, %lt3A_253 : i32
      %ne3A_255 = arith.xori %lt3A_252, %lt3A_254 : i1
      %and3A_256 = arith.andi %ne3A_255, %ne3A_251 : i1
      %add3A_257 = arith.addi %rem3A_249, %select_n3A_248 : i32
      %select_n3A_258 = arith.select %and3A_256, %add3A_257, %rem3A_249 : i32
      %mul3A_259 = arith.constant 16 : i32
      %mul3A_260 = arith.muli %select_n3A_258, %mul3A_259 : i32
      %get3A = arith.constant 1 : i32
      %get3A_261 = arith.index_cast %get3A : i32 to index
      %get3A_262 = arith.index_cast %select_n3A : i32 to index
      %get3A_263 = arith.index_cast %mul3A_260 : i32 to index
      %get3A_264 = tpu.vector_load %arg8[%get3A_261, %get3A_262, %get3A_263] {strides = array<i32>} : memref<2x80x128xf32, #tpu.memory_space<vmem>>, vector<16xf32>,
      %add3A_265 = arith.constant 64 : i32
      %add3A_266 = arith.addi %add3A_265, %mul3A_260 : i32
      %get3A_267 = arith.constant 1 : i32
      %get3A_268 = arith.index_cast %get3A_267 : i32 to index
      %get3A_269 = arith.index_cast %select_n3A : i32 to index
      %get3A_270 = arith.index_cast %add3A_266 : i32 to index
      %get3A_271 = tpu.vector_load %arg9[%get3A_268, %get3A_269, %get3A_270] {strides = array<i32>} : memref<2x80x128xf32, #tpu.memory_space<vmem>>, vector<16xf32>,
      %add3A_272 = arith.addf %get3A_264, %get3A_271 : vector<16xf32>
      %max3A = arith.constant 0.000000e+00 : f32
      %max3A_273 = vector.broadcast %max3A : f32 to vector<16xf32>
      %max3A_274 = arith.maximumf %add3A_272, %max3A_273 : vector<16xf32>
      %swap3A = arith.constant 1 : i32
      %swap3A_275 = arith.index_cast %swap3A : i32 to index
      %swap3A_276 = arith.index_cast %select_n3A : i32 to index
      %swap3A_277 = arith.index_cast %mul3A_260 : i32 to index
      %swap3A_278 = tpu.vector_load %arg10[%swap3A_275, %swap3A_276, %swap3A_277] {strides = array<i32>} : memref<2x80x64xf32, #tpu.memory_space<vmem>>, vector<16xf32>,
      tpu.vector_store %arg10[%swap3A_275, %swap3A_276, %swap3A_277], %max3A_274 {strides = array<i32>} : memref<2x80x64xf32, #tpu.memory_space<vmem>>, vector<16xf32>,
      %scan3A_279 = arith.constant 1 : i32
      %scan3A_280 = arith.addi %scan3A_228, %scan3A_279 : i32
      %jit3A_281 = arith.constant 4 : i32
      %div3A_282 = arith.divsi %scan3A_280, %jit3A_281 : i32
      %sign3A_283 = arith.constant 0 : i32
      %sign3A_284 = arith.cmpi sgt, %scan3A_280, %sign3A_283 : i32
      %sign3A_285 = arith.extui %sign3A_284 : i1 to i32
      %sign3A_286 = arith.constant 0 : i32
      %sign3A_287 = arith.cmpi slt, %scan3A_280, %sign3A_286 : i32
      %sign3A_288 = arith.extui %sign3A_287 : i1 to i32
      %sign3A_289 = arith.subi %sign3A_285, %sign3A_288 : i32
      %sign3A_290 = arith.constant 0 : i32
      %sign3A_291 = arith.cmpi sgt, %jit3A_281, %sign3A_290 : i32
      %sign3A_292 = arith.extui %sign3A_291 : i1 to i32
      %sign3A_293 = arith.constant 0 : i32
      %sign3A_294 = arith.cmpi slt, %jit3A_281, %sign3A_293 : i32
      %sign3A_295 = arith.extui %sign3A_294 : i1 to i32
      %sign3A_296 = arith.subi %sign3A_292, %sign3A_295 : i32
      %ne3A_297 = arith.cmpi ne, %sign3A_289, %sign3A_296 : i32
      %rem3A_298 = arith.remsi %scan3A_280, %jit3A_281 : i32
      %ne3A_299 = arith.constant 0 : i32
      %ne3A_300 = arith.cmpi ne, %rem3A_298, %ne3A_299 : i32
      %and3A_301 = arith.andi %ne3A_297, %ne3A_300 : i1
      %sub3A_302 = arith.constant 1 : i32
      %sub3A_303 = arith.subi %div3A_282, %sub3A_302 : i32
      %select_n3A_304 = arith.select %and3A_301, %sub3A_303, %div3A_282 : i32
      %jit3A_305 = arith.constant 4 : i32
      %eq3A_306 = arith.constant 0 : i32
      %eq3A_307 = arith.cmpi eq, %jit3A_305, %eq3A_306 : i32
      %jit3A_308 = arith.constant 1 : i32
      %select_n3A_309 = arith.select %eq3A_307, %jit3A_308, %jit3A_305 : i32
      %rem3A_310 = arith.remsi %scan3A_280, %select_n3A_309 : i32
      %ne3A_311 = arith.constant 0 : i32
      %ne3A_312 = arith.cmpi ne, %rem3A_310, %ne3A_311 : i32
      %lt3A_313 = arith.constant 0 : i32
      %lt3A_314 = arith.cmpi slt, %rem3A_310, %lt3A_313 : i32
      %lt3A_315 = arith.constant 0 : i32
      %lt3A_316 = arith.cmpi slt, %select_n3A_309, %lt3A_315 : i32
      %ne3A_317 = arith.xori %lt3A_314, %lt3A_316 : i1
      %and3A_318 = arith.andi %ne3A_317, %ne3A_312 : i1
      %add3A_319 = arith.addi %rem3A_310, %select_n3A_309 : i32
      %select_n3A_320 = arith.select %and3A_318, %add3A_319, %rem3A_310 : i32
      %mul3A_321 = arith.constant 16 : i32
      %mul3A_322 = arith.muli %select_n3A_320, %mul3A_321 : i32
      %get3A_323 = arith.constant 1 : i32
      %get3A_324 = arith.index_cast %get3A_323 : i32 to index
      %get3A_325 = arith.index_cast %select_n3A_304 : i32 to index
      %get3A_326 = arith.index_cast %mul3A_322 : i32 to index
      %get3A_327 = tpu.vector_load %arg8[%get3A_324, %get3A_325, %get3A_326] {strides = array<i32>} : memref<2x80x128xf32, #tpu.memory_space<vmem>>, vector<16xf32>,
      %add3A_328 = arith.constant 64 : i32
      %add3A_329 = arith.addi %add3A_328, %mul3A_322 : i32
      %get3A_330 = arith.constant 1 : i32
      %get3A_331 = arith.index_cast %get3A_330 : i32 to index
      %get3A_332 = arith.index_cast %select_n3A_304 : i32 to index
      %get3A_333 = arith.index_cast %add3A_329 : i32 to index
      %get3A_334 = tpu.vector_load %arg9[%get3A_331, %get3A_332, %get3A_333] {strides = array<i32>} : memref<2x80x128xf32, #tpu.memory_space<vmem>>, vector<16xf32>,
      %add3A_335 = arith.addf %get3A_327, %get3A_334 : vector<16xf32>
      %max3A_336 = arith.constant 0.000000e+00 : f32
      %max3A_337 = vector.broadcast %max3A_336 : f32 to vector<16xf32>
      %max3A_338 = arith.maximumf %add3A_335, %max3A_337 : vector<16xf32>
      %swap3A_339 = arith.constant 1 : i32
      %swap3A_340 = arith.index_cast %swap3A_339 : i32 to index
      %swap3A_341 = arith.index_cast %select_n3A_304 : i32 to index
      %swap3A_342 = arith.index_cast %mul3A_322 : i32 to index
      %swap3A_343 = tpu.vector_load %arg10[%swap3A_340, %swap3A_341, %swap3A_342] {strides = array<i32>} : memref<2x80x64xf32, #tpu.memory_space<vmem>>, vector<16xf32>,
      tpu.vector_store %arg10[%swap3A_340, %swap3A_341, %swap3A_342], %max3A_338 {strides = array<i32>} : memref<2x80x64xf32, #tpu.memory_space<vmem>>, vector<16xf32>,
      %scan3A_344 = arith.constant 2 : i32
      %scan3A_345 = arith.addi %scan3A_228, %scan3A_344 : i32
      %jit3A_346 = arith.constant 4 : i32
      %div3A_347 = arith.divsi %scan3A_345, %jit3A_346 : i32
      %sign3A_348 = arith.constant 0 : i32
      %sign3A_349 = arith.cmpi sgt, %scan3A_345, %sign3A_348 : i32
      %sign3A_350 = arith.extui %sign3A_349 : i1 to i32
      %sign3A_351 = arith.constant 0 : i32
      %sign3A_352 = arith.cmpi slt, %scan3A_345, %sign3A_351 : i32
      %sign3A_353 = arith.extui %sign3A_352 : i1 to i32
      %sign3A_354 = arith.subi %sign3A_350, %sign3A_353 : i32
      %sign3A_355 = arith.constant 0 : i32
      %sign3A_356 = arith.cmpi sgt, %jit3A_346, %sign3A_355 : i32
      %sign3A_357 = arith.extui %sign3A_356 : i1 to i32
      %sign3A_358 = arith.constant 0 : i32
      %sign3A_359 = arith.cmpi slt, %jit3A_346, %sign3A_358 : i32
      %sign3A_360 = arith.extui %sign3A_359 : i1 to i32
      %sign3A_361 = arith.subi %sign3A_357, %sign3A_360 : i32
      %ne3A_362 = arith.cmpi ne, %sign3A_354, %sign3A_361 : i32
      %rem3A_363 = arith.remsi %scan3A_345, %jit3A_346 : i32
      %ne3A_364 = arith.constant 0 : i32
      %ne3A_365 = arith.cmpi ne, %rem3A_363, %ne3A_364 : i32
      %and3A_366 = arith.andi %ne3A_362, %ne3A_365 : i1
      %sub3A_367 = arith.constant 1 : i32
      %sub3A_368 = arith.subi %div3A_347, %sub3A_367 : i32
      %select_n3A_369 = arith.select %and3A_366, %sub3A_368, %div3A_347 : i32
      %jit3A_370 = arith.constant 4 : i32
      %eq3A_371 = arith.constant 0 : i32
      %eq3A_372 = arith.cmpi eq, %jit3A_370, %eq3A_371 : i32
      %jit3A_373 = arith.constant 1 : i32
      %select_n3A_374 = arith.select %eq3A_372, %jit3A_373, %jit3A_370 : i32
      %rem3A_375 = arith.remsi %scan3A_345, %select_n3A_374 : i32
      %ne3A_376 = arith.constant 0 : i32
      %ne3A_377 = arith.cmpi ne, %rem3A_375, %ne3A_376 : i32
      %lt3A_378 = arith.constant 0 : i32
      %lt3A_379 = arith.cmpi slt, %rem3A_375, %lt3A_378 : i32
      %lt3A_380 = arith.constant 0 : i32
      %lt3A_381 = arith.cmpi slt, %select_n3A_374, %lt3A_380 : i32
      %ne3A_382 = arith.xori %lt3A_379, %lt3A_381 : i1
      %and3A_383 = arith.andi %ne3A_382, %ne3A_377 : i1
      %add3A_384 = arith.addi %rem3A_375, %select_n3A_374 : i32
      %select_n3A_385 = arith.select %and3A_383, %add3A_384, %rem3A_375 : i32
      %mul3A_386 = arith.constant 16 : i32
      %mul3A_387 = arith.muli %select_n3A_385, %mul3A_386 : i32
      %get3A_388 = arith.constant 1 : i32
      %get3A_389 = arith.index_cast %get3A_388 : i32 to index
      %get3A_390 = arith.index_cast %select_n3A_369 : i32 to index
      %get3A_391 = arith.index_cast %mul3A_387 : i32 to index
      %get3A_392 = tpu.vector_load %arg8[%get3A_389, %get3A_390, %get3A_391] {strides = array<i32>} : memref<2x80x128xf32, #tpu.memory_space<vmem>>, vector<16xf32>,
      %add3A_393 = arith.constant 64 : i32
      %add3A_394 = arith.addi %add3A_393, %mul3A_387 : i32
      %get3A_395 = arith.constant 1 : i32
      %get3A_396 = arith.index_cast %get3A_395 : i32 to index
      %get3A_397 = arith.index_cast %select_n3A_369 : i32 to index
      %get3A_398 = arith.index_cast %add3A_394 : i32 to index
      %get3A_399 = tpu.vector_load %arg9[%get3A_396, %get3A_397, %get3A_398] {strides = array<i32>} : memref<2x80x128xf32, #tpu.memory_space<vmem>>, vector<16xf32>,
      %add3A_400 = arith.addf %get3A_392, %get3A_399 : vector<16xf32>
      %max3A_401 = arith.constant 0.000000e+00 : f32
      %max3A_402 = vector.broadcast %max3A_401 : f32 to vector<16xf32>
      %max3A_403 = arith.maximumf %add3A_400, %max3A_402 : vector<16xf32>
      %swap3A_404 = arith.constant 1 : i32
      %swap3A_405 = arith.index_cast %swap3A_404 : i32 to index
      %swap3A_406 = arith.index_cast %select_n3A_369 : i32 to index
      %swap3A_407 = arith.index_cast %mul3A_387 : i32 to index
      %swap3A_408 = tpu.vector_load %arg10[%swap3A_405, %swap3A_406, %swap3A_407] {strides = array<i32>} : memref<2x80x64xf32, #tpu.memory_space<vmem>>, vector<16xf32>,
      tpu.vector_store %arg10[%swap3A_405, %swap3A_406, %swap3A_407], %max3A_403 {strides = array<i32>} : memref<2x80x64xf32, #tpu.memory_space<vmem>>, vector<16xf32>,
      %scan3A_409 = arith.constant 3 : i32
      %scan3A_410 = arith.addi %scan3A_228, %scan3A_409 : i32
      %jit3A_411 = arith.constant 4 : i32
      %div3A_412 = arith.divsi %scan3A_410, %jit3A_411 : i32
      %sign3A_413 = arith.constant 0 : i32
      %sign3A_414 = arith.cmpi sgt, %scan3A_410, %sign3A_413 : i32
      %sign3A_415 = arith.extui %sign3A_414 : i1 to i32
      %sign3A_416 = arith.constant 0 : i32
      %sign3A_417 = arith.cmpi slt, %scan3A_410, %sign3A_416 : i32
      %sign3A_418 = arith.extui %sign3A_417 : i1 to i32
      %sign3A_419 = arith.subi %sign3A_415, %sign3A_418 : i32
      %sign3A_420 = arith.constant 0 : i32
      %sign3A_421 = arith.cmpi sgt, %jit3A_411, %sign3A_420 : i32
      %sign3A_422 = arith.extui %sign3A_421 : i1 to i32
      %sign3A_423 = arith.constant 0 : i32
      %sign3A_424 = arith.cmpi slt, %jit3A_411, %sign3A_423 : i32
      %sign3A_425 = arith.extui %sign3A_424 : i1 to i32
      %sign3A_426 = arith.subi %sign3A_422, %sign3A_425 : i32
      %ne3A_427 = arith.cmpi ne, %sign3A_419, %sign3A_426 : i32
      %rem3A_428 = arith.remsi %scan3A_410, %jit3A_411 : i32
      %ne3A_429 = arith.constant 0 : i32
      %ne3A_430 = arith.cmpi ne, %rem3A_428, %ne3A_429 : i32
      %and3A_431 = arith.andi %ne3A_427, %ne3A_430 : i1
      %sub3A_432 = arith.constant 1 : i32
      %sub3A_433 = arith.subi %div3A_412, %sub3A_432 : i32
      %select_n3A_434 = arith.select %and3A_431, %sub3A_433, %div3A_412 : i32
      %jit3A_435 = arith.constant 4 : i32
      %eq3A_436 = arith.constant 0 : i32
      %eq3A_437 = arith.cmpi eq, %jit3A_435, %eq3A_436 : i32
      %jit3A_438 = arith.constant 1 : i32
      %select_n3A_439 = arith.select %eq3A_437, %jit3A_438, %jit3A_435 : i32
      %rem3A_440 = arith.remsi %scan3A_410, %select_n3A_439 : i32
      %ne3A_441 = arith.constant 0 : i32
      %ne3A_442 = arith.cmpi ne, %rem3A_440, %ne3A_441 : i32
      %lt3A_443 = arith.constant 0 : i32
      %lt3A_444 = arith.cmpi slt, %rem3A_440, %lt3A_443 : i32
      %lt3A_445 = arith.constant 0 : i32
      %lt3A_446 = arith.cmpi slt, %select_n3A_439, %lt3A_445 : i32
      %ne3A_447 = arith.xori %lt3A_444, %lt3A_446 : i1
      %and3A_448 = arith.andi %ne3A_447, %ne3A_442 : i1
      %add3A_449 = arith.addi %rem3A_440, %select_n3A_439 : i32
      %select_n3A_450 = arith.select %and3A_448, %add3A_449, %rem3A_440 : i32
      %mul3A_451 = arith.constant 16 : i32
      %mul3A_452 = arith.muli %select_n3A_450, %mul3A_451 : i32
      %get3A_453 = arith.constant 1 : i32
      %get3A_454 = arith.index_cast %get3A_453 : i32 to index
      %get3A_455 = arith.index_cast %select_n3A_434 : i32 to index
      %get3A_456 = arith.index_cast %mul3A_452 : i32 to index
      %get3A_457 = tpu.vector_load %arg8[%get3A_454, %get3A_455, %get3A_456] {strides = array<i32>} : memref<2x80x128xf32, #tpu.memory_space<vmem>>, vector<16xf32>,
      %add3A_458 = arith.constant 64 : i32
      %add3A_459 = arith.addi %add3A_458, %mul3A_452 : i32
      %get3A_460 = arith.constant 1 : i32
      %get3A_461 = arith.index_cast %get3A_460 : i32 to index
      %get3A_462 = arith.index_cast %select_n3A_434 : i32 to index
      %get3A_463 = arith.index_cast %add3A_459 : i32 to index
      %get3A_464 = tpu.vector_load %arg9[%get3A_461, %get3A_462, %get3A_463] {strides = array<i32>} : memref<2x80x128xf32, #tpu.memory_space<vmem>>, vector<16xf32>,
      %add3A_465 = arith.addf %get3A_457, %get3A_464 : vector<16xf32>
      %max3A_466 = arith.constant 0.000000e+00 : f32
      %max3A_467 = vector.broadcast %max3A_466 : f32 to vector<16xf32>
      %max3A_468 = arith.maximumf %add3A_465, %max3A_467 : vector<16xf32>
      %swap3A_469 = arith.constant 1 : i32
      %swap3A_470 = arith.index_cast %swap3A_469 : i32 to index
      %swap3A_471 = arith.index_cast %select_n3A_434 : i32 to index
      %swap3A_472 = arith.index_cast %mul3A_452 : i32 to index
      %swap3A_473 = tpu.vector_load %arg10[%swap3A_470, %swap3A_471, %swap3A_472] {strides = array<i32>} : memref<2x80x64xf32, #tpu.memory_space<vmem>>, vector<16xf32>,
      tpu.vector_store %arg10[%swap3A_470, %swap3A_471, %swap3A_472], %max3A_468 {strides = array<i32>} : memref<2x80x64xf32, #tpu.memory_space<vmem>>, vector<16xf32>,
    }
    %scan3A_128 = arith.constant 320 : i32
    %dma_start3A_129 = arith.constant 1 : i32
    %dma_start3A_130 = arith.constant 0 : i32
    %dma_start3A_131 = arith.constant 0 : i32
    %dma_start3A_132 = tpu.memref_slice %arg10[%dma_start3A_129, %dma_start3A_130, %dma_start3A_131] : memref<2x80x64xf32, #tpu.memory_space<vmem>> -> memref<1x80x64xf32, #tpu.memory_space<vmem>>
    %dma_start3A_133 = tpu.memref_squeeze %dma_start3A_132 : memref<1x80x64xf32, #tpu.memory_space<vmem>> -> memref<80x64xf32, #tpu.memory_space<vmem>>
    %dma_start3A_134 = arith.constant 0 : i32
    %dma_start3A_135 = tpu.memref_slice %arg5[%add3A_102, %dma_start3A_134] : memref<320000x64xf32, #tpu.memory_space<hbm>> -> memref<80x64xf32, #tpu.memory_space<hbm>>
    %dma_start3A_136 = arith.constant 0 : i32
    %dma_start3A_137 = tpu.memref_slice %arg5[%add3A_102, %dma_start3A_136] : memref<320000x64xf32, #tpu.memory_space<hbm>> -> memref<80x64xf32, #tpu.memory_space<hbm>>
    %dma_start3A_138 = arith.constant 0 : i32
    %dma_start3A_139 = arith.constant 0 : i32
    %dma_start3A_140 = tpu.memref_slice %arg10[%dma_start3A_129, %dma_start3A_138, %dma_start3A_139] : memref<2x80x64xf32, #tpu.memory_space<vmem>> -> memref<1x80x64xf32, #tpu.memory_space<vmem>>
    %dma_start3A_141 = tpu.memref_squeeze %dma_start3A_140 : memref<1x80x64xf32, #tpu.memory_space<vmem>> -> memref<80x64xf32, #tpu.memory_space<vmem>>
    tpu.enqueue_dma source(%dma_start3A_141 : memref<80x64xf32, #tpu.memory_space<vmem>>) target(%dma_start3A_137 : memref<80x64xf32, #tpu.memory_space<hbm>>) target_semaphore(%arg13 : memref<!tpu.dma_semaphore, #tpu.memory_space<semaphore_mem>>)
    %scan3A_142 = arith.constant 0 : i32
    %scan3A_143 = arith.constant 1 : i32
    %scan3A_144 = arith.constant 61 : i32
    %scan3A_145 = arith.addi %scan3A_143, %scan3A_144 : i32
    %scan3A_146 = arith.constant 1 : i32
    scf.for %scan3A_228 = %scan3A_143 to %scan3A_145 step %scan3A_146  : i32 {
      %mul3A_229 = arith.constant 2 : i32
      %mul3A_230 = arith.muli %mul3A_229, %scan3A_228 : i32
      %add3A_231 = arith.constant 1 : i32
      %add3A_232 = arith.addi %mul3A_230, %add3A_231 : i32
      %mul3A_233 = arith.constant 80 : i32
      %mul3A_234 = arith.muli %add3A_232, %mul3A_233 : i32
      %dma_start3A_235 = arith.constant 1 : i32
      %dma_start3A_236 = arith.constant 0 : i32
      %dma_start3A_237 = arith.constant 0 : i32
      %dma_start3A_238 = tpu.memref_slice %arg8[%dma_start3A_235, %dma_start3A_236, %dma_start3A_237] : memref<2x80x128xf32, #tpu.memory_space<vmem>> -> memref<1x80x128xf32, #tpu.memory_space<vmem>>
      %dma_start3A_239 = tpu.memref_squeeze %dma_start3A_238 : memref<1x80x128xf32, #tpu.memory_space<vmem>> -> memref<80x128xf32, #tpu.memory_space<vmem>>
      %dma_start3A_240 = tpu.memref_slice %arg6[%mul3A_234] : memref<10000xi32, #tpu.memory_space<vmem>> -> memref<80xi32, #tpu.memory_space<vmem>>
      %dma_start3A_241 = arith.constant 0 : i32
      %dma_start3A_242 = arith.constant 0 : i32
      %dma_start3A_243 = tpu.memref_slice %arg2[%dma_start3A_241, %dma_start3A_242] : memref<10000x128xf32, #tpu.memory_space<hbm>> -> memref<10000x128xf32, #tpu.memory_space<hbm>>
      tpu.enqueue_indirect_dma source(%dma_start3A_243 : memref<10000x128xf32, #tpu.memory_space<hbm>>) target(%dma_start3A_239 : memref<80x128xf32, #tpu.memory_space<vmem>>) offsets(%dma_start3A_240 : memref<80xi32, #tpu.memory_space<vmem>>) semaphore(%arg11 : memref<!tpu.dma_semaphore, #tpu.memory_space<semaphore_mem>>)
      %mul3A_244 = arith.constant 80 : i32
      %mul3A_245 = arith.muli %add3A_232, %mul3A_244 : i32
      %dma_start3A_246 = arith.constant 1 : i32
      %dma_start3A_247 = arith.constant 0 : i32
      %dma_start3A_248 = arith.constant 0 : i32
      %dma_start3A_249 = tpu.memref_slice %arg9[%dma_start3A_246, %dma_start3A_247, %dma_start3A_248] : memref<2x80x128xf32, #tpu.memory_space<vmem>> -> memref<1x80x128xf32, #tpu.memory_space<vmem>>
      %dma_start3A_250 = tpu.memref_squeeze %dma_start3A_249 : memref<1x80x128xf32, #tpu.memory_space<vmem>> -> memref<80x128xf32, #tpu.memory_space<vmem>>
      %dma_start3A_251 = tpu.memref_slice %arg7[%mul3A_245] : memref<10000xi32, #tpu.memory_space<vmem>> -> memref<80xi32, #tpu.memory_space<vmem>>
      %dma_start3A_252 = arith.constant 0 : i32
      %dma_start3A_253 = arith.constant 0 : i32
      %dma_start3A_254 = tpu.memref_slice %arg2[%dma_start3A_252, %dma_start3A_253] : memref<10000x128xf32, #tpu.memory_space<hbm>> -> memref<10000x128xf32, #tpu.memory_space<hbm>>
      tpu.enqueue_indirect_dma source(%dma_start3A_254 : memref<10000x128xf32, #tpu.memory_space<hbm>>) target(%dma_start3A_250 : memref<80x128xf32, #tpu.memory_space<vmem>>) offsets(%dma_start3A_251 : memref<80xi32, #tpu.memory_space<vmem>>) semaphore(%arg12 : memref<!tpu.dma_semaphore, #tpu.memory_space<semaphore_mem>>)
      %mul3A_255 = arith.constant 2 : i32
      %mul3A_256 = arith.muli %mul3A_255, %scan3A_228 : i32
      %mul3A_257 = arith.constant 80 : i32
      %mul3A_258 = arith.muli %mul3A_256, %mul3A_257 : i32
      %add3A_259 = arith.addi %mul3A_2, %mul3A_258 : i32
      %mul3A_260 = arith.constant 80 : i32
      %mul3A_261 = arith.muli %mul3A_256, %mul3A_260 : i32
      %dma_wait3A_262 = arith.constant 0 : i32
      %dma_wait3A_263 = arith.constant 0 : i32
      %dma_wait3A_264 = arith.constant 0 : i32
      %dma_wait3A_265 = tpu.memref_slice %arg8[%dma_wait3A_262, %dma_wait3A_263, %dma_wait3A_264] : memref<2x80x128xf32, #tpu.memory_space<vmem>> -> memref<1x80x128xf32, #tpu.memory_space<vmem>>
      %dma_wait3A_266 = tpu.memref_squeeze %dma_wait3A_265 : memref<1x80x128xf32, #tpu.memory_space<vmem>> -> memref<80x128xf32, #tpu.memory_space<vmem>>
      %dma_wait3A_267 = tpu.memref_slice %arg6[%mul3A_261] : memref<10000xi32, #tpu.memory_space<vmem>> -> memref<80xi32, #tpu.memory_space<vmem>>
      %dma_wait3A_268 = arith.constant 0 : i32
      %dma_wait3A_269 = arith.constant 0 : i32
      %dma_wait3A_270 = tpu.memref_slice %arg2[%dma_wait3A_268, %dma_wait3A_269] : memref<10000x128xf32, #tpu.memory_space<hbm>> -> memref<10000x128xf32, #tpu.memory_space<hbm>>
      tpu.wait_indirect_dma semaphore(%arg11 : memref<!tpu.dma_semaphore, #tpu.memory_space<semaphore_mem>>) src(%dma_wait3A_270 : memref<10000x128xf32, #tpu.memory_space<hbm>>) dst(%dma_wait3A_266 : memref<80x128xf32, #tpu.memory_space<vmem>>)
      %mul3A_271 = arith.constant 80 : i32
      %mul3A_272 = arith.muli %mul3A_256, %mul3A_271 : i32
      %dma_wait3A_273 = arith.constant 0 : i32
      %dma_wait3A_274 = arith.constant 0 : i32
      %dma_wait3A_275 = arith.constant 0 : i32
      %dma_wait3A_276 = tpu.memref_slice %arg9[%dma_wait3A_273, %dma_wait3A_274, %dma_wait3A_275] : memref<2x80x128xf32, #tpu.memory_space<vmem>> -> memref<1x80x128xf32, #tpu.memory_space<vmem>>
      %dma_wait3A_277 = tpu.memref_squeeze %dma_wait3A_276 : memref<1x80x128xf32, #tpu.memory_space<vmem>> -> memref<80x128xf32, #tpu.memory_space<vmem>>
      %dma_wait3A_278 = tpu.memref_slice %arg7[%mul3A_272] : memref<10000xi32, #tpu.memory_space<vmem>> -> memref<80xi32, #tpu.memory_space<vmem>>
      %dma_wait3A_279 = arith.constant 0 : i32
      %dma_wait3A_280 = arith.constant 0 : i32
      %dma_wait3A_281 = tpu.memref_slice %arg2[%dma_wait3A_279, %dma_wait3A_280] : memref<10000x128xf32, #tpu.memory_space<hbm>> -> memref<10000x128xf32, #tpu.memory_space<hbm>>
      tpu.wait_indirect_dma semaphore(%arg12 : memref<!tpu.dma_semaphore, #tpu.memory_space<semaphore_mem>>) src(%dma_wait3A_281 : memref<10000x128xf32, #tpu.memory_space<hbm>>) dst(%dma_wait3A_277 : memref<80x128xf32, #tpu.memory_space<vmem>>)
      %dma_wait3A_282 = arith.constant 0 : i32
      %dma_wait3A_283 = arith.constant 0 : i32
      %dma_wait3A_284 = arith.constant 0 : i32
      %dma_wait3A_285 = tpu.memref_slice %arg10[%dma_wait3A_282, %dma_wait3A_283, %dma_wait3A_284] : memref<2x80x64xf32, #tpu.memory_space<vmem>> -> memref<1x80x64xf32, #tpu.memory_space<vmem>>
      %dma_wait3A_286 = tpu.memref_squeeze %dma_wait3A_285 : memref<1x80x64xf32, #tpu.memory_space<vmem>> -> memref<80x64xf32, #tpu.memory_space<vmem>>
      %dma_wait3A_287 = arith.constant 0 : i32
      %dma_wait3A_288 = tpu.memref_slice %arg5[%add3A_259, %dma_wait3A_287] : memref<320000x64xf32, #tpu.memory_space<hbm>> -> memref<80x64xf32, #tpu.memory_space<hbm>>
      %dma_wait3A_289 = arith.constant 0 : i32
      %dma_wait3A_290 = arith.constant 0 : i32
      %dma_wait3A_291 = tpu.memref_slice %arg10[%dma_wait3A_282, %dma_wait3A_289, %dma_wait3A_290] : memref<2x80x64xf32, #tpu.memory_space<vmem>> -> memref<1x80x64xf32, #tpu.memory_space<vmem>>
      %dma_wait3A_292 = tpu.memref_squeeze %dma_wait3A_291 : memref<1x80x64xf32, #tpu.memory_space<vmem>> -> memref<80x64xf32, #tpu.memory_space<vmem>>
      %dma_wait3A_293 = arith.constant 0 : i32
      %dma_wait3A_294 = tpu.memref_slice %arg5[%add3A_259, %dma_wait3A_293] : memref<320000x64xf32, #tpu.memory_space<hbm>> -> memref<80x64xf32, #tpu.memory_space<hbm>>
      tpu.wait_dma2 semaphore(%arg13 : memref<!tpu.dma_semaphore, #tpu.memory_space<semaphore_mem>>) src(%dma_wait3A_294 : memref<80x64xf32, #tpu.memory_space<hbm>>) dst(%dma_wait3A_292 : memref<80x64xf32, #tpu.memory_space<vmem>>)
      %scan3A_295 = arith.constant 0 : i32
      %scan3A_296 = arith.constant 0 : i32
      %scan3A_297 = arith.constant 320 : i32
      %scan3A_298 = arith.addi %scan3A_296, %scan3A_297 : i32
      %scan3A_299 = arith.constant 4 : i32
      scf.for %scan3A_401 = %scan3A_296 to %scan3A_298 step %scan3A_299  : i32 {
        %jit3A = arith.constant 4 : i32
        %div3A = arith.divsi %scan3A_401, %jit3A : i32
        %sign3A = arith.constant 0 : i32
        %sign3A_402 = arith.cmpi sgt, %scan3A_401, %sign3A : i32
        %sign3A_403 = arith.extui %sign3A_402 : i1 to i32
        %sign3A_404 = arith.constant 0 : i32
        %sign3A_405 = arith.cmpi slt, %scan3A_401, %sign3A_404 : i32
        %sign3A_406 = arith.extui %sign3A_405 : i1 to i32
        %sign3A_407 = arith.subi %sign3A_403, %sign3A_406 : i32
        %sign3A_408 = arith.constant 0 : i32
        %sign3A_409 = arith.cmpi sgt, %jit3A, %sign3A_408 : i32
        %sign3A_410 = arith.extui %sign3A_409 : i1 to i32
        %sign3A_411 = arith.constant 0 : i32
        %sign3A_412 = arith.cmpi slt, %jit3A, %sign3A_411 : i32
        %sign3A_413 = arith.extui %sign3A_412 : i1 to i32
        %sign3A_414 = arith.subi %sign3A_410, %sign3A_413 : i32
        %ne3A = arith.cmpi ne, %sign3A_407, %sign3A_414 : i32
        %rem3A = arith.remsi %scan3A_401, %jit3A : i32
        %ne3A_415 = arith.constant 0 : i32
        %ne3A_416 = arith.cmpi ne, %rem3A, %ne3A_415 : i32
        %and3A = arith.andi %ne3A, %ne3A_416 : i1
        %sub3A = arith.constant 1 : i32
        %sub3A_417 = arith.subi %div3A, %sub3A : i32
        %select_n3A = arith.select %and3A, %sub3A_417, %div3A : i32
        %jit3A_418 = arith.constant 4 : i32
        %eq3A = arith.constant 0 : i32
        %eq3A_419 = arith.cmpi eq, %jit3A_418, %eq3A : i32
        %jit3A_420 = arith.constant 1 : i32
        %select_n3A_421 = arith.select %eq3A_419, %jit3A_420, %jit3A_418 : i32
        %rem3A_422 = arith.remsi %scan3A_401, %select_n3A_421 : i32
        %ne3A_423 = arith.constant 0 : i32
        %ne3A_424 = arith.cmpi ne, %rem3A_422, %ne3A_423 : i32
        %lt3A = arith.constant 0 : i32
        %lt3A_425 = arith.cmpi slt, %rem3A_422, %lt3A : i32
        %lt3A_426 = arith.constant 0 : i32
        %lt3A_427 = arith.cmpi slt, %select_n3A_421, %lt3A_426 : i32
        %ne3A_428 = arith.xori %lt3A_425, %lt3A_427 : i1
        %and3A_429 = arith.andi %ne3A_428, %ne3A_424 : i1
        %add3A_430 = arith.addi %rem3A_422, %select_n3A_421 : i32
        %select_n3A_431 = arith.select %and3A_429, %add3A_430, %rem3A_422 : i32
        %mul3A_432 = arith.constant 16 : i32
        %mul3A_433 = arith.muli %select_n3A_431, %mul3A_432 : i32
        %get3A = arith.constant 0 : i32
        %get3A_434 = arith.index_cast %get3A : i32 to index
        %get3A_435 = arith.index_cast %select_n3A : i32 to index
        %get3A_436 = arith.index_cast %mul3A_433 : i32 to index
        %get3A_437 = tpu.vector_load %arg8[%get3A_434, %get3A_435, %get3A_436] {strides = array<i32>} : memref<2x80x128xf32, #tpu.memory_space<vmem>>, vector<16xf32>,
        %add3A_438 = arith.constant 64 : i32
        %add3A_439 = arith.addi %add3A_438, %mul3A_433 : i32
        %get3A_440 = arith.constant 0 : i32
        %get3A_441 = arith.index_cast %get3A_440 : i32 to index
        %get3A_442 = arith.index_cast %select_n3A : i32 to index
        %get3A_443 = arith.index_cast %add3A_439 : i32 to index
        %get3A_444 = tpu.vector_load %arg9[%get3A_441, %get3A_442, %get3A_443] {strides = array<i32>} : memref<2x80x128xf32, #tpu.memory_space<vmem>>, vector<16xf32>,
        %add3A_445 = arith.addf %get3A_437, %get3A_444 : vector<16xf32>
        %max3A = arith.constant 0.000000e+00 : f32
        %max3A_446 = vector.broadcast %max3A : f32 to vector<16xf32>
        %max3A_447 = arith.maximumf %add3A_445, %max3A_446 : vector<16xf32>
        %swap3A = arith.constant 0 : i32
        %swap3A_448 = arith.index_cast %swap3A : i32 to index
        %swap3A_449 = arith.index_cast %select_n3A : i32 to index
        %swap3A_450 = arith.index_cast %mul3A_433 : i32 to index
        %swap3A_451 = tpu.vector_load %arg10[%swap3A_448, %swap3A_449, %swap3A_450] {strides = array<i32>} : memref<2x80x64xf32, #tpu.memory_space<vmem>>, vector<16xf32>,
        tpu.vector_store %arg10[%swap3A_448, %swap3A_449, %swap3A_450], %max3A_447 {strides = array<i32>} : memref<2x80x64xf32, #tpu.memory_space<vmem>>, vector<16xf32>,
        %scan3A_452 = arith.constant 1 : i32
        %scan3A_453 = arith.addi %scan3A_401, %scan3A_452 : i32
        %jit3A_454 = arith.constant 4 : i32
        %div3A_455 = arith.divsi %scan3A_453, %jit3A_454 : i32
        %sign3A_456 = arith.constant 0 : i32
        %sign3A_457 = arith.cmpi sgt, %scan3A_453, %sign3A_456 : i32
        %sign3A_458 = arith.extui %sign3A_457 : i1 to i32
        %sign3A_459 = arith.constant 0 : i32
        %sign3A_460 = arith.cmpi slt, %scan3A_453, %sign3A_459 : i32
        %sign3A_461 = arith.extui %sign3A_460 : i1 to i32
        %sign3A_462 = arith.subi %sign3A_458, %sign3A_461 : i32
        %sign3A_463 = arith.constant 0 : i32
        %sign3A_464 = arith.cmpi sgt, %jit3A_454, %sign3A_463 : i32
        %sign3A_465 = arith.extui %sign3A_464 : i1 to i32
        %sign3A_466 = arith.constant 0 : i32
        %sign3A_467 = arith.cmpi slt, %jit3A_454, %sign3A_466 : i32
        %sign3A_468 = arith.extui %sign3A_467 : i1 to i32
        %sign3A_469 = arith.subi %sign3A_465, %sign3A_468 : i32
        %ne3A_470 = arith.cmpi ne, %sign3A_462, %sign3A_469 : i32
        %rem3A_471 = arith.remsi %scan3A_453, %jit3A_454 : i32
        %ne3A_472 = arith.constant 0 : i32
        %ne3A_473 = arith.cmpi ne, %rem3A_471, %ne3A_472 : i32
        %and3A_474 = arith.andi %ne3A_470, %ne3A_473 : i1
        %sub3A_475 = arith.constant 1 : i32
        %sub3A_476 = arith.subi %div3A_455, %sub3A_475 : i32
        %select_n3A_477 = arith.select %and3A_474, %sub3A_476, %div3A_455 : i32
        %jit3A_478 = arith.constant 4 : i32
        %eq3A_479 = arith.constant 0 : i32
        %eq3A_480 = arith.cmpi eq, %jit3A_478, %eq3A_479 : i32
        %jit3A_481 = arith.constant 1 : i32
        %select_n3A_482 = arith.select %eq3A_480, %jit3A_481, %jit3A_478 : i32
        %rem3A_483 = arith.remsi %scan3A_453, %select_n3A_482 : i32
        %ne3A_484 = arith.constant 0 : i32
        %ne3A_485 = arith.cmpi ne, %rem3A_483, %ne3A_484 : i32
        %lt3A_486 = arith.constant 0 : i32
        %lt3A_487 = arith.cmpi slt, %rem3A_483, %lt3A_486 : i32
        %lt3A_488 = arith.constant 0 : i32
        %lt3A_489 = arith.cmpi slt, %select_n3A_482, %lt3A_488 : i32
        %ne3A_490 = arith.xori %lt3A_487, %lt3A_489 : i1
        %and3A_491 = arith.andi %ne3A_490, %ne3A_485 : i1
        %add3A_492 = arith.addi %rem3A_483, %select_n3A_482 : i32
        %select_n3A_493 = arith.select %and3A_491, %add3A_492, %rem3A_483 : i32
        %mul3A_494 = arith.constant 16 : i32
        %mul3A_495 = arith.muli %select_n3A_493, %mul3A_494 : i32
        %get3A_496 = arith.constant 0 : i32
        %get3A_497 = arith.index_cast %get3A_496 : i32 to index
        %get3A_498 = arith.index_cast %select_n3A_477 : i32 to index
        %get3A_499 = arith.index_cast %mul3A_495 : i32 to index
        %get3A_500 = tpu.vector_load %arg8[%get3A_497, %get3A_498, %get3A_499] {strides = array<i32>} : memref<2x80x128xf32, #tpu.memory_space<vmem>>, vector<16xf32>,
        %add3A_501 = arith.constant 64 : i32
        %add3A_502 = arith.addi %add3A_501, %mul3A_495 : i32
        %get3A_503 = arith.constant 0 : i32
        %get3A_504 = arith.index_cast %get3A_503 : i32 to index
        %get3A_505 = arith.index_cast %select_n3A_477 : i32 to index
        %get3A_506 = arith.index_cast %add3A_502 : i32 to index
        %get3A_507 = tpu.vector_load %arg9[%get3A_504, %get3A_505, %get3A_506] {strides = array<i32>} : memref<2x80x128xf32, #tpu.memory_space<vmem>>, vector<16xf32>,
        %add3A_508 = arith.addf %get3A_500, %get3A_507 : vector<16xf32>
        %max3A_509 = arith.constant 0.000000e+00 : f32
        %max3A_510 = vector.broadcast %max3A_509 : f32 to vector<16xf32>
        %max3A_511 = arith.maximumf %add3A_508, %max3A_510 : vector<16xf32>
        %swap3A_512 = arith.constant 0 : i32
        %swap3A_513 = arith.index_cast %swap3A_512 : i32 to index
        %swap3A_514 = arith.index_cast %select_n3A_477 : i32 to index
        %swap3A_515 = arith.index_cast %mul3A_495 : i32 to index
        %swap3A_516 = tpu.vector_load %arg10[%swap3A_513, %swap3A_514, %swap3A_515] {strides = array<i32>} : memref<2x80x64xf32, #tpu.memory_space<vmem>>, vector<16xf32>,
        tpu.vector_store %arg10[%swap3A_513, %swap3A_514, %swap3A_515], %max3A_511 {strides = array<i32>} : memref<2x80x64xf32, #tpu.memory_space<vmem>>, vector<16xf32>,
        %scan3A_517 = arith.constant 2 : i32
        %scan3A_518 = arith.addi %scan3A_401, %scan3A_517 : i32
        %jit3A_519 = arith.constant 4 : i32
        %div3A_520 = arith.divsi %scan3A_518, %jit3A_519 : i32
        %sign3A_521 = arith.constant 0 : i32
        %sign3A_522 = arith.cmpi sgt, %scan3A_518, %sign3A_521 : i32
        %sign3A_523 = arith.extui %sign3A_522 : i1 to i32
        %sign3A_524 = arith.constant 0 : i32
        %sign3A_525 = arith.cmpi slt, %scan3A_518, %sign3A_524 : i32
        %sign3A_526 = arith.extui %sign3A_525 : i1 to i32
        %sign3A_527 = arith.subi %sign3A_523, %sign3A_526 : i32
        %sign3A_528 = arith.constant 0 : i32
        %sign3A_529 = arith.cmpi sgt, %jit3A_519, %sign3A_528 : i32
        %sign3A_530 = arith.extui %sign3A_529 : i1 to i32
        %sign3A_531 = arith.constant 0 : i32
        %sign3A_532 = arith.cmpi slt, %jit3A_519, %sign3A_531 : i32
        %sign3A_533 = arith.extui %sign3A_532 : i1 to i32
        %sign3A_534 = arith.subi %sign3A_530, %sign3A_533 : i32
        %ne3A_535 = arith.cmpi ne, %sign3A_527, %sign3A_534 : i32
        %rem3A_536 = arith.remsi %scan3A_518, %jit3A_519 : i32
        %ne3A_537 = arith.constant 0 : i32
        %ne3A_538 = arith.cmpi ne, %rem3A_536, %ne3A_537 : i32
        %and3A_539 = arith.andi %ne3A_535, %ne3A_538 : i1
        %sub3A_540 = arith.constant 1 : i32
        %sub3A_541 = arith.subi %div3A_520, %sub3A_540 : i32
        %select_n3A_542 = arith.select %and3A_539, %sub3A_541, %div3A_520 : i32
        %jit3A_543 = arith.constant 4 : i32
        %eq3A_544 = arith.constant 0 : i32
        %eq3A_545 = arith.cmpi eq, %jit3A_543, %eq3A_544 : i32
        %jit3A_546 = arith.constant 1 : i32
        %select_n3A_547 = arith.select %eq3A_545, %jit3A_546, %jit3A_543 : i32
        %rem3A_548 = arith.remsi %scan3A_518, %select_n3A_547 : i32
        %ne3A_549 = arith.constant 0 : i32
        %ne3A_550 = arith.cmpi ne, %rem3A_548, %ne3A_549 : i32
        %lt3A_551 = arith.constant 0 : i32
        %lt3A_552 = arith.cmpi slt, %rem3A_548, %lt3A_551 : i32
        %lt3A_553 = arith.constant 0 : i32
        %lt3A_554 = arith.cmpi slt, %select_n3A_547, %lt3A_553 : i32
        %ne3A_555 = arith.xori %lt3A_552, %lt3A_554 : i1
        %and3A_556 = arith.andi %ne3A_555, %ne3A_550 : i1
        %add3A_557 = arith.addi %rem3A_548, %select_n3A_547 : i32
        %select_n3A_558 = arith.select %and3A_556, %add3A_557, %rem3A_548 : i32
        %mul3A_559 = arith.constant 16 : i32
        %mul3A_560 = arith.muli %select_n3A_558, %mul3A_559 : i32
        %get3A_561 = arith.constant 0 : i32
        %get3A_562 = arith.index_cast %get3A_561 : i32 to index
        %get3A_563 = arith.index_cast %select_n3A_542 : i32 to index
        %get3A_564 = arith.index_cast %mul3A_560 : i32 to index
        %get3A_565 = tpu.vector_load %arg8[%get3A_562, %get3A_563, %get3A_564] {strides = array<i32>} : memref<2x80x128xf32, #tpu.memory_space<vmem>>, vector<16xf32>,
        %add3A_566 = arith.constant 64 : i32
        %add3A_567 = arith.addi %add3A_566, %mul3A_560 : i32
        %get3A_568 = arith.constant 0 : i32
        %get3A_569 = arith.index_cast %get3A_568 : i32 to index
        %get3A_570 = arith.index_cast %select_n3A_542 : i32 to index
        %get3A_571 = arith.index_cast %add3A_567 : i32 to index
        %get3A_572 = tpu.vector_load %arg9[%get3A_569, %get3A_570, %get3A_571] {strides = array<i32>} : memref<2x80x128xf32, #tpu.memory_space<vmem>>, vector<16xf32>,
        %add3A_573 = arith.addf %get3A_565, %get3A_572 : vector<16xf32>
        %max3A_574 = arith.constant 0.000000e+00 : f32
        %max3A_575 = vector.broadcast %max3A_574 : f32 to vector<16xf32>
        %max3A_576 = arith.maximumf %add3A_573, %max3A_575 : vector<16xf32>
        %swap3A_577 = arith.constant 0 : i32
        %swap3A_578 = arith.index_cast %swap3A_577 : i32 to index
        %swap3A_579 = arith.index_cast %select_n3A_542 : i32 to index
        %swap3A_580 = arith.index_cast %mul3A_560 : i32 to index
        %swap3A_581 = tpu.vector_load %arg10[%swap3A_578, %swap3A_579, %swap3A_580] {strides = array<i32>} : memref<2x80x64xf32, #tpu.memory_space<vmem>>, vector<16xf32>,
        tpu.vector_store %arg10[%swap3A_578, %swap3A_579, %swap3A_580], %max3A_576 {strides = array<i32>} : memref<2x80x64xf32, #tpu.memory_space<vmem>>, vector<16xf32>,
        %scan3A_582 = arith.constant 3 : i32
        %scan3A_583 = arith.addi %scan3A_401, %scan3A_582 : i32
        %jit3A_584 = arith.constant 4 : i32
        %div3A_585 = arith.divsi %scan3A_583, %jit3A_584 : i32
        %sign3A_586 = arith.constant 0 : i32
        %sign3A_587 = arith.cmpi sgt, %scan3A_583, %sign3A_586 : i32
        %sign3A_588 = arith.extui %sign3A_587 : i1 to i32
        %sign3A_589 = arith.constant 0 : i32
        %sign3A_590 = arith.cmpi slt, %scan3A_583, %sign3A_589 : i32
        %sign3A_591 = arith.extui %sign3A_590 : i1 to i32
        %sign3A_592 = arith.subi %sign3A_588, %sign3A_591 : i32
        %sign3A_593 = arith.constant 0 : i32
        %sign3A_594 = arith.cmpi sgt, %jit3A_584, %sign3A_593 : i32
        %sign3A_595 = arith.extui %sign3A_594 : i1 to i32
        %sign3A_596 = arith.constant 0 : i32
        %sign3A_597 = arith.cmpi slt, %jit3A_584, %sign3A_596 : i32
        %sign3A_598 = arith.extui %sign3A_597 : i1 to i32
        %sign3A_599 = arith.subi %sign3A_595, %sign3A_598 : i32
        %ne3A_600 = arith.cmpi ne, %sign3A_592, %sign3A_599 : i32
        %rem3A_601 = arith.remsi %scan3A_583, %jit3A_584 : i32
        %ne3A_602 = arith.constant 0 : i32
        %ne3A_603 = arith.cmpi ne, %rem3A_601, %ne3A_602 : i32
        %and3A_604 = arith.andi %ne3A_600, %ne3A_603 : i1
        %sub3A_605 = arith.constant 1 : i32
        %sub3A_606 = arith.subi %div3A_585, %sub3A_605 : i32
        %select_n3A_607 = arith.select %and3A_604, %sub3A_606, %div3A_585 : i32
        %jit3A_608 = arith.constant 4 : i32
        %eq3A_609 = arith.constant 0 : i32
        %eq3A_610 = arith.cmpi eq, %jit3A_608, %eq3A_609 : i32
        %jit3A_611 = arith.constant 1 : i32
        %select_n3A_612 = arith.select %eq3A_610, %jit3A_611, %jit3A_608 : i32
        %rem3A_613 = arith.remsi %scan3A_583, %select_n3A_612 : i32
        %ne3A_614 = arith.constant 0 : i32
        %ne3A_615 = arith.cmpi ne, %rem3A_613, %ne3A_614 : i32
        %lt3A_616 = arith.constant 0 : i32
        %lt3A_617 = arith.cmpi slt, %rem3A_613, %lt3A_616 : i32
        %lt3A_618 = arith.constant 0 : i32
        %lt3A_619 = arith.cmpi slt, %select_n3A_612, %lt3A_618 : i32
        %ne3A_620 = arith.xori %lt3A_617, %lt3A_619 : i1
        %and3A_621 = arith.andi %ne3A_620, %ne3A_615 : i1
        %add3A_622 = arith.addi %rem3A_613, %select_n3A_612 : i32
        %select_n3A_623 = arith.select %and3A_621, %add3A_622, %rem3A_613 : i32
        %mul3A_624 = arith.constant 16 : i32
        %mul3A_625 = arith.muli %select_n3A_623, %mul3A_624 : i32
        %get3A_626 = arith.constant 0 : i32
        %get3A_627 = arith.index_cast %get3A_626 : i32 to index
        %get3A_628 = arith.index_cast %select_n3A_607 : i32 to index
        %get3A_629 = arith.index_cast %mul3A_625 : i32 to index
        %get3A_630 = tpu.vector_load %arg8[%get3A_627, %get3A_628, %get3A_629] {strides = array<i32>} : memref<2x80x128xf32, #tpu.memory_space<vmem>>, vector<16xf32>,
        %add3A_631 = arith.constant 64 : i32
        %add3A_632 = arith.addi %add3A_631, %mul3A_625 : i32
        %get3A_633 = arith.constant 0 : i32
        %get3A_634 = arith.index_cast %get3A_633 : i32 to index
        %get3A_635 = arith.index_cast %select_n3A_607 : i32 to index
        %get3A_636 = arith.index_cast %add3A_632 : i32 to index
        %get3A_637 = tpu.vector_load %arg9[%get3A_634, %get3A_635, %get3A_636] {strides = array<i32>} : memref<2x80x128xf32, #tpu.memory_space<vmem>>, vector<16xf32>,
        %add3A_638 = arith.addf %get3A_630, %get3A_637 : vector<16xf32>
        %max3A_639 = arith.constant 0.000000e+00 : f32
        %max3A_640 = vector.broadcast %max3A_639 : f32 to vector<16xf32>
        %max3A_641 = arith.maximumf %add3A_638, %max3A_640 : vector<16xf32>
        %swap3A_642 = arith.constant 0 : i32
        %swap3A_643 = arith.index_cast %swap3A_642 : i32 to index
        %swap3A_644 = arith.index_cast %select_n3A_607 : i32 to index
        %swap3A_645 = arith.index_cast %mul3A_625 : i32 to index
        %swap3A_646 = tpu.vector_load %arg10[%swap3A_643, %swap3A_644, %swap3A_645] {strides = array<i32>} : memref<2x80x64xf32, #tpu.memory_space<vmem>>, vector<16xf32>,
        tpu.vector_store %arg10[%swap3A_643, %swap3A_644, %swap3A_645], %max3A_641 {strides = array<i32>} : memref<2x80x64xf32, #tpu.memory_space<vmem>>, vector<16xf32>,
      }
      %scan3A_300 = arith.constant 320 : i32
      %dma_start3A_301 = arith.constant 0 : i32
      %dma_start3A_302 = arith.constant 0 : i32
      %dma_start3A_303 = arith.constant 0 : i32
      %dma_start3A_304 = tpu.memref_slice %arg10[%dma_start3A_301, %dma_start3A_302, %dma_start3A_303] : memref<2x80x64xf32, #tpu.memory_space<vmem>> -> memref<1x80x64xf32, #tpu.memory_space<vmem>>
      %dma_start3A_305 = tpu.memref_squeeze %dma_start3A_304 : memref<1x80x64xf32, #tpu.memory_space<vmem>> -> memref<80x64xf32, #tpu.memory_space<vmem>>
      %dma_start3A_306 = arith.constant 0 : i32
      %dma_start3A_307 = tpu.memref_slice %arg5[%add3A_259, %dma_start3A_306] : memref<320000x64xf32, #tpu.memory_space<hbm>> -> memref<80x64xf32, #tpu.memory_space<hbm>>
      %dma_start3A_308 = arith.constant 0 : i32
      %dma_start3A_309 = tpu.memref_slice %arg5[%add3A_259, %dma_start3A_308] : memref<320000x64xf32, #tpu.memory_space<hbm>> -> memref<80x64xf32, #tpu.memory_space<hbm>>
      %dma_start3A_310 = arith.constant 0 : i32
      %dma_start3A_311 = arith.constant 0 : i32
      %dma_start3A_312 = tpu.memref_slice %arg10[%dma_start3A_301, %dma_start3A_310, %dma_start3A_311] : memref<2x80x64xf32, #tpu.memory_space<vmem>> -> memref<1x80x64xf32, #tpu.memory_space<vmem>>
      %dma_start3A_313 = tpu.memref_squeeze %dma_start3A_312 : memref<1x80x64xf32, #tpu.memory_space<vmem>> -> memref<80x64xf32, #tpu.memory_space<vmem>>
      tpu.enqueue_dma source(%dma_start3A_313 : memref<80x64xf32, #tpu.memory_space<vmem>>) target(%dma_start3A_309 : memref<80x64xf32, #tpu.memory_space<hbm>>) target_semaphore(%arg13 : memref<!tpu.dma_semaphore, #tpu.memory_space<semaphore_mem>>)
      %mul3A_314 = arith.constant 2 : i32
      %mul3A_315 = arith.muli %mul3A_314, %scan3A_228 : i32
      %add3A_316 = arith.constant 2 : i32
      %add3A_317 = arith.addi %mul3A_315, %add3A_316 : i32
      %mul3A_318 = arith.constant 80 : i32
      %mul3A_319 = arith.muli %add3A_317, %mul3A_318 : i32
      %dma_start3A_320 = arith.constant 0 : i32
      %dma_start3A_321 = arith.constant 0 : i32
      %dma_start3A_322 = arith.constant 0 : i32
      %dma_start3A_323 = tpu.memref_slice %arg8[%dma_start3A_320, %dma_start3A_321, %dma_start3A_322] : memref<2x80x128xf32, #tpu.memory_space<vmem>> -> memref<1x80x128xf32, #tpu.memory_space<vmem>>
      %dma_start3A_324 = tpu.memref_squeeze %dma_start3A_323 : memref<1x80x128xf32, #tpu.memory_space<vmem>> -> memref<80x128xf32, #tpu.memory_space<vmem>>
      %dma_start3A_325 = tpu.memref_slice %arg6[%mul3A_319] : memref<10000xi32, #tpu.memory_space<vmem>> -> memref<80xi32, #tpu.memory_space<vmem>>
      %dma_start3A_326 = arith.constant 0 : i32
      %dma_start3A_327 = arith.constant 0 : i32
      %dma_start3A_328 = tpu.memref_slice %arg2[%dma_start3A_326, %dma_start3A_327] : memref<10000x128xf32, #tpu.memory_space<hbm>> -> memref<10000x128xf32, #tpu.memory_space<hbm>>
      tpu.enqueue_indirect_dma source(%dma_start3A_328 : memref<10000x128xf32, #tpu.memory_space<hbm>>) target(%dma_start3A_324 : memref<80x128xf32, #tpu.memory_space<vmem>>) offsets(%dma_start3A_325 : memref<80xi32, #tpu.memory_space<vmem>>) semaphore(%arg11 : memref<!tpu.dma_semaphore, #tpu.memory_space<semaphore_mem>>)
      %mul3A_329 = arith.constant 80 : i32
      %mul3A_330 = arith.muli %add3A_317, %mul3A_329 : i32
      %dma_start3A_331 = arith.constant 0 : i32
      %dma_start3A_332 = arith.constant 0 : i32
      %dma_start3A_333 = arith.constant 0 : i32
      %dma_start3A_334 = tpu.memref_slice %arg9[%dma_start3A_331, %dma_start3A_332, %dma_start3A_333] : memref<2x80x128xf32, #tpu.memory_space<vmem>> -> memref<1x80x128xf32, #tpu.memory_space<vmem>>
      %dma_start3A_335 = tpu.memref_squeeze %dma_start3A_334 : memref<1x80x128xf32, #tpu.memory_space<vmem>> -> memref<80x128xf32, #tpu.memory_space<vmem>>
      %dma_start3A_336 = tpu.memref_slice %arg7[%mul3A_330] : memref<10000xi32, #tpu.memory_space<vmem>> -> memref<80xi32, #tpu.memory_space<vmem>>
      %dma_start3A_337 = arith.constant 0 : i32
      %dma_start3A_338 = arith.constant 0 : i32
      %dma_start3A_339 = tpu.memref_slice %arg2[%dma_start3A_337, %dma_start3A_338] : memref<10000x128xf32, #tpu.memory_space<hbm>> -> memref<10000x128xf32, #tpu.memory_space<hbm>>
      tpu.enqueue_indirect_dma source(%dma_start3A_339 : memref<10000x128xf32, #tpu.memory_space<hbm>>) target(%dma_start3A_335 : memref<80x128xf32, #tpu.memory_space<vmem>>) offsets(%dma_start3A_336 : memref<80xi32, #tpu.memory_space<vmem>>) semaphore(%arg12 : memref<!tpu.dma_semaphore, #tpu.memory_space<semaphore_mem>>)
      %mul3A_340 = arith.constant 2 : i32
      %mul3A_341 = arith.muli %mul3A_340, %scan3A_228 : i32
      %add3A_342 = arith.constant 1 : i32
      %add3A_343 = arith.addi %mul3A_341, %add3A_342 : i32
      %mul3A_344 = arith.constant 80 : i32
      %mul3A_345 = arith.muli %add3A_343, %mul3A_344 : i32
      %add3A_346 = arith.addi %mul3A_2, %mul3A_345 : i32
      %mul3A_347 = arith.constant 80 : i32
      %mul3A_348 = arith.muli %add3A_343, %mul3A_347 : i32
      %dma_wait3A_349 = arith.constant 1 : i32
      %dma_wait3A_350 = arith.constant 0 : i32
      %dma_wait3A_351 = arith.constant 0 : i32
      %dma_wait3A_352 = tpu.memref_slice %arg8[%dma_wait3A_349, %dma_wait3A_350, %dma_wait3A_351] : memref<2x80x128xf32, #tpu.memory_space<vmem>> -> memref<1x80x128xf32, #tpu.memory_space<vmem>>
      %dma_wait3A_353 = tpu.memref_squeeze %dma_wait3A_352 : memref<1x80x128xf32, #tpu.memory_space<vmem>> -> memref<80x128xf32, #tpu.memory_space<vmem>>
      %dma_wait3A_354 = tpu.memref_slice %arg6[%mul3A_348] : memref<10000xi32, #tpu.memory_space<vmem>> -> memref<80xi32, #tpu.memory_space<vmem>>
      %dma_wait3A_355 = arith.constant 0 : i32
      %dma_wait3A_356 = arith.constant 0 : i32
      %dma_wait3A_357 = tpu.memref_slice %arg2[%dma_wait3A_355, %dma_wait3A_356] : memref<10000x128xf32, #tpu.memory_space<hbm>> -> memref<10000x128xf32, #tpu.memory_space<hbm>>
      tpu.wait_indirect_dma semaphore(%arg11 : memref<!tpu.dma_semaphore, #tpu.memory_space<semaphore_mem>>) src(%dma_wait3A_357 : memref<10000x128xf32, #tpu.memory_space<hbm>>) dst(%dma_wait3A_353 : memref<80x128xf32, #tpu.memory_space<vmem>>)
      %mul3A_358 = arith.constant 80 : i32
      %mul3A_359 = arith.muli %add3A_343, %mul3A_358 : i32
      %dma_wait3A_360 = arith.constant 1 : i32
      %dma_wait3A_361 = arith.constant 0 : i32
      %dma_wait3A_362 = arith.constant 0 : i32
      %dma_wait3A_363 = tpu.memref_slice %arg9[%dma_wait3A_360, %dma_wait3A_361, %dma_wait3A_362] : memref<2x80x128xf32, #tpu.memory_space<vmem>> -> memref<1x80x128xf32, #tpu.memory_space<vmem>>
      %dma_wait3A_364 = tpu.memref_squeeze %dma_wait3A_363 : memref<1x80x128xf32, #tpu.memory_space<vmem>> -> memref<80x128xf32, #tpu.memory_space<vmem>>
      %dma_wait3A_365 = tpu.memref_slice %arg7[%mul3A_359] : memref<10000xi32, #tpu.memory_space<vmem>> -> memref<80xi32, #tpu.memory_space<vmem>>
      %dma_wait3A_366 = arith.constant 0 : i32
      %dma_wait3A_367 = arith.constant 0 : i32
      %dma_wait3A_368 = tpu.memref_slice %arg2[%dma_wait3A_366, %dma_wait3A_367] : memref<10000x128xf32, #tpu.memory_space<hbm>> -> memref<10000x128xf32, #tpu.memory_space<hbm>>
      tpu.wait_indirect_dma semaphore(%arg12 : memref<!tpu.dma_semaphore, #tpu.memory_space<semaphore_mem>>) src(%dma_wait3A_368 : memref<10000x128xf32, #tpu.memory_space<hbm>>) dst(%dma_wait3A_364 : memref<80x128xf32, #tpu.memory_space<vmem>>)
      %dma_wait3A_369 = arith.constant 1 : i32
      %dma_wait3A_370 = arith.constant 0 : i32
      %dma_wait3A_371 = arith.constant 0 : i32
      %dma_wait3A_372 = tpu.memref_slice %arg10[%dma_wait3A_369, %dma_wait3A_370, %dma_wait3A_371] : memref<2x80x64xf32, #tpu.memory_space<vmem>> -> memref<1x80x64xf32, #tpu.memory_space<vmem>>
      %dma_wait3A_373 = tpu.memref_squeeze %dma_wait3A_372 : memref<1x80x64xf32, #tpu.memory_space<vmem>> -> memref<80x64xf32, #tpu.memory_space<vmem>>
      %dma_wait3A_374 = arith.constant 0 : i32
      %dma_wait3A_375 = tpu.memref_slice %arg5[%add3A_346, %dma_wait3A_374] : memref<320000x64xf32, #tpu.memory_space<hbm>> -> memref<80x64xf32, #tpu.memory_space<hbm>>
      %dma_wait3A_376 = arith.constant 0 : i32
      %dma_wait3A_377 = arith.constant 0 : i32
      %dma_wait3A_378 = tpu.memref_slice %arg10[%dma_wait3A_369, %dma_wait3A_376, %dma_wait3A_377] : memref<2x80x64xf32, #tpu.memory_space<vmem>> -> memref<1x80x64xf32, #tpu.memory_space<vmem>>
      %dma_wait3A_379 = tpu.memref_squeeze %dma_wait3A_378 : memref<1x80x64xf32, #tpu.memory_space<vmem>> -> memref<80x64xf32, #tpu.memory_space<vmem>>
      %dma_wait3A_380 = arith.constant 0 : i32
      %dma_wait3A_381 = tpu.memref_slice %arg5[%add3A_346, %dma_wait3A_380] : memref<320000x64xf32, #tpu.memory_space<hbm>> -> memref<80x64xf32, #tpu.memory_space<hbm>>
      tpu.wait_dma2 semaphore(%arg13 : memref<!tpu.dma_semaphore, #tpu.memory_space<semaphore_mem>>) src(%dma_wait3A_381 : memref<80x64xf32, #tpu.memory_space<hbm>>) dst(%dma_wait3A_379 : memref<80x64xf32, #tpu.memory_space<vmem>>)
      %scan3A_382 = arith.constant 0 : i32
      %scan3A_383 = arith.constant 0 : i32
      %scan3A_384 = arith.constant 320 : i32
      %scan3A_385 = arith.addi %scan3A_383, %scan3A_384 : i32
      %scan3A_386 = arith.constant 4 : i32
      scf.for %scan3A_401 = %scan3A_383 to %scan3A_385 step %scan3A_386  : i32 {
        %jit3A = arith.constant 4 : i32
        %div3A = arith.divsi %scan3A_401, %jit3A : i32
        %sign3A = arith.constant 0 : i32
        %sign3A_402 = arith.cmpi sgt, %scan3A_401, %sign3A : i32
        %sign3A_403 = arith.extui %sign3A_402 : i1 to i32
        %sign3A_404 = arith.constant 0 : i32
        %sign3A_405 = arith.cmpi slt, %scan3A_401, %sign3A_404 : i32
        %sign3A_406 = arith.extui %sign3A_405 : i1 to i32
        %sign3A_407 = arith.subi %sign3A_403, %sign3A_406 : i32
        %sign3A_408 = arith.constant 0 : i32
        %sign3A_409 = arith.cmpi sgt, %jit3A, %sign3A_408 : i32
        %sign3A_410 = arith.extui %sign3A_409 : i1 to i32
        %sign3A_411 = arith.constant 0 : i32
        %sign3A_412 = arith.cmpi slt, %jit3A, %sign3A_411 : i32
        %sign3A_413 = arith.extui %sign3A_412 : i1 to i32
        %sign3A_414 = arith.subi %sign3A_410, %sign3A_413 : i32
        %ne3A = arith.cmpi ne, %sign3A_407, %sign3A_414 : i32
        %rem3A = arith.remsi %scan3A_401, %jit3A : i32
        %ne3A_415 = arith.constant 0 : i32
        %ne3A_416 = arith.cmpi ne, %rem3A, %ne3A_415 : i32
        %and3A = arith.andi %ne3A, %ne3A_416 : i1
        %sub3A = arith.constant 1 : i32
        %sub3A_417 = arith.subi %div3A, %sub3A : i32
        %select_n3A = arith.select %and3A, %sub3A_417, %div3A : i32
        %jit3A_418 = arith.constant 4 : i32
        %eq3A = arith.constant 0 : i32
        %eq3A_419 = arith.cmpi eq, %jit3A_418, %eq3A : i32
        %jit3A_420 = arith.constant 1 : i32
        %select_n3A_421 = arith.select %eq3A_419, %jit3A_420, %jit3A_418 : i32
        %rem3A_422 = arith.remsi %scan3A_401, %select_n3A_421 : i32
        %ne3A_423 = arith.constant 0 : i32
        %ne3A_424 = arith.cmpi ne, %rem3A_422, %ne3A_423 : i32
        %lt3A = arith.constant 0 : i32
        %lt3A_425 = arith.cmpi slt, %rem3A_422, %lt3A : i32
        %lt3A_426 = arith.constant 0 : i32
        %lt3A_427 = arith.cmpi slt, %select_n3A_421, %lt3A_426 : i32
        %ne3A_428 = arith.xori %lt3A_425, %lt3A_427 : i1
        %and3A_429 = arith.andi %ne3A_428, %ne3A_424 : i1
        %add3A_430 = arith.addi %rem3A_422, %select_n3A_421 : i32
        %select_n3A_431 = arith.select %and3A_429, %add3A_430, %rem3A_422 : i32
        %mul3A_432 = arith.constant 16 : i32
        %mul3A_433 = arith.muli %select_n3A_431, %mul3A_432 : i32
        %get3A = arith.constant 1 : i32
        %get3A_434 = arith.index_cast %get3A : i32 to index
        %get3A_435 = arith.index_cast %select_n3A : i32 to index
        %get3A_436 = arith.index_cast %mul3A_433 : i32 to index
        %get3A_437 = tpu.vector_load %arg8[%get3A_434, %get3A_435, %get3A_436] {strides = array<i32>} : memref<2x80x128xf32, #tpu.memory_space<vmem>>, vector<16xf32>,
        %add3A_438 = arith.constant 64 : i32
        %add3A_439 = arith.addi %add3A_438, %mul3A_433 : i32
        %get3A_440 = arith.constant 1 : i32
        %get3A_441 = arith.index_cast %get3A_440 : i32 to index
        %get3A_442 = arith.index_cast %select_n3A : i32 to index
        %get3A_443 = arith.index_cast %add3A_439 : i32 to index
        %get3A_444 = tpu.vector_load %arg9[%get3A_441, %get3A_442, %get3A_443] {strides = array<i32>} : memref<2x80x128xf32, #tpu.memory_space<vmem>>, vector<16xf32>,
        %add3A_445 = arith.addf %get3A_437, %get3A_444 : vector<16xf32>
        %max3A = arith.constant 0.000000e+00 : f32
        %max3A_446 = vector.broadcast %max3A : f32 to vector<16xf32>
        %max3A_447 = arith.maximumf %add3A_445, %max3A_446 : vector<16xf32>
        %swap3A = arith.constant 1 : i32
        %swap3A_448 = arith.index_cast %swap3A : i32 to index
        %swap3A_449 = arith.index_cast %select_n3A : i32 to index
        %swap3A_450 = arith.index_cast %mul3A_433 : i32 to index
        %swap3A_451 = tpu.vector_load %arg10[%swap3A_448, %swap3A_449, %swap3A_450] {strides = array<i32>} : memref<2x80x64xf32, #tpu.memory_space<vmem>>, vector<16xf32>,
        tpu.vector_store %arg10[%swap3A_448, %swap3A_449, %swap3A_450], %max3A_447 {strides = array<i32>} : memref<2x80x64xf32, #tpu.memory_space<vmem>>, vector<16xf32>,
        %scan3A_452 = arith.constant 1 : i32
        %scan3A_453 = arith.addi %scan3A_401, %scan3A_452 : i32
        %jit3A_454 = arith.constant 4 : i32
        %div3A_455 = arith.divsi %scan3A_453, %jit3A_454 : i32
        %sign3A_456 = arith.constant 0 : i32
        %sign3A_457 = arith.cmpi sgt, %scan3A_453, %sign3A_456 : i32
        %sign3A_458 = arith.extui %sign3A_457 : i1 to i32
        %sign3A_459 = arith.constant 0 : i32
        %sign3A_460 = arith.cmpi slt, %scan3A_453, %sign3A_459 : i32
        %sign3A_461 = arith.extui %sign3A_460 : i1 to i32
        %sign3A_462 = arith.subi %sign3A_458, %sign3A_461 : i32
        %sign3A_463 = arith.constant 0 : i32
        %sign3A_464 = arith.cmpi sgt, %jit3A_454, %sign3A_463 : i32
        %sign3A_465 = arith.extui %sign3A_464 : i1 to i32
        %sign3A_466 = arith.constant 0 : i32
        %sign3A_467 = arith.cmpi slt, %jit3A_454, %sign3A_466 : i32
        %sign3A_468 = arith.extui %sign3A_467 : i1 to i32
        %sign3A_469 = arith.subi %sign3A_465, %sign3A_468 : i32
        %ne3A_470 = arith.cmpi ne, %sign3A_462, %sign3A_469 : i32
        %rem3A_471 = arith.remsi %scan3A_453, %jit3A_454 : i32
        %ne3A_472 = arith.constant 0 : i32
        %ne3A_473 = arith.cmpi ne, %rem3A_471, %ne3A_472 : i32
        %and3A_474 = arith.andi %ne3A_470, %ne3A_473 : i1
        %sub3A_475 = arith.constant 1 : i32
        %sub3A_476 = arith.subi %div3A_455, %sub3A_475 : i32
        %select_n3A_477 = arith.select %and3A_474, %sub3A_476, %div3A_455 : i32
        %jit3A_478 = arith.constant 4 : i32
        %eq3A_479 = arith.constant 0 : i32
        %eq3A_480 = arith.cmpi eq, %jit3A_478, %eq3A_479 : i32
        %jit3A_481 = arith.constant 1 : i32
        %select_n3A_482 = arith.select %eq3A_480, %jit3A_481, %jit3A_478 : i32
        %rem3A_483 = arith.remsi %scan3A_453, %select_n3A_482 : i32
        %ne3A_484 = arith.constant 0 : i32
        %ne3A_485 = arith.cmpi ne, %rem3A_483, %ne3A_484 : i32
        %lt3A_486 = arith.constant 0 : i32
        %lt3A_487 = arith.cmpi slt, %rem3A_483, %lt3A_486 : i32
        %lt3A_488 = arith.constant 0 : i32
        %lt3A_489 = arith.cmpi slt, %select_n3A_482, %lt3A_488 : i32
        %ne3A_490 = arith.xori %lt3A_487, %lt3A_489 : i1
        %and3A_491 = arith.andi %ne3A_490, %ne3A_485 : i1
        %add3A_492 = arith.addi %rem3A_483, %select_n3A_482 : i32
        %select_n3A_493 = arith.select %and3A_491, %add3A_492, %rem3A_483 : i32
        %mul3A_494 = arith.constant 16 : i32
        %mul3A_495 = arith.muli %select_n3A_493, %mul3A_494 : i32
        %get3A_496 = arith.constant 1 : i32
        %get3A_497 = arith.index_cast %get3A_496 : i32 to index
        %get3A_498 = arith.index_cast %select_n3A_477 : i32 to index
        %get3A_499 = arith.index_cast %mul3A_495 : i32 to index
        %get3A_500 = tpu.vector_load %arg8[%get3A_497, %get3A_498, %get3A_499] {strides = array<i32>} : memref<2x80x128xf32, #tpu.memory_space<vmem>>, vector<16xf32>,
        %add3A_501 = arith.constant 64 : i32
        %add3A_502 = arith.addi %add3A_501, %mul3A_495 : i32
        %get3A_503 = arith.constant 1 : i32
        %get3A_504 = arith.index_cast %get3A_503 : i32 to index
        %get3A_505 = arith.index_cast %select_n3A_477 : i32 to index
        %get3A_506 = arith.index_cast %add3A_502 : i32 to index
        %get3A_507 = tpu.vector_load %arg9[%get3A_504, %get3A_505, %get3A_506] {strides = array<i32>} : memref<2x80x128xf32, #tpu.memory_space<vmem>>, vector<16xf32>,
        %add3A_508 = arith.addf %get3A_500, %get3A_507 : vector<16xf32>
        %max3A_509 = arith.constant 0.000000e+00 : f32
        %max3A_510 = vector.broadcast %max3A_509 : f32 to vector<16xf32>
        %max3A_511 = arith.maximumf %add3A_508, %max3A_510 : vector<16xf32>
        %swap3A_512 = arith.constant 1 : i32
        %swap3A_513 = arith.index_cast %swap3A_512 : i32 to index
        %swap3A_514 = arith.index_cast %select_n3A_477 : i32 to index
        %swap3A_515 = arith.index_cast %mul3A_495 : i32 to index
        %swap3A_516 = tpu.vector_load %arg10[%swap3A_513, %swap3A_514, %swap3A_515] {strides = array<i32>} : memref<2x80x64xf32, #tpu.memory_space<vmem>>, vector<16xf32>,
        tpu.vector_store %arg10[%swap3A_513, %swap3A_514, %swap3A_515], %max3A_511 {strides = array<i32>} : memref<2x80x64xf32, #tpu.memory_space<vmem>>, vector<16xf32>,
        %scan3A_517 = arith.constant 2 : i32
        %scan3A_518 = arith.addi %scan3A_401, %scan3A_517 : i32
        %jit3A_519 = arith.constant 4 : i32
        %div3A_520 = arith.divsi %scan3A_518, %jit3A_519 : i32
        %sign3A_521 = arith.constant 0 : i32
        %sign3A_522 = arith.cmpi sgt, %scan3A_518, %sign3A_521 : i32
        %sign3A_523 = arith.extui %sign3A_522 : i1 to i32
        %sign3A_524 = arith.constant 0 : i32
        %sign3A_525 = arith.cmpi slt, %scan3A_518, %sign3A_524 : i32
        %sign3A_526 = arith.extui %sign3A_525 : i1 to i32
        %sign3A_527 = arith.subi %sign3A_523, %sign3A_526 : i32
        %sign3A_528 = arith.constant 0 : i32
        %sign3A_529 = arith.cmpi sgt, %jit3A_519, %sign3A_528 : i32
        %sign3A_530 = arith.extui %sign3A_529 : i1 to i32
        %sign3A_531 = arith.constant 0 : i32
        %sign3A_532 = arith.cmpi slt, %jit3A_519, %sign3A_531 : i32
        %sign3A_533 = arith.extui %sign3A_532 : i1 to i32
        %sign3A_534 = arith.subi %sign3A_530, %sign3A_533 : i32
        %ne3A_535 = arith.cmpi ne, %sign3A_527, %sign3A_534 : i32
        %rem3A_536 = arith.remsi %scan3A_518, %jit3A_519 : i32
        %ne3A_537 = arith.constant 0 : i32
        %ne3A_538 = arith.cmpi ne, %rem3A_536, %ne3A_537 : i32
        %and3A_539 = arith.andi %ne3A_535, %ne3A_538 : i1
        %sub3A_540 = arith.constant 1 : i32
        %sub3A_541 = arith.subi %div3A_520, %sub3A_540 : i32
        %select_n3A_542 = arith.select %and3A_539, %sub3A_541, %div3A_520 : i32
        %jit3A_543 = arith.constant 4 : i32
        %eq3A_544 = arith.constant 0 : i32
        %eq3A_545 = arith.cmpi eq, %jit3A_543, %eq3A_544 : i32
        %jit3A_546 = arith.constant 1 : i32
        %select_n3A_547 = arith.select %eq3A_545, %jit3A_546, %jit3A_543 : i32
        %rem3A_548 = arith.remsi %scan3A_518, %select_n3A_547 : i32
        %ne3A_549 = arith.constant 0 : i32
        %ne3A_550 = arith.cmpi ne, %rem3A_548, %ne3A_549 : i32
        %lt3A_551 = arith.constant 0 : i32
        %lt3A_552 = arith.cmpi slt, %rem3A_548, %lt3A_551 : i32
        %lt3A_553 = arith.constant 0 : i32
        %lt3A_554 = arith.cmpi slt, %select_n3A_547, %lt3A_553 : i32
        %ne3A_555 = arith.xori %lt3A_552, %lt3A_554 : i1
        %and3A_556 = arith.andi %ne3A_555, %ne3A_550 : i1
        %add3A_557 = arith.addi %rem3A_548, %select_n3A_547 : i32
        %select_n3A_558 = arith.select %and3A_556, %add3A_557, %rem3A_548 : i32
        %mul3A_559 = arith.constant 16 : i32
        %mul3A_560 = arith.muli %select_n3A_558, %mul3A_559 : i32
        %get3A_561 = arith.constant 1 : i32
        %get3A_562 = arith.index_cast %get3A_561 : i32 to index
        %get3A_563 = arith.index_cast %select_n3A_542 : i32 to index
        %get3A_564 = arith.index_cast %mul3A_560 : i32 to index
        %get3A_565 = tpu.vector_load %arg8[%get3A_562, %get3A_563, %get3A_564] {strides = array<i32>} : memref<2x80x128xf32, #tpu.memory_space<vmem>>, vector<16xf32>,
        %add3A_566 = arith.constant 64 : i32
        %add3A_567 = arith.addi %add3A_566, %mul3A_560 : i32
        %get3A_568 = arith.constant 1 : i32
        %get3A_569 = arith.index_cast %get3A_568 : i32 to index
        %get3A_570 = arith.index_cast %select_n3A_542 : i32 to index
        %get3A_571 = arith.index_cast %add3A_567 : i32 to index
        %get3A_572 = tpu.vector_load %arg9[%get3A_569, %get3A_570, %get3A_571] {strides = array<i32>} : memref<2x80x128xf32, #tpu.memory_space<vmem>>, vector<16xf32>,
        %add3A_573 = arith.addf %get3A_565, %get3A_572 : vector<16xf32>
        %max3A_574 = arith.constant 0.000000e+00 : f32
        %max3A_575 = vector.broadcast %max3A_574 : f32 to vector<16xf32>
        %max3A_576 = arith.maximumf %add3A_573, %max3A_575 : vector<16xf32>
        %swap3A_577 = arith.constant 1 : i32
        %swap3A_578 = arith.index_cast %swap3A_577 : i32 to index
        %swap3A_579 = arith.index_cast %select_n3A_542 : i32 to index
        %swap3A_580 = arith.index_cast %mul3A_560 : i32 to index
        %swap3A_581 = tpu.vector_load %arg10[%swap3A_578, %swap3A_579, %swap3A_580] {strides = array<i32>} : memref<2x80x64xf32, #tpu.memory_space<vmem>>, vector<16xf32>,
        tpu.vector_store %arg10[%swap3A_578, %swap3A_579, %swap3A_580], %max3A_576 {strides = array<i32>} : memref<2x80x64xf32, #tpu.memory_space<vmem>>, vector<16xf32>,
        %scan3A_582 = arith.constant 3 : i32
        %scan3A_583 = arith.addi %scan3A_401, %scan3A_582 : i32
        %jit3A_584 = arith.constant 4 : i32
        %div3A_585 = arith.divsi %scan3A_583, %jit3A_584 : i32
        %sign3A_586 = arith.constant 0 : i32
        %sign3A_587 = arith.cmpi sgt, %scan3A_583, %sign3A_586 : i32
        %sign3A_588 = arith.extui %sign3A_587 : i1 to i32
        %sign3A_589 = arith.constant 0 : i32
        %sign3A_590 = arith.cmpi slt, %scan3A_583, %sign3A_589 : i32
        %sign3A_591 = arith.extui %sign3A_590 : i1 to i32
        %sign3A_592 = arith.subi %sign3A_588, %sign3A_591 : i32
        %sign3A_593 = arith.constant 0 : i32
        %sign3A_594 = arith.cmpi sgt, %jit3A_584, %sign3A_593 : i32
        %sign3A_595 = arith.extui %sign3A_594 : i1 to i32
        %sign3A_596 = arith.constant 0 : i32
        %sign3A_597 = arith.cmpi slt, %jit3A_584, %sign3A_596 : i32
        %sign3A_598 = arith.extui %sign3A_597 : i1 to i32
        %sign3A_599 = arith.subi %sign3A_595, %sign3A_598 : i32
        %ne3A_600 = arith.cmpi ne, %sign3A_592, %sign3A_599 : i32
        %rem3A_601 = arith.remsi %scan3A_583, %jit3A_584 : i32
        %ne3A_602 = arith.constant 0 : i32
        %ne3A_603 = arith.cmpi ne, %rem3A_601, %ne3A_602 : i32
        %and3A_604 = arith.andi %ne3A_600, %ne3A_603 : i1
        %sub3A_605 = arith.constant 1 : i32
        %sub3A_606 = arith.subi %div3A_585, %sub3A_605 : i32
        %select_n3A_607 = arith.select %and3A_604, %sub3A_606, %div3A_585 : i32
        %jit3A_608 = arith.constant 4 : i32
        %eq3A_609 = arith.constant 0 : i32
        %eq3A_610 = arith.cmpi eq, %jit3A_608, %eq3A_609 : i32
        %jit3A_611 = arith.constant 1 : i32
        %select_n3A_612 = arith.select %eq3A_610, %jit3A_611, %jit3A_608 : i32
        %rem3A_613 = arith.remsi %scan3A_583, %select_n3A_612 : i32
        %ne3A_614 = arith.constant 0 : i32
        %ne3A_615 = arith.cmpi ne, %rem3A_613, %ne3A_614 : i32
        %lt3A_616 = arith.constant 0 : i32
        %lt3A_617 = arith.cmpi slt, %rem3A_613, %lt3A_616 : i32
        %lt3A_618 = arith.constant 0 : i32
        %lt3A_619 = arith.cmpi slt, %select_n3A_612, %lt3A_618 : i32
        %ne3A_620 = arith.xori %lt3A_617, %lt3A_619 : i1
        %and3A_621 = arith.andi %ne3A_620, %ne3A_615 : i1
        %add3A_622 = arith.addi %rem3A_613, %select_n3A_612 : i32
        %select_n3A_623 = arith.select %and3A_621, %add3A_622, %rem3A_613 : i32
        %mul3A_624 = arith.constant 16 : i32
        %mul3A_625 = arith.muli %select_n3A_623, %mul3A_624 : i32
        %get3A_626 = arith.constant 1 : i32
        %get3A_627 = arith.index_cast %get3A_626 : i32 to index
        %get3A_628 = arith.index_cast %select_n3A_607 : i32 to index
        %get3A_629 = arith.index_cast %mul3A_625 : i32 to index
        %get3A_630 = tpu.vector_load %arg8[%get3A_627, %get3A_628, %get3A_629] {strides = array<i32>} : memref<2x80x128xf32, #tpu.memory_space<vmem>>, vector<16xf32>,
        %add3A_631 = arith.constant 64 : i32
        %add3A_632 = arith.addi %add3A_631, %mul3A_625 : i32
        %get3A_633 = arith.constant 1 : i32
        %get3A_634 = arith.index_cast %get3A_633 : i32 to index
        %get3A_635 = arith.index_cast %select_n3A_607 : i32 to index
        %get3A_636 = arith.index_cast %add3A_632 : i32 to index
        %get3A_637 = tpu.vector_load %arg9[%get3A_634, %get3A_635, %get3A_636] {strides = array<i32>} : memref<2x80x128xf32, #tpu.memory_space<vmem>>, vector<16xf32>,
        %add3A_638 = arith.addf %get3A_630, %get3A_637 : vector<16xf32>
        %max3A_639 = arith.constant 0.000000e+00 : f32
        %max3A_640 = vector.broadcast %max3A_639 : f32 to vector<16xf32>
        %max3A_641 = arith.maximumf %add3A_638, %max3A_640 : vector<16xf32>
        %swap3A_642 = arith.constant 1 : i32
        %swap3A_643 = arith.index_cast %swap3A_642 : i32 to index
        %swap3A_644 = arith.index_cast %select_n3A_607 : i32 to index
        %swap3A_645 = arith.index_cast %mul3A_625 : i32 to index
        %swap3A_646 = tpu.vector_load %arg10[%swap3A_643, %swap3A_644, %swap3A_645] {strides = array<i32>} : memref<2x80x64xf32, #tpu.memory_space<vmem>>, vector<16xf32>,
        tpu.vector_store %arg10[%swap3A_643, %swap3A_644, %swap3A_645], %max3A_641 {strides = array<i32>} : memref<2x80x64xf32, #tpu.memory_space<vmem>>, vector<16xf32>,
      }
      %scan3A_387 = arith.constant 320 : i32
      %dma_start3A_388 = arith.constant 1 : i32
      %dma_start3A_389 = arith.constant 0 : i32
      %dma_start3A_390 = arith.constant 0 : i32
      %dma_start3A_391 = tpu.memref_slice %arg10[%dma_start3A_388, %dma_start3A_389, %dma_start3A_390] : memref<2x80x64xf32, #tpu.memory_space<vmem>> -> memref<1x80x64xf32, #tpu.memory_space<vmem>>
      %dma_start3A_392 = tpu.memref_squeeze %dma_start3A_391 : memref<1x80x64xf32, #tpu.memory_space<vmem>> -> memref<80x64xf32, #tpu.memory_space<vmem>>
      %dma_start3A_393 = arith.constant 0 : i32
      %dma_start3A_394 = tpu.memref_slice %arg5[%add3A_346, %dma_start3A_393] : memref<320000x64xf32, #tpu.memory_space<hbm>> -> memref<80x64xf32, #tpu.memory_space<hbm>>
      %dma_start3A_395 = arith.constant 0 : i32
      %dma_start3A_396 = tpu.memref_slice %arg5[%add3A_346, %dma_start3A_395] : memref<320000x64xf32, #tpu.memory_space<hbm>> -> memref<80x64xf32, #tpu.memory_space<hbm>>
      %dma_start3A_397 = arith.constant 0 : i32
      %dma_start3A_398 = arith.constant 0 : i32
      %dma_start3A_399 = tpu.memref_slice %arg10[%dma_start3A_388, %dma_start3A_397, %dma_start3A_398] : memref<2x80x64xf32, #tpu.memory_space<vmem>> -> memref<1x80x64xf32, #tpu.memory_space<vmem>>
      %dma_start3A_400 = tpu.memref_squeeze %dma_start3A_399 : memref<1x80x64xf32, #tpu.memory_space<vmem>> -> memref<80x64xf32, #tpu.memory_space<vmem>>
      tpu.enqueue_dma source(%dma_start3A_400 : memref<80x64xf32, #tpu.memory_space<vmem>>) target(%dma_start3A_396 : memref<80x64xf32, #tpu.memory_space<hbm>>) target_semaphore(%arg13 : memref<!tpu.dma_semaphore, #tpu.memory_space<semaphore_mem>>)
    }
    %scan3A_147 = arith.constant 61 : i32
    %add3A_148 = arith.constant 9920 : i32
    %add3A_149 = arith.addi %mul3A_2, %add3A_148 : i32
    %dma_wait3A_150 = arith.constant 0 : i32
    %dma_wait3A_151 = arith.constant 0 : i32
    %dma_wait3A_152 = arith.constant 0 : i32
    %dma_wait3A_153 = tpu.memref_slice %arg8[%dma_wait3A_150, %dma_wait3A_151, %dma_wait3A_152] : memref<2x80x128xf32, #tpu.memory_space<vmem>> -> memref<1x80x128xf32, #tpu.memory_space<vmem>>
    %dma_wait3A_154 = tpu.memref_squeeze %dma_wait3A_153 : memref<1x80x128xf32, #tpu.memory_space<vmem>> -> memref<80x128xf32, #tpu.memory_space<vmem>>
    %dma_wait3A_155 = arith.constant 9920 : i32
    %dma_wait3A_156 = tpu.memref_slice %arg6[%dma_wait3A_155] : memref<10000xi32, #tpu.memory_space<vmem>> -> memref<80xi32, #tpu.memory_space<vmem>>
    %dma_wait3A_157 = arith.constant 0 : i32
    %dma_wait3A_158 = arith.constant 0 : i32
    %dma_wait3A_159 = tpu.memref_slice %arg2[%dma_wait3A_157, %dma_wait3A_158] : memref<10000x128xf32, #tpu.memory_space<hbm>> -> memref<10000x128xf32, #tpu.memory_space<hbm>>
    tpu.wait_indirect_dma semaphore(%arg11 : memref<!tpu.dma_semaphore, #tpu.memory_space<semaphore_mem>>) src(%dma_wait3A_159 : memref<10000x128xf32, #tpu.memory_space<hbm>>) dst(%dma_wait3A_154 : memref<80x128xf32, #tpu.memory_space<vmem>>)
    %dma_wait3A_160 = arith.constant 0 : i32
    %dma_wait3A_161 = arith.constant 0 : i32
    %dma_wait3A_162 = arith.constant 0 : i32
    %dma_wait3A_163 = tpu.memref_slice %arg9[%dma_wait3A_160, %dma_wait3A_161, %dma_wait3A_162] : memref<2x80x128xf32, #tpu.memory_space<vmem>> -> memref<1x80x128xf32, #tpu.memory_space<vmem>>
    %dma_wait3A_164 = tpu.memref_squeeze %dma_wait3A_163 : memref<1x80x128xf32, #tpu.memory_space<vmem>> -> memref<80x128xf32, #tpu.memory_space<vmem>>
    %dma_wait3A_165 = arith.constant 9920 : i32
    %dma_wait3A_166 = tpu.memref_slice %arg7[%dma_wait3A_165] : memref<10000xi32, #tpu.memory_space<vmem>> -> memref<80xi32, #tpu.memory_space<vmem>>
    %dma_wait3A_167 = arith.constant 0 : i32
    %dma_wait3A_168 = arith.constant 0 : i32
    %dma_wait3A_169 = tpu.memref_slice %arg2[%dma_wait3A_167, %dma_wait3A_168] : memref<10000x128xf32, #tpu.memory_space<hbm>> -> memref<10000x128xf32, #tpu.memory_space<hbm>>
    tpu.wait_indirect_dma semaphore(%arg12 : memref<!tpu.dma_semaphore, #tpu.memory_space<semaphore_mem>>) src(%dma_wait3A_169 : memref<10000x128xf32, #tpu.memory_space<hbm>>) dst(%dma_wait3A_164 : memref<80x128xf32, #tpu.memory_space<vmem>>)
    %dma_wait3A_170 = arith.constant 0 : i32
    %dma_wait3A_171 = arith.constant 0 : i32
    %dma_wait3A_172 = arith.constant 0 : i32
    %dma_wait3A_173 = tpu.memref_slice %arg10[%dma_wait3A_170, %dma_wait3A_171, %dma_wait3A_172] : memref<2x80x64xf32, #tpu.memory_space<vmem>> -> memref<1x80x64xf32, #tpu.memory_space<vmem>>
    %dma_wait3A_174 = tpu.memref_squeeze %dma_wait3A_173 : memref<1x80x64xf32, #tpu.memory_space<vmem>> -> memref<80x64xf32, #tpu.memory_space<vmem>>
    %dma_wait3A_175 = arith.constant 0 : i32
    %dma_wait3A_176 = tpu.memref_slice %arg5[%add3A_149, %dma_wait3A_175] : memref<320000x64xf32, #tpu.memory_space<hbm>> -> memref<80x64xf32, #tpu.memory_space<hbm>>
    %dma_wait3A_177 = arith.constant 0 : i32
    %dma_wait3A_178 = arith.constant 0 : i32
    %dma_wait3A_179 = tpu.memref_slice %arg10[%dma_wait3A_170, %dma_wait3A_177, %dma_wait3A_178] : memref<2x80x64xf32, #tpu.memory_space<vmem>> -> memref<1x80x64xf32, #tpu.memory_space<vmem>>
    %dma_wait3A_180 = tpu.memref_squeeze %dma_wait3A_179 : memref<1x80x64xf32, #tpu.memory_space<vmem>> -> memref<80x64xf32, #tpu.memory_space<vmem>>
    %dma_wait3A_181 = arith.constant 0 : i32
    %dma_wait3A_182 = tpu.memref_slice %arg5[%add3A_149, %dma_wait3A_181] : memref<320000x64xf32, #tpu.memory_space<hbm>> -> memref<80x64xf32, #tpu.memory_space<hbm>>
    tpu.wait_dma2 semaphore(%arg13 : memref<!tpu.dma_semaphore, #tpu.memory_space<semaphore_mem>>) src(%dma_wait3A_182 : memref<80x64xf32, #tpu.memory_space<hbm>>) dst(%dma_wait3A_180 : memref<80x64xf32, #tpu.memory_space<vmem>>)
    %scan3A_183 = arith.constant 0 : i32
    %scan3A_184 = arith.constant 0 : i32
    %scan3A_185 = arith.constant 320 : i32
    %scan3A_186 = arith.addi %scan3A_184, %scan3A_185 : i32
    %scan3A_187 = arith.constant 4 : i32
    scf.for %scan3A_228 = %scan3A_184 to %scan3A_186 step %scan3A_187  : i32 {
      %jit3A = arith.constant 4 : i32
      %div3A = arith.divsi %scan3A_228, %jit3A : i32
      %sign3A = arith.constant 0 : i32
      %sign3A_229 = arith.cmpi sgt, %scan3A_228, %sign3A : i32
      %sign3A_230 = arith.extui %sign3A_229 : i1 to i32
      %sign3A_231 = arith.constant 0 : i32
      %sign3A_232 = arith.cmpi slt, %scan3A_228, %sign3A_231 : i32
      %sign3A_233 = arith.extui %sign3A_232 : i1 to i32
      %sign3A_234 = arith.subi %sign3A_230, %sign3A_233 : i32
      %sign3A_235 = arith.constant 0 : i32
      %sign3A_236 = arith.cmpi sgt, %jit3A, %sign3A_235 : i32
      %sign3A_237 = arith.extui %sign3A_236 : i1 to i32
      %sign3A_238 = arith.constant 0 : i32
      %sign3A_239 = arith.cmpi slt, %jit3A, %sign3A_238 : i32
      %sign3A_240 = arith.extui %sign3A_239 : i1 to i32
      %sign3A_241 = arith.subi %sign3A_237, %sign3A_240 : i32
      %ne3A = arith.cmpi ne, %sign3A_234, %sign3A_241 : i32
      %rem3A = arith.remsi %scan3A_228, %jit3A : i32
      %ne3A_242 = arith.constant 0 : i32
      %ne3A_243 = arith.cmpi ne, %rem3A, %ne3A_242 : i32
      %and3A = arith.andi %ne3A, %ne3A_243 : i1
      %sub3A = arith.constant 1 : i32
      %sub3A_244 = arith.subi %div3A, %sub3A : i32
      %select_n3A = arith.select %and3A, %sub3A_244, %div3A : i32
      %jit3A_245 = arith.constant 4 : i32
      %eq3A = arith.constant 0 : i32
      %eq3A_246 = arith.cmpi eq, %jit3A_245, %eq3A : i32
      %jit3A_247 = arith.constant 1 : i32
      %select_n3A_248 = arith.select %eq3A_246, %jit3A_247, %jit3A_245 : i32
      %rem3A_249 = arith.remsi %scan3A_228, %select_n3A_248 : i32
      %ne3A_250 = arith.constant 0 : i32
      %ne3A_251 = arith.cmpi ne, %rem3A_249, %ne3A_250 : i32
      %lt3A = arith.constant 0 : i32
      %lt3A_252 = arith.cmpi slt, %rem3A_249, %lt3A : i32
      %lt3A_253 = arith.constant 0 : i32
      %lt3A_254 = arith.cmpi slt, %select_n3A_248, %lt3A_253 : i32
      %ne3A_255 = arith.xori %lt3A_252, %lt3A_254 : i1
      %and3A_256 = arith.andi %ne3A_255, %ne3A_251 : i1
      %add3A_257 = arith.addi %rem3A_249, %select_n3A_248 : i32
      %select_n3A_258 = arith.select %and3A_256, %add3A_257, %rem3A_249 : i32
      %mul3A_259 = arith.constant 16 : i32
      %mul3A_260 = arith.muli %select_n3A_258, %mul3A_259 : i32
      %get3A = arith.constant 0 : i32
      %get3A_261 = arith.index_cast %get3A : i32 to index
      %get3A_262 = arith.index_cast %select_n3A : i32 to index
      %get3A_263 = arith.index_cast %mul3A_260 : i32 to index
      %get3A_264 = tpu.vector_load %arg8[%get3A_261, %get3A_262, %get3A_263] {strides = array<i32>} : memref<2x80x128xf32, #tpu.memory_space<vmem>>, vector<16xf32>,
      %add3A_265 = arith.constant 64 : i32
      %add3A_266 = arith.addi %add3A_265, %mul3A_260 : i32
      %get3A_267 = arith.constant 0 : i32
      %get3A_268 = arith.index_cast %get3A_267 : i32 to index
      %get3A_269 = arith.index_cast %select_n3A : i32 to index
      %get3A_270 = arith.index_cast %add3A_266 : i32 to index
      %get3A_271 = tpu.vector_load %arg9[%get3A_268, %get3A_269, %get3A_270] {strides = array<i32>} : memref<2x80x128xf32, #tpu.memory_space<vmem>>, vector<16xf32>,
      %add3A_272 = arith.addf %get3A_264, %get3A_271 : vector<16xf32>
      %max3A = arith.constant 0.000000e+00 : f32
      %max3A_273 = vector.broadcast %max3A : f32 to vector<16xf32>
      %max3A_274 = arith.maximumf %add3A_272, %max3A_273 : vector<16xf32>
      %swap3A = arith.constant 0 : i32
      %swap3A_275 = arith.index_cast %swap3A : i32 to index
      %swap3A_276 = arith.index_cast %select_n3A : i32 to index
      %swap3A_277 = arith.index_cast %mul3A_260 : i32 to index
      %swap3A_278 = tpu.vector_load %arg10[%swap3A_275, %swap3A_276, %swap3A_277] {strides = array<i32>} : memref<2x80x64xf32, #tpu.memory_space<vmem>>, vector<16xf32>,
      tpu.vector_store %arg10[%swap3A_275, %swap3A_276, %swap3A_277], %max3A_274 {strides = array<i32>} : memref<2x80x64xf32, #tpu.memory_space<vmem>>, vector<16xf32>,
      %scan3A_279 = arith.constant 1 : i32
      %scan3A_280 = arith.addi %scan3A_228, %scan3A_279 : i32
      %jit3A_281 = arith.constant 4 : i32
      %div3A_282 = arith.divsi %scan3A_280, %jit3A_281 : i32
      %sign3A_283 = arith.constant 0 : i32
      %sign3A_284 = arith.cmpi sgt, %scan3A_280, %sign3A_283 : i32
      %sign3A_285 = arith.extui %sign3A_284 : i1 to i32
      %sign3A_286 = arith.constant 0 : i32
      %sign3A_287 = arith.cmpi slt, %scan3A_280, %sign3A_286 : i32
      %sign3A_288 = arith.extui %sign3A_287 : i1 to i32
      %sign3A_289 = arith.subi %sign3A_285, %sign3A_288 : i32
      %sign3A_290 = arith.constant 0 : i32
      %sign3A_291 = arith.cmpi sgt, %jit3A_281, %sign3A_290 : i32
      %sign3A_292 = arith.extui %sign3A_291 : i1 to i32
      %sign3A_293 = arith.constant 0 : i32
      %sign3A_294 = arith.cmpi slt, %jit3A_281, %sign3A_293 : i32
      %sign3A_295 = arith.extui %sign3A_294 : i1 to i32
      %sign3A_296 = arith.subi %sign3A_292, %sign3A_295 : i32
      %ne3A_297 = arith.cmpi ne, %sign3A_289, %sign3A_296 : i32
      %rem3A_298 = arith.remsi %scan3A_280, %jit3A_281 : i32
      %ne3A_299 = arith.constant 0 : i32
      %ne3A_300 = arith.cmpi ne, %rem3A_298, %ne3A_299 : i32
      %and3A_301 = arith.andi %ne3A_297, %ne3A_300 : i1
      %sub3A_302 = arith.constant 1 : i32
      %sub3A_303 = arith.subi %div3A_282, %sub3A_302 : i32
      %select_n3A_304 = arith.select %and3A_301, %sub3A_303, %div3A_282 : i32
      %jit3A_305 = arith.constant 4 : i32
      %eq3A_306 = arith.constant 0 : i32
      %eq3A_307 = arith.cmpi eq, %jit3A_305, %eq3A_306 : i32
      %jit3A_308 = arith.constant 1 : i32
      %select_n3A_309 = arith.select %eq3A_307, %jit3A_308, %jit3A_305 : i32
      %rem3A_310 = arith.remsi %scan3A_280, %select_n3A_309 : i32
      %ne3A_311 = arith.constant 0 : i32
      %ne3A_312 = arith.cmpi ne, %rem3A_310, %ne3A_311 : i32
      %lt3A_313 = arith.constant 0 : i32
      %lt3A_314 = arith.cmpi slt, %rem3A_310, %lt3A_313 : i32
      %lt3A_315 = arith.constant 0 : i32
      %lt3A_316 = arith.cmpi slt, %select_n3A_309, %lt3A_315 : i32
      %ne3A_317 = arith.xori %lt3A_314, %lt3A_316 : i1
      %and3A_318 = arith.andi %ne3A_317, %ne3A_312 : i1
      %add3A_319 = arith.addi %rem3A_310, %select_n3A_309 : i32
      %select_n3A_320 = arith.select %and3A_318, %add3A_319, %rem3A_310 : i32
      %mul3A_321 = arith.constant 16 : i32
      %mul3A_322 = arith.muli %select_n3A_320, %mul3A_321 : i32
      %get3A_323 = arith.constant 0 : i32
      %get3A_324 = arith.index_cast %get3A_323 : i32 to index
      %get3A_325 = arith.index_cast %select_n3A_304 : i32 to index
      %get3A_326 = arith.index_cast %mul3A_322 : i32 to index
      %get3A_327 = tpu.vector_load %arg8[%get3A_324, %get3A_325, %get3A_326] {strides = array<i32>} : memref<2x80x128xf32, #tpu.memory_space<vmem>>, vector<16xf32>,
      %add3A_328 = arith.constant 64 : i32
      %add3A_329 = arith.addi %add3A_328, %mul3A_322 : i32
      %get3A_330 = arith.constant 0 : i32
      %get3A_331 = arith.index_cast %get3A_330 : i32 to index
      %get3A_332 = arith.index_cast %select_n3A_304 : i32 to index
      %get3A_333 = arith.index_cast %add3A_329 : i32 to index
      %get3A_334 = tpu.vector_load %arg9[%get3A_331, %get3A_332, %get3A_333] {strides = array<i32>} : memref<2x80x128xf32, #tpu.memory_space<vmem>>, vector<16xf32>,
      %add3A_335 = arith.addf %get3A_327, %get3A_334 : vector<16xf32>
      %max3A_336 = arith.constant 0.000000e+00 : f32
      %max3A_337 = vector.broadcast %max3A_336 : f32 to vector<16xf32>
      %max3A_338 = arith.maximumf %add3A_335, %max3A_337 : vector<16xf32>
      %swap3A_339 = arith.constant 0 : i32
      %swap3A_340 = arith.index_cast %swap3A_339 : i32 to index
      %swap3A_341 = arith.index_cast %select_n3A_304 : i32 to index
      %swap3A_342 = arith.index_cast %mul3A_322 : i32 to index
      %swap3A_343 = tpu.vector_load %arg10[%swap3A_340, %swap3A_341, %swap3A_342] {strides = array<i32>} : memref<2x80x64xf32, #tpu.memory_space<vmem>>, vector<16xf32>,
      tpu.vector_store %arg10[%swap3A_340, %swap3A_341, %swap3A_342], %max3A_338 {strides = array<i32>} : memref<2x80x64xf32, #tpu.memory_space<vmem>>, vector<16xf32>,
      %scan3A_344 = arith.constant 2 : i32
      %scan3A_345 = arith.addi %scan3A_228, %scan3A_344 : i32
      %jit3A_346 = arith.constant 4 : i32
      %div3A_347 = arith.divsi %scan3A_345, %jit3A_346 : i32
      %sign3A_348 = arith.constant 0 : i32
      %sign3A_349 = arith.cmpi sgt, %scan3A_345, %sign3A_348 : i32
      %sign3A_350 = arith.extui %sign3A_349 : i1 to i32
      %sign3A_351 = arith.constant 0 : i32
      %sign3A_352 = arith.cmpi slt, %scan3A_345, %sign3A_351 : i32
      %sign3A_353 = arith.extui %sign3A_352 : i1 to i32
      %sign3A_354 = arith.subi %sign3A_350, %sign3A_353 : i32
      %sign3A_355 = arith.constant 0 : i32
      %sign3A_356 = arith.cmpi sgt, %jit3A_346, %sign3A_355 : i32
      %sign3A_357 = arith.extui %sign3A_356 : i1 to i32
      %sign3A_358 = arith.constant 0 : i32
      %sign3A_359 = arith.cmpi slt, %jit3A_346, %sign3A_358 : i32
      %sign3A_360 = arith.extui %sign3A_359 : i1 to i32
      %sign3A_361 = arith.subi %sign3A_357, %sign3A_360 : i32
      %ne3A_362 = arith.cmpi ne, %sign3A_354, %sign3A_361 : i32
      %rem3A_363 = arith.remsi %scan3A_345, %jit3A_346 : i32
      %ne3A_364 = arith.constant 0 : i32
      %ne3A_365 = arith.cmpi ne, %rem3A_363, %ne3A_364 : i32
      %and3A_366 = arith.andi %ne3A_362, %ne3A_365 : i1
      %sub3A_367 = arith.constant 1 : i32
      %sub3A_368 = arith.subi %div3A_347, %sub3A_367 : i32
      %select_n3A_369 = arith.select %and3A_366, %sub3A_368, %div3A_347 : i32
      %jit3A_370 = arith.constant 4 : i32
      %eq3A_371 = arith.constant 0 : i32
      %eq3A_372 = arith.cmpi eq, %jit3A_370, %eq3A_371 : i32
      %jit3A_373 = arith.constant 1 : i32
      %select_n3A_374 = arith.select %eq3A_372, %jit3A_373, %jit3A_370 : i32
      %rem3A_375 = arith.remsi %scan3A_345, %select_n3A_374 : i32
      %ne3A_376 = arith.constant 0 : i32
      %ne3A_377 = arith.cmpi ne, %rem3A_375, %ne3A_376 : i32
      %lt3A_378 = arith.constant 0 : i32
      %lt3A_379 = arith.cmpi slt, %rem3A_375, %lt3A_378 : i32
      %lt3A_380 = arith.constant 0 : i32
      %lt3A_381 = arith.cmpi slt, %select_n3A_374, %lt3A_380 : i32
      %ne3A_382 = arith.xori %lt3A_379, %lt3A_381 : i1
      %and3A_383 = arith.andi %ne3A_382, %ne3A_377 : i1
      %add3A_384 = arith.addi %rem3A_375, %select_n3A_374 : i32
      %select_n3A_385 = arith.select %and3A_383, %add3A_384, %rem3A_375 : i32
      %mul3A_386 = arith.constant 16 : i32
      %mul3A_387 = arith.muli %select_n3A_385, %mul3A_386 : i32
      %get3A_388 = arith.constant 0 : i32
      %get3A_389 = arith.index_cast %get3A_388 : i32 to index
      %get3A_390 = arith.index_cast %select_n3A_369 : i32 to index
      %get3A_391 = arith.index_cast %mul3A_387 : i32 to index
      %get3A_392 = tpu.vector_load %arg8[%get3A_389, %get3A_390, %get3A_391] {strides = array<i32>} : memref<2x80x128xf32, #tpu.memory_space<vmem>>, vector<16xf32>,
      %add3A_393 = arith.constant 64 : i32
      %add3A_394 = arith.addi %add3A_393, %mul3A_387 : i32
      %get3A_395 = arith.constant 0 : i32
      %get3A_396 = arith.index_cast %get3A_395 : i32 to index
      %get3A_397 = arith.index_cast %select_n3A_369 : i32 to index
      %get3A_398 = arith.index_cast %add3A_394 : i32 to index
      %get3A_399 = tpu.vector_load %arg9[%get3A_396, %get3A_397, %get3A_398] {strides = array<i32>} : memref<2x80x128xf32, #tpu.memory_space<vmem>>, vector<16xf32>,
      %add3A_400 = arith.addf %get3A_392, %get3A_399 : vector<16xf32>
      %max3A_401 = arith.constant 0.000000e+00 : f32
      %max3A_402 = vector.broadcast %max3A_401 : f32 to vector<16xf32>
      %max3A_403 = arith.maximumf %add3A_400, %max3A_402 : vector<16xf32>
      %swap3A_404 = arith.constant 0 : i32
      %swap3A_405 = arith.index_cast %swap3A_404 : i32 to index
      %swap3A_406 = arith.index_cast %select_n3A_369 : i32 to index
      %swap3A_407 = arith.index_cast %mul3A_387 : i32 to index
      %swap3A_408 = tpu.vector_load %arg10[%swap3A_405, %swap3A_406, %swap3A_407] {strides = array<i32>} : memref<2x80x64xf32, #tpu.memory_space<vmem>>, vector<16xf32>,
      tpu.vector_store %arg10[%swap3A_405, %swap3A_406, %swap3A_407], %max3A_403 {strides = array<i32>} : memref<2x80x64xf32, #tpu.memory_space<vmem>>, vector<16xf32>,
      %scan3A_409 = arith.constant 3 : i32
      %scan3A_410 = arith.addi %scan3A_228, %scan3A_409 : i32
      %jit3A_411 = arith.constant 4 : i32
      %div3A_412 = arith.divsi %scan3A_410, %jit3A_411 : i32
      %sign3A_413 = arith.constant 0 : i32
      %sign3A_414 = arith.cmpi sgt, %scan3A_410, %sign3A_413 : i32
      %sign3A_415 = arith.extui %sign3A_414 : i1 to i32
      %sign3A_416 = arith.constant 0 : i32
      %sign3A_417 = arith.cmpi slt, %scan3A_410, %sign3A_416 : i32
      %sign3A_418 = arith.extui %sign3A_417 : i1 to i32
      %sign3A_419 = arith.subi %sign3A_415, %sign3A_418 : i32
      %sign3A_420 = arith.constant 0 : i32
      %sign3A_421 = arith.cmpi sgt, %jit3A_411, %sign3A_420 : i32
      %sign3A_422 = arith.extui %sign3A_421 : i1 to i32
      %sign3A_423 = arith.constant 0 : i32
      %sign3A_424 = arith.cmpi slt, %jit3A_411, %sign3A_423 : i32
      %sign3A_425 = arith.extui %sign3A_424 : i1 to i32
      %sign3A_426 = arith.subi %sign3A_422, %sign3A_425 : i32
      %ne3A_427 = arith.cmpi ne, %sign3A_419, %sign3A_426 : i32
      %rem3A_428 = arith.remsi %scan3A_410, %jit3A_411 : i32
      %ne3A_429 = arith.constant 0 : i32
      %ne3A_430 = arith.cmpi ne, %rem3A_428, %ne3A_429 : i32
      %and3A_431 = arith.andi %ne3A_427, %ne3A_430 : i1
      %sub3A_432 = arith.constant 1 : i32
      %sub3A_433 = arith.subi %div3A_412, %sub3A_432 : i32
      %select_n3A_434 = arith.select %and3A_431, %sub3A_433, %div3A_412 : i32
      %jit3A_435 = arith.constant 4 : i32
      %eq3A_436 = arith.constant 0 : i32
      %eq3A_437 = arith.cmpi eq, %jit3A_435, %eq3A_436 : i32
      %jit3A_438 = arith.constant 1 : i32
      %select_n3A_439 = arith.select %eq3A_437, %jit3A_438, %jit3A_435 : i32
      %rem3A_440 = arith.remsi %scan3A_410, %select_n3A_439 : i32
      %ne3A_441 = arith.constant 0 : i32
      %ne3A_442 = arith.cmpi ne, %rem3A_440, %ne3A_441 : i32
      %lt3A_443 = arith.constant 0 : i32
      %lt3A_444 = arith.cmpi slt, %rem3A_440, %lt3A_443 : i32
      %lt3A_445 = arith.constant 0 : i32
      %lt3A_446 = arith.cmpi slt, %select_n3A_439, %lt3A_445 : i32
      %ne3A_447 = arith.xori %lt3A_444, %lt3A_446 : i1
      %and3A_448 = arith.andi %ne3A_447, %ne3A_442 : i1
      %add3A_449 = arith.addi %rem3A_440, %select_n3A_439 : i32
      %select_n3A_450 = arith.select %and3A_448, %add3A_449, %rem3A_440 : i32
      %mul3A_451 = arith.constant 16 : i32
      %mul3A_452 = arith.muli %select_n3A_450, %mul3A_451 : i32
      %get3A_453 = arith.constant 0 : i32
      %get3A_454 = arith.index_cast %get3A_453 : i32 to index
      %get3A_455 = arith.index_cast %select_n3A_434 : i32 to index
      %get3A_456 = arith.index_cast %mul3A_452 : i32 to index
      %get3A_457 = tpu.vector_load %arg8[%get3A_454, %get3A_455, %get3A_456] {strides = array<i32>} : memref<2x80x128xf32, #tpu.memory_space<vmem>>, vector<16xf32>,
      %add3A_458 = arith.constant 64 : i32
      %add3A_459 = arith.addi %add3A_458, %mul3A_452 : i32
      %get3A_460 = arith.constant 0 : i32
      %get3A_461 = arith.index_cast %get3A_460 : i32 to index
      %get3A_462 = arith.index_cast %select_n3A_434 : i32 to index
      %get3A_463 = arith.index_cast %add3A_459 : i32 to index
      %get3A_464 = tpu.vector_load %arg9[%get3A_461, %get3A_462, %get3A_463] {strides = array<i32>} : memref<2x80x128xf32, #tpu.memory_space<vmem>>, vector<16xf32>,
      %add3A_465 = arith.addf %get3A_457, %get3A_464 : vector<16xf32>
      %max3A_466 = arith.constant 0.000000e+00 : f32
      %max3A_467 = vector.broadcast %max3A_466 : f32 to vector<16xf32>
      %max3A_468 = arith.maximumf %add3A_465, %max3A_467 : vector<16xf32>
      %swap3A_469 = arith.constant 0 : i32
      %swap3A_470 = arith.index_cast %swap3A_469 : i32 to index
      %swap3A_471 = arith.index_cast %select_n3A_434 : i32 to index
      %swap3A_472 = arith.index_cast %mul3A_452 : i32 to index
      %swap3A_473 = tpu.vector_load %arg10[%swap3A_470, %swap3A_471, %swap3A_472] {strides = array<i32>} : memref<2x80x64xf32, #tpu.memory_space<vmem>>, vector<16xf32>,
      tpu.vector_store %arg10[%swap3A_470, %swap3A_471, %swap3A_472], %max3A_468 {strides = array<i32>} : memref<2x80x64xf32, #tpu.memory_space<vmem>>, vector<16xf32>,
    }
    %scan3A_188 = arith.constant 320 : i32
    %dma_start3A_189 = arith.constant 0 : i32
    %dma_start3A_190 = arith.constant 0 : i32
    %dma_start3A_191 = arith.constant 0 : i32
    %dma_start3A_192 = tpu.memref_slice %arg10[%dma_start3A_189, %dma_start3A_190, %dma_start3A_191] : memref<2x80x64xf32, #tpu.memory_space<vmem>> -> memref<1x80x64xf32, #tpu.memory_space<vmem>>
    %dma_start3A_193 = tpu.memref_squeeze %dma_start3A_192 : memref<1x80x64xf32, #tpu.memory_space<vmem>> -> memref<80x64xf32, #tpu.memory_space<vmem>>
    %dma_start3A_194 = arith.constant 0 : i32
    %dma_start3A_195 = tpu.memref_slice %arg5[%add3A_149, %dma_start3A_194] : memref<320000x64xf32, #tpu.memory_space<hbm>> -> memref<80x64xf32, #tpu.memory_space<hbm>>
    %dma_start3A_196 = arith.constant 0 : i32
    %dma_start3A_197 = tpu.memref_slice %arg5[%add3A_149, %dma_start3A_196] : memref<320000x64xf32, #tpu.memory_space<hbm>> -> memref<80x64xf32, #tpu.memory_space<hbm>>
    %dma_start3A_198 = arith.constant 0 : i32
    %dma_start3A_199 = arith.constant 0 : i32
    %dma_start3A_200 = tpu.memref_slice %arg10[%dma_start3A_189, %dma_start3A_198, %dma_start3A_199] : memref<2x80x64xf32, #tpu.memory_space<vmem>> -> memref<1x80x64xf32, #tpu.memory_space<vmem>>
    %dma_start3A_201 = tpu.memref_squeeze %dma_start3A_200 : memref<1x80x64xf32, #tpu.memory_space<vmem>> -> memref<80x64xf32, #tpu.memory_space<vmem>>
    tpu.enqueue_dma source(%dma_start3A_201 : memref<80x64xf32, #tpu.memory_space<vmem>>) target(%dma_start3A_197 : memref<80x64xf32, #tpu.memory_space<hbm>>) target_semaphore(%arg13 : memref<!tpu.dma_semaphore, #tpu.memory_space<semaphore_mem>>)
    %dma_wait3A_202 = arith.constant 0 : i32
    %dma_wait3A_203 = arith.constant 0 : i32
    %dma_wait3A_204 = arith.constant 0 : i32
    %dma_wait3A_205 = tpu.memref_slice %arg10[%dma_wait3A_202, %dma_wait3A_203, %dma_wait3A_204] : memref<2x80x64xf32, #tpu.memory_space<vmem>> -> memref<1x80x64xf32, #tpu.memory_space<vmem>>
    %dma_wait3A_206 = tpu.memref_squeeze %dma_wait3A_205 : memref<1x80x64xf32, #tpu.memory_space<vmem>> -> memref<80x64xf32, #tpu.memory_space<vmem>>
    %dma_wait3A_207 = arith.constant 0 : i32
    %dma_wait3A_208 = tpu.memref_slice %arg5[%mul3A_2, %dma_wait3A_207] : memref<320000x64xf32, #tpu.memory_space<hbm>> -> memref<80x64xf32, #tpu.memory_space<hbm>>
    %dma_wait3A_209 = arith.constant 0 : i32
    %dma_wait3A_210 = arith.constant 0 : i32
    %dma_wait3A_211 = tpu.memref_slice %arg10[%dma_wait3A_202, %dma_wait3A_209, %dma_wait3A_210] : memref<2x80x64xf32, #tpu.memory_space<vmem>> -> memref<1x80x64xf32, #tpu.memory_space<vmem>>
    %dma_wait3A_212 = tpu.memref_squeeze %dma_wait3A_211 : memref<1x80x64xf32, #tpu.memory_space<vmem>> -> memref<80x64xf32, #tpu.memory_space<vmem>>
    %dma_wait3A_213 = arith.constant 0 : i32
    %dma_wait3A_214 = tpu.memref_slice %arg5[%mul3A_2, %dma_wait3A_213] : memref<320000x64xf32, #tpu.memory_space<hbm>> -> memref<80x64xf32, #tpu.memory_space<hbm>>
    tpu.wait_dma2 semaphore(%arg13 : memref<!tpu.dma_semaphore, #tpu.memory_space<semaphore_mem>>) src(%dma_wait3A_214 : memref<80x64xf32, #tpu.memory_space<hbm>>) dst(%dma_wait3A_212 : memref<80x64xf32, #tpu.memory_space<vmem>>)
    %dma_wait3A_215 = arith.constant 1 : i32
    %dma_wait3A_216 = arith.constant 0 : i32
    %dma_wait3A_217 = arith.constant 0 : i32
    %dma_wait3A_218 = tpu.memref_slice %arg10[%dma_wait3A_215, %dma_wait3A_216, %dma_wait3A_217] : memref<2x80x64xf32, #tpu.memory_space<vmem>> -> memref<1x80x64xf32, #tpu.memory_space<vmem>>
    %dma_wait3A_219 = tpu.memref_squeeze %dma_wait3A_218 : memref<1x80x64xf32, #tpu.memory_space<vmem>> -> memref<80x64xf32, #tpu.memory_space<vmem>>
    %dma_wait3A_220 = arith.constant 0 : i32
    %dma_wait3A_221 = tpu.memref_slice %arg5[%mul3A_2, %dma_wait3A_220] : memref<320000x64xf32, #tpu.memory_space<hbm>> -> memref<80x64xf32, #tpu.memory_space<hbm>>
    %dma_wait3A_222 = arith.constant 0 : i32
    %dma_wait3A_223 = arith.constant 0 : i32
    %dma_wait3A_224 = tpu.memref_slice %arg10[%dma_wait3A_215, %dma_wait3A_222, %dma_wait3A_223] : memref<2x80x64xf32, #tpu.memory_space<vmem>> -> memref<1x80x64xf32, #tpu.memory_space<vmem>>
    %dma_wait3A_225 = tpu.memref_squeeze %dma_wait3A_224 : memref<1x80x64xf32, #tpu.memory_space<vmem>> -> memref<80x64xf32, #tpu.memory_space<vmem>>
    %dma_wait3A_226 = arith.constant 0 : i32
    %dma_wait3A_227 = tpu.memref_slice %arg5[%mul3A_2, %dma_wait3A_226] : memref<320000x64xf32, #tpu.memory_space<hbm>> -> memref<80x64xf32, #tpu.memory_space<hbm>>
    tpu.wait_dma2 semaphore(%arg13 : memref<!tpu.dma_semaphore, #tpu.memory_space<semaphore_mem>>) src(%dma_wait3A_227 : memref<80x64xf32, #tpu.memory_space<hbm>>) dst(%dma_wait3A_225 : memref<80x64xf32, #tpu.memory_space<vmem>>)
    return
  }
}

#map = affine_map<(d0, d1) -> (0, 0)>
#map1 = affine_map<(d0, d1) -> (0)>
#map2 = affine_map<(d0, d1) -> (0, 0, 0, 0, 0)>
module attributes {stable_mosaic.version = 14 : i64} {
  func.func @_smax_body(%arg0: i32, %arg1: i32, %arg2: memref<320000x128xf32, #tpu.memory_space<hbm>>, %arg3: memref<320000xi32, #tpu.memory_space<hbm>>, %arg4: memref<2x25x16x416x128xf32, #tpu.memory_space<hbm>>, %arg5: memref<10000xi32, #tpu.memory_space<vmem>>, %arg6: memref<10128xi32, #tpu.memory_space<vmem>>, %arg7: memref<10128xi32, #tpu.memory_space<vmem>>, %arg8: memref<2x128x128xf32, #tpu.memory_space<vmem>>, %arg9: memref<416x128xf32, #tpu.memory_space<vmem>>, %arg10: memref<!tpu.dma_semaphore, #tpu.memory_space<semaphore_mem>>) attributes {dimension_semantics = [#tpu.dimension_semantics<core_parallel>, #tpu.dimension_semantics<subcore_parallel>], iteration_bounds = array<i64: 2, 16>, scalar_prefetch = 0 : i64, scratch_operands = 6 : i64, tpu.core_type = #tpu.core_type<sc_vector_subcore>, window_params = [{transform_indices = #map}, {transform_indices = #map1}, {transform_indices = #map2}]} {
    %mul3A = arith.constant 2 : i32
    %mul3A_0 = arith.muli %arg1, %mul3A : i32
    %add3A = arith.addi %mul3A_0, %arg0 : i32
    %mul3A_1 = arith.constant 10000 : i32
    %mul3A_2 = arith.muli %add3A, %mul3A_1 : i32
    %iota3A = tpu.iota {dimensions = array<i32: 0>} : vector<16xi32>
    %broadcast_in_dim3A = arith.constant 0xFF800000 : f32
    %broadcast_in_dim3A_3 = vector.broadcast %broadcast_in_dim3A : f32 to vector<16xf32>
    %broadcast_in_dim3A_4 = arith.constant 0 : i32
    %broadcast_in_dim3A_5 = vector.broadcast %broadcast_in_dim3A_4 : i32 to vector<16xi32>
    %add3A_6 = vector.broadcast %mul3A_2 : i32 to vector<16xi32>
    %add3A_7 = arith.addi %broadcast_in_dim3A_5, %add3A_6 : vector<16xi32>
    %broadcast_in_dim3A_8 = arith.constant 400 : i32
    %broadcast_in_dim3A_9 = vector.broadcast %broadcast_in_dim3A_8 : i32 to vector<16xi32>
    "tpu.region"() ({
      %run_scoped3A = tpu.sem_alloc : memref<!tpu.dma_semaphore, #tpu.memory_space<semaphore_mem>>
      %dma_start3A = tpu.memref_slice %arg3[%mul3A_2] : memref<320000xi32, #tpu.memory_space<hbm>> -> memref<10000xi32, #tpu.memory_space<hbm>>
      %dma_start3A_15 = tpu.memref_slice %arg3[%mul3A_2] : memref<320000xi32, #tpu.memory_space<hbm>> -> memref<10000xi32, #tpu.memory_space<hbm>>
      tpu.enqueue_dma source(%dma_start3A_15 : memref<10000xi32, #tpu.memory_space<hbm>>) target(%arg5 : memref<10000xi32, #tpu.memory_space<vmem>>) target_semaphore(%run_scoped3A : memref<!tpu.dma_semaphore, #tpu.memory_space<semaphore_mem>>)
      %dma_wait3A = tpu.memref_slice %arg3[%mul3A_2] : memref<320000xi32, #tpu.memory_space<hbm>> -> memref<10000xi32, #tpu.memory_space<hbm>>
      %dma_wait3A_16 = tpu.memref_slice %arg3[%mul3A_2] : memref<320000xi32, #tpu.memory_space<hbm>> -> memref<10000xi32, #tpu.memory_space<hbm>>
      tpu.wait_dma2 semaphore(%run_scoped3A : memref<!tpu.dma_semaphore, #tpu.memory_space<semaphore_mem>>) src(%dma_wait3A_16 : memref<10000xi32, #tpu.memory_space<hbm>>) dst(%arg5 : memref<10000xi32, #tpu.memory_space<vmem>>)
      tpu.yield
    }) : () -> ()
    %scan3A = arith.constant 0 : i32
    %scan3A_10 = arith.constant 0 : i32
    %scan3A_11 = arith.constant 25 : i32
    %scan3A_12 = arith.addi %scan3A_10, %scan3A_11 : i32
    %scan3A_13 = arith.constant 1 : i32
    scf.for %scan3A_15 = %scan3A_10 to %scan3A_12 step %scan3A_13  : i32 {
      %mul3A_16 = arith.constant 400 : i32
      %mul3A_17 = arith.muli %scan3A_15, %mul3A_16 : i32
      "tpu.trace_start"() <{level = 10 : i32, message = "smax_init"}> : () -> ()
      %scan3A_18 = arith.constant 0 : i32
      %scan3A_19 = arith.constant 0 : i32
      %scan3A_20 = arith.constant 416 : i32
      %scan3A_21 = arith.addi %scan3A_19, %scan3A_20 : i32
      %scan3A_22 = arith.constant 2 : i32
      scf.for %scan3A_97 = %scan3A_19 to %scan3A_21 step %scan3A_22  : i32 {
        %swap3A = arith.index_cast %scan3A_97 : i32 to index
        %swap3A_98 = arith.constant 0 : index
        %swap3A_99 = tpu.vector_load %arg9[%swap3A, %swap3A_98] {strides = array<i32>} : memref<416x128xf32, #tpu.memory_space<vmem>>, vector<16xf32>,
        tpu.vector_store %arg9[%swap3A, %swap3A_98], %broadcast_in_dim3A_3 {strides = array<i32>} : memref<416x128xf32, #tpu.memory_space<vmem>>, vector<16xf32>,
        %swap3A_100 = arith.index_cast %scan3A_97 : i32 to index
        %swap3A_101 = arith.constant 16 : index
        %swap3A_102 = tpu.vector_load %arg9[%swap3A_100, %swap3A_101] {strides = array<i32>} : memref<416x128xf32, #tpu.memory_space<vmem>>, vector<16xf32>,
        tpu.vector_store %arg9[%swap3A_100, %swap3A_101], %broadcast_in_dim3A_3 {strides = array<i32>} : memref<416x128xf32, #tpu.memory_space<vmem>>, vector<16xf32>,
        %swap3A_103 = arith.index_cast %scan3A_97 : i32 to index
        %swap3A_104 = arith.constant 32 : index
        %swap3A_105 = tpu.vector_load %arg9[%swap3A_103, %swap3A_104] {strides = array<i32>} : memref<416x128xf32, #tpu.memory_space<vmem>>, vector<16xf32>,
        tpu.vector_store %arg9[%swap3A_103, %swap3A_104], %broadcast_in_dim3A_3 {strides = array<i32>} : memref<416x128xf32, #tpu.memory_space<vmem>>, vector<16xf32>,
        %swap3A_106 = arith.index_cast %scan3A_97 : i32 to index
        %swap3A_107 = arith.constant 48 : index
        %swap3A_108 = tpu.vector_load %arg9[%swap3A_106, %swap3A_107] {strides = array<i32>} : memref<416x128xf32, #tpu.memory_space<vmem>>, vector<16xf32>,
        tpu.vector_store %arg9[%swap3A_106, %swap3A_107], %broadcast_in_dim3A_3 {strides = array<i32>} : memref<416x128xf32, #tpu.memory_space<vmem>>, vector<16xf32>,
        %swap3A_109 = arith.index_cast %scan3A_97 : i32 to index
        %swap3A_110 = arith.constant 64 : index
        %swap3A_111 = tpu.vector_load %arg9[%swap3A_109, %swap3A_110] {strides = array<i32>} : memref<416x128xf32, #tpu.memory_space<vmem>>, vector<16xf32>,
        tpu.vector_store %arg9[%swap3A_109, %swap3A_110], %broadcast_in_dim3A_3 {strides = array<i32>} : memref<416x128xf32, #tpu.memory_space<vmem>>, vector<16xf32>,
        %swap3A_112 = arith.index_cast %scan3A_97 : i32 to index
        %swap3A_113 = arith.constant 80 : index
        %swap3A_114 = tpu.vector_load %arg9[%swap3A_112, %swap3A_113] {strides = array<i32>} : memref<416x128xf32, #tpu.memory_space<vmem>>, vector<16xf32>,
        tpu.vector_store %arg9[%swap3A_112, %swap3A_113], %broadcast_in_dim3A_3 {strides = array<i32>} : memref<416x128xf32, #tpu.memory_space<vmem>>, vector<16xf32>,
        %swap3A_115 = arith.index_cast %scan3A_97 : i32 to index
        %swap3A_116 = arith.constant 96 : index
        %swap3A_117 = tpu.vector_load %arg9[%swap3A_115, %swap3A_116] {strides = array<i32>} : memref<416x128xf32, #tpu.memory_space<vmem>>, vector<16xf32>,
        tpu.vector_store %arg9[%swap3A_115, %swap3A_116], %broadcast_in_dim3A_3 {strides = array<i32>} : memref<416x128xf32, #tpu.memory_space<vmem>>, vector<16xf32>,
        %swap3A_118 = arith.index_cast %scan3A_97 : i32 to index
        %swap3A_119 = arith.constant 112 : index
        %swap3A_120 = tpu.vector_load %arg9[%swap3A_118, %swap3A_119] {strides = array<i32>} : memref<416x128xf32, #tpu.memory_space<vmem>>, vector<16xf32>,
        tpu.vector_store %arg9[%swap3A_118, %swap3A_119], %broadcast_in_dim3A_3 {strides = array<i32>} : memref<416x128xf32, #tpu.memory_space<vmem>>, vector<16xf32>,
        %scan3A_121 = arith.constant 1 : i32
        %scan3A_122 = arith.addi %scan3A_97, %scan3A_121 : i32
        %swap3A_123 = arith.index_cast %scan3A_122 : i32 to index
        %swap3A_124 = arith.constant 0 : index
        %swap3A_125 = tpu.vector_load %arg9[%swap3A_123, %swap3A_124] {strides = array<i32>} : memref<416x128xf32, #tpu.memory_space<vmem>>, vector<16xf32>,
        tpu.vector_store %arg9[%swap3A_123, %swap3A_124], %broadcast_in_dim3A_3 {strides = array<i32>} : memref<416x128xf32, #tpu.memory_space<vmem>>, vector<16xf32>,
        %swap3A_126 = arith.index_cast %scan3A_122 : i32 to index
        %swap3A_127 = arith.constant 16 : index
        %swap3A_128 = tpu.vector_load %arg9[%swap3A_126, %swap3A_127] {strides = array<i32>} : memref<416x128xf32, #tpu.memory_space<vmem>>, vector<16xf32>,
        tpu.vector_store %arg9[%swap3A_126, %swap3A_127], %broadcast_in_dim3A_3 {strides = array<i32>} : memref<416x128xf32, #tpu.memory_space<vmem>>, vector<16xf32>,
        %swap3A_129 = arith.index_cast %scan3A_122 : i32 to index
        %swap3A_130 = arith.constant 32 : index
        %swap3A_131 = tpu.vector_load %arg9[%swap3A_129, %swap3A_130] {strides = array<i32>} : memref<416x128xf32, #tpu.memory_space<vmem>>, vector<16xf32>,
        tpu.vector_store %arg9[%swap3A_129, %swap3A_130], %broadcast_in_dim3A_3 {strides = array<i32>} : memref<416x128xf32, #tpu.memory_space<vmem>>, vector<16xf32>,
        %swap3A_132 = arith.index_cast %scan3A_122 : i32 to index
        %swap3A_133 = arith.constant 48 : index
        %swap3A_134 = tpu.vector_load %arg9[%swap3A_132, %swap3A_133] {strides = array<i32>} : memref<416x128xf32, #tpu.memory_space<vmem>>, vector<16xf32>,
        tpu.vector_store %arg9[%swap3A_132, %swap3A_133], %broadcast_in_dim3A_3 {strides = array<i32>} : memref<416x128xf32, #tpu.memory_space<vmem>>, vector<16xf32>,
        %swap3A_135 = arith.index_cast %scan3A_122 : i32 to index
        %swap3A_136 = arith.constant 64 : index
        %swap3A_137 = tpu.vector_load %arg9[%swap3A_135, %swap3A_136] {strides = array<i32>} : memref<416x128xf32, #tpu.memory_space<vmem>>, vector<16xf32>,
        tpu.vector_store %arg9[%swap3A_135, %swap3A_136], %broadcast_in_dim3A_3 {strides = array<i32>} : memref<416x128xf32, #tpu.memory_space<vmem>>, vector<16xf32>,
        %swap3A_138 = arith.index_cast %scan3A_122 : i32 to index
        %swap3A_139 = arith.constant 80 : index
        %swap3A_140 = tpu.vector_load %arg9[%swap3A_138, %swap3A_139] {strides = array<i32>} : memref<416x128xf32, #tpu.memory_space<vmem>>, vector<16xf32>,
        tpu.vector_store %arg9[%swap3A_138, %swap3A_139], %broadcast_in_dim3A_3 {strides = array<i32>} : memref<416x128xf32, #tpu.memory_space<vmem>>, vector<16xf32>,
        %swap3A_141 = arith.index_cast %scan3A_122 : i32 to index
        %swap3A_142 = arith.constant 96 : index
        %swap3A_143 = tpu.vector_load %arg9[%swap3A_141, %swap3A_142] {strides = array<i32>} : memref<416x128xf32, #tpu.memory_space<vmem>>, vector<16xf32>,
        tpu.vector_store %arg9[%swap3A_141, %swap3A_142], %broadcast_in_dim3A_3 {strides = array<i32>} : memref<416x128xf32, #tpu.memory_space<vmem>>, vector<16xf32>,
        %swap3A_144 = arith.index_cast %scan3A_122 : i32 to index
        %swap3A_145 = arith.constant 112 : index
        %swap3A_146 = tpu.vector_load %arg9[%swap3A_144, %swap3A_145] {strides = array<i32>} : memref<416x128xf32, #tpu.memory_space<vmem>>, vector<16xf32>,
        tpu.vector_store %arg9[%swap3A_144, %swap3A_145], %broadcast_in_dim3A_3 {strides = array<i32>} : memref<416x128xf32, #tpu.memory_space<vmem>>, vector<16xf32>,
      }
      %scan3A_23 = arith.constant 416 : i32
      "tpu.trace_stop"() : () -> ()
      "tpu.trace_start"() <{level = 10 : i32, message = "smax_filter"}> : () -> ()
      %scan3A_24 = arith.constant 0 : i32
      %scan3A_25 = arith.constant 0 : i32
      %scan3A_26 = arith.constant 624 : i32
      %scan3A_27 = arith.addi %scan3A_25, %scan3A_26 : i32
      %scan3A_28 = arith.constant 4 : i32
      %scan3A_29 = scf.for %scan3A_97 = %scan3A_25 to %scan3A_27 step %scan3A_28 iter_args(%scan3A_98 = %scan3A_24) -> (i32)  : i32 {
        %mul3A_99 = arith.constant 16 : i32
        %mul3A_100 = arith.muli %scan3A_97, %mul3A_99 : i32
        %get3A_101 = arith.index_cast %mul3A_100 : i32 to index
        %get3A_102 = tpu.vector_load %arg5[%get3A_101] {strides = array<i32>} : memref<10000xi32, #tpu.memory_space<vmem>>, vector<16xi32>,
        %sub3A_103 = vector.broadcast %mul3A_17 : i32 to vector<16xi32>
        %sub3A_104 = arith.subi %get3A_102, %sub3A_103 : vector<16xi32>
        %ge3A_105 = arith.constant 0 : i32
        %ge3A_106 = vector.broadcast %ge3A_105 : i32 to vector<16xi32>
        %ge3A_107 = arith.cmpi sge, %sub3A_104, %ge3A_106 : vector<16xi32>
        %lt3A_108 = arith.constant 400 : i32
        %lt3A_109 = vector.broadcast %lt3A_108 : i32 to vector<16xi32>
        %lt3A_110 = arith.cmpi slt, %sub3A_104, %lt3A_109 : vector<16xi32>
        %and3A_111 = arith.andi %ge3A_107, %lt3A_110 : vector<16xi1>
        %mul3A_112 = arith.constant 16 : i32
        %mul3A_113 = arith.muli %scan3A_97, %mul3A_112 : i32
        %add3A_114 = arith.addi %mul3A_2, %mul3A_113 : i32
        %add3A_115 = vector.broadcast %add3A_114 : i32 to vector<16xi32>
        %add3A_116 = arith.addi %add3A_115, %iota3A : vector<16xi32>
        %convert_element_type3A_117 = arith.extui %and3A_111 : vector<16xi1> to vector<16xi32>
        %broadcast_in_dim3A_118 = arith.constant true
        %broadcast_in_dim3A_119 = vector.broadcast %broadcast_in_dim3A_118 : i1 to vector<16xi1>
        %masked_cumsum3A_120 = tpu.scan <sum>, %convert_element_type3A_117 masked %broadcast_in_dim3A_119 : vector<16xi32>, vector<16xi1> -> vector<16xi32>
        %add3A_121 = vector.broadcast %scan3A_98 : i32 to vector<16xi32>
        %add3A_122 = arith.addi %add3A_121, %masked_cumsum3A_120 : vector<16xi32>
        %sub3A_123 = arith.constant 1 : i32
        %sub3A_124 = vector.broadcast %sub3A_123 : i32 to vector<16xi32>
        %sub3A_125 = arith.subi %add3A_122, %sub3A_124 : vector<16xi32>
        tpu.vector_store_idx %arg6[%sub3A_125], %add3A_116 masked %and3A_111 : memref<10128xi32, #tpu.memory_space<vmem>>[vector<16xi32>], vector<16xi32>, vector<16xi1>
        tpu.vector_store_idx %arg7[%sub3A_125], %sub3A_104 masked %and3A_111 : memref<10128xi32, #tpu.memory_space<vmem>>[vector<16xi32>], vector<16xi32>, vector<16xi1>
        %reduce_sum3A_126 = arith.constant true
        %reduce_sum3A_127 = vector.broadcast %reduce_sum3A_126 : i1 to vector<16xi1>
        %reduce_sum3A_128 = tpu.scan <sum>, %convert_element_type3A_117 masked %reduce_sum3A_127 : vector<16xi32>, vector<16xi1> -> vector<16xi32>
        %reduce_sum3A_129 = vector.extract %reduce_sum3A_128[15] : i32 from vector<16xi32>
        %add3A_130 = arith.addi %scan3A_98, %reduce_sum3A_129 : i32
        %scan3A_131 = arith.constant 1 : i32
        %scan3A_132 = arith.addi %scan3A_97, %scan3A_131 : i32
        %mul3A_133 = arith.constant 16 : i32
        %mul3A_134 = arith.muli %scan3A_132, %mul3A_133 : i32
        %get3A_135 = arith.index_cast %mul3A_134 : i32 to index
        %get3A_136 = tpu.vector_load %arg5[%get3A_135] {strides = array<i32>} : memref<10000xi32, #tpu.memory_space<vmem>>, vector<16xi32>,
        %sub3A_137 = vector.broadcast %mul3A_17 : i32 to vector<16xi32>
        %sub3A_138 = arith.subi %get3A_136, %sub3A_137 : vector<16xi32>
        %ge3A_139 = arith.constant 0 : i32
        %ge3A_140 = vector.broadcast %ge3A_139 : i32 to vector<16xi32>
        %ge3A_141 = arith.cmpi sge, %sub3A_138, %ge3A_140 : vector<16xi32>
        %lt3A_142 = arith.constant 400 : i32
        %lt3A_143 = vector.broadcast %lt3A_142 : i32 to vector<16xi32>
        %lt3A_144 = arith.cmpi slt, %sub3A_138, %lt3A_143 : vector<16xi32>
        %and3A_145 = arith.andi %ge3A_141, %lt3A_144 : vector<16xi1>
        %mul3A_146 = arith.constant 16 : i32
        %mul3A_147 = arith.muli %scan3A_132, %mul3A_146 : i32
        %add3A_148 = arith.addi %mul3A_2, %mul3A_147 : i32
        %add3A_149 = vector.broadcast %add3A_148 : i32 to vector<16xi32>
        %add3A_150 = arith.addi %add3A_149, %iota3A : vector<16xi32>
        %convert_element_type3A_151 = arith.extui %and3A_145 : vector<16xi1> to vector<16xi32>
        %broadcast_in_dim3A_152 = arith.constant true
        %broadcast_in_dim3A_153 = vector.broadcast %broadcast_in_dim3A_152 : i1 to vector<16xi1>
        %masked_cumsum3A_154 = tpu.scan <sum>, %convert_element_type3A_151 masked %broadcast_in_dim3A_153 : vector<16xi32>, vector<16xi1> -> vector<16xi32>
        %add3A_155 = vector.broadcast %add3A_130 : i32 to vector<16xi32>
        %add3A_156 = arith.addi %add3A_155, %masked_cumsum3A_154 : vector<16xi32>
        %sub3A_157 = arith.constant 1 : i32
        %sub3A_158 = vector.broadcast %sub3A_157 : i32 to vector<16xi32>
        %sub3A_159 = arith.subi %add3A_156, %sub3A_158 : vector<16xi32>
        tpu.vector_store_idx %arg6[%sub3A_159], %add3A_150 masked %and3A_145 : memref<10128xi32, #tpu.memory_space<vmem>>[vector<16xi32>], vector<16xi32>, vector<16xi1>
        tpu.vector_store_idx %arg7[%sub3A_159], %sub3A_138 masked %and3A_145 : memref<10128xi32, #tpu.memory_space<vmem>>[vector<16xi32>], vector<16xi32>, vector<16xi1>
        %reduce_sum3A_160 = arith.constant true
        %reduce_sum3A_161 = vector.broadcast %reduce_sum3A_160 : i1 to vector<16xi1>
        %reduce_sum3A_162 = tpu.scan <sum>, %convert_element_type3A_151 masked %reduce_sum3A_161 : vector<16xi32>, vector<16xi1> -> vector<16xi32>
        %reduce_sum3A_163 = vector.extract %reduce_sum3A_162[15] : i32 from vector<16xi32>
        %add3A_164 = arith.addi %add3A_130, %reduce_sum3A_163 : i32
        %scan3A_165 = arith.constant 2 : i32
        %scan3A_166 = arith.addi %scan3A_97, %scan3A_165 : i32
        %mul3A_167 = arith.constant 16 : i32
        %mul3A_168 = arith.muli %scan3A_166, %mul3A_167 : i32
        %get3A_169 = arith.index_cast %mul3A_168 : i32 to index
        %get3A_170 = tpu.vector_load %arg5[%get3A_169] {strides = array<i32>} : memref<10000xi32, #tpu.memory_space<vmem>>, vector<16xi32>,
        %sub3A_171 = vector.broadcast %mul3A_17 : i32 to vector<16xi32>
        %sub3A_172 = arith.subi %get3A_170, %sub3A_171 : vector<16xi32>
        %ge3A_173 = arith.constant 0 : i32
        %ge3A_174 = vector.broadcast %ge3A_173 : i32 to vector<16xi32>
        %ge3A_175 = arith.cmpi sge, %sub3A_172, %ge3A_174 : vector<16xi32>
        %lt3A_176 = arith.constant 400 : i32
        %lt3A_177 = vector.broadcast %lt3A_176 : i32 to vector<16xi32>
        %lt3A_178 = arith.cmpi slt, %sub3A_172, %lt3A_177 : vector<16xi32>
        %and3A_179 = arith.andi %ge3A_175, %lt3A_178 : vector<16xi1>
        %mul3A_180 = arith.constant 16 : i32
        %mul3A_181 = arith.muli %scan3A_166, %mul3A_180 : i32
        %add3A_182 = arith.addi %mul3A_2, %mul3A_181 : i32
        %add3A_183 = vector.broadcast %add3A_182 : i32 to vector<16xi32>
        %add3A_184 = arith.addi %add3A_183, %iota3A : vector<16xi32>
        %convert_element_type3A_185 = arith.extui %and3A_179 : vector<16xi1> to vector<16xi32>
        %broadcast_in_dim3A_186 = arith.constant true
        %broadcast_in_dim3A_187 = vector.broadcast %broadcast_in_dim3A_186 : i1 to vector<16xi1>
        %masked_cumsum3A_188 = tpu.scan <sum>, %convert_element_type3A_185 masked %broadcast_in_dim3A_187 : vector<16xi32>, vector<16xi1> -> vector<16xi32>
        %add3A_189 = vector.broadcast %add3A_164 : i32 to vector<16xi32>
        %add3A_190 = arith.addi %add3A_189, %masked_cumsum3A_188 : vector<16xi32>
        %sub3A_191 = arith.constant 1 : i32
        %sub3A_192 = vector.broadcast %sub3A_191 : i32 to vector<16xi32>
        %sub3A_193 = arith.subi %add3A_190, %sub3A_192 : vector<16xi32>
        tpu.vector_store_idx %arg6[%sub3A_193], %add3A_184 masked %and3A_179 : memref<10128xi32, #tpu.memory_space<vmem>>[vector<16xi32>], vector<16xi32>, vector<16xi1>
        tpu.vector_store_idx %arg7[%sub3A_193], %sub3A_172 masked %and3A_179 : memref<10128xi32, #tpu.memory_space<vmem>>[vector<16xi32>], vector<16xi32>, vector<16xi1>
        %reduce_sum3A_194 = arith.constant true
        %reduce_sum3A_195 = vector.broadcast %reduce_sum3A_194 : i1 to vector<16xi1>
        %reduce_sum3A_196 = tpu.scan <sum>, %convert_element_type3A_185 masked %reduce_sum3A_195 : vector<16xi32>, vector<16xi1> -> vector<16xi32>
        %reduce_sum3A_197 = vector.extract %reduce_sum3A_196[15] : i32 from vector<16xi32>
        %add3A_198 = arith.addi %add3A_164, %reduce_sum3A_197 : i32
        %scan3A_199 = arith.constant 3 : i32
        %scan3A_200 = arith.addi %scan3A_97, %scan3A_199 : i32
        %mul3A_201 = arith.constant 16 : i32
        %mul3A_202 = arith.muli %scan3A_200, %mul3A_201 : i32
        %get3A_203 = arith.index_cast %mul3A_202 : i32 to index
        %get3A_204 = tpu.vector_load %arg5[%get3A_203] {strides = array<i32>} : memref<10000xi32, #tpu.memory_space<vmem>>, vector<16xi32>,
        %sub3A_205 = vector.broadcast %mul3A_17 : i32 to vector<16xi32>
        %sub3A_206 = arith.subi %get3A_204, %sub3A_205 : vector<16xi32>
        %ge3A_207 = arith.constant 0 : i32
        %ge3A_208 = vector.broadcast %ge3A_207 : i32 to vector<16xi32>
        %ge3A_209 = arith.cmpi sge, %sub3A_206, %ge3A_208 : vector<16xi32>
        %lt3A_210 = arith.constant 400 : i32
        %lt3A_211 = vector.broadcast %lt3A_210 : i32 to vector<16xi32>
        %lt3A_212 = arith.cmpi slt, %sub3A_206, %lt3A_211 : vector<16xi32>
        %and3A_213 = arith.andi %ge3A_209, %lt3A_212 : vector<16xi1>
        %mul3A_214 = arith.constant 16 : i32
        %mul3A_215 = arith.muli %scan3A_200, %mul3A_214 : i32
        %add3A_216 = arith.addi %mul3A_2, %mul3A_215 : i32
        %add3A_217 = vector.broadcast %add3A_216 : i32 to vector<16xi32>
        %add3A_218 = arith.addi %add3A_217, %iota3A : vector<16xi32>
        %convert_element_type3A_219 = arith.extui %and3A_213 : vector<16xi1> to vector<16xi32>
        %broadcast_in_dim3A_220 = arith.constant true
        %broadcast_in_dim3A_221 = vector.broadcast %broadcast_in_dim3A_220 : i1 to vector<16xi1>
        %masked_cumsum3A_222 = tpu.scan <sum>, %convert_element_type3A_219 masked %broadcast_in_dim3A_221 : vector<16xi32>, vector<16xi1> -> vector<16xi32>
        %add3A_223 = vector.broadcast %add3A_198 : i32 to vector<16xi32>
        %add3A_224 = arith.addi %add3A_223, %masked_cumsum3A_222 : vector<16xi32>
        %sub3A_225 = arith.constant 1 : i32
        %sub3A_226 = vector.broadcast %sub3A_225 : i32 to vector<16xi32>
        %sub3A_227 = arith.subi %add3A_224, %sub3A_226 : vector<16xi32>
        tpu.vector_store_idx %arg6[%sub3A_227], %add3A_218 masked %and3A_213 : memref<10128xi32, #tpu.memory_space<vmem>>[vector<16xi32>], vector<16xi32>, vector<16xi1>
        tpu.vector_store_idx %arg7[%sub3A_227], %sub3A_206 masked %and3A_213 : memref<10128xi32, #tpu.memory_space<vmem>>[vector<16xi32>], vector<16xi32>, vector<16xi1>
        %reduce_sum3A_228 = arith.constant true
        %reduce_sum3A_229 = vector.broadcast %reduce_sum3A_228 : i1 to vector<16xi1>
        %reduce_sum3A_230 = tpu.scan <sum>, %convert_element_type3A_219 masked %reduce_sum3A_229 : vector<16xi32>, vector<16xi1> -> vector<16xi32>
        %reduce_sum3A_231 = vector.extract %reduce_sum3A_230[15] : i32 from vector<16xi32>
        %add3A_232 = arith.addi %add3A_198, %reduce_sum3A_231 : i32
        scf.yield %add3A_232 : i32
      }
      %scan3A_30 = arith.constant 624 : i32
      %scan3A_31 = arith.addi %scan3A_25, %scan3A_30 : i32
      %mul3A_32 = arith.constant 16 : i32
      %mul3A_33 = arith.muli %scan3A_31, %mul3A_32 : i32
      %get3A = arith.index_cast %mul3A_33 : i32 to index
      %get3A_34 = tpu.vector_load %arg5[%get3A] {strides = array<i32>} : memref<10000xi32, #tpu.memory_space<vmem>>, vector<16xi32>,
      %sub3A = vector.broadcast %mul3A_17 : i32 to vector<16xi32>
      %sub3A_35 = arith.subi %get3A_34, %sub3A : vector<16xi32>
      %ge3A = arith.constant 0 : i32
      %ge3A_36 = vector.broadcast %ge3A : i32 to vector<16xi32>
      %ge3A_37 = arith.cmpi sge, %sub3A_35, %ge3A_36 : vector<16xi32>
      %lt3A = arith.constant 400 : i32
      %lt3A_38 = vector.broadcast %lt3A : i32 to vector<16xi32>
      %lt3A_39 = arith.cmpi slt, %sub3A_35, %lt3A_38 : vector<16xi32>
      %and3A = arith.andi %ge3A_37, %lt3A_39 : vector<16xi1>
      %mul3A_40 = arith.constant 16 : i32
      %mul3A_41 = arith.muli %scan3A_31, %mul3A_40 : i32
      %add3A_42 = arith.addi %mul3A_2, %mul3A_41 : i32
      %add3A_43 = vector.broadcast %add3A_42 : i32 to vector<16xi32>
      %add3A_44 = arith.addi %add3A_43, %iota3A : vector<16xi32>
      %convert_element_type3A = arith.extui %and3A : vector<16xi1> to vector<16xi32>
      %broadcast_in_dim3A_45 = arith.constant true
      %broadcast_in_dim3A_46 = vector.broadcast %broadcast_in_dim3A_45 : i1 to vector<16xi1>
      %masked_cumsum3A = tpu.scan <sum>, %convert_element_type3A masked %broadcast_in_dim3A_46 : vector<16xi32>, vector<16xi1> -> vector<16xi32>
      %add3A_47 = vector.broadcast %scan3A_29 : i32 to vector<16xi32>
      %add3A_48 = arith.addi %add3A_47, %masked_cumsum3A : vector<16xi32>
      %sub3A_49 = arith.constant 1 : i32
      %sub3A_50 = vector.broadcast %sub3A_49 : i32 to vector<16xi32>
      %sub3A_51 = arith.subi %add3A_48, %sub3A_50 : vector<16xi32>
      tpu.vector_store_idx %arg6[%sub3A_51], %add3A_44 masked %and3A : memref<10128xi32, #tpu.memory_space<vmem>>[vector<16xi32>], vector<16xi32>, vector<16xi1>
      tpu.vector_store_idx %arg7[%sub3A_51], %sub3A_35 masked %and3A : memref<10128xi32, #tpu.memory_space<vmem>>[vector<16xi32>], vector<16xi32>, vector<16xi1>
      %reduce_sum3A = arith.constant true
      %reduce_sum3A_52 = vector.broadcast %reduce_sum3A : i1 to vector<16xi1>
      %reduce_sum3A_53 = tpu.scan <sum>, %convert_element_type3A masked %reduce_sum3A_52 : vector<16xi32>, vector<16xi1> -> vector<16xi32>
      %reduce_sum3A_54 = vector.extract %reduce_sum3A_53[15] : i32 from vector<16xi32>
      %add3A_55 = arith.addi %scan3A_29, %reduce_sum3A_54 : i32
      %scan3A_56 = arith.constant 625 : i32
      "tpu.trace_stop"() : () -> ()
      %scan3A_57 = arith.constant 0 : i32
      %scan3A_58 = arith.constant 0 : i32
      %scan3A_59 = arith.constant 8 : i32
      %scan3A_60 = arith.addi %scan3A_58, %scan3A_59 : i32
      %scan3A_61 = arith.constant 1 : i32
      scf.for %scan3A_97 = %scan3A_58 to %scan3A_60 step %scan3A_61  : i32 {
        %mul3A_98 = arith.constant 16 : i32
        %mul3A_99 = arith.muli %scan3A_97, %mul3A_98 : i32
        %add3A_100 = arith.addi %add3A_55, %mul3A_99 : i32
        %swap3A = arith.index_cast %add3A_100 : i32 to index
        %swap3A_101 = tpu.vector_load %arg6[%swap3A] {strides = array<i32>} : memref<10128xi32, #tpu.memory_space<vmem>>, vector<16xi32>,
        tpu.vector_store %arg6[%swap3A], %add3A_7 {strides = array<i32>} : memref<10128xi32, #tpu.memory_space<vmem>>, vector<16xi32>,
        %mul3A_102 = arith.constant 16 : i32
        %mul3A_103 = arith.muli %scan3A_97, %mul3A_102 : i32
        %add3A_104 = arith.addi %add3A_55, %mul3A_103 : i32
        %swap3A_105 = arith.index_cast %add3A_104 : i32 to index
        %swap3A_106 = tpu.vector_load %arg7[%swap3A_105] {strides = array<i32>} : memref<10128xi32, #tpu.memory_space<vmem>>, vector<16xi32>,
        tpu.vector_store %arg7[%swap3A_105], %broadcast_in_dim3A_9 {strides = array<i32>} : memref<10128xi32, #tpu.memory_space<vmem>>, vector<16xi32>,
      }
      %scan3A_62 = arith.constant 8 : i32
      %add3A_63 = arith.constant 128 : i32
      %add3A_64 = arith.addi %add3A_55, %add3A_63 : i32
      %sub3A_65 = arith.constant 1 : i32
      %sub3A_66 = arith.subi %add3A_64, %sub3A_65 : i32
      %jit3A = arith.constant 128 : i32
      %div3A = arith.divsi %sub3A_66, %jit3A : i32
      %sign3A = arith.constant 0 : i32
      %sign3A_67 = arith.cmpi sgt, %sub3A_66, %sign3A : i32
      %sign3A_68 = arith.extui %sign3A_67 : i1 to i32
      %sign3A_69 = arith.constant 0 : i32
      %sign3A_70 = arith.cmpi slt, %sub3A_66, %sign3A_69 : i32
      %sign3A_71 = arith.extui %sign3A_70 : i1 to i32
      %sign3A_72 = arith.subi %sign3A_68, %sign3A_71 : i32
      %sign3A_73 = arith.constant 0 : i32
      %sign3A_74 = arith.cmpi sgt, %jit3A, %sign3A_73 : i32
      %sign3A_75 = arith.extui %sign3A_74 : i1 to i32
      %sign3A_76 = arith.constant 0 : i32
      %sign3A_77 = arith.cmpi slt, %jit3A, %sign3A_76 : i32
      %sign3A_78 = arith.extui %sign3A_77 : i1 to i32
      %sign3A_79 = arith.subi %sign3A_75, %sign3A_78 : i32
      %ne3A = arith.cmpi ne, %sign3A_72, %sign3A_79 : i32
      %rem3A = arith.remsi %sub3A_66, %jit3A : i32
      %ne3A_80 = arith.constant 0 : i32
      %ne3A_81 = arith.cmpi ne, %rem3A, %ne3A_80 : i32
      %and3A_82 = arith.andi %ne3A, %ne3A_81 : i1
      %sub3A_83 = arith.constant 1 : i32
      %sub3A_84 = arith.subi %div3A, %sub3A_83 : i32
      %select_n3A = arith.select %and3A_82, %sub3A_84, %div3A : i32
      %gt3A = arith.constant 0 : i32
      %gt3A_85 = arith.cmpi sgt, %select_n3A, %gt3A : i32
      %convert_element_type3A_86 = arith.extui %gt3A_85 : i1 to i32
      %cond3A = arith.constant 0 : i32
      %cond3A_87 = arith.cmpi ne, %convert_element_type3A_86, %cond3A : i32
      scf.if %cond3A_87 {
        %dma_start3A = arith.constant 0 : i32
        %dma_start3A_97 = arith.constant 0 : i32
        %dma_start3A_98 = arith.constant 0 : i32
        %dma_start3A_99 = tpu.memref_slice %arg8[%dma_start3A, %dma_start3A_97, %dma_start3A_98] : memref<2x128x128xf32, #tpu.memory_space<vmem>> -> memref<1x128x128xf32, #tpu.memory_space<vmem>>
        %dma_start3A_100 = tpu.memref_squeeze %dma_start3A_99 : memref<1x128x128xf32, #tpu.memory_space<vmem>> -> memref<128x128xf32, #tpu.memory_space<vmem>>
        %dma_start3A_101 = arith.constant 0 : i32
        %dma_start3A_102 = tpu.memref_slice %arg6[%dma_start3A_101] : memref<10128xi32, #tpu.memory_space<vmem>> -> memref<128xi32, #tpu.memory_space<vmem>>
        %dma_start3A_103 = arith.constant 0 : i32
        %dma_start3A_104 = arith.constant 0 : i32
        %dma_start3A_105 = tpu.memref_slice %arg2[%dma_start3A_103, %dma_start3A_104] : memref<320000x128xf32, #tpu.memory_space<hbm>> -> memref<320000x128xf32, #tpu.memory_space<hbm>>
        tpu.enqueue_indirect_dma source(%dma_start3A_105 : memref<320000x128xf32, #tpu.memory_space<hbm>>) target(%dma_start3A_100 : memref<128x128xf32, #tpu.memory_space<vmem>>) offsets(%dma_start3A_102 : memref<128xi32, #tpu.memory_space<vmem>>) semaphore(%arg10 : memref<!tpu.dma_semaphore, #tpu.memory_space<semaphore_mem>>)
      } else {
      }
      %while3A = arith.constant 0 : i32
      %while3A_88 = arith.constant 0 : i32
      "tpu.trace_start"() <{level = 10 : i32, message = "smax_drain"}> : () -> ()
      %while3A_89 = arith.subi %select_n3A, %while3A_88 : i32
      %while3A_90 = arith.addi %while3A_88, %while3A_89 : i32
      %while3A_91 = arith.constant 1 : i32
      %while3A_92 = arith.divsi %while3A_89, %while3A_91 : i32
      %while3A_93 = arith.muli %while3A_92, %while3A_91 : i32
      %while3A_94 = arith.addi %while3A_88, %while3A_93 : i32
      %while3A_95 = arith.constant 1 : i32
      scf.for %while3A_97 = %while3A_88 to %while3A_94 step %while3A_95  : i32 {
        %rem3A_98 = arith.constant 2 : i32
        %rem3A_99 = arith.remsi %while3A_97, %rem3A_98 : i32
        %add3A_100 = arith.constant 1 : i32
        %add3A_101 = arith.addi %while3A_97, %add3A_100 : i32
        %lt3A_102 = arith.cmpi slt, %add3A_101, %select_n3A : i32
        %convert_element_type3A_103 = arith.extui %lt3A_102 : i1 to i32
        %cond3A_104 = arith.constant 0 : i32
        %cond3A_105 = arith.cmpi ne, %convert_element_type3A_103, %cond3A_104 : i32
        scf.if %cond3A_105 {
          %add3A_121 = arith.constant 1 : i32
          %add3A_122 = arith.addi %while3A_97, %add3A_121 : i32
          %sub3A_123 = arith.constant 1 : i32
          %sub3A_124 = arith.subi %sub3A_123, %rem3A_99 : i32
          %mul3A_125 = arith.constant 128 : i32
          %mul3A_126 = arith.muli %add3A_122, %mul3A_125 : i32
          %dma_start3A = arith.constant 0 : i32
          %dma_start3A_127 = arith.constant 0 : i32
          %dma_start3A_128 = tpu.memref_slice %arg8[%sub3A_124, %dma_start3A, %dma_start3A_127] : memref<2x128x128xf32, #tpu.memory_space<vmem>> -> memref<1x128x128xf32, #tpu.memory_space<vmem>>
          %dma_start3A_129 = tpu.memref_squeeze %dma_start3A_128 : memref<1x128x128xf32, #tpu.memory_space<vmem>> -> memref<128x128xf32, #tpu.memory_space<vmem>>
          %dma_start3A_130 = tpu.memref_slice %arg6[%mul3A_126] : memref<10128xi32, #tpu.memory_space<vmem>> -> memref<128xi32, #tpu.memory_space<vmem>>
          %dma_start3A_131 = arith.constant 0 : i32
          %dma_start3A_132 = arith.constant 0 : i32
          %dma_start3A_133 = tpu.memref_slice %arg2[%dma_start3A_131, %dma_start3A_132] : memref<320000x128xf32, #tpu.memory_space<hbm>> -> memref<320000x128xf32, #tpu.memory_space<hbm>>
          tpu.enqueue_indirect_dma source(%dma_start3A_133 : memref<320000x128xf32, #tpu.memory_space<hbm>>) target(%dma_start3A_129 : memref<128x128xf32, #tpu.memory_space<vmem>>) offsets(%dma_start3A_130 : memref<128xi32, #tpu.memory_space<vmem>>) semaphore(%arg10 : memref<!tpu.dma_semaphore, #tpu.memory_space<semaphore_mem>>)
        } else {
        }
        %mul3A_106 = arith.constant 128 : i32
        %mul3A_107 = arith.muli %while3A_97, %mul3A_106 : i32
        %dma_wait3A = arith.constant 0 : i32
        %dma_wait3A_108 = arith.constant 0 : i32
        %dma_wait3A_109 = tpu.memref_slice %arg8[%rem3A_99, %dma_wait3A, %dma_wait3A_108] : memref<2x128x128xf32, #tpu.memory_space<vmem>> -> memref<1x128x128xf32, #tpu.memory_space<vmem>>
        %dma_wait3A_110 = tpu.memref_squeeze %dma_wait3A_109 : memref<1x128x128xf32, #tpu.memory_space<vmem>> -> memref<128x128xf32, #tpu.memory_space<vmem>>
        %dma_wait3A_111 = tpu.memref_slice %arg6[%mul3A_107] : memref<10128xi32, #tpu.memory_space<vmem>> -> memref<128xi32, #tpu.memory_space<vmem>>
        %dma_wait3A_112 = arith.constant 0 : i32
        %dma_wait3A_113 = arith.constant 0 : i32
        %dma_wait3A_114 = tpu.memref_slice %arg2[%dma_wait3A_112, %dma_wait3A_113] : memref<320000x128xf32, #tpu.memory_space<hbm>> -> memref<320000x128xf32, #tpu.memory_space<hbm>>
        tpu.wait_indirect_dma semaphore(%arg10 : memref<!tpu.dma_semaphore, #tpu.memory_space<semaphore_mem>>) src(%dma_wait3A_114 : memref<320000x128xf32, #tpu.memory_space<hbm>>) dst(%dma_wait3A_110 : memref<128x128xf32, #tpu.memory_space<vmem>>)
        "tpu.trace_start"() <{level = 10 : i32, message = "smax_rmw"}> : () -> ()
        %scan3A_115 = arith.constant 0 : i32
        %scan3A_116 = arith.constant 0 : i32
        %scan3A_117 = arith.constant 128 : i32
        %scan3A_118 = arith.addi %scan3A_116, %scan3A_117 : i32
        %scan3A_119 = arith.constant 4 : i32
        scf.for %scan3A_121 = %scan3A_116 to %scan3A_118 step %scan3A_119  : i32 {
          %mul3A_122 = arith.constant 128 : i32
          %mul3A_123 = arith.muli %while3A_97, %mul3A_122 : i32
          %add3A_124 = arith.addi %mul3A_123, %scan3A_121 : i32
          %get3A_125 = arith.index_cast %add3A_124 : i32 to index
          %get3A_126 = tpu.vector_load %arg7[%get3A_125] {strides = array<i32>} : memref<10128xi32, #tpu.memory_space<vmem>>, vector<16xi32>,
          %slice3A = vector.extract_strided_slice %get3A_126 {offsets = [0], sizes = [1], strides = [1]} : vector<16xi32> to vector<1xi32>
          %squeeze3A = vector.extract %slice3A[0] : i32 from vector<1xi32>
          %get3A_127 = arith.index_cast %squeeze3A : i32 to index
          %get3A_128 = arith.constant 0 : index
          %get3A_129 = tpu.vector_load %arg9[%get3A_127, %get3A_128] {strides = array<i32>} : memref<416x128xf32, #tpu.memory_space<vmem>>, vector<16xf32>,
          %get3A_130 = arith.index_cast %rem3A_99 : i32 to index
          %get3A_131 = arith.index_cast %scan3A_121 : i32 to index
          %get3A_132 = arith.constant 0 : index
          %get3A_133 = tpu.vector_load %arg8[%get3A_130, %get3A_131, %get3A_132] {strides = array<i32>} : memref<2x128x128xf32, #tpu.memory_space<vmem>>, vector<16xf32>,
          %max3A = arith.maximumf %get3A_129, %get3A_133 : vector<16xf32>
          %swap3A = arith.index_cast %squeeze3A : i32 to index
          %swap3A_134 = arith.constant 0 : index
          %swap3A_135 = tpu.vector_load %arg9[%swap3A, %swap3A_134] {strides = array<i32>} : memref<416x128xf32, #tpu.memory_space<vmem>>, vector<16xf32>,
          tpu.vector_store %arg9[%swap3A, %swap3A_134], %max3A {strides = array<i32>} : memref<416x128xf32, #tpu.memory_space<vmem>>, vector<16xf32>,
          %get3A_136 = arith.index_cast %squeeze3A : i32 to index
          %get3A_137 = arith.constant 16 : index
          %get3A_138 = tpu.vector_load %arg9[%get3A_136, %get3A_137] {strides = array<i32>} : memref<416x128xf32, #tpu.memory_space<vmem>>, vector<16xf32>,
          %get3A_139 = arith.index_cast %rem3A_99 : i32 to index
          %get3A_140 = arith.index_cast %scan3A_121 : i32 to index
          %get3A_141 = arith.constant 16 : index
          %get3A_142 = tpu.vector_load %arg8[%get3A_139, %get3A_140, %get3A_141] {strides = array<i32>} : memref<2x128x128xf32, #tpu.memory_space<vmem>>, vector<16xf32>,
          %max3A_143 = arith.maximumf %get3A_138, %get3A_142 : vector<16xf32>
          %swap3A_144 = arith.index_cast %squeeze3A : i32 to index
          %swap3A_145 = arith.constant 16 : index
          %swap3A_146 = tpu.vector_load %arg9[%swap3A_144, %swap3A_145] {strides = array<i32>} : memref<416x128xf32, #tpu.memory_space<vmem>>, vector<16xf32>,
          tpu.vector_store %arg9[%swap3A_144, %swap3A_145], %max3A_143 {strides = array<i32>} : memref<416x128xf32, #tpu.memory_space<vmem>>, vector<16xf32>,
          %get3A_147 = arith.index_cast %squeeze3A : i32 to index
          %get3A_148 = arith.constant 32 : index
          %get3A_149 = tpu.vector_load %arg9[%get3A_147, %get3A_148] {strides = array<i32>} : memref<416x128xf32, #tpu.memory_space<vmem>>, vector<16xf32>,
          %get3A_150 = arith.index_cast %rem3A_99 : i32 to index
          %get3A_151 = arith.index_cast %scan3A_121 : i32 to index
          %get3A_152 = arith.constant 32 : index
          %get3A_153 = tpu.vector_load %arg8[%get3A_150, %get3A_151, %get3A_152] {strides = array<i32>} : memref<2x128x128xf32, #tpu.memory_space<vmem>>, vector<16xf32>,
          %max3A_154 = arith.maximumf %get3A_149, %get3A_153 : vector<16xf32>
          %swap3A_155 = arith.index_cast %squeeze3A : i32 to index
          %swap3A_156 = arith.constant 32 : index
          %swap3A_157 = tpu.vector_load %arg9[%swap3A_155, %swap3A_156] {strides = array<i32>} : memref<416x128xf32, #tpu.memory_space<vmem>>, vector<16xf32>,
          tpu.vector_store %arg9[%swap3A_155, %swap3A_156], %max3A_154 {strides = array<i32>} : memref<416x128xf32, #tpu.memory_space<vmem>>, vector<16xf32>,
          %get3A_158 = arith.index_cast %squeeze3A : i32 to index
          %get3A_159 = arith.constant 48 : index
          %get3A_160 = tpu.vector_load %arg9[%get3A_158, %get3A_159] {strides = array<i32>} : memref<416x128xf32, #tpu.memory_space<vmem>>, vector<16xf32>,
          %get3A_161 = arith.index_cast %rem3A_99 : i32 to index
          %get3A_162 = arith.index_cast %scan3A_121 : i32 to index
          %get3A_163 = arith.constant 48 : index
          %get3A_164 = tpu.vector_load %arg8[%get3A_161, %get3A_162, %get3A_163] {strides = array<i32>} : memref<2x128x128xf32, #tpu.memory_space<vmem>>, vector<16xf32>,
          %max3A_165 = arith.maximumf %get3A_160, %get3A_164 : vector<16xf32>
          %swap3A_166 = arith.index_cast %squeeze3A : i32 to index
          %swap3A_167 = arith.constant 48 : index
          %swap3A_168 = tpu.vector_load %arg9[%swap3A_166, %swap3A_167] {strides = array<i32>} : memref<416x128xf32, #tpu.memory_space<vmem>>, vector<16xf32>,
          tpu.vector_store %arg9[%swap3A_166, %swap3A_167], %max3A_165 {strides = array<i32>} : memref<416x128xf32, #tpu.memory_space<vmem>>, vector<16xf32>,
          %get3A_169 = arith.index_cast %squeeze3A : i32 to index
          %get3A_170 = arith.constant 64 : index
          %get3A_171 = tpu.vector_load %arg9[%get3A_169, %get3A_170] {strides = array<i32>} : memref<416x128xf32, #tpu.memory_space<vmem>>, vector<16xf32>,
          %get3A_172 = arith.index_cast %rem3A_99 : i32 to index
          %get3A_173 = arith.index_cast %scan3A_121 : i32 to index
          %get3A_174 = arith.constant 64 : index
          %get3A_175 = tpu.vector_load %arg8[%get3A_172, %get3A_173, %get3A_174] {strides = array<i32>} : memref<2x128x128xf32, #tpu.memory_space<vmem>>, vector<16xf32>,
          %max3A_176 = arith.maximumf %get3A_171, %get3A_175 : vector<16xf32>
          %swap3A_177 = arith.index_cast %squeeze3A : i32 to index
          %swap3A_178 = arith.constant 64 : index
          %swap3A_179 = tpu.vector_load %arg9[%swap3A_177, %swap3A_178] {strides = array<i32>} : memref<416x128xf32, #tpu.memory_space<vmem>>, vector<16xf32>,
          tpu.vector_store %arg9[%swap3A_177, %swap3A_178], %max3A_176 {strides = array<i32>} : memref<416x128xf32, #tpu.memory_space<vmem>>, vector<16xf32>,
          %get3A_180 = arith.index_cast %squeeze3A : i32 to index
          %get3A_181 = arith.constant 80 : index
          %get3A_182 = tpu.vector_load %arg9[%get3A_180, %get3A_181] {strides = array<i32>} : memref<416x128xf32, #tpu.memory_space<vmem>>, vector<16xf32>,
          %get3A_183 = arith.index_cast %rem3A_99 : i32 to index
          %get3A_184 = arith.index_cast %scan3A_121 : i32 to index
          %get3A_185 = arith.constant 80 : index
          %get3A_186 = tpu.vector_load %arg8[%get3A_183, %get3A_184, %get3A_185] {strides = array<i32>} : memref<2x128x128xf32, #tpu.memory_space<vmem>>, vector<16xf32>,
          %max3A_187 = arith.maximumf %get3A_182, %get3A_186 : vector<16xf32>
          %swap3A_188 = arith.index_cast %squeeze3A : i32 to index
          %swap3A_189 = arith.constant 80 : index
          %swap3A_190 = tpu.vector_load %arg9[%swap3A_188, %swap3A_189] {strides = array<i32>} : memref<416x128xf32, #tpu.memory_space<vmem>>, vector<16xf32>,
          tpu.vector_store %arg9[%swap3A_188, %swap3A_189], %max3A_187 {strides = array<i32>} : memref<416x128xf32, #tpu.memory_space<vmem>>, vector<16xf32>,
          %get3A_191 = arith.index_cast %squeeze3A : i32 to index
          %get3A_192 = arith.constant 96 : index
          %get3A_193 = tpu.vector_load %arg9[%get3A_191, %get3A_192] {strides = array<i32>} : memref<416x128xf32, #tpu.memory_space<vmem>>, vector<16xf32>,
          %get3A_194 = arith.index_cast %rem3A_99 : i32 to index
          %get3A_195 = arith.index_cast %scan3A_121 : i32 to index
          %get3A_196 = arith.constant 96 : index
          %get3A_197 = tpu.vector_load %arg8[%get3A_194, %get3A_195, %get3A_196] {strides = array<i32>} : memref<2x128x128xf32, #tpu.memory_space<vmem>>, vector<16xf32>,
          %max3A_198 = arith.maximumf %get3A_193, %get3A_197 : vector<16xf32>
          %swap3A_199 = arith.index_cast %squeeze3A : i32 to index
          %swap3A_200 = arith.constant 96 : index
          %swap3A_201 = tpu.vector_load %arg9[%swap3A_199, %swap3A_200] {strides = array<i32>} : memref<416x128xf32, #tpu.memory_space<vmem>>, vector<16xf32>,
          tpu.vector_store %arg9[%swap3A_199, %swap3A_200], %max3A_198 {strides = array<i32>} : memref<416x128xf32, #tpu.memory_space<vmem>>, vector<16xf32>,
          %get3A_202 = arith.index_cast %squeeze3A : i32 to index
          %get3A_203 = arith.constant 112 : index
          %get3A_204 = tpu.vector_load %arg9[%get3A_202, %get3A_203] {strides = array<i32>} : memref<416x128xf32, #tpu.memory_space<vmem>>, vector<16xf32>,
          %get3A_205 = arith.index_cast %rem3A_99 : i32 to index
          %get3A_206 = arith.index_cast %scan3A_121 : i32 to index
          %get3A_207 = arith.constant 112 : index
          %get3A_208 = tpu.vector_load %arg8[%get3A_205, %get3A_206, %get3A_207] {strides = array<i32>} : memref<2x128x128xf32, #tpu.memory_space<vmem>>, vector<16xf32>,
          %max3A_209 = arith.maximumf %get3A_204, %get3A_208 : vector<16xf32>
          %swap3A_210 = arith.index_cast %squeeze3A : i32 to index
          %swap3A_211 = arith.constant 112 : index
          %swap3A_212 = tpu.vector_load %arg9[%swap3A_210, %swap3A_211] {strides = array<i32>} : memref<416x128xf32, #tpu.memory_space<vmem>>, vector<16xf32>,
          tpu.vector_store %arg9[%swap3A_210, %swap3A_211], %max3A_209 {strides = array<i32>} : memref<416x128xf32, #tpu.memory_space<vmem>>, vector<16xf32>,
          %scan3A_213 = arith.constant 1 : i32
          %scan3A_214 = arith.addi %scan3A_121, %scan3A_213 : i32
          %mul3A_215 = arith.constant 128 : i32
          %mul3A_216 = arith.muli %while3A_97, %mul3A_215 : i32
          %add3A_217 = arith.addi %mul3A_216, %scan3A_214 : i32
          %get3A_218 = arith.index_cast %add3A_217 : i32 to index
          %get3A_219 = tpu.vector_load %arg7[%get3A_218] {strides = array<i32>} : memref<10128xi32, #tpu.memory_space<vmem>>, vector<16xi32>,
          %slice3A_220 = vector.extract_strided_slice %get3A_219 {offsets = [0], sizes = [1], strides = [1]} : vector<16xi32> to vector<1xi32>
          %squeeze3A_221 = vector.extract %slice3A_220[0] : i32 from vector<1xi32>
          %get3A_222 = arith.index_cast %squeeze3A_221 : i32 to index
          %get3A_223 = arith.constant 0 : index
          %get3A_224 = tpu.vector_load %arg9[%get3A_222, %get3A_223] {strides = array<i32>} : memref<416x128xf32, #tpu.memory_space<vmem>>, vector<16xf32>,
          %get3A_225 = arith.index_cast %rem3A_99 : i32 to index
          %get3A_226 = arith.index_cast %scan3A_214 : i32 to index
          %get3A_227 = arith.constant 0 : index
          %get3A_228 = tpu.vector_load %arg8[%get3A_225, %get3A_226, %get3A_227] {strides = array<i32>} : memref<2x128x128xf32, #tpu.memory_space<vmem>>, vector<16xf32>,
          %max3A_229 = arith.maximumf %get3A_224, %get3A_228 : vector<16xf32>
          %swap3A_230 = arith.index_cast %squeeze3A_221 : i32 to index
          %swap3A_231 = arith.constant 0 : index
          %swap3A_232 = tpu.vector_load %arg9[%swap3A_230, %swap3A_231] {strides = array<i32>} : memref<416x128xf32, #tpu.memory_space<vmem>>, vector<16xf32>,
          tpu.vector_store %arg9[%swap3A_230, %swap3A_231], %max3A_229 {strides = array<i32>} : memref<416x128xf32, #tpu.memory_space<vmem>>, vector<16xf32>,
          %get3A_233 = arith.index_cast %squeeze3A_221 : i32 to index
          %get3A_234 = arith.constant 16 : index
          %get3A_235 = tpu.vector_load %arg9[%get3A_233, %get3A_234] {strides = array<i32>} : memref<416x128xf32, #tpu.memory_space<vmem>>, vector<16xf32>,
          %get3A_236 = arith.index_cast %rem3A_99 : i32 to index
          %get3A_237 = arith.index_cast %scan3A_214 : i32 to index
          %get3A_238 = arith.constant 16 : index
          %get3A_239 = tpu.vector_load %arg8[%get3A_236, %get3A_237, %get3A_238] {strides = array<i32>} : memref<2x128x128xf32, #tpu.memory_space<vmem>>, vector<16xf32>,
          %max3A_240 = arith.maximumf %get3A_235, %get3A_239 : vector<16xf32>
          %swap3A_241 = arith.index_cast %squeeze3A_221 : i32 to index
          %swap3A_242 = arith.constant 16 : index
          %swap3A_243 = tpu.vector_load %arg9[%swap3A_241, %swap3A_242] {strides = array<i32>} : memref<416x128xf32, #tpu.memory_space<vmem>>, vector<16xf32>,
          tpu.vector_store %arg9[%swap3A_241, %swap3A_242], %max3A_240 {strides = array<i32>} : memref<416x128xf32, #tpu.memory_space<vmem>>, vector<16xf32>,
          %get3A_244 = arith.index_cast %squeeze3A_221 : i32 to index
          %get3A_245 = arith.constant 32 : index
          %get3A_246 = tpu.vector_load %arg9[%get3A_244, %get3A_245] {strides = array<i32>} : memref<416x128xf32, #tpu.memory_space<vmem>>, vector<16xf32>,
          %get3A_247 = arith.index_cast %rem3A_99 : i32 to index
          %get3A_248 = arith.index_cast %scan3A_214 : i32 to index
          %get3A_249 = arith.constant 32 : index
          %get3A_250 = tpu.vector_load %arg8[%get3A_247, %get3A_248, %get3A_249] {strides = array<i32>} : memref<2x128x128xf32, #tpu.memory_space<vmem>>, vector<16xf32>,
          %max3A_251 = arith.maximumf %get3A_246, %get3A_250 : vector<16xf32>
          %swap3A_252 = arith.index_cast %squeeze3A_221 : i32 to index
          %swap3A_253 = arith.constant 32 : index
          %swap3A_254 = tpu.vector_load %arg9[%swap3A_252, %swap3A_253] {strides = array<i32>} : memref<416x128xf32, #tpu.memory_space<vmem>>, vector<16xf32>,
          tpu.vector_store %arg9[%swap3A_252, %swap3A_253], %max3A_251 {strides = array<i32>} : memref<416x128xf32, #tpu.memory_space<vmem>>, vector<16xf32>,
          %get3A_255 = arith.index_cast %squeeze3A_221 : i32 to index
          %get3A_256 = arith.constant 48 : index
          %get3A_257 = tpu.vector_load %arg9[%get3A_255, %get3A_256] {strides = array<i32>} : memref<416x128xf32, #tpu.memory_space<vmem>>, vector<16xf32>,
          %get3A_258 = arith.index_cast %rem3A_99 : i32 to index
          %get3A_259 = arith.index_cast %scan3A_214 : i32 to index
          %get3A_260 = arith.constant 48 : index
          %get3A_261 = tpu.vector_load %arg8[%get3A_258, %get3A_259, %get3A_260] {strides = array<i32>} : memref<2x128x128xf32, #tpu.memory_space<vmem>>, vector<16xf32>,
          %max3A_262 = arith.maximumf %get3A_257, %get3A_261 : vector<16xf32>
          %swap3A_263 = arith.index_cast %squeeze3A_221 : i32 to index
          %swap3A_264 = arith.constant 48 : index
          %swap3A_265 = tpu.vector_load %arg9[%swap3A_263, %swap3A_264] {strides = array<i32>} : memref<416x128xf32, #tpu.memory_space<vmem>>, vector<16xf32>,
          tpu.vector_store %arg9[%swap3A_263, %swap3A_264], %max3A_262 {strides = array<i32>} : memref<416x128xf32, #tpu.memory_space<vmem>>, vector<16xf32>,
          %get3A_266 = arith.index_cast %squeeze3A_221 : i32 to index
          %get3A_267 = arith.constant 64 : index
          %get3A_268 = tpu.vector_load %arg9[%get3A_266, %get3A_267] {strides = array<i32>} : memref<416x128xf32, #tpu.memory_space<vmem>>, vector<16xf32>,
          %get3A_269 = arith.index_cast %rem3A_99 : i32 to index
          %get3A_270 = arith.index_cast %scan3A_214 : i32 to index
          %get3A_271 = arith.constant 64 : index
          %get3A_272 = tpu.vector_load %arg8[%get3A_269, %get3A_270, %get3A_271] {strides = array<i32>} : memref<2x128x128xf32, #tpu.memory_space<vmem>>, vector<16xf32>,
          %max3A_273 = arith.maximumf %get3A_268, %get3A_272 : vector<16xf32>
          %swap3A_274 = arith.index_cast %squeeze3A_221 : i32 to index
          %swap3A_275 = arith.constant 64 : index
          %swap3A_276 = tpu.vector_load %arg9[%swap3A_274, %swap3A_275] {strides = array<i32>} : memref<416x128xf32, #tpu.memory_space<vmem>>, vector<16xf32>,
          tpu.vector_store %arg9[%swap3A_274, %swap3A_275], %max3A_273 {strides = array<i32>} : memref<416x128xf32, #tpu.memory_space<vmem>>, vector<16xf32>,
          %get3A_277 = arith.index_cast %squeeze3A_221 : i32 to index
          %get3A_278 = arith.constant 80 : index
          %get3A_279 = tpu.vector_load %arg9[%get3A_277, %get3A_278] {strides = array<i32>} : memref<416x128xf32, #tpu.memory_space<vmem>>, vector<16xf32>,
          %get3A_280 = arith.index_cast %rem3A_99 : i32 to index
          %get3A_281 = arith.index_cast %scan3A_214 : i32 to index
          %get3A_282 = arith.constant 80 : index
          %get3A_283 = tpu.vector_load %arg8[%get3A_280, %get3A_281, %get3A_282] {strides = array<i32>} : memref<2x128x128xf32, #tpu.memory_space<vmem>>, vector<16xf32>,
          %max3A_284 = arith.maximumf %get3A_279, %get3A_283 : vector<16xf32>
          %swap3A_285 = arith.index_cast %squeeze3A_221 : i32 to index
          %swap3A_286 = arith.constant 80 : index
          %swap3A_287 = tpu.vector_load %arg9[%swap3A_285, %swap3A_286] {strides = array<i32>} : memref<416x128xf32, #tpu.memory_space<vmem>>, vector<16xf32>,
          tpu.vector_store %arg9[%swap3A_285, %swap3A_286], %max3A_284 {strides = array<i32>} : memref<416x128xf32, #tpu.memory_space<vmem>>, vector<16xf32>,
          %get3A_288 = arith.index_cast %squeeze3A_221 : i32 to index
          %get3A_289 = arith.constant 96 : index
          %get3A_290 = tpu.vector_load %arg9[%get3A_288, %get3A_289] {strides = array<i32>} : memref<416x128xf32, #tpu.memory_space<vmem>>, vector<16xf32>,
          %get3A_291 = arith.index_cast %rem3A_99 : i32 to index
          %get3A_292 = arith.index_cast %scan3A_214 : i32 to index
          %get3A_293 = arith.constant 96 : index
          %get3A_294 = tpu.vector_load %arg8[%get3A_291, %get3A_292, %get3A_293] {strides = array<i32>} : memref<2x128x128xf32, #tpu.memory_space<vmem>>, vector<16xf32>,
          %max3A_295 = arith.maximumf %get3A_290, %get3A_294 : vector<16xf32>
          %swap3A_296 = arith.index_cast %squeeze3A_221 : i32 to index
          %swap3A_297 = arith.constant 96 : index
          %swap3A_298 = tpu.vector_load %arg9[%swap3A_296, %swap3A_297] {strides = array<i32>} : memref<416x128xf32, #tpu.memory_space<vmem>>, vector<16xf32>,
          tpu.vector_store %arg9[%swap3A_296, %swap3A_297], %max3A_295 {strides = array<i32>} : memref<416x128xf32, #tpu.memory_space<vmem>>, vector<16xf32>,
          %get3A_299 = arith.index_cast %squeeze3A_221 : i32 to index
          %get3A_300 = arith.constant 112 : index
          %get3A_301 = tpu.vector_load %arg9[%get3A_299, %get3A_300] {strides = array<i32>} : memref<416x128xf32, #tpu.memory_space<vmem>>, vector<16xf32>,
          %get3A_302 = arith.index_cast %rem3A_99 : i32 to index
          %get3A_303 = arith.index_cast %scan3A_214 : i32 to index
          %get3A_304 = arith.constant 112 : index
          %get3A_305 = tpu.vector_load %arg8[%get3A_302, %get3A_303, %get3A_304] {strides = array<i32>} : memref<2x128x128xf32, #tpu.memory_space<vmem>>, vector<16xf32>,
          %max3A_306 = arith.maximumf %get3A_301, %get3A_305 : vector<16xf32>
          %swap3A_307 = arith.index_cast %squeeze3A_221 : i32 to index
          %swap3A_308 = arith.constant 112 : index
          %swap3A_309 = tpu.vector_load %arg9[%swap3A_307, %swap3A_308] {strides = array<i32>} : memref<416x128xf32, #tpu.memory_space<vmem>>, vector<16xf32>,
          tpu.vector_store %arg9[%swap3A_307, %swap3A_308], %max3A_306 {strides = array<i32>} : memref<416x128xf32, #tpu.memory_space<vmem>>, vector<16xf32>,
          %scan3A_310 = arith.constant 2 : i32
          %scan3A_311 = arith.addi %scan3A_121, %scan3A_310 : i32
          %mul3A_312 = arith.constant 128 : i32
          %mul3A_313 = arith.muli %while3A_97, %mul3A_312 : i32
          %add3A_314 = arith.addi %mul3A_313, %scan3A_311 : i32
          %get3A_315 = arith.index_cast %add3A_314 : i32 to index
          %get3A_316 = tpu.vector_load %arg7[%get3A_315] {strides = array<i32>} : memref<10128xi32, #tpu.memory_space<vmem>>, vector<16xi32>,
          %slice3A_317 = vector.extract_strided_slice %get3A_316 {offsets = [0], sizes = [1], strides = [1]} : vector<16xi32> to vector<1xi32>
          %squeeze3A_318 = vector.extract %slice3A_317[0] : i32 from vector<1xi32>
          %get3A_319 = arith.index_cast %squeeze3A_318 : i32 to index
          %get3A_320 = arith.constant 0 : index
          %get3A_321 = tpu.vector_load %arg9[%get3A_319, %get3A_320] {strides = array<i32>} : memref<416x128xf32, #tpu.memory_space<vmem>>, vector<16xf32>,
          %get3A_322 = arith.index_cast %rem3A_99 : i32 to index
          %get3A_323 = arith.index_cast %scan3A_311 : i32 to index
          %get3A_324 = arith.constant 0 : index
          %get3A_325 = tpu.vector_load %arg8[%get3A_322, %get3A_323, %get3A_324] {strides = array<i32>} : memref<2x128x128xf32, #tpu.memory_space<vmem>>, vector<16xf32>,
          %max3A_326 = arith.maximumf %get3A_321, %get3A_325 : vector<16xf32>
          %swap3A_327 = arith.index_cast %squeeze3A_318 : i32 to index
          %swap3A_328 = arith.constant 0 : index
          %swap3A_329 = tpu.vector_load %arg9[%swap3A_327, %swap3A_328] {strides = array<i32>} : memref<416x128xf32, #tpu.memory_space<vmem>>, vector<16xf32>,
          tpu.vector_store %arg9[%swap3A_327, %swap3A_328], %max3A_326 {strides = array<i32>} : memref<416x128xf32, #tpu.memory_space<vmem>>, vector<16xf32>,
          %get3A_330 = arith.index_cast %squeeze3A_318 : i32 to index
          %get3A_331 = arith.constant 16 : index
          %get3A_332 = tpu.vector_load %arg9[%get3A_330, %get3A_331] {strides = array<i32>} : memref<416x128xf32, #tpu.memory_space<vmem>>, vector<16xf32>,
          %get3A_333 = arith.index_cast %rem3A_99 : i32 to index
          %get3A_334 = arith.index_cast %scan3A_311 : i32 to index
          %get3A_335 = arith.constant 16 : index
          %get3A_336 = tpu.vector_load %arg8[%get3A_333, %get3A_334, %get3A_335] {strides = array<i32>} : memref<2x128x128xf32, #tpu.memory_space<vmem>>, vector<16xf32>,
          %max3A_337 = arith.maximumf %get3A_332, %get3A_336 : vector<16xf32>
          %swap3A_338 = arith.index_cast %squeeze3A_318 : i32 to index
          %swap3A_339 = arith.constant 16 : index
          %swap3A_340 = tpu.vector_load %arg9[%swap3A_338, %swap3A_339] {strides = array<i32>} : memref<416x128xf32, #tpu.memory_space<vmem>>, vector<16xf32>,
          tpu.vector_store %arg9[%swap3A_338, %swap3A_339], %max3A_337 {strides = array<i32>} : memref<416x128xf32, #tpu.memory_space<vmem>>, vector<16xf32>,
          %get3A_341 = arith.index_cast %squeeze3A_318 : i32 to index
          %get3A_342 = arith.constant 32 : index
          %get3A_343 = tpu.vector_load %arg9[%get3A_341, %get3A_342] {strides = array<i32>} : memref<416x128xf32, #tpu.memory_space<vmem>>, vector<16xf32>,
          %get3A_344 = arith.index_cast %rem3A_99 : i32 to index
          %get3A_345 = arith.index_cast %scan3A_311 : i32 to index
          %get3A_346 = arith.constant 32 : index
          %get3A_347 = tpu.vector_load %arg8[%get3A_344, %get3A_345, %get3A_346] {strides = array<i32>} : memref<2x128x128xf32, #tpu.memory_space<vmem>>, vector<16xf32>,
          %max3A_348 = arith.maximumf %get3A_343, %get3A_347 : vector<16xf32>
          %swap3A_349 = arith.index_cast %squeeze3A_318 : i32 to index
          %swap3A_350 = arith.constant 32 : index
          %swap3A_351 = tpu.vector_load %arg9[%swap3A_349, %swap3A_350] {strides = array<i32>} : memref<416x128xf32, #tpu.memory_space<vmem>>, vector<16xf32>,
          tpu.vector_store %arg9[%swap3A_349, %swap3A_350], %max3A_348 {strides = array<i32>} : memref<416x128xf32, #tpu.memory_space<vmem>>, vector<16xf32>,
          %get3A_352 = arith.index_cast %squeeze3A_318 : i32 to index
          %get3A_353 = arith.constant 48 : index
          %get3A_354 = tpu.vector_load %arg9[%get3A_352, %get3A_353] {strides = array<i32>} : memref<416x128xf32, #tpu.memory_space<vmem>>, vector<16xf32>,
          %get3A_355 = arith.index_cast %rem3A_99 : i32 to index
          %get3A_356 = arith.index_cast %scan3A_311 : i32 to index
          %get3A_357 = arith.constant 48 : index
          %get3A_358 = tpu.vector_load %arg8[%get3A_355, %get3A_356, %get3A_357] {strides = array<i32>} : memref<2x128x128xf32, #tpu.memory_space<vmem>>, vector<16xf32>,
          %max3A_359 = arith.maximumf %get3A_354, %get3A_358 : vector<16xf32>
          %swap3A_360 = arith.index_cast %squeeze3A_318 : i32 to index
          %swap3A_361 = arith.constant 48 : index
          %swap3A_362 = tpu.vector_load %arg9[%swap3A_360, %swap3A_361] {strides = array<i32>} : memref<416x128xf32, #tpu.memory_space<vmem>>, vector<16xf32>,
          tpu.vector_store %arg9[%swap3A_360, %swap3A_361], %max3A_359 {strides = array<i32>} : memref<416x128xf32, #tpu.memory_space<vmem>>, vector<16xf32>,
          %get3A_363 = arith.index_cast %squeeze3A_318 : i32 to index
          %get3A_364 = arith.constant 64 : index
          %get3A_365 = tpu.vector_load %arg9[%get3A_363, %get3A_364] {strides = array<i32>} : memref<416x128xf32, #tpu.memory_space<vmem>>, vector<16xf32>,
          %get3A_366 = arith.index_cast %rem3A_99 : i32 to index
          %get3A_367 = arith.index_cast %scan3A_311 : i32 to index
          %get3A_368 = arith.constant 64 : index
          %get3A_369 = tpu.vector_load %arg8[%get3A_366, %get3A_367, %get3A_368] {strides = array<i32>} : memref<2x128x128xf32, #tpu.memory_space<vmem>>, vector<16xf32>,
          %max3A_370 = arith.maximumf %get3A_365, %get3A_369 : vector<16xf32>
          %swap3A_371 = arith.index_cast %squeeze3A_318 : i32 to index
          %swap3A_372 = arith.constant 64 : index
          %swap3A_373 = tpu.vector_load %arg9[%swap3A_371, %swap3A_372] {strides = array<i32>} : memref<416x128xf32, #tpu.memory_space<vmem>>, vector<16xf32>,
          tpu.vector_store %arg9[%swap3A_371, %swap3A_372], %max3A_370 {strides = array<i32>} : memref<416x128xf32, #tpu.memory_space<vmem>>, vector<16xf32>,
          %get3A_374 = arith.index_cast %squeeze3A_318 : i32 to index
          %get3A_375 = arith.constant 80 : index
          %get3A_376 = tpu.vector_load %arg9[%get3A_374, %get3A_375] {strides = array<i32>} : memref<416x128xf32, #tpu.memory_space<vmem>>, vector<16xf32>,
          %get3A_377 = arith.index_cast %rem3A_99 : i32 to index
          %get3A_378 = arith.index_cast %scan3A_311 : i32 to index
          %get3A_379 = arith.constant 80 : index
          %get3A_380 = tpu.vector_load %arg8[%get3A_377, %get3A_378, %get3A_379] {strides = array<i32>} : memref<2x128x128xf32, #tpu.memory_space<vmem>>, vector<16xf32>,
          %max3A_381 = arith.maximumf %get3A_376, %get3A_380 : vector<16xf32>
          %swap3A_382 = arith.index_cast %squeeze3A_318 : i32 to index
          %swap3A_383 = arith.constant 80 : index
          %swap3A_384 = tpu.vector_load %arg9[%swap3A_382, %swap3A_383] {strides = array<i32>} : memref<416x128xf32, #tpu.memory_space<vmem>>, vector<16xf32>,
          tpu.vector_store %arg9[%swap3A_382, %swap3A_383], %max3A_381 {strides = array<i32>} : memref<416x128xf32, #tpu.memory_space<vmem>>, vector<16xf32>,
          %get3A_385 = arith.index_cast %squeeze3A_318 : i32 to index
          %get3A_386 = arith.constant 96 : index
          %get3A_387 = tpu.vector_load %arg9[%get3A_385, %get3A_386] {strides = array<i32>} : memref<416x128xf32, #tpu.memory_space<vmem>>, vector<16xf32>,
          %get3A_388 = arith.index_cast %rem3A_99 : i32 to index
          %get3A_389 = arith.index_cast %scan3A_311 : i32 to index
          %get3A_390 = arith.constant 96 : index
          %get3A_391 = tpu.vector_load %arg8[%get3A_388, %get3A_389, %get3A_390] {strides = array<i32>} : memref<2x128x128xf32, #tpu.memory_space<vmem>>, vector<16xf32>,
          %max3A_392 = arith.maximumf %get3A_387, %get3A_391 : vector<16xf32>
          %swap3A_393 = arith.index_cast %squeeze3A_318 : i32 to index
          %swap3A_394 = arith.constant 96 : index
          %swap3A_395 = tpu.vector_load %arg9[%swap3A_393, %swap3A_394] {strides = array<i32>} : memref<416x128xf32, #tpu.memory_space<vmem>>, vector<16xf32>,
          tpu.vector_store %arg9[%swap3A_393, %swap3A_394], %max3A_392 {strides = array<i32>} : memref<416x128xf32, #tpu.memory_space<vmem>>, vector<16xf32>,
          %get3A_396 = arith.index_cast %squeeze3A_318 : i32 to index
          %get3A_397 = arith.constant 112 : index
          %get3A_398 = tpu.vector_load %arg9[%get3A_396, %get3A_397] {strides = array<i32>} : memref<416x128xf32, #tpu.memory_space<vmem>>, vector<16xf32>,
          %get3A_399 = arith.index_cast %rem3A_99 : i32 to index
          %get3A_400 = arith.index_cast %scan3A_311 : i32 to index
          %get3A_401 = arith.constant 112 : index
          %get3A_402 = tpu.vector_load %arg8[%get3A_399, %get3A_400, %get3A_401] {strides = array<i32>} : memref<2x128x128xf32, #tpu.memory_space<vmem>>, vector<16xf32>,
          %max3A_403 = arith.maximumf %get3A_398, %get3A_402 : vector<16xf32>
          %swap3A_404 = arith.index_cast %squeeze3A_318 : i32 to index
          %swap3A_405 = arith.constant 112 : index
          %swap3A_406 = tpu.vector_load %arg9[%swap3A_404, %swap3A_405] {strides = array<i32>} : memref<416x128xf32, #tpu.memory_space<vmem>>, vector<16xf32>,
          tpu.vector_store %arg9[%swap3A_404, %swap3A_405], %max3A_403 {strides = array<i32>} : memref<416x128xf32, #tpu.memory_space<vmem>>, vector<16xf32>,
          %scan3A_407 = arith.constant 3 : i32
          %scan3A_408 = arith.addi %scan3A_121, %scan3A_407 : i32
          %mul3A_409 = arith.constant 128 : i32
          %mul3A_410 = arith.muli %while3A_97, %mul3A_409 : i32
          %add3A_411 = arith.addi %mul3A_410, %scan3A_408 : i32
          %get3A_412 = arith.index_cast %add3A_411 : i32 to index
          %get3A_413 = tpu.vector_load %arg7[%get3A_412] {strides = array<i32>} : memref<10128xi32, #tpu.memory_space<vmem>>, vector<16xi32>,
          %slice3A_414 = vector.extract_strided_slice %get3A_413 {offsets = [0], sizes = [1], strides = [1]} : vector<16xi32> to vector<1xi32>
          %squeeze3A_415 = vector.extract %slice3A_414[0] : i32 from vector<1xi32>
          %get3A_416 = arith.index_cast %squeeze3A_415 : i32 to index
          %get3A_417 = arith.constant 0 : index
          %get3A_418 = tpu.vector_load %arg9[%get3A_416, %get3A_417] {strides = array<i32>} : memref<416x128xf32, #tpu.memory_space<vmem>>, vector<16xf32>,
          %get3A_419 = arith.index_cast %rem3A_99 : i32 to index
          %get3A_420 = arith.index_cast %scan3A_408 : i32 to index
          %get3A_421 = arith.constant 0 : index
          %get3A_422 = tpu.vector_load %arg8[%get3A_419, %get3A_420, %get3A_421] {strides = array<i32>} : memref<2x128x128xf32, #tpu.memory_space<vmem>>, vector<16xf32>,
          %max3A_423 = arith.maximumf %get3A_418, %get3A_422 : vector<16xf32>
          %swap3A_424 = arith.index_cast %squeeze3A_415 : i32 to index
          %swap3A_425 = arith.constant 0 : index
          %swap3A_426 = tpu.vector_load %arg9[%swap3A_424, %swap3A_425] {strides = array<i32>} : memref<416x128xf32, #tpu.memory_space<vmem>>, vector<16xf32>,
          tpu.vector_store %arg9[%swap3A_424, %swap3A_425], %max3A_423 {strides = array<i32>} : memref<416x128xf32, #tpu.memory_space<vmem>>, vector<16xf32>,
          %get3A_427 = arith.index_cast %squeeze3A_415 : i32 to index
          %get3A_428 = arith.constant 16 : index
          %get3A_429 = tpu.vector_load %arg9[%get3A_427, %get3A_428] {strides = array<i32>} : memref<416x128xf32, #tpu.memory_space<vmem>>, vector<16xf32>,
          %get3A_430 = arith.index_cast %rem3A_99 : i32 to index
          %get3A_431 = arith.index_cast %scan3A_408 : i32 to index
          %get3A_432 = arith.constant 16 : index
          %get3A_433 = tpu.vector_load %arg8[%get3A_430, %get3A_431, %get3A_432] {strides = array<i32>} : memref<2x128x128xf32, #tpu.memory_space<vmem>>, vector<16xf32>,
          %max3A_434 = arith.maximumf %get3A_429, %get3A_433 : vector<16xf32>
          %swap3A_435 = arith.index_cast %squeeze3A_415 : i32 to index
          %swap3A_436 = arith.constant 16 : index
          %swap3A_437 = tpu.vector_load %arg9[%swap3A_435, %swap3A_436] {strides = array<i32>} : memref<416x128xf32, #tpu.memory_space<vmem>>, vector<16xf32>,
          tpu.vector_store %arg9[%swap3A_435, %swap3A_436], %max3A_434 {strides = array<i32>} : memref<416x128xf32, #tpu.memory_space<vmem>>, vector<16xf32>,
          %get3A_438 = arith.index_cast %squeeze3A_415 : i32 to index
          %get3A_439 = arith.constant 32 : index
          %get3A_440 = tpu.vector_load %arg9[%get3A_438, %get3A_439] {strides = array<i32>} : memref<416x128xf32, #tpu.memory_space<vmem>>, vector<16xf32>,
          %get3A_441 = arith.index_cast %rem3A_99 : i32 to index
          %get3A_442 = arith.index_cast %scan3A_408 : i32 to index
          %get3A_443 = arith.constant 32 : index
          %get3A_444 = tpu.vector_load %arg8[%get3A_441, %get3A_442, %get3A_443] {strides = array<i32>} : memref<2x128x128xf32, #tpu.memory_space<vmem>>, vector<16xf32>,
          %max3A_445 = arith.maximumf %get3A_440, %get3A_444 : vector<16xf32>
          %swap3A_446 = arith.index_cast %squeeze3A_415 : i32 to index
          %swap3A_447 = arith.constant 32 : index
          %swap3A_448 = tpu.vector_load %arg9[%swap3A_446, %swap3A_447] {strides = array<i32>} : memref<416x128xf32, #tpu.memory_space<vmem>>, vector<16xf32>,
          tpu.vector_store %arg9[%swap3A_446, %swap3A_447], %max3A_445 {strides = array<i32>} : memref<416x128xf32, #tpu.memory_space<vmem>>, vector<16xf32>,
          %get3A_449 = arith.index_cast %squeeze3A_415 : i32 to index
          %get3A_450 = arith.constant 48 : index
          %get3A_451 = tpu.vector_load %arg9[%get3A_449, %get3A_450] {strides = array<i32>} : memref<416x128xf32, #tpu.memory_space<vmem>>, vector<16xf32>,
          %get3A_452 = arith.index_cast %rem3A_99 : i32 to index
          %get3A_453 = arith.index_cast %scan3A_408 : i32 to index
          %get3A_454 = arith.constant 48 : index
          %get3A_455 = tpu.vector_load %arg8[%get3A_452, %get3A_453, %get3A_454] {strides = array<i32>} : memref<2x128x128xf32, #tpu.memory_space<vmem>>, vector<16xf32>,
          %max3A_456 = arith.maximumf %get3A_451, %get3A_455 : vector<16xf32>
          %swap3A_457 = arith.index_cast %squeeze3A_415 : i32 to index
          %swap3A_458 = arith.constant 48 : index
          %swap3A_459 = tpu.vector_load %arg9[%swap3A_457, %swap3A_458] {strides = array<i32>} : memref<416x128xf32, #tpu.memory_space<vmem>>, vector<16xf32>,
          tpu.vector_store %arg9[%swap3A_457, %swap3A_458], %max3A_456 {strides = array<i32>} : memref<416x128xf32, #tpu.memory_space<vmem>>, vector<16xf32>,
          %get3A_460 = arith.index_cast %squeeze3A_415 : i32 to index
          %get3A_461 = arith.constant 64 : index
          %get3A_462 = tpu.vector_load %arg9[%get3A_460, %get3A_461] {strides = array<i32>} : memref<416x128xf32, #tpu.memory_space<vmem>>, vector<16xf32>,
          %get3A_463 = arith.index_cast %rem3A_99 : i32 to index
          %get3A_464 = arith.index_cast %scan3A_408 : i32 to index
          %get3A_465 = arith.constant 64 : index
          %get3A_466 = tpu.vector_load %arg8[%get3A_463, %get3A_464, %get3A_465] {strides = array<i32>} : memref<2x128x128xf32, #tpu.memory_space<vmem>>, vector<16xf32>,
          %max3A_467 = arith.maximumf %get3A_462, %get3A_466 : vector<16xf32>
          %swap3A_468 = arith.index_cast %squeeze3A_415 : i32 to index
          %swap3A_469 = arith.constant 64 : index
          %swap3A_470 = tpu.vector_load %arg9[%swap3A_468, %swap3A_469] {strides = array<i32>} : memref<416x128xf32, #tpu.memory_space<vmem>>, vector<16xf32>,
          tpu.vector_store %arg9[%swap3A_468, %swap3A_469], %max3A_467 {strides = array<i32>} : memref<416x128xf32, #tpu.memory_space<vmem>>, vector<16xf32>,
          %get3A_471 = arith.index_cast %squeeze3A_415 : i32 to index
          %get3A_472 = arith.constant 80 : index
          %get3A_473 = tpu.vector_load %arg9[%get3A_471, %get3A_472] {strides = array<i32>} : memref<416x128xf32, #tpu.memory_space<vmem>>, vector<16xf32>,
          %get3A_474 = arith.index_cast %rem3A_99 : i32 to index
          %get3A_475 = arith.index_cast %scan3A_408 : i32 to index
          %get3A_476 = arith.constant 80 : index
          %get3A_477 = tpu.vector_load %arg8[%get3A_474, %get3A_475, %get3A_476] {strides = array<i32>} : memref<2x128x128xf32, #tpu.memory_space<vmem>>, vector<16xf32>,
          %max3A_478 = arith.maximumf %get3A_473, %get3A_477 : vector<16xf32>
          %swap3A_479 = arith.index_cast %squeeze3A_415 : i32 to index
          %swap3A_480 = arith.constant 80 : index
          %swap3A_481 = tpu.vector_load %arg9[%swap3A_479, %swap3A_480] {strides = array<i32>} : memref<416x128xf32, #tpu.memory_space<vmem>>, vector<16xf32>,
          tpu.vector_store %arg9[%swap3A_479, %swap3A_480], %max3A_478 {strides = array<i32>} : memref<416x128xf32, #tpu.memory_space<vmem>>, vector<16xf32>,
          %get3A_482 = arith.index_cast %squeeze3A_415 : i32 to index
          %get3A_483 = arith.constant 96 : index
          %get3A_484 = tpu.vector_load %arg9[%get3A_482, %get3A_483] {strides = array<i32>} : memref<416x128xf32, #tpu.memory_space<vmem>>, vector<16xf32>,
          %get3A_485 = arith.index_cast %rem3A_99 : i32 to index
          %get3A_486 = arith.index_cast %scan3A_408 : i32 to index
          %get3A_487 = arith.constant 96 : index
          %get3A_488 = tpu.vector_load %arg8[%get3A_485, %get3A_486, %get3A_487] {strides = array<i32>} : memref<2x128x128xf32, #tpu.memory_space<vmem>>, vector<16xf32>,
          %max3A_489 = arith.maximumf %get3A_484, %get3A_488 : vector<16xf32>
          %swap3A_490 = arith.index_cast %squeeze3A_415 : i32 to index
          %swap3A_491 = arith.constant 96 : index
          %swap3A_492 = tpu.vector_load %arg9[%swap3A_490, %swap3A_491] {strides = array<i32>} : memref<416x128xf32, #tpu.memory_space<vmem>>, vector<16xf32>,
          tpu.vector_store %arg9[%swap3A_490, %swap3A_491], %max3A_489 {strides = array<i32>} : memref<416x128xf32, #tpu.memory_space<vmem>>, vector<16xf32>,
          %get3A_493 = arith.index_cast %squeeze3A_415 : i32 to index
          %get3A_494 = arith.constant 112 : index
          %get3A_495 = tpu.vector_load %arg9[%get3A_493, %get3A_494] {strides = array<i32>} : memref<416x128xf32, #tpu.memory_space<vmem>>, vector<16xf32>,
          %get3A_496 = arith.index_cast %rem3A_99 : i32 to index
          %get3A_497 = arith.index_cast %scan3A_408 : i32 to index
          %get3A_498 = arith.constant 112 : index
          %get3A_499 = tpu.vector_load %arg8[%get3A_496, %get3A_497, %get3A_498] {strides = array<i32>} : memref<2x128x128xf32, #tpu.memory_space<vmem>>, vector<16xf32>,
          %max3A_500 = arith.maximumf %get3A_495, %get3A_499 : vector<16xf32>
          %swap3A_501 = arith.index_cast %squeeze3A_415 : i32 to index
          %swap3A_502 = arith.constant 112 : index
          %swap3A_503 = tpu.vector_load %arg9[%swap3A_501, %swap3A_502] {strides = array<i32>} : memref<416x128xf32, #tpu.memory_space<vmem>>, vector<16xf32>,
          tpu.vector_store %arg9[%swap3A_501, %swap3A_502], %max3A_500 {strides = array<i32>} : memref<416x128xf32, #tpu.memory_space<vmem>>, vector<16xf32>,
        }
        %scan3A_120 = arith.constant 128 : i32
        "tpu.trace_stop"() : () -> ()
      }
      %while3A_96 = arith.constant 1 : i32
      scf.for %while3A_97 = %while3A_94 to %while3A_90 step %while3A_96  : i32 {
        %rem3A_98 = arith.constant 2 : i32
        %rem3A_99 = arith.remsi %while3A_97, %rem3A_98 : i32
        %add3A_100 = arith.constant 1 : i32
        %add3A_101 = arith.addi %while3A_97, %add3A_100 : i32
        %lt3A_102 = arith.cmpi slt, %add3A_101, %select_n3A : i32
        %convert_element_type3A_103 = arith.extui %lt3A_102 : i1 to i32
        %cond3A_104 = arith.constant 0 : i32
        %cond3A_105 = arith.cmpi ne, %convert_element_type3A_103, %cond3A_104 : i32
        scf.if %cond3A_105 {
          %add3A_121 = arith.constant 1 : i32
          %add3A_122 = arith.addi %while3A_97, %add3A_121 : i32
          %sub3A_123 = arith.constant 1 : i32
          %sub3A_124 = arith.subi %sub3A_123, %rem3A_99 : i32
          %mul3A_125 = arith.constant 128 : i32
          %mul3A_126 = arith.muli %add3A_122, %mul3A_125 : i32
          %dma_start3A = arith.constant 0 : i32
          %dma_start3A_127 = arith.constant 0 : i32
          %dma_start3A_128 = tpu.memref_slice %arg8[%sub3A_124, %dma_start3A, %dma_start3A_127] : memref<2x128x128xf32, #tpu.memory_space<vmem>> -> memref<1x128x128xf32, #tpu.memory_space<vmem>>
          %dma_start3A_129 = tpu.memref_squeeze %dma_start3A_128 : memref<1x128x128xf32, #tpu.memory_space<vmem>> -> memref<128x128xf32, #tpu.memory_space<vmem>>
          %dma_start3A_130 = tpu.memref_slice %arg6[%mul3A_126] : memref<10128xi32, #tpu.memory_space<vmem>> -> memref<128xi32, #tpu.memory_space<vmem>>
          %dma_start3A_131 = arith.constant 0 : i32
          %dma_start3A_132 = arith.constant 0 : i32
          %dma_start3A_133 = tpu.memref_slice %arg2[%dma_start3A_131, %dma_start3A_132] : memref<320000x128xf32, #tpu.memory_space<hbm>> -> memref<320000x128xf32, #tpu.memory_space<hbm>>
          tpu.enqueue_indirect_dma source(%dma_start3A_133 : memref<320000x128xf32, #tpu.memory_space<hbm>>) target(%dma_start3A_129 : memref<128x128xf32, #tpu.memory_space<vmem>>) offsets(%dma_start3A_130 : memref<128xi32, #tpu.memory_space<vmem>>) semaphore(%arg10 : memref<!tpu.dma_semaphore, #tpu.memory_space<semaphore_mem>>)
        } else {
        }
        %mul3A_106 = arith.constant 128 : i32
        %mul3A_107 = arith.muli %while3A_97, %mul3A_106 : i32
        %dma_wait3A = arith.constant 0 : i32
        %dma_wait3A_108 = arith.constant 0 : i32
        %dma_wait3A_109 = tpu.memref_slice %arg8[%rem3A_99, %dma_wait3A, %dma_wait3A_108] : memref<2x128x128xf32, #tpu.memory_space<vmem>> -> memref<1x128x128xf32, #tpu.memory_space<vmem>>
        %dma_wait3A_110 = tpu.memref_squeeze %dma_wait3A_109 : memref<1x128x128xf32, #tpu.memory_space<vmem>> -> memref<128x128xf32, #tpu.memory_space<vmem>>
        %dma_wait3A_111 = tpu.memref_slice %arg6[%mul3A_107] : memref<10128xi32, #tpu.memory_space<vmem>> -> memref<128xi32, #tpu.memory_space<vmem>>
        %dma_wait3A_112 = arith.constant 0 : i32
        %dma_wait3A_113 = arith.constant 0 : i32
        %dma_wait3A_114 = tpu.memref_slice %arg2[%dma_wait3A_112, %dma_wait3A_113] : memref<320000x128xf32, #tpu.memory_space<hbm>> -> memref<320000x128xf32, #tpu.memory_space<hbm>>
        tpu.wait_indirect_dma semaphore(%arg10 : memref<!tpu.dma_semaphore, #tpu.memory_space<semaphore_mem>>) src(%dma_wait3A_114 : memref<320000x128xf32, #tpu.memory_space<hbm>>) dst(%dma_wait3A_110 : memref<128x128xf32, #tpu.memory_space<vmem>>)
        "tpu.trace_start"() <{level = 10 : i32, message = "smax_rmw"}> : () -> ()
        %scan3A_115 = arith.constant 0 : i32
        %scan3A_116 = arith.constant 0 : i32
        %scan3A_117 = arith.constant 128 : i32
        %scan3A_118 = arith.addi %scan3A_116, %scan3A_117 : i32
        %scan3A_119 = arith.constant 4 : i32
        scf.for %scan3A_121 = %scan3A_116 to %scan3A_118 step %scan3A_119  : i32 {
          %mul3A_122 = arith.constant 128 : i32
          %mul3A_123 = arith.muli %while3A_97, %mul3A_122 : i32
          %add3A_124 = arith.addi %mul3A_123, %scan3A_121 : i32
          %get3A_125 = arith.index_cast %add3A_124 : i32 to index
          %get3A_126 = tpu.vector_load %arg7[%get3A_125] {strides = array<i32>} : memref<10128xi32, #tpu.memory_space<vmem>>, vector<16xi32>,
          %slice3A = vector.extract_strided_slice %get3A_126 {offsets = [0], sizes = [1], strides = [1]} : vector<16xi32> to vector<1xi32>
          %squeeze3A = vector.extract %slice3A[0] : i32 from vector<1xi32>
          %get3A_127 = arith.index_cast %squeeze3A : i32 to index
          %get3A_128 = arith.constant 0 : index
          %get3A_129 = tpu.vector_load %arg9[%get3A_127, %get3A_128] {strides = array<i32>} : memref<416x128xf32, #tpu.memory_space<vmem>>, vector<16xf32>,
          %get3A_130 = arith.index_cast %rem3A_99 : i32 to index
          %get3A_131 = arith.index_cast %scan3A_121 : i32 to index
          %get3A_132 = arith.constant 0 : index
          %get3A_133 = tpu.vector_load %arg8[%get3A_130, %get3A_131, %get3A_132] {strides = array<i32>} : memref<2x128x128xf32, #tpu.memory_space<vmem>>, vector<16xf32>,
          %max3A = arith.maximumf %get3A_129, %get3A_133 : vector<16xf32>
          %swap3A = arith.index_cast %squeeze3A : i32 to index
          %swap3A_134 = arith.constant 0 : index
          %swap3A_135 = tpu.vector_load %arg9[%swap3A, %swap3A_134] {strides = array<i32>} : memref<416x128xf32, #tpu.memory_space<vmem>>, vector<16xf32>,
          tpu.vector_store %arg9[%swap3A, %swap3A_134], %max3A {strides = array<i32>} : memref<416x128xf32, #tpu.memory_space<vmem>>, vector<16xf32>,
          %get3A_136 = arith.index_cast %squeeze3A : i32 to index
          %get3A_137 = arith.constant 16 : index
          %get3A_138 = tpu.vector_load %arg9[%get3A_136, %get3A_137] {strides = array<i32>} : memref<416x128xf32, #tpu.memory_space<vmem>>, vector<16xf32>,
          %get3A_139 = arith.index_cast %rem3A_99 : i32 to index
          %get3A_140 = arith.index_cast %scan3A_121 : i32 to index
          %get3A_141 = arith.constant 16 : index
          %get3A_142 = tpu.vector_load %arg8[%get3A_139, %get3A_140, %get3A_141] {strides = array<i32>} : memref<2x128x128xf32, #tpu.memory_space<vmem>>, vector<16xf32>,
          %max3A_143 = arith.maximumf %get3A_138, %get3A_142 : vector<16xf32>
          %swap3A_144 = arith.index_cast %squeeze3A : i32 to index
          %swap3A_145 = arith.constant 16 : index
          %swap3A_146 = tpu.vector_load %arg9[%swap3A_144, %swap3A_145] {strides = array<i32>} : memref<416x128xf32, #tpu.memory_space<vmem>>, vector<16xf32>,
          tpu.vector_store %arg9[%swap3A_144, %swap3A_145], %max3A_143 {strides = array<i32>} : memref<416x128xf32, #tpu.memory_space<vmem>>, vector<16xf32>,
          %get3A_147 = arith.index_cast %squeeze3A : i32 to index
          %get3A_148 = arith.constant 32 : index
          %get3A_149 = tpu.vector_load %arg9[%get3A_147, %get3A_148] {strides = array<i32>} : memref<416x128xf32, #tpu.memory_space<vmem>>, vector<16xf32>,
          %get3A_150 = arith.index_cast %rem3A_99 : i32 to index
          %get3A_151 = arith.index_cast %scan3A_121 : i32 to index
          %get3A_152 = arith.constant 32 : index
          %get3A_153 = tpu.vector_load %arg8[%get3A_150, %get3A_151, %get3A_152] {strides = array<i32>} : memref<2x128x128xf32, #tpu.memory_space<vmem>>, vector<16xf32>,
          %max3A_154 = arith.maximumf %get3A_149, %get3A_153 : vector<16xf32>
          %swap3A_155 = arith.index_cast %squeeze3A : i32 to index
          %swap3A_156 = arith.constant 32 : index
          %swap3A_157 = tpu.vector_load %arg9[%swap3A_155, %swap3A_156] {strides = array<i32>} : memref<416x128xf32, #tpu.memory_space<vmem>>, vector<16xf32>,
          tpu.vector_store %arg9[%swap3A_155, %swap3A_156], %max3A_154 {strides = array<i32>} : memref<416x128xf32, #tpu.memory_space<vmem>>, vector<16xf32>,
          %get3A_158 = arith.index_cast %squeeze3A : i32 to index
          %get3A_159 = arith.constant 48 : index
          %get3A_160 = tpu.vector_load %arg9[%get3A_158, %get3A_159] {strides = array<i32>} : memref<416x128xf32, #tpu.memory_space<vmem>>, vector<16xf32>,
          %get3A_161 = arith.index_cast %rem3A_99 : i32 to index
          %get3A_162 = arith.index_cast %scan3A_121 : i32 to index
          %get3A_163 = arith.constant 48 : index
          %get3A_164 = tpu.vector_load %arg8[%get3A_161, %get3A_162, %get3A_163] {strides = array<i32>} : memref<2x128x128xf32, #tpu.memory_space<vmem>>, vector<16xf32>,
          %max3A_165 = arith.maximumf %get3A_160, %get3A_164 : vector<16xf32>
          %swap3A_166 = arith.index_cast %squeeze3A : i32 to index
          %swap3A_167 = arith.constant 48 : index
          %swap3A_168 = tpu.vector_load %arg9[%swap3A_166, %swap3A_167] {strides = array<i32>} : memref<416x128xf32, #tpu.memory_space<vmem>>, vector<16xf32>,
          tpu.vector_store %arg9[%swap3A_166, %swap3A_167], %max3A_165 {strides = array<i32>} : memref<416x128xf32, #tpu.memory_space<vmem>>, vector<16xf32>,
          %get3A_169 = arith.index_cast %squeeze3A : i32 to index
          %get3A_170 = arith.constant 64 : index
          %get3A_171 = tpu.vector_load %arg9[%get3A_169, %get3A_170] {strides = array<i32>} : memref<416x128xf32, #tpu.memory_space<vmem>>, vector<16xf32>,
          %get3A_172 = arith.index_cast %rem3A_99 : i32 to index
          %get3A_173 = arith.index_cast %scan3A_121 : i32 to index
          %get3A_174 = arith.constant 64 : index
          %get3A_175 = tpu.vector_load %arg8[%get3A_172, %get3A_173, %get3A_174] {strides = array<i32>} : memref<2x128x128xf32, #tpu.memory_space<vmem>>, vector<16xf32>,
          %max3A_176 = arith.maximumf %get3A_171, %get3A_175 : vector<16xf32>
          %swap3A_177 = arith.index_cast %squeeze3A : i32 to index
          %swap3A_178 = arith.constant 64 : index
          %swap3A_179 = tpu.vector_load %arg9[%swap3A_177, %swap3A_178] {strides = array<i32>} : memref<416x128xf32, #tpu.memory_space<vmem>>, vector<16xf32>,
          tpu.vector_store %arg9[%swap3A_177, %swap3A_178], %max3A_176 {strides = array<i32>} : memref<416x128xf32, #tpu.memory_space<vmem>>, vector<16xf32>,
          %get3A_180 = arith.index_cast %squeeze3A : i32 to index
          %get3A_181 = arith.constant 80 : index
          %get3A_182 = tpu.vector_load %arg9[%get3A_180, %get3A_181] {strides = array<i32>} : memref<416x128xf32, #tpu.memory_space<vmem>>, vector<16xf32>,
          %get3A_183 = arith.index_cast %rem3A_99 : i32 to index
          %get3A_184 = arith.index_cast %scan3A_121 : i32 to index
          %get3A_185 = arith.constant 80 : index
          %get3A_186 = tpu.vector_load %arg8[%get3A_183, %get3A_184, %get3A_185] {strides = array<i32>} : memref<2x128x128xf32, #tpu.memory_space<vmem>>, vector<16xf32>,
          %max3A_187 = arith.maximumf %get3A_182, %get3A_186 : vector<16xf32>
          %swap3A_188 = arith.index_cast %squeeze3A : i32 to index
          %swap3A_189 = arith.constant 80 : index
          %swap3A_190 = tpu.vector_load %arg9[%swap3A_188, %swap3A_189] {strides = array<i32>} : memref<416x128xf32, #tpu.memory_space<vmem>>, vector<16xf32>,
          tpu.vector_store %arg9[%swap3A_188, %swap3A_189], %max3A_187 {strides = array<i32>} : memref<416x128xf32, #tpu.memory_space<vmem>>, vector<16xf32>,
          %get3A_191 = arith.index_cast %squeeze3A : i32 to index
          %get3A_192 = arith.constant 96 : index
          %get3A_193 = tpu.vector_load %arg9[%get3A_191, %get3A_192] {strides = array<i32>} : memref<416x128xf32, #tpu.memory_space<vmem>>, vector<16xf32>,
          %get3A_194 = arith.index_cast %rem3A_99 : i32 to index
          %get3A_195 = arith.index_cast %scan3A_121 : i32 to index
          %get3A_196 = arith.constant 96 : index
          %get3A_197 = tpu.vector_load %arg8[%get3A_194, %get3A_195, %get3A_196] {strides = array<i32>} : memref<2x128x128xf32, #tpu.memory_space<vmem>>, vector<16xf32>,
          %max3A_198 = arith.maximumf %get3A_193, %get3A_197 : vector<16xf32>
          %swap3A_199 = arith.index_cast %squeeze3A : i32 to index
          %swap3A_200 = arith.constant 96 : index
          %swap3A_201 = tpu.vector_load %arg9[%swap3A_199, %swap3A_200] {strides = array<i32>} : memref<416x128xf32, #tpu.memory_space<vmem>>, vector<16xf32>,
          tpu.vector_store %arg9[%swap3A_199, %swap3A_200], %max3A_198 {strides = array<i32>} : memref<416x128xf32, #tpu.memory_space<vmem>>, vector<16xf32>,
          %get3A_202 = arith.index_cast %squeeze3A : i32 to index
          %get3A_203 = arith.constant 112 : index
          %get3A_204 = tpu.vector_load %arg9[%get3A_202, %get3A_203] {strides = array<i32>} : memref<416x128xf32, #tpu.memory_space<vmem>>, vector<16xf32>,
          %get3A_205 = arith.index_cast %rem3A_99 : i32 to index
          %get3A_206 = arith.index_cast %scan3A_121 : i32 to index
          %get3A_207 = arith.constant 112 : index
          %get3A_208 = tpu.vector_load %arg8[%get3A_205, %get3A_206, %get3A_207] {strides = array<i32>} : memref<2x128x128xf32, #tpu.memory_space<vmem>>, vector<16xf32>,
          %max3A_209 = arith.maximumf %get3A_204, %get3A_208 : vector<16xf32>
          %swap3A_210 = arith.index_cast %squeeze3A : i32 to index
          %swap3A_211 = arith.constant 112 : index
          %swap3A_212 = tpu.vector_load %arg9[%swap3A_210, %swap3A_211] {strides = array<i32>} : memref<416x128xf32, #tpu.memory_space<vmem>>, vector<16xf32>,
          tpu.vector_store %arg9[%swap3A_210, %swap3A_211], %max3A_209 {strides = array<i32>} : memref<416x128xf32, #tpu.memory_space<vmem>>, vector<16xf32>,
          %scan3A_213 = arith.constant 1 : i32
          %scan3A_214 = arith.addi %scan3A_121, %scan3A_213 : i32
          %mul3A_215 = arith.constant 128 : i32
          %mul3A_216 = arith.muli %while3A_97, %mul3A_215 : i32
          %add3A_217 = arith.addi %mul3A_216, %scan3A_214 : i32
          %get3A_218 = arith.index_cast %add3A_217 : i32 to index
          %get3A_219 = tpu.vector_load %arg7[%get3A_218] {strides = array<i32>} : memref<10128xi32, #tpu.memory_space<vmem>>, vector<16xi32>,
          %slice3A_220 = vector.extract_strided_slice %get3A_219 {offsets = [0], sizes = [1], strides = [1]} : vector<16xi32> to vector<1xi32>
          %squeeze3A_221 = vector.extract %slice3A_220[0] : i32 from vector<1xi32>
          %get3A_222 = arith.index_cast %squeeze3A_221 : i32 to index
          %get3A_223 = arith.constant 0 : index
          %get3A_224 = tpu.vector_load %arg9[%get3A_222, %get3A_223] {strides = array<i32>} : memref<416x128xf32, #tpu.memory_space<vmem>>, vector<16xf32>,
          %get3A_225 = arith.index_cast %rem3A_99 : i32 to index
          %get3A_226 = arith.index_cast %scan3A_214 : i32 to index
          %get3A_227 = arith.constant 0 : index
          %get3A_228 = tpu.vector_load %arg8[%get3A_225, %get3A_226, %get3A_227] {strides = array<i32>} : memref<2x128x128xf32, #tpu.memory_space<vmem>>, vector<16xf32>,
          %max3A_229 = arith.maximumf %get3A_224, %get3A_228 : vector<16xf32>
          %swap3A_230 = arith.index_cast %squeeze3A_221 : i32 to index
          %swap3A_231 = arith.constant 0 : index
          %swap3A_232 = tpu.vector_load %arg9[%swap3A_230, %swap3A_231] {strides = array<i32>} : memref<416x128xf32, #tpu.memory_space<vmem>>, vector<16xf32>,
          tpu.vector_store %arg9[%swap3A_230, %swap3A_231], %max3A_229 {strides = array<i32>} : memref<416x128xf32, #tpu.memory_space<vmem>>, vector<16xf32>,
          %get3A_233 = arith.index_cast %squeeze3A_221 : i32 to index
          %get3A_234 = arith.constant 16 : index
          %get3A_235 = tpu.vector_load %arg9[%get3A_233, %get3A_234] {strides = array<i32>} : memref<416x128xf32, #tpu.memory_space<vmem>>, vector<16xf32>,
          %get3A_236 = arith.index_cast %rem3A_99 : i32 to index
          %get3A_237 = arith.index_cast %scan3A_214 : i32 to index
          %get3A_238 = arith.constant 16 : index
          %get3A_239 = tpu.vector_load %arg8[%get3A_236, %get3A_237, %get3A_238] {strides = array<i32>} : memref<2x128x128xf32, #tpu.memory_space<vmem>>, vector<16xf32>,
          %max3A_240 = arith.maximumf %get3A_235, %get3A_239 : vector<16xf32>
          %swap3A_241 = arith.index_cast %squeeze3A_221 : i32 to index
          %swap3A_242 = arith.constant 16 : index
          %swap3A_243 = tpu.vector_load %arg9[%swap3A_241, %swap3A_242] {strides = array<i32>} : memref<416x128xf32, #tpu.memory_space<vmem>>, vector<16xf32>,
          tpu.vector_store %arg9[%swap3A_241, %swap3A_242], %max3A_240 {strides = array<i32>} : memref<416x128xf32, #tpu.memory_space<vmem>>, vector<16xf32>,
          %get3A_244 = arith.index_cast %squeeze3A_221 : i32 to index
          %get3A_245 = arith.constant 32 : index
          %get3A_246 = tpu.vector_load %arg9[%get3A_244, %get3A_245] {strides = array<i32>} : memref<416x128xf32, #tpu.memory_space<vmem>>, vector<16xf32>,
          %get3A_247 = arith.index_cast %rem3A_99 : i32 to index
          %get3A_248 = arith.index_cast %scan3A_214 : i32 to index
          %get3A_249 = arith.constant 32 : index
          %get3A_250 = tpu.vector_load %arg8[%get3A_247, %get3A_248, %get3A_249] {strides = array<i32>} : memref<2x128x128xf32, #tpu.memory_space<vmem>>, vector<16xf32>,
          %max3A_251 = arith.maximumf %get3A_246, %get3A_250 : vector<16xf32>
          %swap3A_252 = arith.index_cast %squeeze3A_221 : i32 to index
          %swap3A_253 = arith.constant 32 : index
          %swap3A_254 = tpu.vector_load %arg9[%swap3A_252, %swap3A_253] {strides = array<i32>} : memref<416x128xf32, #tpu.memory_space<vmem>>, vector<16xf32>,
          tpu.vector_store %arg9[%swap3A_252, %swap3A_253], %max3A_251 {strides = array<i32>} : memref<416x128xf32, #tpu.memory_space<vmem>>, vector<16xf32>,
          %get3A_255 = arith.index_cast %squeeze3A_221 : i32 to index
          %get3A_256 = arith.constant 48 : index
          %get3A_257 = tpu.vector_load %arg9[%get3A_255, %get3A_256] {strides = array<i32>} : memref<416x128xf32, #tpu.memory_space<vmem>>, vector<16xf32>,
          %get3A_258 = arith.index_cast %rem3A_99 : i32 to index
          %get3A_259 = arith.index_cast %scan3A_214 : i32 to index
          %get3A_260 = arith.constant 48 : index
          %get3A_261 = tpu.vector_load %arg8[%get3A_258, %get3A_259, %get3A_260] {strides = array<i32>} : memref<2x128x128xf32, #tpu.memory_space<vmem>>, vector<16xf32>,
          %max3A_262 = arith.maximumf %get3A_257, %get3A_261 : vector<16xf32>
          %swap3A_263 = arith.index_cast %squeeze3A_221 : i32 to index
          %swap3A_264 = arith.constant 48 : index
          %swap3A_265 = tpu.vector_load %arg9[%swap3A_263, %swap3A_264] {strides = array<i32>} : memref<416x128xf32, #tpu.memory_space<vmem>>, vector<16xf32>,
          tpu.vector_store %arg9[%swap3A_263, %swap3A_264], %max3A_262 {strides = array<i32>} : memref<416x128xf32, #tpu.memory_space<vmem>>, vector<16xf32>,
          %get3A_266 = arith.index_cast %squeeze3A_221 : i32 to index
          %get3A_267 = arith.constant 64 : index
          %get3A_268 = tpu.vector_load %arg9[%get3A_266, %get3A_267] {strides = array<i32>} : memref<416x128xf32, #tpu.memory_space<vmem>>, vector<16xf32>,
          %get3A_269 = arith.index_cast %rem3A_99 : i32 to index
          %get3A_270 = arith.index_cast %scan3A_214 : i32 to index
          %get3A_271 = arith.constant 64 : index
          %get3A_272 = tpu.vector_load %arg8[%get3A_269, %get3A_270, %get3A_271] {strides = array<i32>} : memref<2x128x128xf32, #tpu.memory_space<vmem>>, vector<16xf32>,
          %max3A_273 = arith.maximumf %get3A_268, %get3A_272 : vector<16xf32>
          %swap3A_274 = arith.index_cast %squeeze3A_221 : i32 to index
          %swap3A_275 = arith.constant 64 : index
          %swap3A_276 = tpu.vector_load %arg9[%swap3A_274, %swap3A_275] {strides = array<i32>} : memref<416x128xf32, #tpu.memory_space<vmem>>, vector<16xf32>,
          tpu.vector_store %arg9[%swap3A_274, %swap3A_275], %max3A_273 {strides = array<i32>} : memref<416x128xf32, #tpu.memory_space<vmem>>, vector<16xf32>,
          %get3A_277 = arith.index_cast %squeeze3A_221 : i32 to index
          %get3A_278 = arith.constant 80 : index
          %get3A_279 = tpu.vector_load %arg9[%get3A_277, %get3A_278] {strides = array<i32>} : memref<416x128xf32, #tpu.memory_space<vmem>>, vector<16xf32>,
          %get3A_280 = arith.index_cast %rem3A_99 : i32 to index
          %get3A_281 = arith.index_cast %scan3A_214 : i32 to index
          %get3A_282 = arith.constant 80 : index
          %get3A_283 = tpu.vector_load %arg8[%get3A_280, %get3A_281, %get3A_282] {strides = array<i32>} : memref<2x128x128xf32, #tpu.memory_space<vmem>>, vector<16xf32>,
          %max3A_284 = arith.maximumf %get3A_279, %get3A_283 : vector<16xf32>
          %swap3A_285 = arith.index_cast %squeeze3A_221 : i32 to index
          %swap3A_286 = arith.constant 80 : index
          %swap3A_287 = tpu.vector_load %arg9[%swap3A_285, %swap3A_286] {strides = array<i32>} : memref<416x128xf32, #tpu.memory_space<vmem>>, vector<16xf32>,
          tpu.vector_store %arg9[%swap3A_285, %swap3A_286], %max3A_284 {strides = array<i32>} : memref<416x128xf32, #tpu.memory_space<vmem>>, vector<16xf32>,
          %get3A_288 = arith.index_cast %squeeze3A_221 : i32 to index
          %get3A_289 = arith.constant 96 : index
          %get3A_290 = tpu.vector_load %arg9[%get3A_288, %get3A_289] {strides = array<i32>} : memref<416x128xf32, #tpu.memory_space<vmem>>, vector<16xf32>,
          %get3A_291 = arith.index_cast %rem3A_99 : i32 to index
          %get3A_292 = arith.index_cast %scan3A_214 : i32 to index
          %get3A_293 = arith.constant 96 : index
          %get3A_294 = tpu.vector_load %arg8[%get3A_291, %get3A_292, %get3A_293] {strides = array<i32>} : memref<2x128x128xf32, #tpu.memory_space<vmem>>, vector<16xf32>,
          %max3A_295 = arith.maximumf %get3A_290, %get3A_294 : vector<16xf32>
          %swap3A_296 = arith.index_cast %squeeze3A_221 : i32 to index
          %swap3A_297 = arith.constant 96 : index
          %swap3A_298 = tpu.vector_load %arg9[%swap3A_296, %swap3A_297] {strides = array<i32>} : memref<416x128xf32, #tpu.memory_space<vmem>>, vector<16xf32>,
          tpu.vector_store %arg9[%swap3A_296, %swap3A_297], %max3A_295 {strides = array<i32>} : memref<416x128xf32, #tpu.memory_space<vmem>>, vector<16xf32>,
          %get3A_299 = arith.index_cast %squeeze3A_221 : i32 to index
          %get3A_300 = arith.constant 112 : index
          %get3A_301 = tpu.vector_load %arg9[%get3A_299, %get3A_300] {strides = array<i32>} : memref<416x128xf32, #tpu.memory_space<vmem>>, vector<16xf32>,
          %get3A_302 = arith.index_cast %rem3A_99 : i32 to index
          %get3A_303 = arith.index_cast %scan3A_214 : i32 to index
          %get3A_304 = arith.constant 112 : index
          %get3A_305 = tpu.vector_load %arg8[%get3A_302, %get3A_303, %get3A_304] {strides = array<i32>} : memref<2x128x128xf32, #tpu.memory_space<vmem>>, vector<16xf32>,
          %max3A_306 = arith.maximumf %get3A_301, %get3A_305 : vector<16xf32>
          %swap3A_307 = arith.index_cast %squeeze3A_221 : i32 to index
          %swap3A_308 = arith.constant 112 : index
          %swap3A_309 = tpu.vector_load %arg9[%swap3A_307, %swap3A_308] {strides = array<i32>} : memref<416x128xf32, #tpu.memory_space<vmem>>, vector<16xf32>,
          tpu.vector_store %arg9[%swap3A_307, %swap3A_308], %max3A_306 {strides = array<i32>} : memref<416x128xf32, #tpu.memory_space<vmem>>, vector<16xf32>,
          %scan3A_310 = arith.constant 2 : i32
          %scan3A_311 = arith.addi %scan3A_121, %scan3A_310 : i32
          %mul3A_312 = arith.constant 128 : i32
          %mul3A_313 = arith.muli %while3A_97, %mul3A_312 : i32
          %add3A_314 = arith.addi %mul3A_313, %scan3A_311 : i32
          %get3A_315 = arith.index_cast %add3A_314 : i32 to index
          %get3A_316 = tpu.vector_load %arg7[%get3A_315] {strides = array<i32>} : memref<10128xi32, #tpu.memory_space<vmem>>, vector<16xi32>,
          %slice3A_317 = vector.extract_strided_slice %get3A_316 {offsets = [0], sizes = [1], strides = [1]} : vector<16xi32> to vector<1xi32>
          %squeeze3A_318 = vector.extract %slice3A_317[0] : i32 from vector<1xi32>
          %get3A_319 = arith.index_cast %squeeze3A_318 : i32 to index
          %get3A_320 = arith.constant 0 : index
          %get3A_321 = tpu.vector_load %arg9[%get3A_319, %get3A_320] {strides = array<i32>} : memref<416x128xf32, #tpu.memory_space<vmem>>, vector<16xf32>,
          %get3A_322 = arith.index_cast %rem3A_99 : i32 to index
          %get3A_323 = arith.index_cast %scan3A_311 : i32 to index
          %get3A_324 = arith.constant 0 : index
          %get3A_325 = tpu.vector_load %arg8[%get3A_322, %get3A_323, %get3A_324] {strides = array<i32>} : memref<2x128x128xf32, #tpu.memory_space<vmem>>, vector<16xf32>,
          %max3A_326 = arith.maximumf %get3A_321, %get3A_325 : vector<16xf32>
          %swap3A_327 = arith.index_cast %squeeze3A_318 : i32 to index
          %swap3A_328 = arith.constant 0 : index
          %swap3A_329 = tpu.vector_load %arg9[%swap3A_327, %swap3A_328] {strides = array<i32>} : memref<416x128xf32, #tpu.memory_space<vmem>>, vector<16xf32>,
          tpu.vector_store %arg9[%swap3A_327, %swap3A_328], %max3A_326 {strides = array<i32>} : memref<416x128xf32, #tpu.memory_space<vmem>>, vector<16xf32>,
          %get3A_330 = arith.index_cast %squeeze3A_318 : i32 to index
          %get3A_331 = arith.constant 16 : index
          %get3A_332 = tpu.vector_load %arg9[%get3A_330, %get3A_331] {strides = array<i32>} : memref<416x128xf32, #tpu.memory_space<vmem>>, vector<16xf32>,
          %get3A_333 = arith.index_cast %rem3A_99 : i32 to index
          %get3A_334 = arith.index_cast %scan3A_311 : i32 to index
          %get3A_335 = arith.constant 16 : index
          %get3A_336 = tpu.vector_load %arg8[%get3A_333, %get3A_334, %get3A_335] {strides = array<i32>} : memref<2x128x128xf32, #tpu.memory_space<vmem>>, vector<16xf32>,
          %max3A_337 = arith.maximumf %get3A_332, %get3A_336 : vector<16xf32>
          %swap3A_338 = arith.index_cast %squeeze3A_318 : i32 to index
          %swap3A_339 = arith.constant 16 : index
          %swap3A_340 = tpu.vector_load %arg9[%swap3A_338, %swap3A_339] {strides = array<i32>} : memref<416x128xf32, #tpu.memory_space<vmem>>, vector<16xf32>,
          tpu.vector_store %arg9[%swap3A_338, %swap3A_339], %max3A_337 {strides = array<i32>} : memref<416x128xf32, #tpu.memory_space<vmem>>, vector<16xf32>,
          %get3A_341 = arith.index_cast %squeeze3A_318 : i32 to index
          %get3A_342 = arith.constant 32 : index
          %get3A_343 = tpu.vector_load %arg9[%get3A_341, %get3A_342] {strides = array<i32>} : memref<416x128xf32, #tpu.memory_space<vmem>>, vector<16xf32>,
          %get3A_344 = arith.index_cast %rem3A_99 : i32 to index
          %get3A_345 = arith.index_cast %scan3A_311 : i32 to index
          %get3A_346 = arith.constant 32 : index
          %get3A_347 = tpu.vector_load %arg8[%get3A_344, %get3A_345, %get3A_346] {strides = array<i32>} : memref<2x128x128xf32, #tpu.memory_space<vmem>>, vector<16xf32>,
          %max3A_348 = arith.maximumf %get3A_343, %get3A_347 : vector<16xf32>
          %swap3A_349 = arith.index_cast %squeeze3A_318 : i32 to index
          %swap3A_350 = arith.constant 32 : index
          %swap3A_351 = tpu.vector_load %arg9[%swap3A_349, %swap3A_350] {strides = array<i32>} : memref<416x128xf32, #tpu.memory_space<vmem>>, vector<16xf32>,
          tpu.vector_store %arg9[%swap3A_349, %swap3A_350], %max3A_348 {strides = array<i32>} : memref<416x128xf32, #tpu.memory_space<vmem>>, vector<16xf32>,
          %get3A_352 = arith.index_cast %squeeze3A_318 : i32 to index
          %get3A_353 = arith.constant 48 : index
          %get3A_354 = tpu.vector_load %arg9[%get3A_352, %get3A_353] {strides = array<i32>} : memref<416x128xf32, #tpu.memory_space<vmem>>, vector<16xf32>,
          %get3A_355 = arith.index_cast %rem3A_99 : i32 to index
          %get3A_356 = arith.index_cast %scan3A_311 : i32 to index
          %get3A_357 = arith.constant 48 : index
          %get3A_358 = tpu.vector_load %arg8[%get3A_355, %get3A_356, %get3A_357] {strides = array<i32>} : memref<2x128x128xf32, #tpu.memory_space<vmem>>, vector<16xf32>,
          %max3A_359 = arith.maximumf %get3A_354, %get3A_358 : vector<16xf32>
          %swap3A_360 = arith.index_cast %squeeze3A_318 : i32 to index
          %swap3A_361 = arith.constant 48 : index
          %swap3A_362 = tpu.vector_load %arg9[%swap3A_360, %swap3A_361] {strides = array<i32>} : memref<416x128xf32, #tpu.memory_space<vmem>>, vector<16xf32>,
          tpu.vector_store %arg9[%swap3A_360, %swap3A_361], %max3A_359 {strides = array<i32>} : memref<416x128xf32, #tpu.memory_space<vmem>>, vector<16xf32>,
          %get3A_363 = arith.index_cast %squeeze3A_318 : i32 to index
          %get3A_364 = arith.constant 64 : index
          %get3A_365 = tpu.vector_load %arg9[%get3A_363, %get3A_364] {strides = array<i32>} : memref<416x128xf32, #tpu.memory_space<vmem>>, vector<16xf32>,
          %get3A_366 = arith.index_cast %rem3A_99 : i32 to index
          %get3A_367 = arith.index_cast %scan3A_311 : i32 to index
          %get3A_368 = arith.constant 64 : index
          %get3A_369 = tpu.vector_load %arg8[%get3A_366, %get3A_367, %get3A_368] {strides = array<i32>} : memref<2x128x128xf32, #tpu.memory_space<vmem>>, vector<16xf32>,
          %max3A_370 = arith.maximumf %get3A_365, %get3A_369 : vector<16xf32>
          %swap3A_371 = arith.index_cast %squeeze3A_318 : i32 to index
          %swap3A_372 = arith.constant 64 : index
          %swap3A_373 = tpu.vector_load %arg9[%swap3A_371, %swap3A_372] {strides = array<i32>} : memref<416x128xf32, #tpu.memory_space<vmem>>, vector<16xf32>,
          tpu.vector_store %arg9[%swap3A_371, %swap3A_372], %max3A_370 {strides = array<i32>} : memref<416x128xf32, #tpu.memory_space<vmem>>, vector<16xf32>,
          %get3A_374 = arith.index_cast %squeeze3A_318 : i32 to index
          %get3A_375 = arith.constant 80 : index
          %get3A_376 = tpu.vector_load %arg9[%get3A_374, %get3A_375] {strides = array<i32>} : memref<416x128xf32, #tpu.memory_space<vmem>>, vector<16xf32>,
          %get3A_377 = arith.index_cast %rem3A_99 : i32 to index
          %get3A_378 = arith.index_cast %scan3A_311 : i32 to index
          %get3A_379 = arith.constant 80 : index
          %get3A_380 = tpu.vector_load %arg8[%get3A_377, %get3A_378, %get3A_379] {strides = array<i32>} : memref<2x128x128xf32, #tpu.memory_space<vmem>>, vector<16xf32>,
          %max3A_381 = arith.maximumf %get3A_376, %get3A_380 : vector<16xf32>
          %swap3A_382 = arith.index_cast %squeeze3A_318 : i32 to index
          %swap3A_383 = arith.constant 80 : index
          %swap3A_384 = tpu.vector_load %arg9[%swap3A_382, %swap3A_383] {strides = array<i32>} : memref<416x128xf32, #tpu.memory_space<vmem>>, vector<16xf32>,
          tpu.vector_store %arg9[%swap3A_382, %swap3A_383], %max3A_381 {strides = array<i32>} : memref<416x128xf32, #tpu.memory_space<vmem>>, vector<16xf32>,
          %get3A_385 = arith.index_cast %squeeze3A_318 : i32 to index
          %get3A_386 = arith.constant 96 : index
          %get3A_387 = tpu.vector_load %arg9[%get3A_385, %get3A_386] {strides = array<i32>} : memref<416x128xf32, #tpu.memory_space<vmem>>, vector<16xf32>,
          %get3A_388 = arith.index_cast %rem3A_99 : i32 to index
          %get3A_389 = arith.index_cast %scan3A_311 : i32 to index
          %get3A_390 = arith.constant 96 : index
          %get3A_391 = tpu.vector_load %arg8[%get3A_388, %get3A_389, %get3A_390] {strides = array<i32>} : memref<2x128x128xf32, #tpu.memory_space<vmem>>, vector<16xf32>,
          %max3A_392 = arith.maximumf %get3A_387, %get3A_391 : vector<16xf32>
          %swap3A_393 = arith.index_cast %squeeze3A_318 : i32 to index
          %swap3A_394 = arith.constant 96 : index
          %swap3A_395 = tpu.vector_load %arg9[%swap3A_393, %swap3A_394] {strides = array<i32>} : memref<416x128xf32, #tpu.memory_space<vmem>>, vector<16xf32>,
          tpu.vector_store %arg9[%swap3A_393, %swap3A_394], %max3A_392 {strides = array<i32>} : memref<416x128xf32, #tpu.memory_space<vmem>>, vector<16xf32>,
          %get3A_396 = arith.index_cast %squeeze3A_318 : i32 to index
          %get3A_397 = arith.constant 112 : index
          %get3A_398 = tpu.vector_load %arg9[%get3A_396, %get3A_397] {strides = array<i32>} : memref<416x128xf32, #tpu.memory_space<vmem>>, vector<16xf32>,
          %get3A_399 = arith.index_cast %rem3A_99 : i32 to index
          %get3A_400 = arith.index_cast %scan3A_311 : i32 to index
          %get3A_401 = arith.constant 112 : index
          %get3A_402 = tpu.vector_load %arg8[%get3A_399, %get3A_400, %get3A_401] {strides = array<i32>} : memref<2x128x128xf32, #tpu.memory_space<vmem>>, vector<16xf32>,
          %max3A_403 = arith.maximumf %get3A_398, %get3A_402 : vector<16xf32>
          %swap3A_404 = arith.index_cast %squeeze3A_318 : i32 to index
          %swap3A_405 = arith.constant 112 : index
          %swap3A_406 = tpu.vector_load %arg9[%swap3A_404, %swap3A_405] {strides = array<i32>} : memref<416x128xf32, #tpu.memory_space<vmem>>, vector<16xf32>,
          tpu.vector_store %arg9[%swap3A_404, %swap3A_405], %max3A_403 {strides = array<i32>} : memref<416x128xf32, #tpu.memory_space<vmem>>, vector<16xf32>,
          %scan3A_407 = arith.constant 3 : i32
          %scan3A_408 = arith.addi %scan3A_121, %scan3A_407 : i32
          %mul3A_409 = arith.constant 128 : i32
          %mul3A_410 = arith.muli %while3A_97, %mul3A_409 : i32
          %add3A_411 = arith.addi %mul3A_410, %scan3A_408 : i32
          %get3A_412 = arith.index_cast %add3A_411 : i32 to index
          %get3A_413 = tpu.vector_load %arg7[%get3A_412] {strides = array<i32>} : memref<10128xi32, #tpu.memory_space<vmem>>, vector<16xi32>,
          %slice3A_414 = vector.extract_strided_slice %get3A_413 {offsets = [0], sizes = [1], strides = [1]} : vector<16xi32> to vector<1xi32>
          %squeeze3A_415 = vector.extract %slice3A_414[0] : i32 from vector<1xi32>
          %get3A_416 = arith.index_cast %squeeze3A_415 : i32 to index
          %get3A_417 = arith.constant 0 : index
          %get3A_418 = tpu.vector_load %arg9[%get3A_416, %get3A_417] {strides = array<i32>} : memref<416x128xf32, #tpu.memory_space<vmem>>, vector<16xf32>,
          %get3A_419 = arith.index_cast %rem3A_99 : i32 to index
          %get3A_420 = arith.index_cast %scan3A_408 : i32 to index
          %get3A_421 = arith.constant 0 : index
          %get3A_422 = tpu.vector_load %arg8[%get3A_419, %get3A_420, %get3A_421] {strides = array<i32>} : memref<2x128x128xf32, #tpu.memory_space<vmem>>, vector<16xf32>,
          %max3A_423 = arith.maximumf %get3A_418, %get3A_422 : vector<16xf32>
          %swap3A_424 = arith.index_cast %squeeze3A_415 : i32 to index
          %swap3A_425 = arith.constant 0 : index
          %swap3A_426 = tpu.vector_load %arg9[%swap3A_424, %swap3A_425] {strides = array<i32>} : memref<416x128xf32, #tpu.memory_space<vmem>>, vector<16xf32>,
          tpu.vector_store %arg9[%swap3A_424, %swap3A_425], %max3A_423 {strides = array<i32>} : memref<416x128xf32, #tpu.memory_space<vmem>>, vector<16xf32>,
          %get3A_427 = arith.index_cast %squeeze3A_415 : i32 to index
          %get3A_428 = arith.constant 16 : index
          %get3A_429 = tpu.vector_load %arg9[%get3A_427, %get3A_428] {strides = array<i32>} : memref<416x128xf32, #tpu.memory_space<vmem>>, vector<16xf32>,
          %get3A_430 = arith.index_cast %rem3A_99 : i32 to index
          %get3A_431 = arith.index_cast %scan3A_408 : i32 to index
          %get3A_432 = arith.constant 16 : index
          %get3A_433 = tpu.vector_load %arg8[%get3A_430, %get3A_431, %get3A_432] {strides = array<i32>} : memref<2x128x128xf32, #tpu.memory_space<vmem>>, vector<16xf32>,
          %max3A_434 = arith.maximumf %get3A_429, %get3A_433 : vector<16xf32>
          %swap3A_435 = arith.index_cast %squeeze3A_415 : i32 to index
          %swap3A_436 = arith.constant 16 : index
          %swap3A_437 = tpu.vector_load %arg9[%swap3A_435, %swap3A_436] {strides = array<i32>} : memref<416x128xf32, #tpu.memory_space<vmem>>, vector<16xf32>,
          tpu.vector_store %arg9[%swap3A_435, %swap3A_436], %max3A_434 {strides = array<i32>} : memref<416x128xf32, #tpu.memory_space<vmem>>, vector<16xf32>,
          %get3A_438 = arith.index_cast %squeeze3A_415 : i32 to index
          %get3A_439 = arith.constant 32 : index
          %get3A_440 = tpu.vector_load %arg9[%get3A_438, %get3A_439] {strides = array<i32>} : memref<416x128xf32, #tpu.memory_space<vmem>>, vector<16xf32>,
          %get3A_441 = arith.index_cast %rem3A_99 : i32 to index
          %get3A_442 = arith.index_cast %scan3A_408 : i32 to index
          %get3A_443 = arith.constant 32 : index
          %get3A_444 = tpu.vector_load %arg8[%get3A_441, %get3A_442, %get3A_443] {strides = array<i32>} : memref<2x128x128xf32, #tpu.memory_space<vmem>>, vector<16xf32>,
          %max3A_445 = arith.maximumf %get3A_440, %get3A_444 : vector<16xf32>
          %swap3A_446 = arith.index_cast %squeeze3A_415 : i32 to index
          %swap3A_447 = arith.constant 32 : index
          %swap3A_448 = tpu.vector_load %arg9[%swap3A_446, %swap3A_447] {strides = array<i32>} : memref<416x128xf32, #tpu.memory_space<vmem>>, vector<16xf32>,
          tpu.vector_store %arg9[%swap3A_446, %swap3A_447], %max3A_445 {strides = array<i32>} : memref<416x128xf32, #tpu.memory_space<vmem>>, vector<16xf32>,
          %get3A_449 = arith.index_cast %squeeze3A_415 : i32 to index
          %get3A_450 = arith.constant 48 : index
          %get3A_451 = tpu.vector_load %arg9[%get3A_449, %get3A_450] {strides = array<i32>} : memref<416x128xf32, #tpu.memory_space<vmem>>, vector<16xf32>,
          %get3A_452 = arith.index_cast %rem3A_99 : i32 to index
          %get3A_453 = arith.index_cast %scan3A_408 : i32 to index
          %get3A_454 = arith.constant 48 : index
          %get3A_455 = tpu.vector_load %arg8[%get3A_452, %get3A_453, %get3A_454] {strides = array<i32>} : memref<2x128x128xf32, #tpu.memory_space<vmem>>, vector<16xf32>,
          %max3A_456 = arith.maximumf %get3A_451, %get3A_455 : vector<16xf32>
          %swap3A_457 = arith.index_cast %squeeze3A_415 : i32 to index
          %swap3A_458 = arith.constant 48 : index
          %swap3A_459 = tpu.vector_load %arg9[%swap3A_457, %swap3A_458] {strides = array<i32>} : memref<416x128xf32, #tpu.memory_space<vmem>>, vector<16xf32>,
          tpu.vector_store %arg9[%swap3A_457, %swap3A_458], %max3A_456 {strides = array<i32>} : memref<416x128xf32, #tpu.memory_space<vmem>>, vector<16xf32>,
          %get3A_460 = arith.index_cast %squeeze3A_415 : i32 to index
          %get3A_461 = arith.constant 64 : index
          %get3A_462 = tpu.vector_load %arg9[%get3A_460, %get3A_461] {strides = array<i32>} : memref<416x128xf32, #tpu.memory_space<vmem>>, vector<16xf32>,
          %get3A_463 = arith.index_cast %rem3A_99 : i32 to index
          %get3A_464 = arith.index_cast %scan3A_408 : i32 to index
          %get3A_465 = arith.constant 64 : index
          %get3A_466 = tpu.vector_load %arg8[%get3A_463, %get3A_464, %get3A_465] {strides = array<i32>} : memref<2x128x128xf32, #tpu.memory_space<vmem>>, vector<16xf32>,
          %max3A_467 = arith.maximumf %get3A_462, %get3A_466 : vector<16xf32>
          %swap3A_468 = arith.index_cast %squeeze3A_415 : i32 to index
          %swap3A_469 = arith.constant 64 : index
          %swap3A_470 = tpu.vector_load %arg9[%swap3A_468, %swap3A_469] {strides = array<i32>} : memref<416x128xf32, #tpu.memory_space<vmem>>, vector<16xf32>,
          tpu.vector_store %arg9[%swap3A_468, %swap3A_469], %max3A_467 {strides = array<i32>} : memref<416x128xf32, #tpu.memory_space<vmem>>, vector<16xf32>,
          %get3A_471 = arith.index_cast %squeeze3A_415 : i32 to index
          %get3A_472 = arith.constant 80 : index
          %get3A_473 = tpu.vector_load %arg9[%get3A_471, %get3A_472] {strides = array<i32>} : memref<416x128xf32, #tpu.memory_space<vmem>>, vector<16xf32>,
          %get3A_474 = arith.index_cast %rem3A_99 : i32 to index
          %get3A_475 = arith.index_cast %scan3A_408 : i32 to index
          %get3A_476 = arith.constant 80 : index
          %get3A_477 = tpu.vector_load %arg8[%get3A_474, %get3A_475, %get3A_476] {strides = array<i32>} : memref<2x128x128xf32, #tpu.memory_space<vmem>>, vector<16xf32>,
          %max3A_478 = arith.maximumf %get3A_473, %get3A_477 : vector<16xf32>
          %swap3A_479 = arith.index_cast %squeeze3A_415 : i32 to index
          %swap3A_480 = arith.constant 80 : index
          %swap3A_481 = tpu.vector_load %arg9[%swap3A_479, %swap3A_480] {strides = array<i32>} : memref<416x128xf32, #tpu.memory_space<vmem>>, vector<16xf32>,
          tpu.vector_store %arg9[%swap3A_479, %swap3A_480], %max3A_478 {strides = array<i32>} : memref<416x128xf32, #tpu.memory_space<vmem>>, vector<16xf32>,
          %get3A_482 = arith.index_cast %squeeze3A_415 : i32 to index
          %get3A_483 = arith.constant 96 : index
          %get3A_484 = tpu.vector_load %arg9[%get3A_482, %get3A_483] {strides = array<i32>} : memref<416x128xf32, #tpu.memory_space<vmem>>, vector<16xf32>,
          %get3A_485 = arith.index_cast %rem3A_99 : i32 to index
          %get3A_486 = arith.index_cast %scan3A_408 : i32 to index
          %get3A_487 = arith.constant 96 : index
          %get3A_488 = tpu.vector_load %arg8[%get3A_485, %get3A_486, %get3A_487] {strides = array<i32>} : memref<2x128x128xf32, #tpu.memory_space<vmem>>, vector<16xf32>,
          %max3A_489 = arith.maximumf %get3A_484, %get3A_488 : vector<16xf32>
          %swap3A_490 = arith.index_cast %squeeze3A_415 : i32 to index
          %swap3A_491 = arith.constant 96 : index
          %swap3A_492 = tpu.vector_load %arg9[%swap3A_490, %swap3A_491] {strides = array<i32>} : memref<416x128xf32, #tpu.memory_space<vmem>>, vector<16xf32>,
          tpu.vector_store %arg9[%swap3A_490, %swap3A_491], %max3A_489 {strides = array<i32>} : memref<416x128xf32, #tpu.memory_space<vmem>>, vector<16xf32>,
          %get3A_493 = arith.index_cast %squeeze3A_415 : i32 to index
          %get3A_494 = arith.constant 112 : index
          %get3A_495 = tpu.vector_load %arg9[%get3A_493, %get3A_494] {strides = array<i32>} : memref<416x128xf32, #tpu.memory_space<vmem>>, vector<16xf32>,
          %get3A_496 = arith.index_cast %rem3A_99 : i32 to index
          %get3A_497 = arith.index_cast %scan3A_408 : i32 to index
          %get3A_498 = arith.constant 112 : index
          %get3A_499 = tpu.vector_load %arg8[%get3A_496, %get3A_497, %get3A_498] {strides = array<i32>} : memref<2x128x128xf32, #tpu.memory_space<vmem>>, vector<16xf32>,
          %max3A_500 = arith.maximumf %get3A_495, %get3A_499 : vector<16xf32>
          %swap3A_501 = arith.index_cast %squeeze3A_415 : i32 to index
          %swap3A_502 = arith.constant 112 : index
          %swap3A_503 = tpu.vector_load %arg9[%swap3A_501, %swap3A_502] {strides = array<i32>} : memref<416x128xf32, #tpu.memory_space<vmem>>, vector<16xf32>,
          tpu.vector_store %arg9[%swap3A_501, %swap3A_502], %max3A_500 {strides = array<i32>} : memref<416x128xf32, #tpu.memory_space<vmem>>, vector<16xf32>,
        }
        %scan3A_120 = arith.constant 128 : i32
        "tpu.trace_stop"() : () -> ()
      }
      "tpu.trace_stop"() : () -> ()
      "tpu.trace_start"() <{level = 10 : i32, message = "smax_partout"}> : () -> ()
      "tpu.region"() ({
        %run_scoped3A = tpu.sem_alloc : memref<!tpu.dma_semaphore, #tpu.memory_space<semaphore_mem>>
        %dma_start3A = arith.constant 0 : i32
        %dma_start3A_97 = arith.constant 0 : i32
        %dma_start3A_98 = tpu.memref_slice %arg4[%arg0, %scan3A_15, %arg1, %dma_start3A, %dma_start3A_97] : memref<2x25x16x416x128xf32, #tpu.memory_space<hbm>> -> memref<1x1x1x416x128xf32, #tpu.memory_space<hbm>>
        %dma_start3A_99 = tpu.memref_squeeze %dma_start3A_98 : memref<1x1x1x416x128xf32, #tpu.memory_space<hbm>> -> memref<416x128xf32, #tpu.memory_space<hbm>>
        %dma_start3A_100 = arith.constant 0 : i32
        %dma_start3A_101 = arith.constant 0 : i32
        %dma_start3A_102 = tpu.memref_slice %arg4[%arg0, %scan3A_15, %arg1, %dma_start3A_100, %dma_start3A_101] : memref<2x25x16x416x128xf32, #tpu.memory_space<hbm>> -> memref<1x1x1x416x128xf32, #tpu.memory_space<hbm>>
        %dma_start3A_103 = tpu.memref_squeeze %dma_start3A_102 : memref<1x1x1x416x128xf32, #tpu.memory_space<hbm>> -> memref<416x128xf32, #tpu.memory_space<hbm>>
        tpu.enqueue_dma source(%arg9 : memref<416x128xf32, #tpu.memory_space<vmem>>) target(%dma_start3A_103 : memref<416x128xf32, #tpu.memory_space<hbm>>) target_semaphore(%run_scoped3A : memref<!tpu.dma_semaphore, #tpu.memory_space<semaphore_mem>>)
        %dma_wait3A = arith.constant 0 : i32
        %dma_wait3A_104 = arith.constant 0 : i32
        %dma_wait3A_105 = tpu.memref_slice %arg4[%arg0, %scan3A_15, %arg1, %dma_wait3A, %dma_wait3A_104] : memref<2x25x16x416x128xf32, #tpu.memory_space<hbm>> -> memref<1x1x1x416x128xf32, #tpu.memory_space<hbm>>
        %dma_wait3A_106 = tpu.memref_squeeze %dma_wait3A_105 : memref<1x1x1x416x128xf32, #tpu.memory_space<hbm>> -> memref<416x128xf32, #tpu.memory_space<hbm>>
        %dma_wait3A_107 = arith.constant 0 : i32
        %dma_wait3A_108 = arith.constant 0 : i32
        %dma_wait3A_109 = tpu.memref_slice %arg4[%arg0, %scan3A_15, %arg1, %dma_wait3A_107, %dma_wait3A_108] : memref<2x25x16x416x128xf32, #tpu.memory_space<hbm>> -> memref<1x1x1x416x128xf32, #tpu.memory_space<hbm>>
        %dma_wait3A_110 = tpu.memref_squeeze %dma_wait3A_109 : memref<1x1x1x416x128xf32, #tpu.memory_space<hbm>> -> memref<416x128xf32, #tpu.memory_space<hbm>>
        tpu.wait_dma2 semaphore(%run_scoped3A : memref<!tpu.dma_semaphore, #tpu.memory_space<semaphore_mem>>) src(%arg9 : memref<416x128xf32, #tpu.memory_space<vmem>>) dst(%dma_wait3A_110 : memref<416x128xf32, #tpu.memory_space<hbm>>)
        tpu.yield
      }) : () -> ()
      "tpu.trace_stop"() : () -> ()
    }
    %scan3A_14 = arith.constant 25 : i32
    return
  }
}

module attributes {stable_mosaic.version = 14 : i64} {
  func.func @_proj_body(%arg0: i32, %arg1: memref<2000x128xf32, #tpu.memory_space<vmem>>, %arg2: memref<128x128xf32, #tpu.memory_space<vmem>>, %arg3: memref<1x128xf32, #tpu.memory_space<vmem>>, %arg4: memref<2000x128xf32, #tpu.memory_space<vmem>>) attributes {dimension_semantics = [#tpu.dimension_semantics<arbitrary>], iteration_bounds = array<i64: 5>, scalar_prefetch = 0 : i64, scratch_operands = 0 : i64, tpu.core_type = #tpu.core_type<tc>, window_params = [{transform_indices = @transform_0, window_bounds = array<i64: 2000, 128>}, {pipeline_mode = #tpu.pipeline_mode<synchronous>, transform_indices = @transform_1, window_bounds = array<i64: 128, 128>}, {pipeline_mode = #tpu.pipeline_mode<synchronous>, transform_indices = @transform_2, window_bounds = array<i64: 1, 128>}, {transform_indices = @transform_3, window_bounds = array<i64: 2000, 128>}]} {
    %get3A = arith.constant 0 : index
    %get3A_0 = arith.constant 0 : index
    %get3A_1 = vector.load %arg1[%get3A, %get3A_0] : memref<2000x128xf32, #tpu.memory_space<vmem>>, vector<2000x128xf32>
    %get3A_2 = arith.constant 0 : index
    %get3A_3 = arith.constant 0 : index
    %get3A_4 = vector.load %arg2[%get3A_2, %get3A_3] : memref<128x128xf32, #tpu.memory_space<vmem>>, vector<128x128xf32>
    %dot_general3A = arith.constant dense<0.000000e+00> : vector<2000x128xf32>
    %dot_general3A_5 = tpu.matmul %get3A_1, %get3A_4, %dot_general3A {dimension_numbers = #tpu.dot_dimension_numbers<[1], [0], [0], [1], [0, 0, 1, 1], [], []>, transpose_lhs_hint = false} : vector<2000x128xf32>, vector<128x128xf32>, vector<2000x128xf32> -> vector<2000x128xf32>
    %get3A_6 = arith.constant 0 : index
    %get3A_7 = arith.constant 0 : index
    %get3A_8 = vector.load %arg3[%get3A_6, %get3A_7] : memref<1x128xf32, #tpu.memory_space<vmem>>, vector<1x128xf32>
    %add3A = vector.broadcast %get3A_8 : vector<1x128xf32> to vector<2000x128xf32>
    %add3A_9 = arith.addf %dot_general3A_5, %add3A : vector<2000x128xf32>
    %swap3A = arith.constant 0 : index
    %swap3A_10 = arith.constant 0 : index
    %swap3A_11 = vector.load %arg4[%swap3A, %swap3A_10] : memref<2000x128xf32, #tpu.memory_space<vmem>>, vector<2000x128xf32>
    tpu.vector_store %arg4[%swap3A, %swap3A_10], %add3A_9 {strides = array<i32>} : memref<2000x128xf32, #tpu.memory_space<vmem>>, vector<2000x128xf32>,
    return
  }
  func.func @transform_0(%arg0: i32) -> (i32, i32) {
    %c0_i32 = arith.constant 0 : i32
    %c0_i32_0 = arith.constant 0 : i32
    return %arg0, %c0_i32 : i32, i32
  }
  func.func @transform_1(%arg0: i32) -> (i32, i32) {
    %c0_i32 = arith.constant 0 : i32
    %c0_i32_0 = arith.constant 0 : i32
    %c0_i32_1 = arith.constant 0 : i32
    return %c0_i32, %c0_i32_0 : i32, i32
  }
  func.func @transform_2(%arg0: i32) -> (i32, i32) {
    %c0_i32 = arith.constant 0 : i32
    %c0_i32_0 = arith.constant 0 : i32
    %c0_i32_1 = arith.constant 0 : i32
    return %c0_i32, %c0_i32_0 : i32, i32
  }
  func.func @transform_3(%arg0: i32) -> (i32, i32) {
    %c0_i32 = arith.constant 0 : i32
    %c0_i32_0 = arith.constant 0 : i32
    return %arg0, %c0_i32 : i32, i32
  }
}

module attributes {stable_mosaic.version = 14 : i64} {
  func.func @_mlp2_body(%arg0: i32, %arg1: memref<8000x64xf32, #tpu.memory_space<vmem>>, %arg2: memref<64x128xf32, #tpu.memory_space<vmem>>, %arg3: memref<1x128xf32, #tpu.memory_space<vmem>>, %arg4: memref<8000x128xf32, #tpu.memory_space<vmem>>) attributes {dimension_semantics = [#tpu.dimension_semantics<arbitrary>], iteration_bounds = array<i64: 40>, scalar_prefetch = 0 : i64, scratch_operands = 0 : i64, tpu.core_type = #tpu.core_type<tc>, window_params = [{transform_indices = @transform_0, window_bounds = array<i64: 8000, 64>}, {pipeline_mode = #tpu.pipeline_mode<synchronous>, transform_indices = @transform_1, window_bounds = array<i64: 64, 128>}, {pipeline_mode = #tpu.pipeline_mode<synchronous>, transform_indices = @transform_2, window_bounds = array<i64: 1, 128>}, {transform_indices = @transform_3, window_bounds = array<i64: 8000, 128>}]} {
    %get3A = arith.constant 0 : index
    %get3A_0 = arith.constant 0 : index
    %get3A_1 = vector.load %arg1[%get3A, %get3A_0] : memref<8000x64xf32, #tpu.memory_space<vmem>>, vector<8000x64xf32>
    %get3A_2 = arith.constant 0 : index
    %get3A_3 = arith.constant 0 : index
    %get3A_4 = vector.load %arg2[%get3A_2, %get3A_3] : memref<64x128xf32, #tpu.memory_space<vmem>>, vector<64x128xf32>
    %dot_general3A = arith.constant dense<0.000000e+00> : vector<8000x128xf32>
    %dot_general3A_5 = tpu.matmul %get3A_1, %get3A_4, %dot_general3A {dimension_numbers = #tpu.dot_dimension_numbers<[1], [0], [0], [1], [0, 0, 1, 1], [], []>, transpose_lhs_hint = false} : vector<8000x64xf32>, vector<64x128xf32>, vector<8000x128xf32> -> vector<8000x128xf32>
    %get3A_6 = arith.constant 0 : index
    %get3A_7 = arith.constant 0 : index
    %get3A_8 = vector.load %arg3[%get3A_6, %get3A_7] : memref<1x128xf32, #tpu.memory_space<vmem>>, vector<1x128xf32>
    %add3A = vector.broadcast %get3A_8 : vector<1x128xf32> to vector<8000x128xf32>
    %add3A_9 = arith.addf %dot_general3A_5, %add3A : vector<8000x128xf32>
    %swap3A = arith.constant 0 : index
    %swap3A_10 = arith.constant 0 : index
    %swap3A_11 = vector.load %arg4[%swap3A, %swap3A_10] : memref<8000x128xf32, #tpu.memory_space<vmem>>, vector<8000x128xf32>
    tpu.vector_store %arg4[%swap3A, %swap3A_10], %add3A_9 {strides = array<i32>} : memref<8000x128xf32, #tpu.memory_space<vmem>>, vector<8000x128xf32>,
    return
  }
  func.func @transform_0(%arg0: i32) -> (i32, i32) {
    %c0_i32 = arith.constant 0 : i32
    %c0_i32_0 = arith.constant 0 : i32
    return %arg0, %c0_i32 : i32, i32
  }
  func.func @transform_1(%arg0: i32) -> (i32, i32) {
    %c0_i32 = arith.constant 0 : i32
    %c0_i32_0 = arith.constant 0 : i32
    %c0_i32_1 = arith.constant 0 : i32
    return %c0_i32, %c0_i32_0 : i32, i32
  }
  func.func @transform_2(%arg0: i32) -> (i32, i32) {
    %c0_i32 = arith.constant 0 : i32
    %c0_i32_0 = arith.constant 0 : i32
    %c0_i32_1 = arith.constant 0 : i32
    return %c0_i32, %c0_i32_0 : i32, i32
  }
  func.func @transform_3(%arg0: i32) -> (i32, i32) {
    %c0_i32 = arith.constant 0 : i32
    %c0_i32_0 = arith.constant 0 : i32
    return %arg0, %c0_i32 : i32, i32
  }
}

module attributes {stable_mosaic.version = 14 : i64} {
  func.func @_comb_body(%arg0: i32, %arg1: memref<2x1x16x416x128xf32, #tpu.memory_space<vmem>>, %arg2: memref<400x128xf32, #tpu.memory_space<vmem>>) attributes {dimension_semantics = [#tpu.dimension_semantics<arbitrary>], iteration_bounds = array<i64: 25>, scalar_prefetch = 0 : i64, scratch_operands = 0 : i64, tpu.core_type = #tpu.core_type<tc>, window_params = [{transform_indices = @transform_0, window_bounds = array<i64: 2, 1, 16, 416, 128>}, {transform_indices = @transform_1, window_bounds = array<i64: 400, 128>}]} {
    %get3A = arith.constant 0 : index
    %get3A_0 = arith.constant 0 : index
    %get3A_1 = arith.constant 0 : index
    %get3A_2 = arith.constant 0 : index
    %get3A_3 = arith.constant 0 : index
    %get3A_4 = vector.load %arg1[%get3A, %get3A_0, %get3A_1, %get3A_2, %get3A_3] : memref<2x1x16x416x128xf32, #tpu.memory_space<vmem>>, vector<2x1x16x416x128xf32>
    %reduce_max3A = arith.constant dense<0xFF800000> : vector<416x128xf32>
    %reduce_max3A_5 = vector.multi_reduction <maximumf>, %get3A_4, %reduce_max3A [0, 1, 2] : vector<2x1x16x416x128xf32> to vector<416x128xf32>
    %slice3A = vector.extract_strided_slice %reduce_max3A_5 {offsets = [0, 0], sizes = [400, 128], strides = [1, 1]} : vector<416x128xf32> to vector<400x128xf32>
    %is_finite3A = tpu.weird %slice3A : vector<400x128xf32> -> vector<400x128xi1>
    %is_finite3A_6 = arith.constant dense<true> : vector<400x128xi1>
    %is_finite3A_7 = arith.xori %is_finite3A, %is_finite3A_6 : vector<400x128xi1>
    %jit3A = arith.constant 0.000000e+00 : f32
    %broadcast_in_dim3A = vector.broadcast %jit3A : f32 to vector<400x128xf32>
    %select_n3A = arith.select %is_finite3A_7, %slice3A, %broadcast_in_dim3A : vector<400x128xi1>, vector<400x128xf32>
    %swap3A = arith.constant 0 : index
    %swap3A_8 = arith.constant 0 : index
    %swap3A_9 = vector.load %arg2[%swap3A, %swap3A_8] : memref<400x128xf32, #tpu.memory_space<vmem>>, vector<400x128xf32>
    tpu.vector_store %arg2[%swap3A, %swap3A_8], %select_n3A {strides = array<i32>} : memref<400x128xf32, #tpu.memory_space<vmem>>, vector<400x128xf32>,
    return
  }
  func.func @transform_0(%arg0: i32) -> (i32, i32, i32, i32, i32) {
    %c0_i32 = arith.constant 0 : i32
    %c0_i32_0 = arith.constant 0 : i32
    %c0_i32_1 = arith.constant 0 : i32
    %c0_i32_2 = arith.constant 0 : i32
    %c0_i32_3 = arith.constant 0 : i32
    return %c0_i32, %arg0, %c0_i32_0, %c0_i32_1, %c0_i32_2 : i32, i32, i32, i32, i32
  }
  func.func @transform_1(%arg0: i32) -> (i32, i32) {
    %c0_i32 = arith.constant 0 : i32
    %c0_i32_0 = arith.constant 0 : i32
    return %arg0, %c0_i32 : i32, i32
  }
}

</mosaic_0001>

<sc_bundles>
// kernel: kernel.10.cloned.1.call-start
scs
__scs_entry_jumppad:
0x0: {  	(pc) =	sbr.rel $0x88, $3  }
0x1: {  	(tag) =	ssettag $0x0;
	lr =	simm.s32 $0x1  }
0x2: {  	[smem:$0x3F9B] =	sst lr;
	_ =	strace $0xD0000000  }
0x3: {  	_ = 	snop  }
0x4: {  	_ = 	snop  }
0x5: {  	_ = 	snop  }
0x6: {  	_ = 	snop  }
0x7: {  	_ = 	snop  }
__scs_overlays_trampoline_lowered:
0x8: {  	[smem:$0x3FAA] =	sst s0  }
0x9: {  	[smem:$0x3FAB] =	sst s1  }
0xa: {  	[smem:$0x3FAC] =	sst s2  }
0xb: {  	[smem:$0x3FAD] =	sst s3  }
0xc: {  	[smem:$0x3FAE] =	sst s4  }
0xd: {  	[smem:$0x3FAF] =	sst s5  }
0xe: {  	[smem:$0x3FB0] =	sst s6  }
0xf: {  	[smem:$0x3FB1] =	sst s7  }
0x10: {  	[smem:$0x3FB2] =	sst s8  }
0x11: {  	[smem:$0x3FB3] =	sst s9;
	s0 =	simm.s32 @!p0 $0x0  }
0x12: {  	s1 =	sld [smem:$0x3F99];
	s0 =	simm.s32 @p0 $0x1  }
0x13: {  	[smem:$0x3FB4] =	sst s0;
	s0 =	simm.s32 @!p1 $0x0  }
0x14: {  	s2 =	sld [smem:$0x3F98];
	s0 =	simm.s32 @p1 $0x1  }
0x15: {  	[smem:$0x3FB5] =	sst s0;
	s0 =	simm.s32 @!p2 $0x0  }
0x16: {  	s3 =	sld [smem:$0x3FDB];
	s0 =	simm.s32 @p2 $0x1  }
0x17: {  	s4 =	simm.s32 $0x1BF5;
	[smem:$0x3FB7] =	sst s0  }
0x18: {  	s0 =	sld [smem:$0x3F9A];
	_ =	swait.ge [sflag:s4], $0x0  }
0x19: {  	s7 =	sld [smem:$0x3F9B]  }
0x1a: {  	s8 =	sadd.s32 $0xFFFFE003, lr  }
0x1b: {  	s9 =	sadd.s32 $0xFFFFFEF7, lr;
	s5 =	simm.s32 $0xFFFFFFFF;
	p2 =	slt.u32 s8, $0xFFFFF086  }
0x1c: {  	p1 =	slt.u32 s9, $0xF7A;
	s5 =	simm.s32 @!p2 $0x0  }
0x1d: {  	s5 =	simm.s32 @p1 $0x1;
	p0 =	seq.s32 s7, s2  }
0x1e: {  	s7 =	smul.u32 @!p0 $0xF7A, s2;
	p2 =	seq.s32 @!p0 s5, $0x0  }
0x1f: {  	s9 =	smul.u32 $0xF7A, s1;
	s8 =	simm.s32 @!p0 $0x1BF5;
	p2 =	por !p2, p0  }
0x20: {  	[sflag:s8] =	ssyncset.s32 @!p0 $0xFFFFF086;
	s6 =	sadd.s32 @!p0 s3, s7;
	s7 =	simm.s32 @!p0 $0x108  }
0x21: {  	s3 =	sadd.s32 s3, s9;
	s6 =	sadd.s32 @!p0 $0x88, s6;
	s7 =	simm.s32 @p2 $0x1082  }
0x22: {  	[simem:s7], [sflag:s8] =	dma.local @!p0 [hbm:s6], $0xF7A  }
0x23: {  	s9 =	sor.u32 $0xD0000000, s2;
	s6 =	simm.s32 $0x108;
	_ =	swait.ge @!p0 [sflag:s8], $0x0  }
0x24: {  	s3 =	sadd.s32 $0x88, s3;
	s6 =	simm.s32 @!p1 $0x1082;
	[sflag:s4] =	ssyncset.s32 $0xFFFFF086  }
0x25: {  	[simem:s6], [sflag:s4] =	dma.local [hbm:s3], $0xF7A  }
0x26: {  	[smem:$0x3F9B] =	sst s1;
	(tag) =	ssettag s2;
	_ =	strace s9  }
0x27: {  	s1 =	sld [smem:$0x3FAB]  }
0x28: {  	s2 =	sld [smem:$0x3FAC]  }
0x29: {  	s4 =	sld [smem:$0x3FAE]  }
0x2a: {  	p0 =	seq.s32 s5, $0x0;
	s5 =	sld [smem:$0x3FAF]  }
0x2b: {  	s6 =	sld [smem:$0x3FB0]  }
0x2c: {  	s7 =	sld [smem:$0x3FB1]  }
0x2d: {  	s3 =	simm.s32 $0x108;
	s8 =	sld [smem:$0x3FB2]  }
0x2e: {  	s3 =	simm.s32 @!p0 $0x1082;
	s9 =	sld [smem:$0x3FB3]  }
0x2f: {  	lr =	sadd.s32 s0, s3;
	s0 =	sld [smem:$0x3FAA]  }
0x30: {  	s3 =	sld [smem:$0x3FAD]  }
0x31: {  	[smem:$0x3FB6] =	sst s10  }
0x32: {  	s10 =	sld [smem:$0x3FB4];
	_ =	sdelay $0x3  }
0x33: {  	p0 =	seq.s32 s10, $0x1;
	s10 =	sld [smem:$0x3FB6];
	_ =	sdelay $0x3  }
0x34: {  	[smem:$0x3FB6] =	sst s10  }
0x35: {  	s10 =	sld [smem:$0x3FB5];
	_ =	sdelay $0x3  }
0x36: {  	p1 =	seq.s32 s10, $0x1;
	s10 =	sld [smem:$0x3FB6];
	_ =	sdelay $0x3  }
0x37: {  	[smem:$0x3FB6] =	sst s10  }
0x38: {  	s10 =	sld [smem:$0x3FB7]  }
0x39: {  	_ = 	snop;
	(pc) =	sbr.ind lr, $3  }
0x3a: {  	_ = 	snop  }
0x3b: {  	_ = 	snop  }
0x3c: {  	p2 =	seq.s32 s10, $0x1;
	s10 =	sld [smem:$0x3FB6]  }
0x3d: {  	_ =	shalt  }
0x3e: {  	_ =	shalt  }
0x3f: {  	_ =	shalt  }
0x40: {  	_ =	shalt  }
0x41: {  	_ =	shalt  }
0x42: {  	_ =	shalt  }
0x43: {  	_ =	shalt  }
0x44: {  	_ =	shalt  }
0x45: {  	_ =	shalt  }
0x46: {  	_ =	shalt  }
0x47: {  	_ =	shalt  }
0x48: {  	_ =	shalt  }
0x49: {  	_ =	shalt  }
0x4a: {  	_ =	shalt  }
0x4b: {  	_ =	shalt  }
0x4c: {  	_ =	shalt  }
0x4d: {  	_ =	shalt  }
0x4e: {  	_ =	shalt  }
0x4f: {  	_ =	shalt  }
0x50: {  	_ =	shalt  }
0x51: {  	_ =	shalt  }
0x52: {  	_ =	shalt  }
0x53: {  	_ =	shalt  }
0x54: {  	_ =	shalt  }
0x55: {  	_ =	shalt  }
0x56: {  	_ =	shalt  }
0x57: {  	_ =	shalt  }
0x58: {  	_ =	shalt  }
0x59: {  	_ =	shalt  }
0x5a: {  	_ =	shalt  }
0x5b: {  	_ =	shalt  }
0x5c: {  	_ =	shalt  }
0x5d: {  	_ =	shalt  }
0x5e: {  	_ =	shalt  }
0x5f: {  	_ =	shalt  }
0x60: {  	_ =	shalt  }
0x61: {  	_ =	shalt  }
0x62: {  	_ =	shalt  }
0x63: {  	_ =	shalt  }
0x64: {  	_ =	shalt  }
0x65: {  	_ =	shalt  }
0x66: {  	_ =	shalt  }
0x67: {  	_ =	shalt  }
0x68: {  	_ =	shalt  }
0x69: {  	_ =	shalt  }
0x6a: {  	_ =	shalt  }
0x6b: {  	_ =	shalt  }
0x6c: {  	_ =	shalt  }
0x6d: {  	_ =	shalt  }
0x6e: {  	_ =	shalt  }
0x6f: {  	_ =	shalt  }
0x70: {  	_ =	shalt  }
0x71: {  	_ =	shalt  }
0x72: {  	_ =	shalt  }
0x73: {  	_ =	shalt  }
0x74: {  	_ =	shalt  }
0x75: {  	_ =	shalt  }
0x76: {  	_ =	shalt  }
0x77: {  	_ =	shalt  }
0x78: {  	_ =	shalt  }
0x79: {  	_ =	shalt  }
0x7a: {  	_ =	shalt  }
0x7b: {  	_ =	shalt  }
0x7c: {  	_ =	shalt  }
0x7d: {  	_ =	shalt  }
0x7e: {  	_ =	shalt  }
0x7f: {  	_ =	shalt  }
0x80: {  	_ =	shalt  }
0x81: {  	_ =	shalt  }
0x82: {  	_ =	shalt  }
0x83: {  	_ =	shalt  }
0x84: {  	_ =	shalt  }
0x85: {  	_ =	shalt  }
0x86: {  	_ =	shalt  }
0x87: {  	_ =	shalt  }
.Lfunc_end0:
.L_simem_size_0:
called_computation.1_lowered:
.L_overlay_start_0:
0x88: {  	s2 =	sld [smem:$0x3FD9]  }
0x89: {  	s3 =	sld [smem:$0x3FFE];
	_ =	sdelay $0x1  }
0x8a: {  	s1 =	srdreg.scid  }
0x8b: {  	s0 =	sand.u32 $0x1, s1  }
0x8c: {  	s16 =	sshll.u32 s0, $0xA;
	s2 =	sadd.s32 s3, s2  }
0x8d: {  	s2 =	sadd.s32 s2, s16  }
0x8e: {  	[smem:$0x3FC2] =	sst s2  }
0x8f: {  	_ = 	snop  }
0x90: {  	(tm) =	ssettm $0x1  }
0x91: {  	s17 =	sld [smem:$0x3FFB];
	_ =	sdelay $0x3  }
0x92: {  	_ =	strace s17  }
0x93: {  	s2 =	sld [smem:$0x3FFC];
	_ =	sdelay $0x3  }
0x94: {  	_ =	strace s2  }
0x95: {  	s2 =	sld [smem:$0x3FFD];
	_ =	sdelay $0x3  }
0x96: {  	_ =	strace s2  }
0x97: {  	_ =	strace $0x8FFFFFFF  }
0x98: {  	s18 =	sld [smem:$0x3FDB];
	_ =	sdelay $0x1  }
0x99: {  	s19 =	simm.s32 $_scs_section_size  }
0x9a: {  	s4 =	simm.s32 $_size__tile_overlayer_lowered;
	s5 =	simm.s32 $_tile_overlayer_lowered  }
0x9b: {  	s22 =	simm.s32 $0x1BFF;
	s21 =	sshll.u32 s5, $0x1;
	s2 =	sadd.s32 s19, s18  }
0x9c: {  	s6 =	simm.s32 $0x0;
	s20 =	sshll.u32 s4, $0x1;
	s4 =	sadd.s32 s21, s2  }
0x9d: {  	[timem:s6], [sflag:s22] =	dma.local [hbm:s4], s20  }
0x9e: {  	_ =	swait.ge [sflag:s22], s20  }
0x9f: {  	s3 =	ssub.s32 $0x0, s20;
	[sflag:s22] =	ssyncset.done $0x0  }
0xa0: {  	[sflag:s22] =	ssyncadd.s32 s3;
	_ =	sdelay $0x1  }
0xa1: {  	s23 =	simm.s32 $0x1B8B  }
0xa2: {  	_ =	swait.ge [sflag:s23], $0x1  }
0xa3: {  	[sflag:s23] =	ssyncset.done $0x0  }
0xa4: {  	s25 =	simm.s32 $0x1B8E;
	s24 =	sld [smem:$0x3FFE];
	[sflag:s23] =	ssyncadd.s32 $0xFFFFFFFF  }
0xa5: {  	s26 =	simm.s32 $execute0_lowered;
	[smem:$0x3FD2] =	sst s25  }
0xa6: {  	s4 =	sshll.u32 s26, $0x1;
	_ =	strace $0x80000049;
	[dreg:$0x1] =	wrdreg $0xFFFFFFFF  }
0xa7: {  	s28 =	simm.s32 $_size_execute0_lowered;
	s2 =	sadd.s32 s2, s4;
	[dreg:$0x0] =	wrdreg $0x0  }
0xa8: {  	s4 =	sshll.u32 s28, $0x1;
	[dreg:$0x2] =	wrdreg s2  }
0xa9: {  	[dreg:$0x3] =	wrdreg s4  }
0xaa: {  	[dreg:$0x4] =	wrdreg $0xC0  }
0xab: {  	_ =	task [dreg:s6], $0x5FFFF  }
0xac: {  	[dreg:$0x1] =	wrdreg $0xFFFFFFFF  }
0xad: {  	[dreg:$0x0] =	wrdreg $0x60  }
0xae: {  	[dreg:$0x2] =	wrdreg s24  }
0xaf: {  	[dreg:$0x3] =	wrdreg $0x9  }
0xb0: {  	_ =	task.clear_ibuf [dreg:s6], $0x4FFFF;
	_ =	strace $0x90000049  }
0xb1: {  	s29 =	simm.s32 $0x9;
	_ =	strace $0x80000050  }
0xb2: {  	_ =	swait.ge [sflag:s29], $0x1  }
0xb3: {  	[sflag:s29] =	ssyncadd.s32 $0xFFFFFFFF  }
0xb4: {  	_ =	strace $0x90000050  }
0xb5: {  	_ =	sfence  }
0xb6: {  	s30 =	sld [smem:$0x0];
	_ =	sdelay $0x2  }
0xb7: {  	s31 =	sshll.u32 s1, $0xD;
	s1 =	sshrl.u32 s1, $0x2  }
0xb8: {  	s3 =	sand.u32 $0x4000, s31;
	s1 =	sadd.s32 s1, s30  }
0xb9: {  	s0 =	sor.u32 s3, s0;
	s1 =	sshll.u32 s1, $0x11  }
0xba: {  	s0 =	sor.u32 s1, s0  }
0xbb: {  	s0 =	sadd.s32 $0x8F2B, s0  }
0xbc: {  	[sflag:s0] =	ssyncadd.remote.s32 $0x1  }
0xbd: {  	_ =	sfence.sel $0xFFFF  }
0xbe: {  	[dreg:$0x0] =	wrdreg $0xFFFFFFFF;
	(pc) =	sbr.abs _section_cstart, $3  }
0xbf: {  	[dreg:$0x1] =	wrdreg $0xFFFFFFFF  }
0xc0: {  	_ =	task.clear_ibuf [dreg:s6], $0x2FFFF;
	_ =	strace $0x9FFFFFFF  }
0xc1: {  	(tm) =	ssettm $0x7FFFFFFF  }
tec
execute0_lowered:
.L_overlay_start_1:
0x0: {  	(tag) =	ssettag $0x1  }
0x1: {  	s1 =	srdreg.scid  }
0x2: {  	s0 =	stileid.u32;
	s4 =	rddreg [dreg:$0x0]  }
0x3: {  	s2 =	simm.s32 $0x0;
	s14 =	simm.s32 $0x7780;
	s15 =	simm.s32 $0xF780  }
0x4: {  	s16 =	simm.s32 $0x0;
	s6 =	sand.u32 $0x1, s1;
	s9 =	smul.u32 $0xD000, s0  }
0x5: {  	s3 =	sshll.u32 s0, $0x1;
	s1 =	rddreg [dreg:$0x1];
	s12 =	smul.u32 $0x4E20, s0  }
0x6: {  	[smem:$0x7FF] =	sst s2;
	s3 =	sor.u32 s6, s3;
	s7 =	smul.u32 $0x1450000, s6  }
0x7: {  	_ =	strace $0x8000004A;
	s8 =	ssub.s32 $0x2, s6;
	s31 =	smul.u32 $0x2710, s6  }
0x8: {  	s11 =	smul.u32 $0x2710, s3;
	s3 =	sadd.s32 $0x4F6600, s4;
	s10 =	sshrl.u32 s8, $0x1  }
.Ltmp0:
0x9: {  	s8 =	ssub.s32 s8, s10;
	s6 =	sadd.s32 s7, s9;
	(pc) =	sbr.rel .LBB2_1-.Ltmp0, $4  }
0xa: {  	s9 =	simm.s32 $0x2;
	s10 =	simm.s32 $0x2780;
	s5 =	sshrl.u32 s11, $0x3  }
0xb: {  	s13 =	sadd.s32 $0x2700, s11;
	s7 =	smax.u32 s8, $0x1;
	s8 =	sadd.s32 s31, s12  }
0xc: {  	v0 =	vlaneseq.u32;
	v3 =	vimm.f32 $-Inf;
	v1 =	vmov s11;
	s11 =	simm.s32 $0x4F80;
	s12 =	simm.s32 $0x1;
	s5 =	sadd.s32 s5, s4  }
0xd: {  	v4 =	vimm.s32 $0x0;
	v5 =	vimm.s32 $0x190;
	s4 =	sadd.s32 $0x9D8600, s4;
	v2 =	vor.u32 s13, v0;
	s13 =	simm.s32 $0x80;
	s5 =	sadd.s32 $0xA800, s5  }
.LBB2_13:
0xe: {  	s16 =	sadd.s32 $0x1, s16  }
0xf: {  	p0 =	sne.s32 s16, s7  }
.Ltmp1:
0x10: {  	_ = 	snop;
	(pc) =	sbr.rel @!p0 .LBB2_14-.Ltmp1, $1  }
0x11: {  	_ =	sdelay $0x3  }
.LBB2_1:
.Ltmp2:
0x12: {  	(pc) =	sbr.rel .LBB2_2-.Ltmp2, $4  }
0x13: {  	[tilespmem:s2], [sflag:$0x2] =	stream.linear.gather [hbm4b:s5+s2], $0x2710, $0x38;
	[tilespmem:$0x1C780] =	vst v63  }
0x14: {  	_ =	swait.ge [sflag:s9], $0x2710  }
0x15: {  	[sflag:s9] =	ssyncset.done $0x0  }
0x16: {  	s17 =	simm.s32 $0x0;
	[sflag:s9] =	ssyncadd.s32 $0xFFFFD8F0  }
.LBB2_7:
0x17: {  	_ =	strace $0x8000004D  }
.LBB2_12:
0x18: {  	s18 =	smul.u32 $0xD0000, s17;
	_ =	sdelay $0x1  }
0x19: {  	s18 =	sadd.s32 s18, s6  }
0x1a: {  	_ =	strace $0x9000004D;
	s17 =	sadd.s32 $0x1, s17;
	s18 =	sshrl.u32 s18, $0x3  }
0x1b: {  	_ =	strace $0x8000004F;
	p0 =	sne.s32 s17, $0x19;
	s18 =	sadd.s32 s4, s18  }
0x1c: {  	[hbm4b:s18+s2] =	stream.linear.scatter [tilespmem:s15], [sflag:$0x2], $0xD000, $0x200038;
	[tilespmem:$0x1C780] =	vst v63  }
.Ltmp3:
0x1d: {  	_ = 	snop;
	(pc) =	sbr.rel @!p0 .LBB2_13-.Ltmp3, $4  }
0x1e: {  	_ =	swait.ge [sflag:s9], $0xD000  }
0x1f: {  	[sflag:s9] =	ssyncset.done $0x0  }
0x20: {  	[sflag:s9] =	ssyncadd.s32 $0xFFFF3000  }
0x21: {  	_ =	strace $0x9000004F  }
.LBB2_2:
0x22: {  	s18 =	simm.s32 $0xF800  }
0x23: {  	_ =	strace $0x8000004B;
	[tilespmem:s18+$0xFFFFFF80] =	vst v3  }
0x24: {  	[tilespmem:s18+$0x70] =	vst v3  }
0x25: {  	[tilespmem:s18+$0x60] =	vst v3  }
0x26: {  	[tilespmem:s18+$0x50] =	vst v3  }
0x27: {  	[tilespmem:s18+$0x40] =	vst v3  }
0x28: {  	[tilespmem:s18+$0x30] =	vst v3  }
0x29: {  	[tilespmem:s18+$0x20] =	vst v3  }
0x2a: {  	[tilespmem:s18+$0x10] =	vst v3  }
0x2b: {  	[tilespmem:s18+$0x0] =	vst v3  }
0x2c: {  	[tilespmem:s18+$0xFFFFFFF0] =	vst v3  }
0x2d: {  	[tilespmem:s18+$0xFFFFFFE0] =	vst v3  }
0x2e: {  	[tilespmem:s18+$0xFFFFFFD0] =	vst v3  }
0x2f: {  	[tilespmem:s18+$0xFFFFFFC0] =	vst v3  }
0x30: {  	[tilespmem:s18+$0xFFFFFFB0] =	vst v3  }
0x31: {  	s19 =	simm.s32 $0x0;
	[tilespmem:s18+$0xFFFFFFA0] =	vst v3  }
.LBB2_3:
0x32: {  	s19 =	sadd.s32 $0x2, s19;
	[tilespmem:s18+$0xFFFFFF90] =	vst v3;
	s18 =	sadd.s32 $0x100, s18  }
0x33: {  	[tilespmem:s18+$0xFFFFFF80] =	vst v3;
	p0 =	slt.u32 s19, $0x19E  }
0x34: {  	[tilespmem:s18+$0x70] =	vst v3  }
0x35: {  	[tilespmem:s18+$0x60] =	vst v3  }
0x36: {  	[tilespmem:s18+$0x50] =	vst v3  }
0x37: {  	[tilespmem:s18+$0x40] =	vst v3  }
0x38: {  	[tilespmem:s18+$0x30] =	vst v3  }
0x39: {  	[tilespmem:s18+$0x20] =	vst v3  }
0x3a: {  	[tilespmem:s18+$0x10] =	vst v3  }
0x3b: {  	[tilespmem:s18+$0x0] =	vst v3  }
0x3c: {  	[tilespmem:s18+$0xFFFFFFF0] =	vst v3  }
.Ltmp4:
0x3d: {  	[tilespmem:s18+$0xFFFFFFE0] =	vst v3;
	(pc) =	sbr.rel @p0 .LBB2_3-.Ltmp4, $4  }
0x3e: {  	[tilespmem:s18+$0xFFFFFFD0] =	vst v3  }
0x3f: {  	[tilespmem:s18+$0xFFFFFFC0] =	vst v3  }
0x40: {  	[tilespmem:s18+$0xFFFFFFB0] =	vst v3  }
0x41: {  	[tilespmem:s18+$0xFFFFFFA0] =	vst v3  }
0x42: {  	[tilespmem:s18+$0xFFFFFF90] =	vst v3  }
0x43: {  	_ =	strace $0x9000004B  }
0x44: {  	s24 =	simm.s32 $0x20;
	_ =	strace $0x8000004C  }
0x45: {  	v7 =	vld [tilespmem:s24+$0xFFFFFFE0];
	_ =	sdelay $0x1  }
0x46: {  	s19 =	smul.u32 $0x190, s17;
	_ =	sdelay $0x1  }
0x47: {  	v6 =	vmov s19  }
0x48: {  	v7 =	vsub.s32 v7, v6  }
0x49: {  	vm0 =	vlt.u32 v7, $0x190  }
0x4a: {  	v8 =	vsel vm0, $0x1, v4  }
0x4b: {  	(xrf0) =	vadd.scan.msk.s32 $0xffff, v8;
	_ =	sdelay $0x1  }
0x4c: {  	s25 =	simm.s32 $0x0  }
0x4d: {  	v8 =	vmov s25  }
0x4e: {  	v8 =	vadd.s32 $0xFFFFFFFF, v8  }
0x4f: {  	v8 =	vbroadcast v8, $0x0  }
0x50: {  	v9, _, _ =	vpop (xrf0)  }
0x51: {  	v8 =	vadd.s32 v9, v8  }
0x52: {  	(v2sf) =	vpush v9, $0xF;
	_ =	sdelay $0x2  }
0x53: {  	v57 =	vor.u32 s8, v0  }
0x54: {  	[tilespmem:v8+s10+$0x0] =	vst.idx.msk vm0, v57  }
0x55: {  	[tilespmem:v8+s11+$0x0] =	vst.idx.msk vm0, v7  }
0x56: {  	v7 =	vld [tilespmem:s24+$0xFFFFFFF0];
	_ =	sdelay $0x4  }
0x57: {  	v7 =	vsub.s32 v7, v6  }
0x58: {  	vm0 =	vlt.u32 v7, $0x190  }
0x59: {  	v8 =	vsel vm0, $0x1, v4  }
0x5a: {  	(xrf0) =	vadd.scan.msk.s32 $0xffff, v8  }
0x5b: {  	s26 =	spop (v2sf)  }
0x5c: {  	s19 =	sadd.s32 $0x0, s26  }
0x5d: {  	v8 =	vmov s19  }
0x5e: {  	v8 =	vadd.s32 $0xFFFFFFFF, v8  }
0x5f: {  	v8 =	vbroadcast v8, $0x0  }
0x60: {  	v58, _, _ =	vpop (xrf0)  }
0x61: {  	v8 =	vadd.s32 v58, v8  }
0x62: {  	(v2sf) =	vpush v58, $0xF;
	_ =	sdelay $0x1  }
0x63: {  	s20 =	sadd.s32 $0x10, s8  }
0x64: {  	v59 =	vor.u32 s20, v0  }
0x65: {  	[tilespmem:v8+s10+$0x0] =	vst.idx.msk vm0, v59  }
0x66: {  	[tilespmem:v8+s11+$0x0] =	vst.idx.msk vm0, v7  }
0x67: {  	v7 =	vld [tilespmem:s24+$0x0];
	_ =	sdelay $0x4  }
0x68: {  	v7 =	vsub.s32 v7, v6  }
0x69: {  	vm0 =	vlt.u32 v7, $0x190  }
0x6a: {  	v8 =	vsel vm0, $0x1, v4  }
0x6b: {  	(xrf0) =	vadd.scan.msk.s32 $0xffff, v8  }
0x6c: {  	s28 =	spop (v2sf)  }
0x6d: {  	s19 =	sadd.s32 s19, s28  }
0x6e: {  	v8 =	vmov s19  }
0x6f: {  	v8 =	vadd.s32 $0xFFFFFFFF, v8  }
0x70: {  	v8 =	vbroadcast v8, $0x0  }
0x71: {  	v60, _, _ =	vpop (xrf0)  }
0x72: {  	v8 =	vadd.s32 v60, v8  }
0x73: {  	(v2sf) =	vpush v60, $0xF;
	_ =	sdelay $0x1  }
0x74: {  	s29 =	sadd.s32 $0x20, s8  }
0x75: {  	v61 =	vor.u32 s29, v0  }
0x76: {  	[tilespmem:v8+s10+$0x0] =	vst.idx.msk vm0, v61  }
0x77: {  	[tilespmem:v8+s11+$0x0] =	vst.idx.msk vm0, v7  }
0x78: {  	v7 =	vld [tilespmem:s24+$0x10];
	_ =	sdelay $0x4  }
0x79: {  	v7 =	vsub.s32 v7, v6  }
0x7a: {  	vm0 =	vlt.u32 v7, $0x190  }
0x7b: {  	v8 =	vsel vm0, $0x1, v4  }
0x7c: {  	(xrf0) =	vadd.scan.msk.s32 $0xffff, v8  }
0x7d: {  	s30 =	spop (v2sf)  }
0x7e: {  	s21 =	sadd.s32 s19, s30  }
0x7f: {  	v8 =	vmov s21  }
0x80: {  	v8 =	vadd.s32 $0xFFFFFFFF, v8  }
0x81: {  	v8 =	vbroadcast v8, $0x0  }
0x82: {  	v62, _, _ =	vpop (xrf0)  }
0x83: {  	v8 =	vadd.s32 v62, v8;
	(v2sf) =	vpush v62, $0xF;
	_ =	sdelay $0x2  }
0x84: {  	s31 =	sadd.s32 $0x30, s8  }
0x85: {  	v63 =	vor.u32 s31, v0  }
0x86: {  	[tilespmem:v8+s10+$0x0] =	vst.idx.msk vm0, v63  }
0x87: {  	s18 =	simm.s32 $0x60;
	[tilespmem:v8+s11+$0x0] =	vst.idx.msk vm0, v7  }
0x88: {  	v7 =	vld [tilespmem:s18+$0xFFFFFFE0];
	_ =	sdelay $0x4  }
0x89: {  	v7 =	vsub.s32 v7, v6  }
0x8a: {  	vm0 =	vlt.u32 v7, $0x190  }
0x8b: {  	v8 =	vsel vm0, $0x1, v4  }
0x8c: {  	s20 =	simm.s32 $0x4;
	s19 =	smov.u32 s8;
	(xrf0) =	vadd.scan.msk.s32 $0xffff, v8;
	s22 =	spop (v2sf)  }
.LBB2_5:
0x8d: {  	s20 =	sadd.s32 $0x4, s20;
	s21 =	sadd.s32 s21, s22;
	s19 =	sadd.s32 $0x40, s19  }
0x8e: {  	p0 =	slt.u32 s20, $0x26C;
	v8 =	vmov s21  }
0x8f: {  	v8 =	vadd.s32 $0xFFFFFFFF, v8;
	_ =	sdelay $0x1  }
0x90: {  	v8 =	vbroadcast v8, $0x0  }
0x91: {  	v9, _, _ =	vpop (xrf0)  }
0x92: {  	v8 =	vadd.s32 v9, v8;
	(v2sf) =	vpush v9, $0xF;
	_ =	sdelay $0x3  }
0x93: {  	v9 =	vor.u32 s19, v0  }
0x94: {  	[tilespmem:v8+s10+$0x0] =	vst.idx.msk vm0, v9  }
0x95: {  	[tilespmem:v8+s11+$0x0] =	vst.idx.msk vm0, v7  }
0x96: {  	v7 =	vld [tilespmem:s18+$0xFFFFFFF0];
	_ =	sdelay $0x4  }
0x97: {  	v7 =	vsub.s32 v7, v6  }
0x98: {  	vm0 =	vlt.u32 v7, $0x190  }
0x99: {  	v8 =	vsel vm0, $0x1, v4  }
0x9a: {  	s22 =	spop (v2sf);
	(xrf0) =	vadd.scan.msk.s32 $0xffff, v8  }
0x9b: {  	s21 =	sadd.s32 s21, s22  }
0x9c: {  	v8 =	vmov s21  }
0x9d: {  	v8 =	vadd.s32 $0xFFFFFFFF, v8;
	_ =	sdelay $0x1  }
0x9e: {  	v8 =	vbroadcast v8, $0x0  }
0x9f: {  	v9, _, _ =	vpop (xrf0)  }
0xa0: {  	v8 =	vadd.s32 v9, v8;
	(v2sf) =	vpush v9, $0xF;
	_ =	sdelay $0x2  }
0xa1: {  	s22 =	sadd.s32 $0x10, s19  }
0xa2: {  	v9 =	vor.u32 s22, v0  }
0xa3: {  	[tilespmem:v8+s10+$0x0] =	vst.idx.msk vm0, v9  }
0xa4: {  	[tilespmem:v8+s11+$0x0] =	vst.idx.msk vm0, v7  }
0xa5: {  	v7 =	vld [tilespmem:s18+$0x0];
	_ =	sdelay $0x4  }
0xa6: {  	v7 =	vsub.s32 v7, v6  }
0xa7: {  	vm0 =	vlt.u32 v7, $0x190  }
0xa8: {  	v8 =	vsel vm0, $0x1, v4  }
0xa9: {  	s22 =	spop (v2sf);
	(xrf0) =	vadd.scan.msk.s32 $0xffff, v8  }
0xaa: {  	s21 =	sadd.s32 s21, s22  }
0xab: {  	v8 =	vmov s21  }
0xac: {  	v8 =	vadd.s32 $0xFFFFFFFF, v8;
	_ =	sdelay $0x1  }
0xad: {  	v8 =	vbroadcast v8, $0x0  }
0xae: {  	v9, _, _ =	vpop (xrf0)  }
0xaf: {  	v8 =	vadd.s32 v9, v8;
	(v2sf) =	vpush v9, $0xF;
	_ =	sdelay $0x2  }
0xb0: {  	s22 =	sadd.s32 $0x20, s19  }
0xb1: {  	v9 =	vor.u32 s22, v0  }
0xb2: {  	[tilespmem:v8+s10+$0x0] =	vst.idx.msk vm0, v9  }
0xb3: {  	[tilespmem:v8+s11+$0x0] =	vst.idx.msk vm0, v7  }
0xb4: {  	v7 =	vld [tilespmem:s18+$0x10];
	_ =	sdelay $0x4  }
0xb5: {  	v7 =	vsub.s32 v7, v6  }
0xb6: {  	vm0 =	vlt.u32 v7, $0x190  }
0xb7: {  	v8 =	vsel vm0, $0x1, v4  }
0xb8: {  	s22 =	spop (v2sf);
	(xrf0) =	vadd.scan.msk.s32 $0xffff, v8  }
0xb9: {  	s21 =	sadd.s32 s21, s22  }
0xba: {  	v8 =	vmov s21  }
0xbb: {  	v8 =	vadd.s32 $0xFFFFFFFF, v8;
	_ =	sdelay $0x1  }
0xbc: {  	v8 =	vbroadcast v8, $0x0  }
0xbd: {  	v9, _, _ =	vpop (xrf0)  }
0xbe: {  	v8 =	vadd.s32 v9, v8;
	(v2sf) =	vpush v9, $0xF;
	_ =	sdelay $0x2  }
0xbf: {  	s22 =	sadd.s32 $0x30, s19  }
0xc0: {  	v9 =	vor.u32 s22, v0  }
0xc1: {  	[tilespmem:v8+s10+$0x0] =	vst.idx.msk vm0, v9  }
0xc2: {  	s18 =	sadd.s32 $0x40, s18;
	[tilespmem:v8+s11+$0x0] =	vst.idx.msk vm0, v7  }
0xc3: {  	v7 =	vld [tilespmem:s18+$0xFFFFFFE0];
	_ =	sdelay $0x3  }
.Ltmp5:
0xc4: {  	(pc) =	sbr.rel @p0 .LBB2_5-.Ltmp5, $4  }
0xc5: {  	v7 =	vsub.s32 v7, v6  }
0xc6: {  	vm0 =	vlt.u32 v7, $0x190  }
0xc7: {  	v8 =	vsel vm0, $0x1, v4  }
0xc8: {  	(xrf0) =	vadd.scan.msk.s32 $0xffff, v8;
	s22 =	spop (v2sf)  }
0xc9: {  	_ = 	snop  }
0xca: {  	s20 =	sadd.s32 s21, s22  }
0xcb: {  	v8 =	vmov s20  }
0xcc: {  	v8 =	vadd.s32 $0xFFFFFFFF, v8  }
0xcd: {  	v8 =	vbroadcast v8, $0x0  }
0xce: {  	v9, _, _ =	vpop (xrf0)  }
0xcf: {  	v8 =	vadd.s32 v9, v8  }
0xd0: {  	(v2sf) =	vpush v9, $0xF;
	_ =	sdelay $0x1  }
0xd1: {  	s19 =	sadd.s32 $0x40, s19  }
0xd2: {  	v51 =	vor.u32 s19, v0  }
0xd3: {  	[tilespmem:v8+s10+$0x0] =	vst.idx.msk vm0, v51  }
0xd4: {  	[tilespmem:v8+s11+$0x0] =	vst.idx.msk vm0, v7  }
0xd5: {  	v7 =	vld [tilespmem:s18+$0xFFFFFFF0];
	_ =	sdelay $0x4  }
0xd6: {  	v7 =	vsub.s32 v7, v6  }
0xd7: {  	vm12 =	vlt.u32 v7, $0x190  }
0xd8: {  	v52 =	vsel vm12, $0x1, v4  }
0xd9: {  	(xrf0) =	vadd.scan.msk.s32 $0xffff, v52  }
0xda: {  	s31 =	spop (v2sf)  }
0xdb: {  	s20 =	sadd.s32 s20, s31  }
0xdc: {  	v53 =	vmov s20  }
0xdd: {  	v8 =	vadd.s32 $0xFFFFFFFF, v53  }
0xde: {  	v8 =	vbroadcast v8, $0x0  }
0xdf: {  	v54, _, _ =	vpop (xrf0)  }
0xe0: {  	v8 =	vadd.s32 v54, v8  }
0xe1: {  	(v2sf) =	vpush v54, $0xF;
	_ =	sdelay $0x1  }
0xe2: {  	s22 =	sadd.s32 $0x10, s19  }
0xe3: {  	v55 =	vor.u32 s22, v0  }
0xe4: {  	[tilespmem:v8+s10+$0x0] =	vst.idx.msk vm12, v55  }
0xe5: {  	[tilespmem:v8+s11+$0x0] =	vst.idx.msk vm12, v7  }
0xe6: {  	v7 =	vld [tilespmem:s18+$0x0];
	_ =	sdelay $0x4  }
0xe7: {  	v7 =	vsub.s32 v7, v6  }
0xe8: {  	vm13 =	vlt.u32 v7, $0x190  }
0xe9: {  	v56 =	vsel vm13, $0x1, v4  }
0xea: {  	(xrf0) =	vadd.scan.msk.s32 $0xffff, v56  }
0xeb: {  	s23 =	spop (v2sf)  }
0xec: {  	s20 =	sadd.s32 s20, s23  }
0xed: {  	v57 =	vmov s20  }
0xee: {  	v8 =	vadd.s32 $0xFFFFFFFF, v57  }
0xef: {  	v8 =	vbroadcast v8, $0x0  }
0xf0: {  	v58, _, _ =	vpop (xrf0)  }
0xf1: {  	v8 =	vadd.s32 v58, v8  }
0xf2: {  	(v2sf) =	vpush v58, $0xF;
	_ =	sdelay $0x1  }
0xf3: {  	s24 =	sadd.s32 $0x20, s19  }
0xf4: {  	v59 =	vor.u32 s24, v0  }
0xf5: {  	[tilespmem:v8+s10+$0x0] =	vst.idx.msk vm13, v59  }
0xf6: {  	[tilespmem:v8+s11+$0x0] =	vst.idx.msk vm13, v7  }
0xf7: {  	v7 =	vld [tilespmem:s18+$0x10];
	_ =	sdelay $0x4  }
0xf8: {  	v7 =	vsub.s32 v7, v6  }
0xf9: {  	vm14 =	vlt.u32 v7, $0x190  }
0xfa: {  	v60 =	vsel vm14, $0x1, v4  }
0xfb: {  	(xrf0) =	vadd.scan.msk.s32 $0xffff, v60  }
0xfc: {  	s25 =	spop (v2sf)  }
0xfd: {  	s18 =	sadd.s32 s20, s25  }
0xfe: {  	v61 =	vmov s18  }
0xff: {  	v8 =	vadd.s32 $0xFFFFFFFF, v61  }
0x100: {  	v8 =	vbroadcast v8, $0x0  }
0x101: {  	v62, _, _ =	vpop (xrf0)  }
0x102: {  	v8 =	vadd.s32 v62, v8;
	_ =	sdelay $0x2  }
0x103: {  	s19 =	sadd.s32 $0x30, s19  }
0x104: {  	v10 =	vor.u32 s19, v0  }
0x105: {  	[tilespmem:v8+s10+$0x0] =	vst.idx.msk vm14, v10  }
0x106: {  	[tilespmem:v8+s11+$0x0] =	vst.idx.msk vm14, v7  }
0x107: {  	v7 =	vld [tilespmem:$0x2700];
	_ =	sdelay $0x3  }
0x108: {  	(v2sf) =	vpush v62, $0xF  }
0x109: {  	v6 =	vsub.s32 v7, v6  }
0x10a: {  	vm15 =	vlt.u32 v6, $0x190  }
0x10b: {  	v7 =	vsel vm15, $0x1, v4  }
0x10c: {  	(xrf0) =	vadd.scan.msk.s32 $0xffff, v7;
	_ =	sdelay $0x5  }
0x10d: {  	v7, _, _ =	vpop (xrf0)  }
0x10e: {  	(v2sf) =	vpush v7, $0xF;
	_ =	sdelay $0x3  }
0x10f: {  	s26 =	spop (v2sf)  }
0x110: {  	s18 =	sadd.s32 s18, s26  }
0x111: {  	v63 =	vmov s18  }
0x112: {  	v8 =	vadd.s32 $0xFFFFFFFF, v63  }
0x113: {  	v8 =	vbroadcast v8, $0x0;
	_ =	sdelay $0x1  }
0x114: {  	v7 =	vadd.s32 v7, v8;
	_ =	sdelay $0x4  }
0x115: {  	[tilespmem:v7+s10+$0x0] =	vst.idx.msk vm15, v2;
	s28 =	spop (v2sf)  }
0x116: {  	[tilespmem:v7+s11+$0x0] =	vst.idx.msk vm15, v6;
	s19 =	sadd.s32 s18, s28  }
0x117: {  	_ =	strace $0x9000004C;
	[tilespmem:s19+$0x2780] =	vst v1  }
0x118: {  	[tilespmem:s19+$0x4F80] =	vst v5  }
0x119: {  	[tilespmem:s19+$0x2790] =	vst v1  }
0x11a: {  	[tilespmem:s19+$0x4F90] =	vst v5;
	s18 =	sadd.s32 $0x7F, s19  }
0x11b: {  	[tilespmem:s19+$0x27A0] =	vst v1;
	s29 =	sand.u32 $0x7F, s18  }
0x11c: {  	[tilespmem:s19+$0x4FA0] =	vst v5;
	s30 =	sshra.s32 s18, $0x1F;
	p0 =	slt.s32 s18, $0x1;
	p1 =	sne.s32 s29, $0x0  }
0x11d: {  	[tilespmem:s19+$0x27B0] =	vst v1;
	s31 =	sshrl.u32 s30, $0x19;
	p0 =	por !p0, !p1  }
0x11e: {  	s20 =	simm.s32 $0x1;
	[tilespmem:s19+$0x4FB0] =	vst v5;
	s18 =	sadd.s32 s31, s18;
	p0 =	por !p0, !p0  }
0x11f: {  	[tilespmem:s19+$0x27C0] =	vst v1;
	s18 =	sshra.s32 s18, $0x7;
	s20 =	simm.s32 @!p0 $0x0  }
0x120: {  	[tilespmem:s19+$0x4FC0] =	vst v5;
	s18 =	ssub.s32 s18, s20  }
0x121: {  	[tilespmem:s19+$0x27D0] =	vst v1;
	p0 =	sgt.s32 s18, $0x0  }
.Ltmp6:
0x122: {  	[tilespmem:s19+$0x4FD0] =	vst v5;
	(pc) =	sbr.rel @!p0 .LBB2_7-.Ltmp6, $4  }
0x123: {  	[tilespmem:s19+$0x27E0] =	vst v1  }
0x124: {  	[tilespmem:s19+$0x4FE0] =	vst v5  }
0x125: {  	[tilespmem:s19+$0x27F0] =	vst v1  }
0x126: {  	[tilespmem:s19+$0x4FF0] =	vst v5  }
0x127: {  	[tilespmem:s14], [sflag:$0x1] =	stream.indirect.gather [hbm4b:s3+s13], $0x80, s10, s13, $0xb8;
	[tilespmem:$0x1C780] =	vst v63  }
0x128: {  	s20 =	simm.s32 $0x0  }
0x129: {  	s19 =	simm.s32 $0x4F82;
	s21 =	simm.s32 $0x0;
	_ =	strace $0x8000004D  }
.LBB2_9:
0x12a: {  	s22 =	smov.u32 s20;
	s20 =	sadd.s32 $0x1, s20  }
0x12b: {  	p0 =	sge.s32 s20, s18  }
0x12c: {  	s22 =	sshll.u32 s22, $0xE;
	s23 =	sshll.u32 @!p0 s20, $0x9  }
0x12d: {  	s22 =	sand.u32 $0x4000, s22;
	s23 =	sshra.s32 @!p0 s23, $0x2  }
0x12e: {  	s24 =	simm.s32 @!p0 $0x80;
	s22 =	ssub.s32 @!p0 $0xB780, s22;
	s23 =	sadd.s32 @!p0 $0x2780, s23  }
0x12f: {  	[tilespmem:s22], [sflag:$0x1] =	stream.indirect.gather @!p0 [hbm4b:s3+s24], $0x80, s23, s24, $0x2000b8;
	[tilespmem:$0x1C780] =	vst v63  }
0x130: {  	_ =	swait.ge [sflag:s12], $0x4000  }
0x131: {  	[sflag:s12] =	ssyncset.done $0x0  }
0x132: {  	[sflag:s12] =	ssyncadd.s32 $0xFFFFC000  }
0x133: {  	_ =	strace $0x8000004E  }
0x134: {  	v6 =	vld [tilespmem:s19+$0xFFFFFFFE];
	_ =	sdelay $0x4  }
0x135: {  	(v2sf) =	vpush v6, $0x0;
	_ =	sdelay $0xe  }
0x136: {  	s26 =	sand.u32 $0x4000, s21;
	s28 =	spop (v2sf)  }
0x137: {  	s22 =	sadd.s32 $0x7880, s26;
	s23 =	sshll.u32 s28, $0x9  }
0x138: {  	v6 =	vld [tilespmem:s22+$0xFFFFFF00];
	s23 =	sshra.s32 s23, $0x2  }
0x139: {  	v7 =	vld [tilespmem:s23+$0xF780];
	_ =	sdelay $0x4  }
0x13a: {  	v6 =	vmax.f32 v7, v6  }
0x13b: {  	[tilespmem:s23+$0xF780] =	vst v6;
	v6 =	vld [tilespmem:s23+$0xF790]  }
0x13c: {  	v7 =	vld [tilespmem:s22+$0xFFFFFF10];
	_ =	sdelay $0x4  }
0x13d: {  	v6 =	vmax.f32 v6, v7  }
0x13e: {  	[tilespmem:s23+$0xF790] =	vst v6;
	v6 =	vld [tilespmem:s23+$0xF7A0]  }
0x13f: {  	v7 =	vld [tilespmem:s22+$0xFFFFFF20];
	_ =	sdelay $0x4  }
0x140: {  	v6 =	vmax.f32 v6, v7  }
0x141: {  	[tilespmem:s23+$0xF7A0] =	vst v6;
	v6 =	vld [tilespmem:s23+$0xF7B0]  }
0x142: {  	v7 =	vld [tilespmem:s22+$0xFFFFFF30];
	_ =	sdelay $0x4  }
0x143: {  	v6 =	vmax.f32 v6, v7  }
0x144: {  	[tilespmem:s23+$0xF7B0] =	vst v6;
	v6 =	vld [tilespmem:s23+$0xF7C0]  }
0x145: {  	v7 =	vld [tilespmem:s22+$0xFFFFFF40];
	_ =	sdelay $0x4  }
0x146: {  	v6 =	vmax.f32 v6, v7  }
0x147: {  	[tilespmem:s23+$0xF7C0] =	vst v6;
	v6 =	vld [tilespmem:s23+$0xF7D0]  }
0x148: {  	v7 =	vld [tilespmem:s22+$0xFFFFFF50];
	_ =	sdelay $0x4  }
0x149: {  	v6 =	vmax.f32 v6, v7  }
0x14a: {  	[tilespmem:s23+$0xF7D0] =	vst v6;
	v6 =	vld [tilespmem:s23+$0xF7E0]  }
0x14b: {  	v7 =	vld [tilespmem:s22+$0xFFFFFF60];
	_ =	sdelay $0x4  }
0x14c: {  	v6 =	vmax.f32 v6, v7  }
0x14d: {  	[tilespmem:s23+$0xF7E0] =	vst v6;
	v6 =	vld [tilespmem:s23+$0xF7F0]  }
0x14e: {  	v7 =	vld [tilespmem:s22+$0xFFFFFF70];
	_ =	sdelay $0x4  }
0x14f: {  	v6 =	vmax.f32 v6, v7  }
0x150: {  	[tilespmem:s23+$0xF7F0] =	vst v6  }
0x151: {  	v6 =	vld [tilespmem:s19+$0xFFFFFFFF];
	_ =	sdelay $0x4  }
0x152: {  	(v2sf) =	vpush v6, $0x0;
	_ =	sdelay $0xe  }
0x153: {  	s29 =	spop (v2sf)  }
0x154: {  	s23 =	sshll.u32 s29, $0x9  }
0x155: {  	v6 =	vld [tilespmem:s22+$0xFFFFFF80];
	s23 =	sshra.s32 s23, $0x2  }
0x156: {  	v7 =	vld [tilespmem:s23+$0xF780];
	_ =	sdelay $0x4  }
0x157: {  	v6 =	vmax.f32 v7, v6  }
0x158: {  	[tilespmem:s23+$0xF780] =	vst v6;
	v6 =	vld [tilespmem:s23+$0xF790]  }
0x159: {  	v7 =	vld [tilespmem:s22+$0xFFFFFF90];
	_ =	sdelay $0x4  }
0x15a: {  	v6 =	vmax.f32 v6, v7  }
0x15b: {  	[tilespmem:s23+$0xF790] =	vst v6;
	v6 =	vld [tilespmem:s23+$0xF7A0]  }
0x15c: {  	v7 =	vld [tilespmem:s22+$0xFFFFFFA0];
	_ =	sdelay $0x4  }
0x15d: {  	v6 =	vmax.f32 v6, v7  }
0x15e: {  	[tilespmem:s23+$0xF7A0] =	vst v6;
	v6 =	vld [tilespmem:s23+$0xF7B0]  }
0x15f: {  	v7 =	vld [tilespmem:s22+$0xFFFFFFB0];
	_ =	sdelay $0x4  }
0x160: {  	v6 =	vmax.f32 v6, v7  }
0x161: {  	[tilespmem:s23+$0xF7B0] =	vst v6;
	v6 =	vld [tilespmem:s23+$0xF7C0]  }
0x162: {  	v7 =	vld [tilespmem:s22+$0xFFFFFFC0];
	_ =	sdelay $0x4  }
0x163: {  	v6 =	vmax.f32 v6, v7  }
0x164: {  	[tilespmem:s23+$0xF7C0] =	vst v6;
	v6 =	vld [tilespmem:s23+$0xF7D0]  }
0x165: {  	v7 =	vld [tilespmem:s22+$0xFFFFFFD0];
	_ =	sdelay $0x4  }
0x166: {  	v6 =	vmax.f32 v6, v7  }
0x167: {  	[tilespmem:s23+$0xF7D0] =	vst v6;
	v6 =	vld [tilespmem:s23+$0xF7E0]  }
0x168: {  	v7 =	vld [tilespmem:s22+$0xFFFFFFE0];
	_ =	sdelay $0x4  }
0x169: {  	v6 =	vmax.f32 v6, v7  }
0x16a: {  	[tilespmem:s23+$0xF7E0] =	vst v6;
	v6 =	vld [tilespmem:s23+$0xF7F0]  }
0x16b: {  	v7 =	vld [tilespmem:s22+$0xFFFFFFF0];
	_ =	sdelay $0x4  }
0x16c: {  	v6 =	vmax.f32 v6, v7  }
0x16d: {  	[tilespmem:s23+$0xF7F0] =	vst v6  }
0x16e: {  	v6 =	vld [tilespmem:s19+$0x0];
	_ =	sdelay $0x4  }
0x16f: {  	(v2sf) =	vpush v6, $0x0;
	_ =	sdelay $0xe  }
0x170: {  	s30 =	spop (v2sf)  }
0x171: {  	s23 =	sshll.u32 s30, $0x9  }
0x172: {  	v6 =	vld [tilespmem:s22+$0x0];
	s23 =	sshra.s32 s23, $0x2  }
0x173: {  	v7 =	vld [tilespmem:s23+$0xF780];
	_ =	sdelay $0x4  }
0x174: {  	v6 =	vmax.f32 v7, v6  }
0x175: {  	v7 =	vld [tilespmem:s23+$0xF790];
	[tilespmem:s23+$0xF780] =	vst v6  }
0x176: {  	v6 =	vld [tilespmem:s22+$0x10];
	_ =	sdelay $0x4  }
0x177: {  	v6 =	vmax.f32 v7, v6  }
0x178: {  	v7 =	vld [tilespmem:s23+$0xF7A0];
	[tilespmem:s23+$0xF790] =	vst v6  }
0x179: {  	v6 =	vld [tilespmem:s22+$0x20];
	_ =	sdelay $0x4  }
0x17a: {  	v6 =	vmax.f32 v7, v6  }
0x17b: {  	v7 =	vld [tilespmem:s23+$0xF7B0];
	[tilespmem:s23+$0xF7A0] =	vst v6  }
0x17c: {  	v6 =	vld [tilespmem:s22+$0x30];
	_ =	sdelay $0x4  }
0x17d: {  	v6 =	vmax.f32 v7, v6  }
0x17e: {  	v7 =	vld [tilespmem:s23+$0xF7C0];
	[tilespmem:s23+$0xF7B0] =	vst v6  }
0x17f: {  	v6 =	vld [tilespmem:s22+$0x40];
	_ =	sdelay $0x4  }
0x180: {  	v6 =	vmax.f32 v7, v6  }
0x181: {  	v7 =	vld [tilespmem:s23+$0xF7D0];
	[tilespmem:s23+$0xF7C0] =	vst v6  }
0x182: {  	v6 =	vld [tilespmem:s22+$0x50];
	_ =	sdelay $0x4  }
0x183: {  	v6 =	vmax.f32 v7, v6  }
0x184: {  	v7 =	vld [tilespmem:s23+$0xF7E0];
	[tilespmem:s23+$0xF7D0] =	vst v6  }
0x185: {  	v6 =	vld [tilespmem:s22+$0x60];
	_ =	sdelay $0x4  }
0x186: {  	v6 =	vmax.f32 v7, v6  }
0x187: {  	v7 =	vld [tilespmem:s23+$0xF7F0];
	[tilespmem:s23+$0xF7E0] =	vst v6  }
0x188: {  	v6 =	vld [tilespmem:s22+$0x70];
	_ =	sdelay $0x4  }
0x189: {  	v6 =	vmax.f32 v7, v6  }
0x18a: {  	[tilespmem:s23+$0xF7F0] =	vst v6  }
0x18b: {  	v6 =	vld [tilespmem:s19+$0x1];
	_ =	sdelay $0x4  }
0x18c: {  	(v2sf) =	vpush v6, $0x0;
	_ =	sdelay $0xe  }
0x18d: {  	s31 =	spop (v2sf)  }
0x18e: {  	s23 =	sshll.u32 s31, $0x9  }
0x18f: {  	v6 =	vld [tilespmem:s22+$0x80];
	s25 =	sshra.s32 s23, $0x2  }
0x190: {  	v7 =	vld [tilespmem:s25+$0xF780];
	_ =	sdelay $0x4  }
0x191: {  	v6 =	vmax.f32 v7, v6  }
0x192: {  	v8 =	vld [tilespmem:s25+$0xF790];
	[tilespmem:s25+$0xF780] =	vst v6  }
0x193: {  	v6 =	vld [tilespmem:s22+$0x90];
	_ =	sdelay $0x4  }
0x194: {  	v6 =	vmax.f32 v8, v6  }
0x195: {  	v9 =	vld [tilespmem:s25+$0xF7A0];
	[tilespmem:s25+$0xF790] =	vst v6  }
0x196: {  	v6 =	vld [tilespmem:s22+$0xA0];
	_ =	sdelay $0x4  }
0x197: {  	v6 =	vmax.f32 v9, v6  }
0x198: {  	v10 =	vld [tilespmem:s25+$0xF7B0];
	[tilespmem:s25+$0xF7A0] =	vst v6  }
0x199: {  	v6 =	vld [tilespmem:s22+$0xB0];
	_ =	sdelay $0x4  }
0x19a: {  	v6 =	vmax.f32 v10, v6  }
0x19b: {  	v11 =	vld [tilespmem:s25+$0xF7C0];
	[tilespmem:s25+$0xF7B0] =	vst v6  }
0x19c: {  	v6 =	vld [tilespmem:s22+$0xC0];
	_ =	sdelay $0x4  }
0x19d: {  	v6 =	vmax.f32 v11, v6  }
0x19e: {  	v7 =	vld [tilespmem:s25+$0xF7D0];
	[tilespmem:s25+$0xF7C0] =	vst v6  }
0x19f: {  	v6 =	vld [tilespmem:s22+$0xD0];
	_ =	sdelay $0x4  }
0x1a0: {  	v6 =	vmax.f32 v7, v6  }
0x1a1: {  	v12 =	vld [tilespmem:s25+$0xF7E0];
	[tilespmem:s25+$0xF7D0] =	vst v6  }
0x1a2: {  	v6 =	vld [tilespmem:s22+$0xE0];
	_ =	sdelay $0x4  }
0x1a3: {  	v6 =	vmax.f32 v12, v6  }
0x1a4: {  	v13 =	vld [tilespmem:s25+$0xF7F0];
	[tilespmem:s25+$0xF7E0] =	vst v6  }
0x1a5: {  	v6 =	vld [tilespmem:s22+$0xF0];
	_ =	sdelay $0x4  }
0x1a6: {  	s24 =	smov.u32 s19;
	s23 =	simm.s32 $0x0;
	v6 =	vmax.f32 v13, v6  }
.LBB2_10:
0x1a7: {  	s23 =	sadd.s32 $0x4, s23;
	[tilespmem:s25+$0xF7F0] =	vst v6;
	s22 =	sadd.s32 $0x200, s22;
	s24 =	sadd.s32 $0x4, s24  }
0x1a8: {  	v6 =	vld [tilespmem:s24+$0xFFFFFFFE];
	p0 =	slt.u32 s23, $0x7C;
	_ =	sdelay $0x4  }
0x1a9: {  	(v2sf) =	vpush v6, $0x0;
	_ =	sdelay $0xe  }
0x1aa: {  	s25 =	spop (v2sf)  }
0x1ab: {  	s25 =	sshll.u32 s25, $0x9  }
0x1ac: {  	s25 =	sshra.s32 s25, $0x2;
	v6 =	vld [tilespmem:s22+$0xFFFFFF00]  }
0x1ad: {  	v7 =	vld [tilespmem:s25+$0xF780];
	_ =	sdelay $0x4  }
0x1ae: {  	v6 =	vmax.f32 v7, v6  }
0x1af: {  	[tilespmem:s25+$0xF780] =	vst v6;
	v6 =	vld [tilespmem:s25+$0xF790]  }
0x1b0: {  	v7 =	vld [tilespmem:s22+$0xFFFFFF10];
	_ =	sdelay $0x4  }
0x1b1: {  	v6 =	vmax.f32 v6, v7  }
0x1b2: {  	[tilespmem:s25+$0xF790] =	vst v6;
	v6 =	vld [tilespmem:s25+$0xF7A0]  }
0x1b3: {  	v7 =	vld [tilespmem:s22+$0xFFFFFF20];
	_ =	sdelay $0x4  }
0x1b4: {  	v6 =	vmax.f32 v6, v7  }
0x1b5: {  	[tilespmem:s25+$0xF7A0] =	vst v6;
	v6 =	vld [tilespmem:s25+$0xF7B0]  }
0x1b6: {  	v7 =	vld [tilespmem:s22+$0xFFFFFF30];
	_ =	sdelay $0x4  }
0x1b7: {  	v6 =	vmax.f32 v6, v7  }
0x1b8: {  	[tilespmem:s25+$0xF7B0] =	vst v6;
	v6 =	vld [tilespmem:s25+$0xF7C0]  }
0x1b9: {  	v7 =	vld [tilespmem:s22+$0xFFFFFF40];
	_ =	sdelay $0x4  }
0x1ba: {  	v6 =	vmax.f32 v6, v7  }
0x1bb: {  	[tilespmem:s25+$0xF7C0] =	vst v6;
	v6 =	vld [tilespmem:s25+$0xF7D0]  }
0x1bc: {  	v7 =	vld [tilespmem:s22+$0xFFFFFF50];
	_ =	sdelay $0x4  }
0x1bd: {  	v6 =	vmax.f32 v6, v7  }
0x1be: {  	[tilespmem:s25+$0xF7D0] =	vst v6;
	v6 =	vld [tilespmem:s25+$0xF7E0]  }
0x1bf: {  	v7 =	vld [tilespmem:s22+$0xFFFFFF60];
	_ =	sdelay $0x4  }
0x1c0: {  	v6 =	vmax.f32 v6, v7  }
0x1c1: {  	[tilespmem:s25+$0xF7E0] =	vst v6;
	v6 =	vld [tilespmem:s25+$0xF7F0]  }
0x1c2: {  	v7 =	vld [tilespmem:s22+$0xFFFFFF70];
	_ =	sdelay $0x4  }
0x1c3: {  	v6 =	vmax.f32 v6, v7  }
0x1c4: {  	[tilespmem:s25+$0xF7F0] =	vst v6  }
0x1c5: {  	v6 =	vld [tilespmem:s24+$0xFFFFFFFF];
	_ =	sdelay $0x4  }
0x1c6: {  	(v2sf) =	vpush v6, $0x0;
	_ =	sdelay $0xe  }
0x1c7: {  	s25 =	spop (v2sf)  }
0x1c8: {  	s25 =	sshll.u32 s25, $0x9  }
0x1c9: {  	s25 =	sshra.s32 s25, $0x2;
	v6 =	vld [tilespmem:s22+$0xFFFFFF80]  }
0x1ca: {  	v7 =	vld [tilespmem:s25+$0xF780];
	_ =	sdelay $0x4  }
0x1cb: {  	v6 =	vmax.f32 v7, v6  }
0x1cc: {  	[tilespmem:s25+$0xF780] =	vst v6;
	v6 =	vld [tilespmem:s25+$0xF790]  }
0x1cd: {  	v7 =	vld [tilespmem:s22+$0xFFFFFF90];
	_ =	sdelay $0x4  }
0x1ce: {  	v6 =	vmax.f32 v6, v7  }
0x1cf: {  	[tilespmem:s25+$0xF790] =	vst v6;
	v6 =	vld [tilespmem:s25+$0xF7A0]  }
0x1d0: {  	v7 =	vld [tilespmem:s22+$0xFFFFFFA0];
	_ =	sdelay $0x4  }
0x1d1: {  	v6 =	vmax.f32 v6, v7  }
0x1d2: {  	[tilespmem:s25+$0xF7A0] =	vst v6;
	v6 =	vld [tilespmem:s25+$0xF7B0]  }
0x1d3: {  	v7 =	vld [tilespmem:s22+$0xFFFFFFB0];
	_ =	sdelay $0x4  }
0x1d4: {  	v6 =	vmax.f32 v6, v7  }
0x1d5: {  	[tilespmem:s25+$0xF7B0] =	vst v6;
	v6 =	vld [tilespmem:s25+$0xF7C0]  }
0x1d6: {  	v7 =	vld [tilespmem:s22+$0xFFFFFFC0];
	_ =	sdelay $0x4  }
0x1d7: {  	v6 =	vmax.f32 v6, v7  }
0x1d8: {  	[tilespmem:s25+$0xF7C0] =	vst v6;
	v6 =	vld [tilespmem:s25+$0xF7D0]  }
0x1d9: {  	v7 =	vld [tilespmem:s22+$0xFFFFFFD0];
	_ =	sdelay $0x4  }
0x1da: {  	v6 =	vmax.f32 v6, v7  }
0x1db: {  	[tilespmem:s25+$0xF7D0] =	vst v6;
	v6 =	vld [tilespmem:s25+$0xF7E0]  }
0x1dc: {  	v7 =	vld [tilespmem:s22+$0xFFFFFFE0];
	_ =	sdelay $0x4  }
0x1dd: {  	v6 =	vmax.f32 v6, v7  }
0x1de: {  	[tilespmem:s25+$0xF7E0] =	vst v6;
	v6 =	vld [tilespmem:s25+$0xF7F0]  }
0x1df: {  	v7 =	vld [tilespmem:s22+$0xFFFFFFF0];
	_ =	sdelay $0x4  }
0x1e0: {  	v6 =	vmax.f32 v6, v7  }
0x1e1: {  	[tilespmem:s25+$0xF7F0] =	vst v6  }
0x1e2: {  	v6 =	vld [tilespmem:s24+$0x0];
	_ =	sdelay $0x4  }
0x1e3: {  	(v2sf) =	vpush v6, $0x0;
	_ =	sdelay $0xe  }
0x1e4: {  	s25 =	spop (v2sf)  }
0x1e5: {  	s25 =	sshll.u32 s25, $0x9  }
0x1e6: {  	s25 =	sshra.s32 s25, $0x2;
	v6 =	vld [tilespmem:s22+$0x0]  }
0x1e7: {  	v7 =	vld [tilespmem:s25+$0xF780]  }
0x1e8: {  	v8 =	vld [tilespmem:s25+$0xF790]  }
0x1e9: {  	v9 =	vld [tilespmem:s25+$0xF7A0]  }
0x1ea: {  	v10 =	vld [tilespmem:s25+$0xF7B0]  }
0x1eb: {  	v11 =	vld [tilespmem:s25+$0xF7C0]  }
0x1ec: {  	v6 =	vmax.f32 v7, v6;
	v7 =	vld [tilespmem:s25+$0xF7D0]  }
0x1ed: {  	[tilespmem:s25+$0xF780] =	vst v6;
	v6 =	vld [tilespmem:s25+$0xF7E0]  }
0x1ee: {  	v12 =	vld [tilespmem:s22+$0x10]  }
0x1ef: {  	v13 =	vld [tilespmem:s25+$0xF7F0];
	_ =	sdelay $0x3  }
0x1f0: {  	v8 =	vmax.f32 v8, v12  }
0x1f1: {  	[tilespmem:s25+$0xF790] =	vst v8  }
0x1f2: {  	v8 =	vld [tilespmem:s22+$0x20];
	_ =	sdelay $0x4  }
0x1f3: {  	v8 =	vmax.f32 v9, v8  }
0x1f4: {  	[tilespmem:s25+$0xF7A0] =	vst v8  }
0x1f5: {  	v8 =	vld [tilespmem:s22+$0x30];
	_ =	sdelay $0x4  }
0x1f6: {  	v8 =	vmax.f32 v10, v8  }
0x1f7: {  	[tilespmem:s25+$0xF7B0] =	vst v8  }
0x1f8: {  	v8 =	vld [tilespmem:s22+$0x40];
	_ =	sdelay $0x4  }
0x1f9: {  	v8 =	vmax.f32 v11, v8  }
0x1fa: {  	[tilespmem:s25+$0xF7C0] =	vst v8  }
0x1fb: {  	v8 =	vld [tilespmem:s22+$0x50];
	_ =	sdelay $0x4  }
0x1fc: {  	v7 =	vmax.f32 v7, v8  }
0x1fd: {  	[tilespmem:s25+$0xF7D0] =	vst v7  }
0x1fe: {  	v7 =	vld [tilespmem:s22+$0x60];
	_ =	sdelay $0x4  }
0x1ff: {  	v6 =	vmax.f32 v6, v7  }
0x200: {  	[tilespmem:s25+$0xF7E0] =	vst v6  }
0x201: {  	v6 =	vld [tilespmem:s22+$0x70];
	_ =	sdelay $0x4  }
0x202: {  	v6 =	vmax.f32 v13, v6  }
0x203: {  	[tilespmem:s25+$0xF7F0] =	vst v6  }
0x204: {  	v6 =	vld [tilespmem:s24+$0x1]  }
0x205: {  	v7 =	vld [tilespmem:s22+$0x80];
	_ =	sdelay $0x3  }
0x206: {  	(v2sf) =	vpush v6, $0x0;
	_ =	sdelay $0xe  }
0x207: {  	s25 =	spop (v2sf)  }
0x208: {  	s25 =	sshll.u32 s25, $0x9  }
0x209: {  	s25 =	sshra.s32 s25, $0x2  }
0x20a: {  	v6 =	vld [tilespmem:s25+$0xF780]  }
0x20b: {  	v8 =	vld [tilespmem:s25+$0xF790]  }
0x20c: {  	v9 =	vld [tilespmem:s25+$0xF7A0]  }
0x20d: {  	v10 =	vld [tilespmem:s25+$0xF7B0]  }
0x20e: {  	v11 =	vld [tilespmem:s25+$0xF7C0]  }
0x20f: {  	v6 =	vmax.f32 v6, v7;
	v7 =	vld [tilespmem:s25+$0xF7D0]  }
0x210: {  	[tilespmem:s25+$0xF780] =	vst v6;
	v6 =	vld [tilespmem:s25+$0xF7E0]  }
0x211: {  	v12 =	vld [tilespmem:s22+$0x90]  }
0x212: {  	v13 =	vld [tilespmem:s25+$0xF7F0];
	_ =	sdelay $0x3  }
0x213: {  	v8 =	vmax.f32 v8, v12  }
0x214: {  	[tilespmem:s25+$0xF790] =	vst v8  }
0x215: {  	v8 =	vld [tilespmem:s22+$0xA0];
	_ =	sdelay $0x4  }
0x216: {  	v8 =	vmax.f32 v9, v8  }
0x217: {  	[tilespmem:s25+$0xF7A0] =	vst v8  }
0x218: {  	v8 =	vld [tilespmem:s22+$0xB0];
	_ =	sdelay $0x4  }
0x219: {  	v8 =	vmax.f32 v10, v8  }
0x21a: {  	[tilespmem:s25+$0xF7B0] =	vst v8  }
0x21b: {  	v8 =	vld [tilespmem:s22+$0xC0];
	_ =	sdelay $0x4  }
0x21c: {  	v8 =	vmax.f32 v11, v8  }
0x21d: {  	[tilespmem:s25+$0xF7C0] =	vst v8  }
0x21e: {  	v8 =	vld [tilespmem:s22+$0xD0];
	_ =	sdelay $0x4  }
0x21f: {  	v7 =	vmax.f32 v7, v8  }
0x220: {  	[tilespmem:s25+$0xF7D0] =	vst v7  }
0x221: {  	v7 =	vld [tilespmem:s22+$0xE0];
	_ =	sdelay $0x4  }
0x222: {  	v6 =	vmax.f32 v6, v7  }
0x223: {  	[tilespmem:s25+$0xF7E0] =	vst v6  }
0x224: {  	v6 =	vld [tilespmem:s22+$0xF0]  }
.Ltmp7:
0x225: {  	(pc) =	sbr.rel @p0 .LBB2_10-.Ltmp7, $2  }
0x226: {  	_ =	sdelay $0x2  }
0x227: {  	v6 =	vmax.f32 v13, v6  }
0x228: {  	p0 =	sne.s32 s20, s18  }
.Ltmp8:
0x229: {  	_ = 	snop;
	(pc) =	sbr.rel @p0 .LBB2_9-.Ltmp8, $4  }
.Ltmp9:
0x22a: {  	_ = 	snop;
	(pc) =	sbr.rel @!p0 .LBB2_12-.Ltmp9, $4  }
0x22b: {  	_ = 	snop  }
0x22c: {  	[tilespmem:s25+$0xF7F0] =	vst v6  }
0x22d: {  	s21 =	sadd.s32 $0x4000, s21;
	s19 =	sadd.s32 $0x80, s19;
	_ =	strace $0x9000004E  }
0x22e: {  	_ = 	snop  }
.LBB2_14:
0x22f: {  	_ =	sfence.sel $0x180000  }
0x230: {  	[bflag:$0x0] =	sbarrier.arrive $0xFFFF  }
0x231: {  	p0 =	sne.s32 s0, $0x0;
	_ =	strace $0x9000004A  }
0x232: {  	s0 =	sadd.s32 @!p0 $0x100000, s1;
	[bflag:$0x2] =	sbarrier.arrive $0xFFFF  }
0x233: {  	[sflag:s0] =	ssyncadd.tile.s32 @!p0 $0x1;
	_ =	shalt  }
.Lfunc_end2:
_tile_overlayer_lowered:
.L_overlay_start_2:
0x234: {  	(tag) =	ssettag $0x2  }
0x235: {  	s0 =	rddreg [dreg:$0x0];
	s2 =	stileid.u32  }
0x236: {  	s1 =	rddreg [dreg:$0x1];
	p0 =	sne.s32 s2, $0x0  }
0x237: {  	s3 =	rddreg [dreg:$0x2];
	[bflag:$0x3] =	sbarrier.arrive $0xFFFF;
	s2 =	simm.s32 @!p0 $0x1C02  }
0x238: {  	[timem:s3], [sflag:s2] =	dma.local @!p0 [hbm:s0], s1  }
0x239: {  	s0 =	simm.s32 @!p0 $0x2  }
0x23a: {  	_ =	swait.ge @!p0 [sflag:s0], s1  }
0x23b: {  	s1 =	ssub.s32 @!p0 $0x0, s1;
	[sflag:s0] =	ssyncset.done @!p0 $0x0  }
0x23c: {  	[sflag:s0] =	ssyncadd.s32 @!p0 s1  }
0x23d: {  	[bflag:$0x3] =	sbarrier.arrive $0xFFFF  }
0x23e: {  	_ =	shalt  }

// kernel: kernel.7.cloned.1.call-start
scs
__scs_entry_jumppad:
0x0: {  	(pc) =	sbr.rel $0x88, $3  }
0x1: {  	(tag) =	ssettag $0x0;
	lr =	simm.s32 $0x1  }
0x2: {  	[smem:$0x3F9B] =	sst lr;
	_ =	strace $0xD0000000  }
0x3: {  	_ = 	snop  }
0x4: {  	_ = 	snop  }
0x5: {  	_ = 	snop  }
0x6: {  	_ = 	snop  }
0x7: {  	_ = 	snop  }
__scs_overlays_trampoline_lowered:
0x8: {  	[smem:$0x3FAA] =	sst s0  }
0x9: {  	[smem:$0x3FAB] =	sst s1  }
0xa: {  	[smem:$0x3FAC] =	sst s2  }
0xb: {  	[smem:$0x3FAD] =	sst s3  }
0xc: {  	[smem:$0x3FAE] =	sst s4  }
0xd: {  	[smem:$0x3FAF] =	sst s5  }
0xe: {  	[smem:$0x3FB0] =	sst s6  }
0xf: {  	[smem:$0x3FB1] =	sst s7  }
0x10: {  	[smem:$0x3FB2] =	sst s8  }
0x11: {  	[smem:$0x3FB3] =	sst s9;
	s0 =	simm.s32 @!p0 $0x0  }
0x12: {  	s1 =	sld [smem:$0x3F99];
	s0 =	simm.s32 @p0 $0x1  }
0x13: {  	[smem:$0x3FB4] =	sst s0;
	s0 =	simm.s32 @!p1 $0x0  }
0x14: {  	s2 =	sld [smem:$0x3F98];
	s0 =	simm.s32 @p1 $0x1  }
0x15: {  	[smem:$0x3FB5] =	sst s0;
	s0 =	simm.s32 @!p2 $0x0  }
0x16: {  	s3 =	sld [smem:$0x3FDB];
	s0 =	simm.s32 @p2 $0x1  }
0x17: {  	s4 =	simm.s32 $0x1BF5;
	[smem:$0x3FB7] =	sst s0  }
0x18: {  	s0 =	sld [smem:$0x3F9A];
	_ =	swait.ge [sflag:s4], $0x0  }
0x19: {  	s7 =	sld [smem:$0x3F9B]  }
0x1a: {  	s8 =	sadd.s32 $0xFFFFE003, lr  }
0x1b: {  	s9 =	sadd.s32 $0xFFFFFEF7, lr;
	s5 =	simm.s32 $0xFFFFFFFF;
	p2 =	slt.u32 s8, $0xFFFFF086  }
0x1c: {  	p1 =	slt.u32 s9, $0xF7A;
	s5 =	simm.s32 @!p2 $0x0  }
0x1d: {  	s5 =	simm.s32 @p1 $0x1;
	p0 =	seq.s32 s7, s2  }
0x1e: {  	s7 =	smul.u32 @!p0 $0xF7A, s2;
	p2 =	seq.s32 @!p0 s5, $0x0  }
0x1f: {  	s9 =	smul.u32 $0xF7A, s1;
	s8 =	simm.s32 @!p0 $0x1BF5;
	p2 =	por !p2, p0  }
0x20: {  	[sflag:s8] =	ssyncset.s32 @!p0 $0xFFFFF086;
	s6 =	sadd.s32 @!p0 s3, s7;
	s7 =	simm.s32 @!p0 $0x108  }
0x21: {  	s3 =	sadd.s32 s3, s9;
	s6 =	sadd.s32 @!p0 $0x88, s6;
	s7 =	simm.s32 @p2 $0x1082  }
0x22: {  	[simem:s7], [sflag:s8] =	dma.local @!p0 [hbm:s6], $0xF7A  }
0x23: {  	s9 =	sor.u32 $0xD0000000, s2;
	s6 =	simm.s32 $0x108;
	_ =	swait.ge @!p0 [sflag:s8], $0x0  }
0x24: {  	s3 =	sadd.s32 $0x88, s3;
	s6 =	simm.s32 @!p1 $0x1082;
	[sflag:s4] =	ssyncset.s32 $0xFFFFF086  }
0x25: {  	[simem:s6], [sflag:s4] =	dma.local [hbm:s3], $0xF7A  }
0x26: {  	[smem:$0x3F9B] =	sst s1;
	(tag) =	ssettag s2;
	_ =	strace s9  }
0x27: {  	s1 =	sld [smem:$0x3FAB]  }
0x28: {  	s2 =	sld [smem:$0x3FAC]  }
0x29: {  	s4 =	sld [smem:$0x3FAE]  }
0x2a: {  	p0 =	seq.s32 s5, $0x0;
	s5 =	sld [smem:$0x3FAF]  }
0x2b: {  	s6 =	sld [smem:$0x3FB0]  }
0x2c: {  	s7 =	sld [smem:$0x3FB1]  }
0x2d: {  	s3 =	simm.s32 $0x108;
	s8 =	sld [smem:$0x3FB2]  }
0x2e: {  	s3 =	simm.s32 @!p0 $0x1082;
	s9 =	sld [smem:$0x3FB3]  }
0x2f: {  	lr =	sadd.s32 s0, s3;
	s0 =	sld [smem:$0x3FAA]  }
0x30: {  	s3 =	sld [smem:$0x3FAD]  }
0x31: {  	[smem:$0x3FB6] =	sst s10  }
0x32: {  	s10 =	sld [smem:$0x3FB4];
	_ =	sdelay $0x3  }
0x33: {  	p0 =	seq.s32 s10, $0x1;
	s10 =	sld [smem:$0x3FB6];
	_ =	sdelay $0x3  }
0x34: {  	[smem:$0x3FB6] =	sst s10  }
0x35: {  	s10 =	sld [smem:$0x3FB5];
	_ =	sdelay $0x3  }
0x36: {  	p1 =	seq.s32 s10, $0x1;
	s10 =	sld [smem:$0x3FB6];
	_ =	sdelay $0x3  }
0x37: {  	[smem:$0x3FB6] =	sst s10  }
0x38: {  	s10 =	sld [smem:$0x3FB7]  }
0x39: {  	_ = 	snop;
	(pc) =	sbr.ind lr, $3  }
0x3a: {  	_ = 	snop  }
0x3b: {  	_ = 	snop  }
0x3c: {  	p2 =	seq.s32 s10, $0x1;
	s10 =	sld [smem:$0x3FB6]  }
0x3d: {  	_ =	shalt  }
0x3e: {  	_ =	shalt  }
0x3f: {  	_ =	shalt  }
0x40: {  	_ =	shalt  }
0x41: {  	_ =	shalt  }
0x42: {  	_ =	shalt  }
0x43: {  	_ =	shalt  }
0x44: {  	_ =	shalt  }
0x45: {  	_ =	shalt  }
0x46: {  	_ =	shalt  }
0x47: {  	_ =	shalt  }
0x48: {  	_ =	shalt  }
0x49: {  	_ =	shalt  }
0x4a: {  	_ =	shalt  }
0x4b: {  	_ =	shalt  }
0x4c: {  	_ =	shalt  }
0x4d: {  	_ =	shalt  }
0x4e: {  	_ =	shalt  }
0x4f: {  	_ =	shalt  }
0x50: {  	_ =	shalt  }
0x51: {  	_ =	shalt  }
0x52: {  	_ =	shalt  }
0x53: {  	_ =	shalt  }
0x54: {  	_ =	shalt  }
0x55: {  	_ =	shalt  }
0x56: {  	_ =	shalt  }
0x57: {  	_ =	shalt  }
0x58: {  	_ =	shalt  }
0x59: {  	_ =	shalt  }
0x5a: {  	_ =	shalt  }
0x5b: {  	_ =	shalt  }
0x5c: {  	_ =	shalt  }
0x5d: {  	_ =	shalt  }
0x5e: {  	_ =	shalt  }
0x5f: {  	_ =	shalt  }
0x60: {  	_ =	shalt  }
0x61: {  	_ =	shalt  }
0x62: {  	_ =	shalt  }
0x63: {  	_ =	shalt  }
0x64: {  	_ =	shalt  }
0x65: {  	_ =	shalt  }
0x66: {  	_ =	shalt  }
0x67: {  	_ =	shalt  }
0x68: {  	_ =	shalt  }
0x69: {  	_ =	shalt  }
0x6a: {  	_ =	shalt  }
0x6b: {  	_ =	shalt  }
0x6c: {  	_ =	shalt  }
0x6d: {  	_ =	shalt  }
0x6e: {  	_ =	shalt  }
0x6f: {  	_ =	shalt  }
0x70: {  	_ =	shalt  }
0x71: {  	_ =	shalt  }
0x72: {  	_ =	shalt  }
0x73: {  	_ =	shalt  }
0x74: {  	_ =	shalt  }
0x75: {  	_ =	shalt  }
0x76: {  	_ =	shalt  }
0x77: {  	_ =	shalt  }
0x78: {  	_ =	shalt  }
0x79: {  	_ =	shalt  }
0x7a: {  	_ =	shalt  }
0x7b: {  	_ =	shalt  }
0x7c: {  	_ =	shalt  }
0x7d: {  	_ =	shalt  }
0x7e: {  	_ =	shalt  }
0x7f: {  	_ =	shalt  }
0x80: {  	_ =	shalt  }
0x81: {  	_ =	shalt  }
0x82: {  	_ =	shalt  }
0x83: {  	_ =	shalt  }
0x84: {  	_ =	shalt  }
0x85: {  	_ =	shalt  }
0x86: {  	_ =	shalt  }
0x87: {  	_ =	shalt  }
.Lfunc_end0:
.L_simem_size_0:
called_computation_lowered:
.L_overlay_start_0:
0x88: {  	s2 =	sld [smem:$0x3FD9]  }
0x89: {  	s3 =	sld [smem:$0x3FFE];
	_ =	sdelay $0x1  }
0x8a: {  	s1 =	srdreg.scid  }
0x8b: {  	s0 =	sand.u32 $0x1, s1  }
0x8c: {  	s17 =	sshll.u32 s0, $0xA;
	s2 =	sadd.s32 s3, s2  }
0x8d: {  	s2 =	sadd.s32 s2, s17  }
0x8e: {  	[smem:$0x3FC2] =	sst s2  }
0x8f: {  	_ = 	snop  }
0x90: {  	s2 =	sld [smem:$0x3FD0];
	(tm) =	ssettm $0x1  }
0x91: {  	s18 =	sld [smem:$0x3FFB];
	_ =	sdelay $0x3  }
0x92: {  	_ =	strace s18  }
0x93: {  	s3 =	sld [smem:$0x3FFC];
	_ =	sdelay $0x3  }
0x94: {  	_ =	strace s3  }
0x95: {  	s3 =	sld [smem:$0x3FFD];
	_ =	sdelay $0x3  }
0x96: {  	_ =	strace s3  }
0x97: {  	_ =	strace $0x8FFFFFFF  }
0x98: {  	s19 =	sld [smem:$0x3FDB];
	_ =	sdelay $0x1  }
0x99: {  	s4 =	simm.s32 $_scs_section_size  }
0x9a: {  	s5 =	simm.s32 $_size__tile_overlayer_lowered;
	s6 =	simm.s32 $_tile_overlayer_lowered  }
0x9b: {  	s22 =	simm.s32 $0x1BFF;
	s21 =	sshll.u32 s6, $0x1;
	s3 =	sadd.s32 s4, s19  }
0x9c: {  	s7 =	simm.s32 $0x0;
	s20 =	sshll.u32 s5, $0x1;
	s5 =	sadd.s32 s21, s3  }
0x9d: {  	[timem:s7], [sflag:s22] =	dma.local [hbm:s5], s20  }
0x9e: {  	_ =	swait.ge [sflag:s22], s20  }
0x9f: {  	s4 =	ssub.s32 $0x0, s20;
	[sflag:s22] =	ssyncset.done $0x0  }
0xa0: {  	[sflag:s22] =	ssyncadd.s32 s4;
	_ =	sdelay $0x1  }
0xa1: {  	s23 =	simm.s32 $0x1B8B  }
0xa2: {  	_ =	swait.ge [sflag:s23], $0x1  }
0xa3: {  	[sflag:s23] =	ssyncset.done $0x0  }
0xa4: {  	s25 =	simm.s32 $0x1B8E;
	s24 =	sld [smem:$0x3FFE];
	[sflag:s23] =	ssyncadd.s32 $0xFFFFFFFF  }
0xa5: {  	s26 =	simm.s32 $execute0_lowered;
	[smem:$0x3FD2] =	sst s25  }
0xa6: {  	s5 =	sshll.u32 s26, $0x1;
	_ =	strace $0x80000046;
	[dreg:$0x1] =	wrdreg $0xFFFFFFFF  }
0xa7: {  	s28 =	simm.s32 $_size_execute0_lowered;
	s3 =	sadd.s32 s3, s5;
	[dreg:$0x0] =	wrdreg $0x0  }
0xa8: {  	s5 =	sshll.u32 s28, $0x1;
	[dreg:$0x2] =	wrdreg s3  }
0xa9: {  	[dreg:$0x3] =	wrdreg s5  }
0xaa: {  	[dreg:$0x4] =	wrdreg $0xC0  }
0xab: {  	_ =	task [dreg:s7], $0x5FFFF  }
0xac: {  	[dreg:$0x1] =	wrdreg $0xFFFFFFFF  }
0xad: {  	[dreg:$0x0] =	wrdreg $0x60  }
0xae: {  	[dreg:$0x2] =	wrdreg s2  }
0xaf: {  	[dreg:$0x3] =	wrdreg s24  }
0xb0: {  	[dreg:$0x4] =	wrdreg $0x9  }
0xb1: {  	_ =	task.clear_ibuf [dreg:s7], $0x5FFFF;
	_ =	strace $0x90000046  }
0xb2: {  	s29 =	simm.s32 $0x9;
	_ =	strace $0x80000048  }
0xb3: {  	_ =	swait.ge [sflag:s29], $0x1  }
0xb4: {  	[sflag:s29] =	ssyncadd.s32 $0xFFFFFFFF  }
0xb5: {  	_ =	strace $0x90000048  }
0xb6: {  	_ =	sfence  }
0xb7: {  	s30 =	sld [smem:$0x0];
	_ =	sdelay $0x2  }
0xb8: {  	s31 =	sshll.u32 s1, $0xD;
	s1 =	sshrl.u32 s1, $0x2  }
0xb9: {  	s3 =	sand.u32 $0x4000, s31;
	s1 =	sadd.s32 s1, s30  }
0xba: {  	s0 =	sor.u32 s3, s0;
	s1 =	sshll.u32 s1, $0x11  }
0xbb: {  	s0 =	sor.u32 s1, s0  }
0xbc: {  	s0 =	sadd.s32 $0x8F2B, s0  }
0xbd: {  	[sflag:s0] =	ssyncadd.remote.s32 $0x1  }
0xbe: {  	_ =	sfence.sel $0xFFFF  }
0xbf: {  	[dreg:$0x0] =	wrdreg $0xFFFFFFFF;
	(pc) =	sbr.abs _section_cstart, $3  }
0xc0: {  	[dreg:$0x1] =	wrdreg $0xFFFFFFFF  }
0xc1: {  	_ =	task.clear_ibuf [dreg:s7], $0x2FFFF;
	_ =	strace $0x9FFFFFFF  }
0xc2: {  	(tm) =	ssettm $0x7FFFFFFF  }
0xc3: {  	_ =	shalt  }
tec
execute0_lowered:
.L_overlay_start_1:
0x0: {  	(tag) =	ssettag $0x1  }
0x1: {  	s0 =	srdreg.scid;
	s2 =	rddreg [dreg:$0x0]  }
0x2: {  	s1 =	stileid.u32;
	s5 =	rddreg [dreg:$0x1]  }
0x3: {  	s3 =	simm.s32 $0x0;
	s12 =	simm.s32 $0x4;
	s13 =	simm.s32 $0x2780  }
0x4: {  	s14 =	simm.s32 $0x50;
	s15 =	simm.s32 $0x4F00;
	s16 =	simm.s32 $0x9F00  }
0x5: {  	s17 =	simm.s32 $0x7700;
	s19 =	simm.s32 $0xC700;
	s20 =	simm.s32 $0x1  }
0x6: {  	s21 =	simm.s32 $0x2;
	s0 =	sand.u32 $0x1, s0;
	s1 =	sshll.u32 s1, $0x1  }
0x7: {  	s22 =	simm.s32 $0xEF00;
	s25 =	simm.s32 $0x11700;
	s1 =	sor.u32 s0, s1  }
0x8: {  	s26 =	simm.s32 $0x3;
	s28 =	simm.s32 $0x0;
	s4 =	smul.u32 $0x2710, s1  }
0x9: {  	[smem:$0x7FF] =	sst s3;
	s0 =	ssub.s32 $0x2, s0;
	s7 =	smul.u32 $0x138800, s1  }
0xa: {  	_ =	strace $0x80000047;
	s31 =	sshrl.u32 s0, $0x1;
	s1 =	smul.u32 $0x27100, s1  }
0xb: {  	s0 =	ssub.s32 s0, s31;
	s6 =	sshrl.u32 s4, $0x3;
	s7 =	sshrl.u32 s7, $0x3  }
0xc: {  	s11 =	smax.u32 s0, $0x1;
	s8 =	sadd.s32 s6, s5;
	s5 =	sadd.s32 $0x14600, s5  }
0xd: {  	s6 =	sadd.s32 $0xA800, s8;
	s10 =	sadd.s32 s5, s7;
	s7 =	sadd.s32 $0xA00, s8  }
0xe: {  	s8 =	sadd.s32 s5, s1;
	s9 =	sadd.s32 $0x500, s10;
	s10 =	sadd.s32 $0x26C00, s10  }
.LBB2_1:
0xf: {  	[tilespmem:s3], [sflag:$0x4] =	stream.linear.gather [hbm4b:s6+s3], $0x2710, $0x38;
	[tilespmem:$0x13F00] =	vst v63  }
0x10: {  	_ =	swait.ge [sflag:s12], $0x2710  }
0x11: {  	[sflag:s12] =	ssyncset.done $0x0  }
0x12: {  	[sflag:s12] =	ssyncadd.s32 $0xFFFFD8F0  }
0x13: {  	[tilespmem:s13], [sflag:$0x4] =	stream.linear.gather [hbm4b:s7+s3], $0x2710, $0x38;
	[tilespmem:$0x13F00] =	vst v63  }
0x14: {  	_ =	swait.ge [sflag:s12], $0x2710  }
0x15: {  	[sflag:s12] =	ssyncset.done $0x0  }
0x16: {  	[sflag:s12] =	ssyncadd.s32 $0xFFFFD8F0  }
0x17: {  	[tilespmem:s15], [sflag:$0x1] =	stream.indirect.gather [hbm4b:s2+s14], $0x80, s3, s14, $0xb8;
	[tilespmem:$0x13F00] =	vst v63  }
0x18: {  	_ = 	snop  }
0x19: {  	[tilespmem:s16], [sflag:$0x2] =	stream.indirect.gather [hbm4b:s2+s14], $0x80, s13, s14, $0xb8;
	[tilespmem:$0x13F00] =	vst v63  }
0x1a: {  	_ = 	snop  }
0x1b: {  	[tilespmem:s17], [sflag:$0x1] =	stream.indirect.gather [hbm4b:s2+s14], $0x80, s14, s14, $0xb8;
	[tilespmem:$0x13F00] =	vst v63  }
0x1c: {  	s0 =	simm.s32 $0x27D0  }
0x1d: {  	[tilespmem:s19], [sflag:$0x2] =	stream.indirect.gather [hbm4b:s2+s14], $0x80, s0, s14, $0xb8;
	[tilespmem:$0x13F00] =	vst v63  }
0x1e: {  	_ =	swait.ge [sflag:s20], $0x2800  }
0x1f: {  	[sflag:s20] =	ssyncset.done $0x0  }
0x20: {  	[sflag:s20] =	ssyncadd.s32 $0xFFFFD800  }
0x21: {  	_ =	swait.ge [sflag:s21], $0x2800  }
0x22: {  	[sflag:s21] =	ssyncset.done $0x0  }
0x23: {  	s31 =	simm.s32 $0x4F20;
	[sflag:s21] =	ssyncadd.s32 $0xFFFFD800  }
0x24: {  	s29 =	simm.s32 $0x9F70;
	v0 =	vld [tilespmem:s31+$0xFFFFFFE0]  }
0x25: {  	v1 =	vld [tilespmem:s29+$0xFFFFFFD0];
	_ =	sdelay $0x4  }
0x26: {  	v0 =	vadd.f32 v1, v0;
	_ =	sdelay $0x1  }
0x27: {  	s1 =	simm.s32 $0xEF20;
	v0 =	vmax.f32 v0, $0.0e+00  }
0x28: {  	[tilespmem:s1+$0xFFFFFFE0] =	vst v0  }
0x29: {  	v0 =	vld [tilespmem:s31+$0xFFFFFFF0]  }
0x2a: {  	v1 =	vld [tilespmem:s29+$0xFFFFFFE0];
	_ =	sdelay $0x4  }
0x2b: {  	v0 =	vadd.f32 v1, v0;
	_ =	sdelay $0x1  }
0x2c: {  	v0 =	vmax.f32 v0, $0.0e+00  }
0x2d: {  	[tilespmem:s1+$0xFFFFFFF0] =	vst v0  }
0x2e: {  	v0 =	vld [tilespmem:s31+$0x0]  }
0x2f: {  	v1 =	vld [tilespmem:s29+$0xFFFFFFF0];
	_ =	sdelay $0x4  }
0x30: {  	v0 =	vadd.f32 v1, v0;
	_ =	sdelay $0x1  }
0x31: {  	v0 =	vmax.f32 v0, $0.0e+00  }
0x32: {  	[tilespmem:s1+$0x0] =	vst v0  }
0x33: {  	v0 =	vld [tilespmem:s31+$0x10]  }
0x34: {  	v1 =	vld [tilespmem:s29+$0x0];
	_ =	sdelay $0x3  }
0x35: {  	s23 =	simm.s32 $0x4FA0;
	s18 =	simm.s32 $0xEF20;
	s0 =	simm.s32 $0x0  }
.LBB2_2:
0x36: {  	s0 =	sadd.s32 $0x4, s0;
	v0 =	vadd.f32 v1, v0;
	s29 =	sadd.s32 $0x80, s29;
	s1 =	sadd.s32 $0x80, s1  }
0x37: {  	p0 =	slt.u32 s0, $0x13C  }
0x38: {  	v0 =	vmax.f32 v0, $0.0e+00  }
0x39: {  	[tilespmem:s18+$0x10] =	vst v0;
	s18 =	smov.u32 s1  }
0x3a: {  	v0 =	vld [tilespmem:s23+$0xFFFFFFE0]  }
0x3b: {  	v1 =	vld [tilespmem:s29+$0xFFFFFFD0];
	_ =	sdelay $0x4  }
0x3c: {  	v0 =	vadd.f32 v1, v0;
	_ =	sdelay $0x1  }
0x3d: {  	v0 =	vmax.f32 v0, $0.0e+00  }
0x3e: {  	[tilespmem:s1+$0xFFFFFFE0] =	vst v0  }
0x3f: {  	v0 =	vld [tilespmem:s23+$0xFFFFFFF0]  }
0x40: {  	v1 =	vld [tilespmem:s29+$0xFFFFFFE0];
	_ =	sdelay $0x4  }
0x41: {  	v0 =	vadd.f32 v1, v0;
	_ =	sdelay $0x1  }
0x42: {  	v0 =	vmax.f32 v0, $0.0e+00  }
0x43: {  	[tilespmem:s1+$0xFFFFFFF0] =	vst v0  }
0x44: {  	v0 =	vld [tilespmem:s23+$0x0]  }
0x45: {  	v1 =	vld [tilespmem:s29+$0xFFFFFFF0];
	_ =	sdelay $0x4  }
0x46: {  	v0 =	vadd.f32 v1, v0;
	_ =	sdelay $0x1  }
0x47: {  	v0 =	vmax.f32 v0, $0.0e+00  }
0x48: {  	[tilespmem:s1+$0x0] =	vst v0  }
0x49: {  	v0 =	vld [tilespmem:s23+$0x10]  }
.Ltmp0:
0x4a: {  	v1 =	vld [tilespmem:s29+$0x0];
	(pc) =	sbr.rel @p0 .LBB2_2-.Ltmp0, $2  }
0x4b: {  	_ =	sdelay $0x2  }
0x4c: {  	s23 =	sadd.s32 $0x80, s23  }
0x4d: {  	v0 =	vadd.f32 v1, v0;
	_ =	sdelay $0x1  }
0x4e: {  	v0 =	vmax.f32 v0, $0.0e+00  }
0x4f: {  	[tilespmem:s18+$0x10] =	vst v0  }
0x50: {  	[hbm4b:s8+s3] =	stream.linear.scatter [tilespmem:s22], [sflag:$0x3], $0x2800, $0x38;
	[tilespmem:$0x13F00] =	vst v63  }
0x51: {  	s0 =	simm.s32 $0xA0  }
0x52: {  	[tilespmem:s15], [sflag:$0x1] =	stream.indirect.gather [hbm4b:s2+s14], $0x80, s0, s14, $0xb8;
	[tilespmem:$0x13F00] =	vst v63  }
0x53: {  	s30 =	simm.s32 $0x2820  }
0x54: {  	[tilespmem:s16], [sflag:$0x2] =	stream.indirect.gather [hbm4b:s2+s14], $0x80, s30, s14, $0xb8;
	[tilespmem:$0x13F00] =	vst v63  }
0x55: {  	_ =	swait.ge [sflag:s20], $0x2800  }
0x56: {  	[sflag:s20] =	ssyncset.done $0x0  }
0x57: {  	[sflag:s20] =	ssyncadd.s32 $0xFFFFD800  }
0x58: {  	_ =	swait.ge [sflag:s21], $0x2800  }
0x59: {  	[sflag:s21] =	ssyncset.done $0x0  }
0x5a: {  	s29 =	simm.s32 $0x7730;
	[sflag:s21] =	ssyncadd.s32 $0xFFFFD800  }
0x5b: {  	s31 =	simm.s32 $0xC770;
	v0 =	vld [tilespmem:s29+$0xFFFFFFD0]  }
0x5c: {  	v1 =	vld [tilespmem:s31+$0xFFFFFFD0];
	_ =	sdelay $0x4  }
0x5d: {  	v0 =	vadd.f32 v1, v0;
	_ =	sdelay $0x1  }
0x5e: {  	s1 =	simm.s32 $0x11730;
	v0 =	vmax.f32 v0, $0.0e+00  }
0x5f: {  	[tilespmem:s1+$0xFFFFFFD0] =	vst v0  }
0x60: {  	v0 =	vld [tilespmem:s29+$0xFFFFFFE0]  }
0x61: {  	v1 =	vld [tilespmem:s31+$0xFFFFFFE0];
	_ =	sdelay $0x4  }
0x62: {  	v0 =	vadd.f32 v1, v0;
	_ =	sdelay $0x1  }
0x63: {  	v0 =	vmax.f32 v0, $0.0e+00  }
0x64: {  	[tilespmem:s1+$0xFFFFFFE0] =	vst v0  }
0x65: {  	v0 =	vld [tilespmem:s29+$0xFFFFFFF0]  }
0x66: {  	v1 =	vld [tilespmem:s31+$0xFFFFFFF0];
	_ =	sdelay $0x4  }
0x67: {  	v0 =	vadd.f32 v1, v0;
	_ =	sdelay $0x1  }
0x68: {  	v0 =	vmax.f32 v0, $0.0e+00  }
0x69: {  	[tilespmem:s1+$0xFFFFFFF0] =	vst v0  }
0x6a: {  	v0 =	vld [tilespmem:s29+$0x0]  }
0x6b: {  	v1 =	vld [tilespmem:s31+$0x0];
	_ =	sdelay $0x3  }
0x6c: {  	s23 =	simm.s32 $0xC7F0;
	s18 =	simm.s32 $0x11730;
	s0 =	simm.s32 $0x0  }
.LBB2_4:
0x6d: {  	s0 =	sadd.s32 $0x4, s0;
	v0 =	vadd.f32 v1, v0;
	s1 =	sadd.s32 $0x80, s1;
	s29 =	sadd.s32 $0x80, s29  }
0x6e: {  	p0 =	slt.u32 s0, $0x13C  }
0x6f: {  	v0 =	vmax.f32 v0, $0.0e+00  }
0x70: {  	[tilespmem:s18+$0x0] =	vst v0;
	s18 =	smov.u32 s1  }
0x71: {  	v0 =	vld [tilespmem:s29+$0xFFFFFFD0]  }
0x72: {  	v1 =	vld [tilespmem:s23+$0xFFFFFFD0];
	_ =	sdelay $0x4  }
0x73: {  	v0 =	vadd.f32 v1, v0;
	_ =	sdelay $0x1  }
0x74: {  	v0 =	vmax.f32 v0, $0.0e+00  }
0x75: {  	[tilespmem:s1+$0xFFFFFFD0] =	vst v0  }
0x76: {  	v0 =	vld [tilespmem:s29+$0xFFFFFFE0]  }
0x77: {  	v1 =	vld [tilespmem:s23+$0xFFFFFFE0];
	_ =	sdelay $0x4  }
0x78: {  	v0 =	vadd.f32 v1, v0;
	_ =	sdelay $0x1  }
0x79: {  	v0 =	vmax.f32 v0, $0.0e+00  }
0x7a: {  	[tilespmem:s1+$0xFFFFFFE0] =	vst v0  }
0x7b: {  	v0 =	vld [tilespmem:s29+$0xFFFFFFF0]  }
0x7c: {  	v1 =	vld [tilespmem:s23+$0xFFFFFFF0];
	_ =	sdelay $0x4  }
0x7d: {  	v0 =	vadd.f32 v1, v0;
	_ =	sdelay $0x1  }
0x7e: {  	v0 =	vmax.f32 v0, $0.0e+00  }
0x7f: {  	[tilespmem:s1+$0xFFFFFFF0] =	vst v0  }
0x80: {  	v0 =	vld [tilespmem:s29+$0x0]  }
.Ltmp1:
0x81: {  	v1 =	vld [tilespmem:s23+$0x0];
	(pc) =	sbr.rel @p0 .LBB2_4-.Ltmp1, $2  }
0x82: {  	_ =	sdelay $0x2  }
0x83: {  	s23 =	sadd.s32 $0x80, s23  }
0x84: {  	v0 =	vadd.f32 v1, v0;
	_ =	sdelay $0x1  }
0x85: {  	v0 =	vmax.f32 v0, $0.0e+00  }
0x86: {  	s29 =	simm.s32 $0x1;
	[tilespmem:s18+$0x0] =	vst v0  }
0x87: {  	[hbm4b:s9+s3] =	stream.linear.scatter [tilespmem:s25], [sflag:$0x3], $0x2800, $0x38;
	[tilespmem:$0x13F00] =	vst v63  }
.LBB2_6:
0x88: {  	s31 =	smul.u32 $0xA0, s29;
	_ =	sdelay $0x1  }
0x89: {  	s30 =	sadd.s32 $0x50, s31  }
0x8a: {  	[tilespmem:s17], [sflag:$0x1] =	stream.indirect.gather [hbm4b:s2+s14], $0x80, s30, s14, $0xb8;
	[tilespmem:$0x13F00] =	vst v63  }
0x8b: {  	s0 =	sadd.s32 $0x27D0, s31  }
0x8c: {  	[tilespmem:s19], [sflag:$0x2] =	stream.indirect.gather [hbm4b:s2+s14], $0x80, s0, s14, $0xb8;
	[tilespmem:$0x13F00] =	vst v63  }
0x8d: {  	_ =	swait.ge [sflag:s20], $0x2800  }
0x8e: {  	[sflag:s20] =	ssyncset.done $0x0  }
0x8f: {  	[sflag:s20] =	ssyncadd.s32 $0xFFFFD800  }
0x90: {  	_ =	swait.ge [sflag:s21], $0x2800  }
0x91: {  	[sflag:s21] =	ssyncset.done $0x0  }
0x92: {  	[sflag:s21] =	ssyncadd.s32 $0xFFFFD800  }
0x93: {  	_ =	swait.ge [sflag:s26], $0x2800  }
0x94: {  	[sflag:s26] =	ssyncset.done $0x0  }
0x95: {  	s18 =	simm.s32 $0x4F20;
	[sflag:s26] =	ssyncadd.s32 $0xFFFFD800  }
0x96: {  	s1 =	simm.s32 $0x9F70;
	v0 =	vld [tilespmem:s18+$0xFFFFFFE0]  }
0x97: {  	v1 =	vld [tilespmem:s1+$0xFFFFFFD0];
	_ =	sdelay $0x4  }
0x98: {  	v0 =	vadd.f32 v1, v0;
	_ =	sdelay $0x1  }
0x99: {  	s0 =	simm.s32 $0xEF20;
	v0 =	vmax.f32 v0, $0.0e+00  }
0x9a: {  	[tilespmem:s0+$0xFFFFFFE0] =	vst v0  }
0x9b: {  	v0 =	vld [tilespmem:s18+$0xFFFFFFF0]  }
0x9c: {  	v1 =	vld [tilespmem:s1+$0xFFFFFFE0];
	_ =	sdelay $0x4  }
0x9d: {  	v0 =	vadd.f32 v1, v0;
	_ =	sdelay $0x1  }
0x9e: {  	v0 =	vmax.f32 v0, $0.0e+00  }
0x9f: {  	[tilespmem:s0+$0xFFFFFFF0] =	vst v0  }
0xa0: {  	v0 =	vld [tilespmem:s18+$0x0]  }
0xa1: {  	v1 =	vld [tilespmem:s1+$0xFFFFFFF0];
	_ =	sdelay $0x4  }
0xa2: {  	v0 =	vadd.f32 v1, v0;
	_ =	sdelay $0x1  }
0xa3: {  	v0 =	vmax.f32 v0, $0.0e+00  }
0xa4: {  	[tilespmem:s0+$0x0] =	vst v0  }
0xa5: {  	v0 =	vld [tilespmem:s18+$0x10]  }
0xa6: {  	v1 =	vld [tilespmem:s1+$0x0];
	_ =	sdelay $0x3  }
0xa7: {  	s23 =	simm.s32 $0x0;
	s24 =	simm.s32 $0x4FA0;
	s18 =	simm.s32 $0xEF20  }
.LBB2_7:
0xa8: {  	s23 =	sadd.s32 $0x4, s23;
	v0 =	vadd.f32 v1, v0;
	s1 =	sadd.s32 $0x80, s1;
	s0 =	sadd.s32 $0x80, s0  }
0xa9: {  	p0 =	slt.u32 s23, $0x13C  }
0xaa: {  	v0 =	vmax.f32 v0, $0.0e+00  }
0xab: {  	[tilespmem:s18+$0x10] =	vst v0;
	s18 =	smov.u32 s0  }
0xac: {  	v0 =	vld [tilespmem:s24+$0xFFFFFFE0]  }
0xad: {  	v1 =	vld [tilespmem:s1+$0xFFFFFFD0];
	_ =	sdelay $0x4  }
0xae: {  	v0 =	vadd.f32 v1, v0;
	_ =	sdelay $0x1  }
0xaf: {  	v0 =	vmax.f32 v0, $0.0e+00  }
0xb0: {  	[tilespmem:s0+$0xFFFFFFE0] =	vst v0  }
0xb1: {  	v0 =	vld [tilespmem:s24+$0xFFFFFFF0]  }
0xb2: {  	v1 =	vld [tilespmem:s1+$0xFFFFFFE0];
	_ =	sdelay $0x4  }
0xb3: {  	v0 =	vadd.f32 v1, v0;
	_ =	sdelay $0x1  }
0xb4: {  	v0 =	vmax.f32 v0, $0.0e+00  }
0xb5: {  	[tilespmem:s0+$0xFFFFFFF0] =	vst v0  }
0xb6: {  	v0 =	vld [tilespmem:s24+$0x0]  }
0xb7: {  	v1 =	vld [tilespmem:s1+$0xFFFFFFF0];
	_ =	sdelay $0x4  }
0xb8: {  	v0 =	vadd.f32 v1, v0;
	_ =	sdelay $0x1  }
0xb9: {  	v0 =	vmax.f32 v0, $0.0e+00  }
0xba: {  	[tilespmem:s0+$0x0] =	vst v0  }
0xbb: {  	v0 =	vld [tilespmem:s24+$0x10]  }
.Ltmp2:
0xbc: {  	v1 =	vld [tilespmem:s1+$0x0];
	(pc) =	sbr.rel @p0 .LBB2_7-.Ltmp2, $2  }
0xbd: {  	_ =	sdelay $0x2  }
0xbe: {  	s24 =	sadd.s32 $0x80, s24  }
0xbf: {  	v0 =	vadd.f32 v1, v0  }
0xc0: {  	s0 =	sadd.s32 s4, s31  }
0xc1: {  	s0 =	sshll.u32 s0, $0x4;
	v0 =	vmax.f32 v0, $0.0e+00  }
0xc2: {  	s0 =	sadd.s32 s5, s0;
	[tilespmem:s18+$0x10] =	vst v0  }
0xc3: {  	[hbm4b:s0+s3] =	stream.linear.scatter [tilespmem:s22], [sflag:$0x3], $0x2800, $0x38;
	[tilespmem:$0x13F00] =	vst v63  }
0xc4: {  	s23 =	sadd.s32 $0xA0, s31  }
0xc5: {  	[tilespmem:s15], [sflag:$0x1] =	stream.indirect.gather [hbm4b:s2+s14], $0x80, s23, s14, $0xb8;
	[tilespmem:$0x13F00] =	vst v63  }
0xc6: {  	s24 =	sadd.s32 $0x2820, s31  }
0xc7: {  	[tilespmem:s16], [sflag:$0x2] =	stream.indirect.gather [hbm4b:s2+s14], $0x80, s24, s14, $0xb8;
	[tilespmem:$0x13F00] =	vst v63  }
0xc8: {  	_ =	swait.ge [sflag:s20], $0x2800  }
0xc9: {  	[sflag:s20] =	ssyncset.done $0x0  }
0xca: {  	[sflag:s20] =	ssyncadd.s32 $0xFFFFD800  }
0xcb: {  	_ =	swait.ge [sflag:s21], $0x2800  }
0xcc: {  	[sflag:s21] =	ssyncset.done $0x0  }
0xcd: {  	[sflag:s21] =	ssyncadd.s32 $0xFFFFD800  }
0xce: {  	_ =	swait.ge [sflag:s26], $0x2800  }
0xcf: {  	[sflag:s26] =	ssyncset.done $0x0  }
0xd0: {  	s31 =	simm.s32 $0x7730;
	[sflag:s26] =	ssyncadd.s32 $0xFFFFD800  }
0xd1: {  	s1 =	simm.s32 $0xC770;
	v0 =	vld [tilespmem:s31+$0xFFFFFFD0]  }
0xd2: {  	v1 =	vld [tilespmem:s1+$0xFFFFFFD0];
	_ =	sdelay $0x4  }
0xd3: {  	v0 =	vadd.f32 v1, v0;
	_ =	sdelay $0x1  }
0xd4: {  	s0 =	simm.s32 $0x11730;
	v0 =	vmax.f32 v0, $0.0e+00  }
0xd5: {  	[tilespmem:s0+$0xFFFFFFD0] =	vst v0  }
0xd6: {  	v0 =	vld [tilespmem:s31+$0xFFFFFFE0]  }
0xd7: {  	v1 =	vld [tilespmem:s1+$0xFFFFFFE0];
	_ =	sdelay $0x4  }
0xd8: {  	v0 =	vadd.f32 v1, v0;
	_ =	sdelay $0x1  }
0xd9: {  	v0 =	vmax.f32 v0, $0.0e+00  }
0xda: {  	[tilespmem:s0+$0xFFFFFFE0] =	vst v0  }
0xdb: {  	v0 =	vld [tilespmem:s31+$0xFFFFFFF0]  }
0xdc: {  	v1 =	vld [tilespmem:s1+$0xFFFFFFF0];
	_ =	sdelay $0x4  }
0xdd: {  	v0 =	vadd.f32 v1, v0;
	_ =	sdelay $0x1  }
0xde: {  	v0 =	vmax.f32 v0, $0.0e+00  }
0xdf: {  	[tilespmem:s0+$0xFFFFFFF0] =	vst v0  }
0xe0: {  	v0 =	vld [tilespmem:s31+$0x0]  }
0xe1: {  	v1 =	vld [tilespmem:s1+$0x0];
	_ =	sdelay $0x3  }
0xe2: {  	s18 =	simm.s32 $0x0;
	s23 =	simm.s32 $0xC7F0;
	s1 =	simm.s32 $0x11730  }
.LBB2_9:
0xe3: {  	s18 =	sadd.s32 $0x4, s18;
	v0 =	vadd.f32 v1, v0;
	s0 =	sadd.s32 $0x80, s0;
	s31 =	sadd.s32 $0x80, s31  }
0xe4: {  	p0 =	slt.u32 s18, $0x13C  }
0xe5: {  	v0 =	vmax.f32 v0, $0.0e+00  }
0xe6: {  	[tilespmem:s1+$0x0] =	vst v0;
	s1 =	smov.u32 s0  }
0xe7: {  	v0 =	vld [tilespmem:s31+$0xFFFFFFD0]  }
0xe8: {  	v1 =	vld [tilespmem:s23+$0xFFFFFFD0];
	_ =	sdelay $0x4  }
0xe9: {  	v0 =	vadd.f32 v1, v0;
	_ =	sdelay $0x1  }
0xea: {  	v0 =	vmax.f32 v0, $0.0e+00  }
0xeb: {  	[tilespmem:s0+$0xFFFFFFD0] =	vst v0  }
0xec: {  	v0 =	vld [tilespmem:s31+$0xFFFFFFE0]  }
0xed: {  	v1 =	vld [tilespmem:s23+$0xFFFFFFE0];
	_ =	sdelay $0x4  }
0xee: {  	v0 =	vadd.f32 v1, v0;
	_ =	sdelay $0x1  }
0xef: {  	v0 =	vmax.f32 v0, $0.0e+00  }
0xf0: {  	[tilespmem:s0+$0xFFFFFFE0] =	vst v0  }
0xf1: {  	v0 =	vld [tilespmem:s31+$0xFFFFFFF0]  }
0xf2: {  	v1 =	vld [tilespmem:s23+$0xFFFFFFF0];
	_ =	sdelay $0x4  }
0xf3: {  	v0 =	vadd.f32 v1, v0;
	_ =	sdelay $0x1  }
0xf4: {  	v0 =	vmax.f32 v0, $0.0e+00  }
0xf5: {  	[tilespmem:s0+$0xFFFFFFF0] =	vst v0  }
0xf6: {  	v0 =	vld [tilespmem:s31+$0x0]  }
.Ltmp3:
0xf7: {  	v1 =	vld [tilespmem:s23+$0x0];
	(pc) =	sbr.rel @p0 .LBB2_9-.Ltmp3, $2  }
0xf8: {  	_ =	sdelay $0x2  }
0xf9: {  	s23 =	sadd.s32 $0x80, s23  }
0xfa: {  	s29 =	sadd.s32 $0x1, s29  }
0xfb: {  	p0 =	sne.s32 s29, $0x3E  }
.Ltmp4:
0xfc: {  	v0 =	vadd.f32 v1, v0;
	(pc) =	sbr.rel @p0 .LBB2_6-.Ltmp4, $4  }
0xfd: {  	s0 =	sadd.s32 s4, s30  }
0xfe: {  	s0 =	sshll.u32 s0, $0x4;
	v0 =	vmax.f32 v0, $0.0e+00  }
0xff: {  	s0 =	sadd.s32 s5, s0;
	[tilespmem:s1+$0x0] =	vst v0  }
0x100: {  	[hbm4b:s0+s3] =	stream.linear.scatter [tilespmem:s25], [sflag:$0x3], $0x2800, $0x38;
	[tilespmem:$0x13F00] =	vst v63  }
0x101: {  	_ =	swait.ge [sflag:s20], $0x2800  }
0x102: {  	[sflag:s20] =	ssyncset.done $0x0  }
0x103: {  	[sflag:s20] =	ssyncadd.s32 $0xFFFFD800  }
0x104: {  	_ =	swait.ge [sflag:s21], $0x2800  }
0x105: {  	[sflag:s21] =	ssyncset.done $0x0  }
0x106: {  	[sflag:s21] =	ssyncadd.s32 $0xFFFFD800  }
0x107: {  	_ =	swait.ge [sflag:s26], $0x2800  }
0x108: {  	[sflag:s26] =	ssyncset.done $0x0  }
0x109: {  	s18 =	simm.s32 $0x4F20;
	[sflag:s26] =	ssyncadd.s32 $0xFFFFD800  }
0x10a: {  	s1 =	simm.s32 $0x9F70;
	v0 =	vld [tilespmem:s18+$0xFFFFFFE0]  }
0x10b: {  	v1 =	vld [tilespmem:s1+$0xFFFFFFD0];
	_ =	sdelay $0x4  }
0x10c: {  	v0 =	vadd.f32 v1, v0;
	_ =	sdelay $0x1  }
0x10d: {  	s0 =	simm.s32 $0xEF20;
	v0 =	vmax.f32 v0, $0.0e+00  }
0x10e: {  	[tilespmem:s0+$0xFFFFFFE0] =	vst v0  }
0x10f: {  	v0 =	vld [tilespmem:s18+$0xFFFFFFF0]  }
0x110: {  	v1 =	vld [tilespmem:s1+$0xFFFFFFE0];
	_ =	sdelay $0x4  }
0x111: {  	v0 =	vadd.f32 v1, v0;
	_ =	sdelay $0x1  }
0x112: {  	v0 =	vmax.f32 v0, $0.0e+00  }
0x113: {  	[tilespmem:s0+$0xFFFFFFF0] =	vst v0  }
0x114: {  	v0 =	vld [tilespmem:s18+$0x0]  }
0x115: {  	v1 =	vld [tilespmem:s1+$0xFFFFFFF0];
	_ =	sdelay $0x4  }
0x116: {  	v0 =	vadd.f32 v1, v0;
	_ =	sdelay $0x1  }
0x117: {  	v0 =	vmax.f32 v0, $0.0e+00  }
0x118: {  	[tilespmem:s0+$0x0] =	vst v0  }
0x119: {  	v0 =	vld [tilespmem:s18+$0x10]  }
0x11a: {  	v1 =	vld [tilespmem:s1+$0x0];
	_ =	sdelay $0x3  }
0x11b: {  	s24 =	simm.s32 $0x4FA0;
	s23 =	simm.s32 $0xEF20;
	s18 =	simm.s32 $0x0  }
.LBB2_12:
0x11c: {  	s18 =	sadd.s32 $0x4, s18;
	v0 =	vadd.f32 v1, v0;
	s1 =	sadd.s32 $0x80, s1;
	s0 =	sadd.s32 $0x80, s0  }
0x11d: {  	p0 =	slt.u32 s18, $0x13C  }
0x11e: {  	v0 =	vmax.f32 v0, $0.0e+00  }
0x11f: {  	[tilespmem:s23+$0x10] =	vst v0;
	s23 =	smov.u32 s0  }
0x120: {  	v0 =	vld [tilespmem:s24+$0xFFFFFFE0]  }
0x121: {  	v1 =	vld [tilespmem:s1+$0xFFFFFFD0];
	_ =	sdelay $0x4  }
0x122: {  	v0 =	vadd.f32 v1, v0;
	_ =	sdelay $0x1  }
0x123: {  	v0 =	vmax.f32 v0, $0.0e+00  }
0x124: {  	[tilespmem:s0+$0xFFFFFFE0] =	vst v0  }
0x125: {  	v0 =	vld [tilespmem:s24+$0xFFFFFFF0]  }
0x126: {  	v1 =	vld [tilespmem:s1+$0xFFFFFFE0];
	_ =	sdelay $0x4  }
0x127: {  	v0 =	vadd.f32 v1, v0;
	_ =	sdelay $0x1  }
0x128: {  	v0 =	vmax.f32 v0, $0.0e+00  }
0x129: {  	[tilespmem:s0+$0xFFFFFFF0] =	vst v0  }
0x12a: {  	v0 =	vld [tilespmem:s24+$0x0]  }
0x12b: {  	v1 =	vld [tilespmem:s1+$0xFFFFFFF0];
	_ =	sdelay $0x4  }
0x12c: {  	v0 =	vadd.f32 v1, v0;
	_ =	sdelay $0x1  }
0x12d: {  	v0 =	vmax.f32 v0, $0.0e+00  }
0x12e: {  	[tilespmem:s0+$0x0] =	vst v0  }
0x12f: {  	v0 =	vld [tilespmem:s24+$0x10]  }
.Ltmp5:
0x130: {  	v1 =	vld [tilespmem:s1+$0x0];
	(pc) =	sbr.rel @p0 .LBB2_12-.Ltmp5, $2  }
0x131: {  	_ =	sdelay $0x2  }
0x132: {  	s24 =	sadd.s32 $0x80, s24  }
0x133: {  	v0 =	vadd.f32 v1, v0;
	_ =	sdelay $0x1  }
0x134: {  	v0 =	vmax.f32 v0, $0.0e+00  }
0x135: {  	s28 =	sadd.s32 $0x1, s28;
	[tilespmem:s23+$0x10] =	vst v0  }
0x136: {  	[hbm4b:s10+s3] =	stream.linear.scatter [tilespmem:s22], [sflag:$0x3], $0x2800, $0x38;
	[tilespmem:$0x13F00] =	vst v63  }
0x137: {  	p0 =	sne.s32 s28, s11;
	_ =	swait.ge [sflag:s26], $0x2800  }
.Ltmp6:
0x138: {  	[sflag:s26] =	ssyncset.done $0x0;
	(pc) =	sbr.rel @p0 .LBB2_1-.Ltmp6, $4  }
0x139: {  	[sflag:s26] =	ssyncadd.s32 $0xFFFFD800  }
0x13a: {  	_ =	swait.ge [sflag:s26], $0x2800  }
0x13b: {  	[sflag:s26] =	ssyncset.done $0x0  }
0x13c: {  	[sflag:s26] =	ssyncadd.s32 $0xFFFFD800  }
0x13d: {  	_ =	sfence.sel $0x180000  }
0x13e: {  	[bflag:$0x0] =	sbarrier.arrive $0xFFFF  }
0x13f: {  	_ =	strace $0x90000047  }
0x140: {  	s0 =	stileid.u32;
	[bflag:$0x2] =	sbarrier.arrive $0xFFFF  }
0x141: {  	p0 =	sne.s32 s0, $0x0;
	s0 =	rddreg [dreg:$0x2]  }
0x142: {  	s0 =	sadd.s32 @!p0 $0x100000, s0  }
0x143: {  	[sflag:s0] =	ssyncadd.tile.s32 @!p0 $0x1;
	_ =	shalt  }
.Lfunc_end2:
_tile_overlayer_lowered:
.L_overlay_start_2:
0x144: {  	(tag) =	ssettag $0x2  }
0x145: {  	s0 =	rddreg [dreg:$0x0];
	s2 =	stileid.u32  }
0x146: {  	s1 =	rddreg [dreg:$0x1];
	p0 =	sne.s32 s2, $0x0  }
0x147: {  	s3 =	rddreg [dreg:$0x2];
	[bflag:$0x3] =	sbarrier.arrive $0xFFFF;
	s2 =	simm.s32 @!p0 $0x1C04  }
0x148: {  	[timem:s3], [sflag:s2] =	dma.local @!p0 [hbm:s0], s1  }
0x149: {  	s0 =	simm.s32 @!p0 $0x4  }
0x14a: {  	_ =	swait.ge @!p0 [sflag:s0], s1  }
0x14b: {  	s1 =	ssub.s32 @!p0 $0x0, s1;
	[sflag:s0] =	ssyncset.done @!p0 $0x0  }
0x14c: {  	[sflag:s0] =	ssyncadd.s32 @!p0 s1  }
0x14d: {  	[bflag:$0x3] =	sbarrier.arrive $0xFFFF  }
0x14e: {  	_ =	shalt  }

</sc_bundles>
